<compile_context>
chip_gen: v7x
topology: tpu7x:2x2x1
jax: 0.10.2.dev20260603
libtpu: 0.0.44.dev20260713+nightly
codegen_flags: <defaults>
</compile_context>

<pallas_src>
import functools

import jax
import jax.numpy as jnp
from jax import lax
from jax.experimental import pallas as pl
from jax.experimental.pallas import tpu as pltpu
from jax.experimental.pallas import tpu_sc as plsc

N_NODES = 100000
N_EDGES = 6400000
D_EDGE = 4
_DP = 8
EPS = 1e-12

_ROWS = N_EDGES // 128
_BLK_ROWS = 25
_BLK_E = _BLK_ROWS * 128
_NBLK = _ROWS // _BLK_ROWS
_NW = 32
_NBLK_FLOOR = _NBLK // _NW
_NBLK_REM = _NBLK % _NW


def _pad_perms():
    a = lax.broadcasted_iota(jnp.int32, (128, 128), 0)
    b = lax.broadcasted_iota(jnp.int32, (128, 128), 1)
    j = b // 8
    d = b % 8
    pe = ((d < 4) & (a == 4 * j + d)).astype(jnp.float32)
    po = ((d < 4) & (a == 64 + 4 * j + d)).astype(jnp.float32)
    return pe, po


def _exp_pad_body(x_ref, e_ref, e8_ref):
    ex = jnp.exp(x_ref[...])
    e_ref[...] = ex
    pe, po = _pad_perms()
    ev = jnp.dot(ex, pe, preferred_element_type=jnp.float32)
    ov = jnp.dot(ex, po, preferred_element_type=jnp.float32)
    r = ev.shape[0]
    e8_ref[...] = jnp.stack([ev, ov], axis=1).reshape(2 * r, 128)


def _unpad_div_body(e_ref, s8_ref, o_ref):
    s8 = s8_ref[...]
    r = s8.shape[0] // 2
    sr = s8.reshape(r, 2, 128)
    pe, po = _pad_perms()
    s4 = jnp.dot(sr[:, 0, :], pe.T, preferred_element_type=jnp.float32)
    s4 = s4 + jnp.dot(sr[:, 1, :], po.T, preferred_element_type=jnp.float32)
    o_ref[...] = e_ref[...] / (s4 + EPS)


def _add_body(t_ref, o_ref):
    o_ref[...] = t_ref[0] + t_ref[1]


def _scatter_kernel(seg_ref, e_ref, zeros_ref, out_ref, table, ebuf, tbuf, sem, *idxs):
    c = lax.axis_index("c")
    s = lax.axis_index("s")
    w = s * 2 + c

    rows_per_tile = N_NODES // 16
    pltpu.sync_copy(zeros_ref.at[pl.ds(s * rows_per_tile, rows_per_tile)], tbuf)
    pltpu.sync_copy(tbuf, table.at[pl.ds(s * rows_per_tile, rows_per_tile)])

    plsc.subcore_barrier()

    nblk = _NBLK_FLOOR + jnp.where(w < _NBLK_REM, 1, 0)

    def body(i, carry):
        blk = w + i * _NW
        row0 = blk * _BLK_ROWS
        ebase = blk * _BLK_E
        cps = [
            pltpu.async_copy(seg_ref.at[row0 + j], idxs[j], sem)
            for j in range(_BLK_ROWS)
        ]
        cps.append(pltpu.async_copy(e_ref.at[pl.ds(ebase, _BLK_E)], ebuf, sem))
        for cp in cps:
            cp.wait()
        cps = [
            pltpu.async_copy(
                ebuf.at[pl.ds(j * 128, 128)],
                table.at[idxs[j]],
                sem,
                add=True,
            )
            for j in range(_BLK_ROWS)
        ]
        for cp in cps:
            cp.wait()
        return carry

    lax.fori_loop(0, nblk, body, 0)

    plsc.subcore_barrier()

    pltpu.sync_copy(table.at[pl.ds(s * rows_per_tile, rows_per_tile)], tbuf)
    pltpu.sync_copy(tbuf, out_ref.at[c, pl.ds(s * rows_per_tile, rows_per_tile)])


def _gather_kernel(seg_ref, tbl_ref, out_ref, sbuf, sem, *idxs):
    c = lax.axis_index("c")
    s = lax.axis_index("s")
    w = s * 2 + c

    nblk = _NBLK_FLOOR + jnp.where(w < _NBLK_REM, 1, 0)

    def body(i, carry):
        blk = w + i * _NW
        row0 = blk * _BLK_ROWS
        ebase = blk * _BLK_E
        cps = [
            pltpu.async_copy(seg_ref.at[row0 + j], idxs[j], sem)
            for j in range(_BLK_ROWS)
        ]
        for cp in cps:
            cp.wait()
        cps = [
            pltpu.async_copy(
                tbl_ref.at[idxs[j]],
                sbuf.at[pl.ds(j * 128, 128)],
                sem,
            )
            for j in range(_BLK_ROWS)
        ]
        for cp in cps:
            cp.wait()
        pltpu.sync_copy(sbuf, out_ref.at[pl.ds(ebase, _BLK_E)])
        return carry

    lax.fori_loop(0, nblk, body, 0)


def kernel(edge_attr, edge_index):
    seg = edge_index[0].astype(jnp.int32)
    seg2 = seg.reshape(_ROWS, 128)
    attr2 = edge_attr.reshape(N_EDGES // 32, 128)

    _R = 2000
    e2, e8v = pl.pallas_call(
        _exp_pad_body,
        grid=(100,),
        in_specs=[pl.BlockSpec((_R, 128), lambda i: (i, 0))],
        out_specs=[
            pl.BlockSpec((_R, 128), lambda i: (i, 0)),
            pl.BlockSpec((2 * _R, 128), lambda i: (i, 0)),
        ],
        out_shape=[
            jax.ShapeDtypeStruct((N_EDGES // 32, 128), jnp.float32),
            jax.ShapeDtypeStruct((N_EDGES // 16, 128), jnp.float32),
        ],
    )(attr2)
    e8 = e8v.reshape(N_EDGES, _DP)

    mesh = plsc.VectorSubcoreMesh(core_axis_name="c", subcore_axis_name="s")
    sc_params = pltpu.CompilerParams(use_tc_tiling_on_sc=False)
    zeros = jnp.zeros((N_NODES, _DP), jnp.float32)
    tables = pl.kernel(
        _scatter_kernel,
        mesh=mesh,
        compiler_params=sc_params,
        out_type=jax.ShapeDtypeStruct((2, N_NODES, _DP), jnp.float32),
        scratch_types=[
            pltpu.VMEM_SHARED((N_NODES, _DP), jnp.float32),
            pltpu.VMEM((_BLK_E, _DP), jnp.float32),
            pltpu.VMEM((N_NODES // 16, _DP), jnp.float32),
            pltpu.SemaphoreType.DMA,
        ]
        + [pltpu.VMEM((128,), jnp.int32) for _ in range(_BLK_ROWS)],
    )(seg2, e8, zeros)

    t3 = tables.reshape(2, N_NODES * _DP // 128, 128)
    table = pl.pallas_call(
        _add_body,
        out_shape=jax.ShapeDtypeStruct((N_NODES * _DP // 128, 128), jnp.float32),
    )(t3).reshape(N_NODES, _DP)

    sums8 = pl.kernel(
        _gather_kernel,
        mesh=mesh,
        compiler_params=sc_params,
        out_type=jax.ShapeDtypeStruct((N_EDGES, _DP), jnp.float32),
        scratch_types=[
            pltpu.VMEM((_BLK_E, _DP), jnp.float32),
            pltpu.SemaphoreType.DMA,
        ]
        + [pltpu.VMEM((128,), jnp.int32) for _ in range(_BLK_ROWS)],
    )(seg2, table)

    s8v = sums8.reshape(N_EDGES // 16, 128)
    out2 = pl.pallas_call(
        _unpad_div_body,
        grid=(100,),
        in_specs=[
            pl.BlockSpec((_R, 128), lambda i: (i, 0)),
            pl.BlockSpec((2 * _R, 128), lambda i: (i, 0)),
        ],
        out_specs=pl.BlockSpec((_R, 128), lambda i: (i, 0)),
        out_shape=jax.ShapeDtypeStruct((N_EDGES // 32, 128), jnp.float32),
    )(e2, s8v)
    return out2.reshape(N_EDGES, D_EDGE)

# --- scband reference (transcript-rebuilt; emitter-appended) ---
"""Pipeline reference for scband-edge-softmax-12189117186175 (READ-ONLY COPY).

The authoritative reference and input builder live on the scoring server;
editing this copy changes nothing except your own understanding.
"""

import jax, jax.numpy as jnp
import numpy as np

N_NODES = 100000
N_EDGES = 6400000
D_EDGE = 4
EPS = 1e-12

def setup_inputs(seed: int = 0) -> dict:
    key = jax.random.key(seed)
    k1, k2 = jax.random.split(key)
    edge_attr = jax.random.normal(k1, (N_EDGES, D_EDGE), dtype=jnp.float32)
    edge_index = jax.random.randint(k2, (2, N_EDGES), 0, N_NODES, dtype=jnp.int64)
    return {"edge_attr": edge_attr, "edge_index": edge_index}

def reference(edge_attr, edge_index):
    # EdgeSoftmax: softmax over edge_attr grouped by source node edge_index[0]
    seg = edge_index[0]
    # numerically-stable segment softmax
    seg_max = jax.ops.segment_max(edge_attr, seg, num_segments=N_NODES)
    # segments with no edges produce -inf; they are never gathered, but guard anyway
    seg_max = jnp.where(jnp.isfinite(seg_max), seg_max, 0.0)
    shifted = edge_attr - seg_max[seg]
    e = jnp.exp(shifted)
    seg_sum = jax.ops.segment_sum(e, seg, num_segments=N_NODES)
    out = e / (seg_sum[seg] + EPS)
    return out

if __name__ == "__main__":
    import jax
    _d = setup_inputs()
    print(jax.jit(kernel)(*tuple(_d.values())))

</pallas_src>

<mosaic_0001>
#map = affine_map<(d0, d1) -> (0, 0)>
module attributes {stable_mosaic.version = 14 : i64} {
  func.func @_gather_kernel(%arg0: i32, %arg1: i32, %arg2: memref<50000x128xi32, #tpu.memory_space<hbm>>, %arg3: memref<100000x8xf32, #tpu.memory_space<hbm>>, %arg4: memref<6400000x8xf32, #tpu.memory_space<hbm>>, %arg5: memref<3200x8xf32, #tpu.memory_space<vmem>>, %arg6: memref<!tpu.dma_semaphore, #tpu.memory_space<semaphore_mem>>, %arg7: memref<128xi32, #tpu.memory_space<vmem>>, %arg8: memref<128xi32, #tpu.memory_space<vmem>>, %arg9: memref<128xi32, #tpu.memory_space<vmem>>, %arg10: memref<128xi32, #tpu.memory_space<vmem>>, %arg11: memref<128xi32, #tpu.memory_space<vmem>>, %arg12: memref<128xi32, #tpu.memory_space<vmem>>, %arg13: memref<128xi32, #tpu.memory_space<vmem>>, %arg14: memref<128xi32, #tpu.memory_space<vmem>>, %arg15: memref<128xi32, #tpu.memory_space<vmem>>, %arg16: memref<128xi32, #tpu.memory_space<vmem>>, %arg17: memref<128xi32, #tpu.memory_space<vmem>>, %arg18: memref<128xi32, #tpu.memory_space<vmem>>, %arg19: memref<128xi32, #tpu.memory_space<vmem>>, %arg20: memref<128xi32, #tpu.memory_space<vmem>>, %arg21: memref<128xi32, #tpu.memory_space<vmem>>, %arg22: memref<128xi32, #tpu.memory_space<vmem>>, %arg23: memref<128xi32, #tpu.memory_space<vmem>>, %arg24: memref<128xi32, #tpu.memory_space<vmem>>, %arg25: memref<128xi32, #tpu.memory_space<vmem>>, %arg26: memref<128xi32, #tpu.memory_space<vmem>>, %arg27: memref<128xi32, #tpu.memory_space<vmem>>, %arg28: memref<128xi32, #tpu.memory_space<vmem>>, %arg29: memref<128xi32, #tpu.memory_space<vmem>>, %arg30: memref<128xi32, #tpu.memory_space<vmem>>, %arg31: memref<128xi32, #tpu.memory_space<vmem>>) attributes {dimension_semantics = [#tpu.dimension_semantics<core_parallel>, #tpu.dimension_semantics<subcore_parallel>], iteration_bounds = array<i64: 2, 16>, scalar_prefetch = 0 : i64, scratch_operands = 27 : i64, tpu.core_type = #tpu.core_type<sc_vector_subcore>, window_params = [{transform_indices = #map}, {transform_indices = #map}, {transform_indices = #map}]} {
    %mul3A = arith.constant 2 : i32
    %mul3A_0 = arith.muli %arg1, %mul3A : i32
    %add3A = arith.addi %mul3A_0, %arg0 : i32
    %lt3A = arith.constant 16 : i32
    %lt3A_1 = arith.cmpi slt, %add3A, %lt3A : i32
    %jit3A = arith.constant 1 : i32
    %jit3A_2 = arith.constant 0 : i32
    %select_n3A = arith.select %lt3A_1, %jit3A, %jit3A_2 : i32
    %add3A_3 = arith.constant 62 : i32
    %add3A_4 = arith.addi %add3A_3, %select_n3A : i32
    %while3A = arith.constant 0 : i32
    %while3A_5 = arith.constant 0 : i32
    %while3A_6 = arith.subi %add3A_4, %while3A_5 : i32
    %while3A_7 = arith.addi %while3A_5, %while3A_6 : i32
    %while3A_8 = arith.constant 1 : i32
    %while3A_9 = arith.divsi %while3A_6, %while3A_8 : i32
    %while3A_10 = arith.muli %while3A_9, %while3A_8 : i32
    %while3A_11 = arith.addi %while3A_5, %while3A_10 : i32
    %while3A_12 = arith.constant 1 : i32
    scf.for %while3A_14 = %while3A_5 to %while3A_11 step %while3A_12  : i32 {
      %mul3A_15 = arith.constant 32 : i32
      %mul3A_16 = arith.muli %while3A_14, %mul3A_15 : i32
      %add3A_17 = arith.addi %add3A, %mul3A_16 : i32
      %mul3A_18 = arith.constant 25 : i32
      %mul3A_19 = arith.muli %add3A_17, %mul3A_18 : i32
      %mul3A_20 = arith.constant 3200 : i32
      %mul3A_21 = arith.muli %add3A_17, %mul3A_20 : i32
      %add3A_22 = arith.constant 0 : i32
      %add3A_23 = arith.addi %mul3A_19, %add3A_22 : i32
      %dma_start3A = arith.constant 0 : i32
      %dma_start3A_24 = tpu.memref_slice %arg2[%add3A_23, %dma_start3A] : memref<50000x128xi32, #tpu.memory_space<hbm>> -> memref<1x128xi32, #tpu.memory_space<hbm>>
      %dma_start3A_25 = tpu.memref_squeeze %dma_start3A_24 : memref<1x128xi32, #tpu.memory_space<hbm>> -> memref<128xi32, #tpu.memory_space<hbm>>
      %dma_start3A_26 = arith.constant 0 : i32
      %dma_start3A_27 = tpu.memref_slice %arg2[%add3A_23, %dma_start3A_26] : memref<50000x128xi32, #tpu.memory_space<hbm>> -> memref<1x128xi32, #tpu.memory_space<hbm>>
      %dma_start3A_28 = tpu.memref_squeeze %dma_start3A_27 : memref<1x128xi32, #tpu.memory_space<hbm>> -> memref<128xi32, #tpu.memory_space<hbm>>
      tpu.enqueue_dma source(%dma_start3A_28 : memref<128xi32, #tpu.memory_space<hbm>>) target(%arg7 : memref<128xi32, #tpu.memory_space<vmem>>) target_semaphore(%arg6 : memref<!tpu.dma_semaphore, #tpu.memory_space<semaphore_mem>>)
      %add3A_29 = arith.constant 1 : i32
      %add3A_30 = arith.addi %mul3A_19, %add3A_29 : i32
      %dma_start3A_31 = arith.constant 0 : i32
      %dma_start3A_32 = tpu.memref_slice %arg2[%add3A_30, %dma_start3A_31] : memref<50000x128xi32, #tpu.memory_space<hbm>> -> memref<1x128xi32, #tpu.memory_space<hbm>>
      %dma_start3A_33 = tpu.memref_squeeze %dma_start3A_32 : memref<1x128xi32, #tpu.memory_space<hbm>> -> memref<128xi32, #tpu.memory_space<hbm>>
      %dma_start3A_34 = arith.constant 0 : i32
      %dma_start3A_35 = tpu.memref_slice %arg2[%add3A_30, %dma_start3A_34] : memref<50000x128xi32, #tpu.memory_space<hbm>> -> memref<1x128xi32, #tpu.memory_space<hbm>>
      %dma_start3A_36 = tpu.memref_squeeze %dma_start3A_35 : memref<1x128xi32, #tpu.memory_space<hbm>> -> memref<128xi32, #tpu.memory_space<hbm>>
      tpu.enqueue_dma source(%dma_start3A_36 : memref<128xi32, #tpu.memory_space<hbm>>) target(%arg8 : memref<128xi32, #tpu.memory_space<vmem>>) target_semaphore(%arg6 : memref<!tpu.dma_semaphore, #tpu.memory_space<semaphore_mem>>)
      %add3A_37 = arith.constant 2 : i32
      %add3A_38 = arith.addi %mul3A_19, %add3A_37 : i32
      %dma_start3A_39 = arith.constant 0 : i32
      %dma_start3A_40 = tpu.memref_slice %arg2[%add3A_38, %dma_start3A_39] : memref<50000x128xi32, #tpu.memory_space<hbm>> -> memref<1x128xi32, #tpu.memory_space<hbm>>
      %dma_start3A_41 = tpu.memref_squeeze %dma_start3A_40 : memref<1x128xi32, #tpu.memory_space<hbm>> -> memref<128xi32, #tpu.memory_space<hbm>>
      %dma_start3A_42 = arith.constant 0 : i32
      %dma_start3A_43 = tpu.memref_slice %arg2[%add3A_38, %dma_start3A_42] : memref<50000x128xi32, #tpu.memory_space<hbm>> -> memref<1x128xi32, #tpu.memory_space<hbm>>
      %dma_start3A_44 = tpu.memref_squeeze %dma_start3A_43 : memref<1x128xi32, #tpu.memory_space<hbm>> -> memref<128xi32, #tpu.memory_space<hbm>>
      tpu.enqueue_dma source(%dma_start3A_44 : memref<128xi32, #tpu.memory_space<hbm>>) target(%arg9 : memref<128xi32, #tpu.memory_space<vmem>>) target_semaphore(%arg6 : memref<!tpu.dma_semaphore, #tpu.memory_space<semaphore_mem>>)
      %add3A_45 = arith.constant 3 : i32
      %add3A_46 = arith.addi %mul3A_19, %add3A_45 : i32
      %dma_start3A_47 = arith.constant 0 : i32
      %dma_start3A_48 = tpu.memref_slice %arg2[%add3A_46, %dma_start3A_47] : memref<50000x128xi32, #tpu.memory_space<hbm>> -> memref<1x128xi32, #tpu.memory_space<hbm>>
      %dma_start3A_49 = tpu.memref_squeeze %dma_start3A_48 : memref<1x128xi32, #tpu.memory_space<hbm>> -> memref<128xi32, #tpu.memory_space<hbm>>
      %dma_start3A_50 = arith.constant 0 : i32
      %dma_start3A_51 = tpu.memref_slice %arg2[%add3A_46, %dma_start3A_50] : memref<50000x128xi32, #tpu.memory_space<hbm>> -> memref<1x128xi32, #tpu.memory_space<hbm>>
      %dma_start3A_52 = tpu.memref_squeeze %dma_start3A_51 : memref<1x128xi32, #tpu.memory_space<hbm>> -> memref<128xi32, #tpu.memory_space<hbm>>
      tpu.enqueue_dma source(%dma_start3A_52 : memref<128xi32, #tpu.memory_space<hbm>>) target(%arg10 : memref<128xi32, #tpu.memory_space<vmem>>) target_semaphore(%arg6 : memref<!tpu.dma_semaphore, #tpu.memory_space<semaphore_mem>>)
      %add3A_53 = arith.constant 4 : i32
      %add3A_54 = arith.addi %mul3A_19, %add3A_53 : i32
      %dma_start3A_55 = arith.constant 0 : i32
      %dma_start3A_56 = tpu.memref_slice %arg2[%add3A_54, %dma_start3A_55] : memref<50000x128xi32, #tpu.memory_space<hbm>> -> memref<1x128xi32, #tpu.memory_space<hbm>>
      %dma_start3A_57 = tpu.memref_squeeze %dma_start3A_56 : memref<1x128xi32, #tpu.memory_space<hbm>> -> memref<128xi32, #tpu.memory_space<hbm>>
      %dma_start3A_58 = arith.constant 0 : i32
      %dma_start3A_59 = tpu.memref_slice %arg2[%add3A_54, %dma_start3A_58] : memref<50000x128xi32, #tpu.memory_space<hbm>> -> memref<1x128xi32, #tpu.memory_space<hbm>>
      %dma_start3A_60 = tpu.memref_squeeze %dma_start3A_59 : memref<1x128xi32, #tpu.memory_space<hbm>> -> memref<128xi32, #tpu.memory_space<hbm>>
      tpu.enqueue_dma source(%dma_start3A_60 : memref<128xi32, #tpu.memory_space<hbm>>) target(%arg11 : memref<128xi32, #tpu.memory_space<vmem>>) target_semaphore(%arg6 : memref<!tpu.dma_semaphore, #tpu.memory_space<semaphore_mem>>)
      %add3A_61 = arith.constant 5 : i32
      %add3A_62 = arith.addi %mul3A_19, %add3A_61 : i32
      %dma_start3A_63 = arith.constant 0 : i32
      %dma_start3A_64 = tpu.memref_slice %arg2[%add3A_62, %dma_start3A_63] : memref<50000x128xi32, #tpu.memory_space<hbm>> -> memref<1x128xi32, #tpu.memory_space<hbm>>
      %dma_start3A_65 = tpu.memref_squeeze %dma_start3A_64 : memref<1x128xi32, #tpu.memory_space<hbm>> -> memref<128xi32, #tpu.memory_space<hbm>>
      %dma_start3A_66 = arith.constant 0 : i32
      %dma_start3A_67 = tpu.memref_slice %arg2[%add3A_62, %dma_start3A_66] : memref<50000x128xi32, #tpu.memory_space<hbm>> -> memref<1x128xi32, #tpu.memory_space<hbm>>
      %dma_start3A_68 = tpu.memref_squeeze %dma_start3A_67 : memref<1x128xi32, #tpu.memory_space<hbm>> -> memref<128xi32, #tpu.memory_space<hbm>>
      tpu.enqueue_dma source(%dma_start3A_68 : memref<128xi32, #tpu.memory_space<hbm>>) target(%arg12 : memref<128xi32, #tpu.memory_space<vmem>>) target_semaphore(%arg6 : memref<!tpu.dma_semaphore, #tpu.memory_space<semaphore_mem>>)
      %add3A_69 = arith.constant 6 : i32
      %add3A_70 = arith.addi %mul3A_19, %add3A_69 : i32
      %dma_start3A_71 = arith.constant 0 : i32
      %dma_start3A_72 = tpu.memref_slice %arg2[%add3A_70, %dma_start3A_71] : memref<50000x128xi32, #tpu.memory_space<hbm>> -> memref<1x128xi32, #tpu.memory_space<hbm>>
      %dma_start3A_73 = tpu.memref_squeeze %dma_start3A_72 : memref<1x128xi32, #tpu.memory_space<hbm>> -> memref<128xi32, #tpu.memory_space<hbm>>
      %dma_start3A_74 = arith.constant 0 : i32
      %dma_start3A_75 = tpu.memref_slice %arg2[%add3A_70, %dma_start3A_74] : memref<50000x128xi32, #tpu.memory_space<hbm>> -> memref<1x128xi32, #tpu.memory_space<hbm>>
      %dma_start3A_76 = tpu.memref_squeeze %dma_start3A_75 : memref<1x128xi32, #tpu.memory_space<hbm>> -> memref<128xi32, #tpu.memory_space<hbm>>
      tpu.enqueue_dma source(%dma_start3A_76 : memref<128xi32, #tpu.memory_space<hbm>>) target(%arg13 : memref<128xi32, #tpu.memory_space<vmem>>) target_semaphore(%arg6 : memref<!tpu.dma_semaphore, #tpu.memory_space<semaphore_mem>>)
      %add3A_77 = arith.constant 7 : i32
      %add3A_78 = arith.addi %mul3A_19, %add3A_77 : i32
      %dma_start3A_79 = arith.constant 0 : i32
      %dma_start3A_80 = tpu.memref_slice %arg2[%add3A_78, %dma_start3A_79] : memref<50000x128xi32, #tpu.memory_space<hbm>> -> memref<1x128xi32, #tpu.memory_space<hbm>>
      %dma_start3A_81 = tpu.memref_squeeze %dma_start3A_80 : memref<1x128xi32, #tpu.memory_space<hbm>> -> memref<128xi32, #tpu.memory_space<hbm>>
      %dma_start3A_82 = arith.constant 0 : i32
      %dma_start3A_83 = tpu.memref_slice %arg2[%add3A_78, %dma_start3A_82] : memref<50000x128xi32, #tpu.memory_space<hbm>> -> memref<1x128xi32, #tpu.memory_space<hbm>>
      %dma_start3A_84 = tpu.memref_squeeze %dma_start3A_83 : memref<1x128xi32, #tpu.memory_space<hbm>> -> memref<128xi32, #tpu.memory_space<hbm>>
      tpu.enqueue_dma source(%dma_start3A_84 : memref<128xi32, #tpu.memory_space<hbm>>) target(%arg14 : memref<128xi32, #tpu.memory_space<vmem>>) target_semaphore(%arg6 : memref<!tpu.dma_semaphore, #tpu.memory_space<semaphore_mem>>)
      %add3A_85 = arith.constant 8 : i32
      %add3A_86 = arith.addi %mul3A_19, %add3A_85 : i32
      %dma_start3A_87 = arith.constant 0 : i32
      %dma_start3A_88 = tpu.memref_slice %arg2[%add3A_86, %dma_start3A_87] : memref<50000x128xi32, #tpu.memory_space<hbm>> -> memref<1x128xi32, #tpu.memory_space<hbm>>
      %dma_start3A_89 = tpu.memref_squeeze %dma_start3A_88 : memref<1x128xi32, #tpu.memory_space<hbm>> -> memref<128xi32, #tpu.memory_space<hbm>>
      %dma_start3A_90 = arith.constant 0 : i32
      %dma_start3A_91 = tpu.memref_slice %arg2[%add3A_86, %dma_start3A_90] : memref<50000x128xi32, #tpu.memory_space<hbm>> -> memref<1x128xi32, #tpu.memory_space<hbm>>
      %dma_start3A_92 = tpu.memref_squeeze %dma_start3A_91 : memref<1x128xi32, #tpu.memory_space<hbm>> -> memref<128xi32, #tpu.memory_space<hbm>>
      tpu.enqueue_dma source(%dma_start3A_92 : memref<128xi32, #tpu.memory_space<hbm>>) target(%arg15 : memref<128xi32, #tpu.memory_space<vmem>>) target_semaphore(%arg6 : memref<!tpu.dma_semaphore, #tpu.memory_space<semaphore_mem>>)
      %add3A_93 = arith.constant 9 : i32
      %add3A_94 = arith.addi %mul3A_19, %add3A_93 : i32
      %dma_start3A_95 = arith.constant 0 : i32
      %dma_start3A_96 = tpu.memref_slice %arg2[%add3A_94, %dma_start3A_95] : memref<50000x128xi32, #tpu.memory_space<hbm>> -> memref<1x128xi32, #tpu.memory_space<hbm>>
      %dma_start3A_97 = tpu.memref_squeeze %dma_start3A_96 : memref<1x128xi32, #tpu.memory_space<hbm>> -> memref<128xi32, #tpu.memory_space<hbm>>
      %dma_start3A_98 = arith.constant 0 : i32
      %dma_start3A_99 = tpu.memref_slice %arg2[%add3A_94, %dma_start3A_98] : memref<50000x128xi32, #tpu.memory_space<hbm>> -> memref<1x128xi32, #tpu.memory_space<hbm>>
      %dma_start3A_100 = tpu.memref_squeeze %dma_start3A_99 : memref<1x128xi32, #tpu.memory_space<hbm>> -> memref<128xi32, #tpu.memory_space<hbm>>
      tpu.enqueue_dma source(%dma_start3A_100 : memref<128xi32, #tpu.memory_space<hbm>>) target(%arg16 : memref<128xi32, #tpu.memory_space<vmem>>) target_semaphore(%arg6 : memref<!tpu.dma_semaphore, #tpu.memory_space<semaphore_mem>>)
      %add3A_101 = arith.constant 10 : i32
      %add3A_102 = arith.addi %mul3A_19, %add3A_101 : i32
      %dma_start3A_103 = arith.constant 0 : i32
      %dma_start3A_104 = tpu.memref_slice %arg2[%add3A_102, %dma_start3A_103] : memref<50000x128xi32, #tpu.memory_space<hbm>> -> memref<1x128xi32, #tpu.memory_space<hbm>>
      %dma_start3A_105 = tpu.memref_squeeze %dma_start3A_104 : memref<1x128xi32, #tpu.memory_space<hbm>> -> memref<128xi32, #tpu.memory_space<hbm>>
      %dma_start3A_106 = arith.constant 0 : i32
      %dma_start3A_107 = tpu.memref_slice %arg2[%add3A_102, %dma_start3A_106] : memref<50000x128xi32, #tpu.memory_space<hbm>> -> memref<1x128xi32, #tpu.memory_space<hbm>>
      %dma_start3A_108 = tpu.memref_squeeze %dma_start3A_107 : memref<1x128xi32, #tpu.memory_space<hbm>> -> memref<128xi32, #tpu.memory_space<hbm>>
      tpu.enqueue_dma source(%dma_start3A_108 : memref<128xi32, #tpu.memory_space<hbm>>) target(%arg17 : memref<128xi32, #tpu.memory_space<vmem>>) target_semaphore(%arg6 : memref<!tpu.dma_semaphore, #tpu.memory_space<semaphore_mem>>)
      %add3A_109 = arith.constant 11 : i32
      %add3A_110 = arith.addi %mul3A_19, %add3A_109 : i32
      %dma_start3A_111 = arith.constant 0 : i32
      %dma_start3A_112 = tpu.memref_slice %arg2[%add3A_110, %dma_start3A_111] : memref<50000x128xi32, #tpu.memory_space<hbm>> -> memref<1x128xi32, #tpu.memory_space<hbm>>
      %dma_start3A_113 = tpu.memref_squeeze %dma_start3A_112 : memref<1x128xi32, #tpu.memory_space<hbm>> -> memref<128xi32, #tpu.memory_space<hbm>>
      %dma_start3A_114 = arith.constant 0 : i32
      %dma_start3A_115 = tpu.memref_slice %arg2[%add3A_110, %dma_start3A_114] : memref<50000x128xi32, #tpu.memory_space<hbm>> -> memref<1x128xi32, #tpu.memory_space<hbm>>
      %dma_start3A_116 = tpu.memref_squeeze %dma_start3A_115 : memref<1x128xi32, #tpu.memory_space<hbm>> -> memref<128xi32, #tpu.memory_space<hbm>>
      tpu.enqueue_dma source(%dma_start3A_116 : memref<128xi32, #tpu.memory_space<hbm>>) target(%arg18 : memref<128xi32, #tpu.memory_space<vmem>>) target_semaphore(%arg6 : memref<!tpu.dma_semaphore, #tpu.memory_space<semaphore_mem>>)
      %add3A_117 = arith.constant 12 : i32
      %add3A_118 = arith.addi %mul3A_19, %add3A_117 : i32
      %dma_start3A_119 = arith.constant 0 : i32
      %dma_start3A_120 = tpu.memref_slice %arg2[%add3A_118, %dma_start3A_119] : memref<50000x128xi32, #tpu.memory_space<hbm>> -> memref<1x128xi32, #tpu.memory_space<hbm>>
      %dma_start3A_121 = tpu.memref_squeeze %dma_start3A_120 : memref<1x128xi32, #tpu.memory_space<hbm>> -> memref<128xi32, #tpu.memory_space<hbm>>
      %dma_start3A_122 = arith.constant 0 : i32
      %dma_start3A_123 = tpu.memref_slice %arg2[%add3A_118, %dma_start3A_122] : memref<50000x128xi32, #tpu.memory_space<hbm>> -> memref<1x128xi32, #tpu.memory_space<hbm>>
      %dma_start3A_124 = tpu.memref_squeeze %dma_start3A_123 : memref<1x128xi32, #tpu.memory_space<hbm>> -> memref<128xi32, #tpu.memory_space<hbm>>
      tpu.enqueue_dma source(%dma_start3A_124 : memref<128xi32, #tpu.memory_space<hbm>>) target(%arg19 : memref<128xi32, #tpu.memory_space<vmem>>) target_semaphore(%arg6 : memref<!tpu.dma_semaphore, #tpu.memory_space<semaphore_mem>>)
      %add3A_125 = arith.constant 13 : i32
      %add3A_126 = arith.addi %mul3A_19, %add3A_125 : i32
      %dma_start3A_127 = arith.constant 0 : i32
      %dma_start3A_128 = tpu.memref_slice %arg2[%add3A_126, %dma_start3A_127] : memref<50000x128xi32, #tpu.memory_space<hbm>> -> memref<1x128xi32, #tpu.memory_space<hbm>>
      %dma_start3A_129 = tpu.memref_squeeze %dma_start3A_128 : memref<1x128xi32, #tpu.memory_space<hbm>> -> memref<128xi32, #tpu.memory_space<hbm>>
      %dma_start3A_130 = arith.constant 0 : i32
      %dma_start3A_131 = tpu.memref_slice %arg2[%add3A_126, %dma_start3A_130] : memref<50000x128xi32, #tpu.memory_space<hbm>> -> memref<1x128xi32, #tpu.memory_space<hbm>>
      %dma_start3A_132 = tpu.memref_squeeze %dma_start3A_131 : memref<1x128xi32, #tpu.memory_space<hbm>> -> memref<128xi32, #tpu.memory_space<hbm>>
      tpu.enqueue_dma source(%dma_start3A_132 : memref<128xi32, #tpu.memory_space<hbm>>) target(%arg20 : memref<128xi32, #tpu.memory_space<vmem>>) target_semaphore(%arg6 : memref<!tpu.dma_semaphore, #tpu.memory_space<semaphore_mem>>)
      %add3A_133 = arith.constant 14 : i32
      %add3A_134 = arith.addi %mul3A_19, %add3A_133 : i32
      %dma_start3A_135 = arith.constant 0 : i32
      %dma_start3A_136 = tpu.memref_slice %arg2[%add3A_134, %dma_start3A_135] : memref<50000x128xi32, #tpu.memory_space<hbm>> -> memref<1x128xi32, #tpu.memory_space<hbm>>
      %dma_start3A_137 = tpu.memref_squeeze %dma_start3A_136 : memref<1x128xi32, #tpu.memory_space<hbm>> -> memref<128xi32, #tpu.memory_space<hbm>>
      %dma_start3A_138 = arith.constant 0 : i32
      %dma_start3A_139 = tpu.memref_slice %arg2[%add3A_134, %dma_start3A_138] : memref<50000x128xi32, #tpu.memory_space<hbm>> -> memref<1x128xi32, #tpu.memory_space<hbm>>
      %dma_start3A_140 = tpu.memref_squeeze %dma_start3A_139 : memref<1x128xi32, #tpu.memory_space<hbm>> -> memref<128xi32, #tpu.memory_space<hbm>>
      tpu.enqueue_dma source(%dma_start3A_140 : memref<128xi32, #tpu.memory_space<hbm>>) target(%arg21 : memref<128xi32, #tpu.memory_space<vmem>>) target_semaphore(%arg6 : memref<!tpu.dma_semaphore, #tpu.memory_space<semaphore_mem>>)
      %add3A_141 = arith.constant 15 : i32
      %add3A_142 = arith.addi %mul3A_19, %add3A_141 : i32
      %dma_start3A_143 = arith.constant 0 : i32
      %dma_start3A_144 = tpu.memref_slice %arg2[%add3A_142, %dma_start3A_143] : memref<50000x128xi32, #tpu.memory_space<hbm>> -> memref<1x128xi32, #tpu.memory_space<hbm>>
      %dma_start3A_145 = tpu.memref_squeeze %dma_start3A_144 : memref<1x128xi32, #tpu.memory_space<hbm>> -> memref<128xi32, #tpu.memory_space<hbm>>
      %dma_start3A_146 = arith.constant 0 : i32
      %dma_start3A_147 = tpu.memref_slice %arg2[%add3A_142, %dma_start3A_146] : memref<50000x128xi32, #tpu.memory_space<hbm>> -> memref<1x128xi32, #tpu.memory_space<hbm>>
      %dma_start3A_148 = tpu.memref_squeeze %dma_start3A_147 : memref<1x128xi32, #tpu.memory_space<hbm>> -> memref<128xi32, #tpu.memory_space<hbm>>
      tpu.enqueue_dma source(%dma_start3A_148 : memref<128xi32, #tpu.memory_space<hbm>>) target(%arg22 : memref<128xi32, #tpu.memory_space<vmem>>) target_semaphore(%arg6 : memref<!tpu.dma_semaphore, #tpu.memory_space<semaphore_mem>>)
      %add3A_149 = arith.constant 16 : i32
      %add3A_150 = arith.addi %mul3A_19, %add3A_149 : i32
      %dma_start3A_151 = arith.constant 0 : i32
      %dma_start3A_152 = tpu.memref_slice %arg2[%add3A_150, %dma_start3A_151] : memref<50000x128xi32, #tpu.memory_space<hbm>> -> memref<1x128xi32, #tpu.memory_space<hbm>>
      %dma_start3A_153 = tpu.memref_squeeze %dma_start3A_152 : memref<1x128xi32, #tpu.memory_space<hbm>> -> memref<128xi32, #tpu.memory_space<hbm>>
      %dma_start3A_154 = arith.constant 0 : i32
      %dma_start3A_155 = tpu.memref_slice %arg2[%add3A_150, %dma_start3A_154] : memref<50000x128xi32, #tpu.memory_space<hbm>> -> memref<1x128xi32, #tpu.memory_space<hbm>>
      %dma_start3A_156 = tpu.memref_squeeze %dma_start3A_155 : memref<1x128xi32, #tpu.memory_space<hbm>> -> memref<128xi32, #tpu.memory_space<hbm>>
      tpu.enqueue_dma source(%dma_start3A_156 : memref<128xi32, #tpu.memory_space<hbm>>) target(%arg23 : memref<128xi32, #tpu.memory_space<vmem>>) target_semaphore(%arg6 : memref<!tpu.dma_semaphore, #tpu.memory_space<semaphore_mem>>)
      %add3A_157 = arith.constant 17 : i32
      %add3A_158 = arith.addi %mul3A_19, %add3A_157 : i32
      %dma_start3A_159 = arith.constant 0 : i32
      %dma_start3A_160 = tpu.memref_slice %arg2[%add3A_158, %dma_start3A_159] : memref<50000x128xi32, #tpu.memory_space<hbm>> -> memref<1x128xi32, #tpu.memory_space<hbm>>
      %dma_start3A_161 = tpu.memref_squeeze %dma_start3A_160 : memref<1x128xi32, #tpu.memory_space<hbm>> -> memref<128xi32, #tpu.memory_space<hbm>>
      %dma_start3A_162 = arith.constant 0 : i32
      %dma_start3A_163 = tpu.memref_slice %arg2[%add3A_158, %dma_start3A_162] : memref<50000x128xi32, #tpu.memory_space<hbm>> -> memref<1x128xi32, #tpu.memory_space<hbm>>
      %dma_start3A_164 = tpu.memref_squeeze %dma_start3A_163 : memref<1x128xi32, #tpu.memory_space<hbm>> -> memref<128xi32, #tpu.memory_space<hbm>>
      tpu.enqueue_dma source(%dma_start3A_164 : memref<128xi32, #tpu.memory_space<hbm>>) target(%arg24 : memref<128xi32, #tpu.memory_space<vmem>>) target_semaphore(%arg6 : memref<!tpu.dma_semaphore, #tpu.memory_space<semaphore_mem>>)
      %add3A_165 = arith.constant 18 : i32
      %add3A_166 = arith.addi %mul3A_19, %add3A_165 : i32
      %dma_start3A_167 = arith.constant 0 : i32
      %dma_start3A_168 = tpu.memref_slice %arg2[%add3A_166, %dma_start3A_167] : memref<50000x128xi32, #tpu.memory_space<hbm>> -> memref<1x128xi32, #tpu.memory_space<hbm>>
      %dma_start3A_169 = tpu.memref_squeeze %dma_start3A_168 : memref<1x128xi32, #tpu.memory_space<hbm>> -> memref<128xi32, #tpu.memory_space<hbm>>
      %dma_start3A_170 = arith.constant 0 : i32
      %dma_start3A_171 = tpu.memref_slice %arg2[%add3A_166, %dma_start3A_170] : memref<50000x128xi32, #tpu.memory_space<hbm>> -> memref<1x128xi32, #tpu.memory_space<hbm>>
      %dma_start3A_172 = tpu.memref_squeeze %dma_start3A_171 : memref<1x128xi32, #tpu.memory_space<hbm>> -> memref<128xi32, #tpu.memory_space<hbm>>
      tpu.enqueue_dma source(%dma_start3A_172 : memref<128xi32, #tpu.memory_space<hbm>>) target(%arg25 : memref<128xi32, #tpu.memory_space<vmem>>) target_semaphore(%arg6 : memref<!tpu.dma_semaphore, #tpu.memory_space<semaphore_mem>>)
      %add3A_173 = arith.constant 19 : i32
      %add3A_174 = arith.addi %mul3A_19, %add3A_173 : i32
      %dma_start3A_175 = arith.constant 0 : i32
      %dma_start3A_176 = tpu.memref_slice %arg2[%add3A_174, %dma_start3A_175] : memref<50000x128xi32, #tpu.memory_space<hbm>> -> memref<1x128xi32, #tpu.memory_space<hbm>>
      %dma_start3A_177 = tpu.memref_squeeze %dma_start3A_176 : memref<1x128xi32, #tpu.memory_space<hbm>> -> memref<128xi32, #tpu.memory_space<hbm>>
      %dma_start3A_178 = arith.constant 0 : i32
      %dma_start3A_179 = tpu.memref_slice %arg2[%add3A_174, %dma_start3A_178] : memref<50000x128xi32, #tpu.memory_space<hbm>> -> memref<1x128xi32, #tpu.memory_space<hbm>>
      %dma_start3A_180 = tpu.memref_squeeze %dma_start3A_179 : memref<1x128xi32, #tpu.memory_space<hbm>> -> memref<128xi32, #tpu.memory_space<hbm>>
      tpu.enqueue_dma source(%dma_start3A_180 : memref<128xi32, #tpu.memory_space<hbm>>) target(%arg26 : memref<128xi32, #tpu.memory_space<vmem>>) target_semaphore(%arg6 : memref<!tpu.dma_semaphore, #tpu.memory_space<semaphore_mem>>)
      %add3A_181 = arith.constant 20 : i32
      %add3A_182 = arith.addi %mul3A_19, %add3A_181 : i32
      %dma_start3A_183 = arith.constant 0 : i32
      %dma_start3A_184 = tpu.memref_slice %arg2[%add3A_182, %dma_start3A_183] : memref<50000x128xi32, #tpu.memory_space<hbm>> -> memref<1x128xi32, #tpu.memory_space<hbm>>
      %dma_start3A_185 = tpu.memref_squeeze %dma_start3A_184 : memref<1x128xi32, #tpu.memory_space<hbm>> -> memref<128xi32, #tpu.memory_space<hbm>>
      %dma_start3A_186 = arith.constant 0 : i32
      %dma_start3A_187 = tpu.memref_slice %arg2[%add3A_182, %dma_start3A_186] : memref<50000x128xi32, #tpu.memory_space<hbm>> -> memref<1x128xi32, #tpu.memory_space<hbm>>
      %dma_start3A_188 = tpu.memref_squeeze %dma_start3A_187 : memref<1x128xi32, #tpu.memory_space<hbm>> -> memref<128xi32, #tpu.memory_space<hbm>>
      tpu.enqueue_dma source(%dma_start3A_188 : memref<128xi32, #tpu.memory_space<hbm>>) target(%arg27 : memref<128xi32, #tpu.memory_space<vmem>>) target_semaphore(%arg6 : memref<!tpu.dma_semaphore, #tpu.memory_space<semaphore_mem>>)
      %add3A_189 = arith.constant 21 : i32
      %add3A_190 = arith.addi %mul3A_19, %add3A_189 : i32
      %dma_start3A_191 = arith.constant 0 : i32
      %dma_start3A_192 = tpu.memref_slice %arg2[%add3A_190, %dma_start3A_191] : memref<50000x128xi32, #tpu.memory_space<hbm>> -> memref<1x128xi32, #tpu.memory_space<hbm>>
      %dma_start3A_193 = tpu.memref_squeeze %dma_start3A_192 : memref<1x128xi32, #tpu.memory_space<hbm>> -> memref<128xi32, #tpu.memory_space<hbm>>
      %dma_start3A_194 = arith.constant 0 : i32
      %dma_start3A_195 = tpu.memref_slice %arg2[%add3A_190, %dma_start3A_194] : memref<50000x128xi32, #tpu.memory_space<hbm>> -> memref<1x128xi32, #tpu.memory_space<hbm>>
      %dma_start3A_196 = tpu.memref_squeeze %dma_start3A_195 : memref<1x128xi32, #tpu.memory_space<hbm>> -> memref<128xi32, #tpu.memory_space<hbm>>
      tpu.enqueue_dma source(%dma_start3A_196 : memref<128xi32, #tpu.memory_space<hbm>>) target(%arg28 : memref<128xi32, #tpu.memory_space<vmem>>) target_semaphore(%arg6 : memref<!tpu.dma_semaphore, #tpu.memory_space<semaphore_mem>>)
      %add3A_197 = arith.constant 22 : i32
      %add3A_198 = arith.addi %mul3A_19, %add3A_197 : i32
      %dma_start3A_199 = arith.constant 0 : i32
      %dma_start3A_200 = tpu.memref_slice %arg2[%add3A_198, %dma_start3A_199] : memref<50000x128xi32, #tpu.memory_space<hbm>> -> memref<1x128xi32, #tpu.memory_space<hbm>>
      %dma_start3A_201 = tpu.memref_squeeze %dma_start3A_200 : memref<1x128xi32, #tpu.memory_space<hbm>> -> memref<128xi32, #tpu.memory_space<hbm>>
      %dma_start3A_202 = arith.constant 0 : i32
      %dma_start3A_203 = tpu.memref_slice %arg2[%add3A_198, %dma_start3A_202] : memref<50000x128xi32, #tpu.memory_space<hbm>> -> memref<1x128xi32, #tpu.memory_space<hbm>>
      %dma_start3A_204 = tpu.memref_squeeze %dma_start3A_203 : memref<1x128xi32, #tpu.memory_space<hbm>> -> memref<128xi32, #tpu.memory_space<hbm>>
      tpu.enqueue_dma source(%dma_start3A_204 : memref<128xi32, #tpu.memory_space<hbm>>) target(%arg29 : memref<128xi32, #tpu.memory_space<vmem>>) target_semaphore(%arg6 : memref<!tpu.dma_semaphore, #tpu.memory_space<semaphore_mem>>)
      %add3A_205 = arith.constant 23 : i32
      %add3A_206 = arith.addi %mul3A_19, %add3A_205 : i32
      %dma_start3A_207 = arith.constant 0 : i32
      %dma_start3A_208 = tpu.memref_slice %arg2[%add3A_206, %dma_start3A_207] : memref<50000x128xi32, #tpu.memory_space<hbm>> -> memref<1x128xi32, #tpu.memory_space<hbm>>
      %dma_start3A_209 = tpu.memref_squeeze %dma_start3A_208 : memref<1x128xi32, #tpu.memory_space<hbm>> -> memref<128xi32, #tpu.memory_space<hbm>>
      %dma_start3A_210 = arith.constant 0 : i32
      %dma_start3A_211 = tpu.memref_slice %arg2[%add3A_206, %dma_start3A_210] : memref<50000x128xi32, #tpu.memory_space<hbm>> -> memref<1x128xi32, #tpu.memory_space<hbm>>
      %dma_start3A_212 = tpu.memref_squeeze %dma_start3A_211 : memref<1x128xi32, #tpu.memory_space<hbm>> -> memref<128xi32, #tpu.memory_space<hbm>>
      tpu.enqueue_dma source(%dma_start3A_212 : memref<128xi32, #tpu.memory_space<hbm>>) target(%arg30 : memref<128xi32, #tpu.memory_space<vmem>>) target_semaphore(%arg6 : memref<!tpu.dma_semaphore, #tpu.memory_space<semaphore_mem>>)
      %add3A_213 = arith.constant 24 : i32
      %add3A_214 = arith.addi %mul3A_19, %add3A_213 : i32
      %dma_start3A_215 = arith.constant 0 : i32
      %dma_start3A_216 = tpu.memref_slice %arg2[%add3A_214, %dma_start3A_215] : memref<50000x128xi32, #tpu.memory_space<hbm>> -> memref<1x128xi32, #tpu.memory_space<hbm>>
      %dma_start3A_217 = tpu.memref_squeeze %dma_start3A_216 : memref<1x128xi32, #tpu.memory_space<hbm>> -> memref<128xi32, #tpu.memory_space<hbm>>
      %dma_start3A_218 = arith.constant 0 : i32
      %dma_start3A_219 = tpu.memref_slice %arg2[%add3A_214, %dma_start3A_218] : memref<50000x128xi32, #tpu.memory_space<hbm>> -> memref<1x128xi32, #tpu.memory_space<hbm>>
      %dma_start3A_220 = tpu.memref_squeeze %dma_start3A_219 : memref<1x128xi32, #tpu.memory_space<hbm>> -> memref<128xi32, #tpu.memory_space<hbm>>
      tpu.enqueue_dma source(%dma_start3A_220 : memref<128xi32, #tpu.memory_space<hbm>>) target(%arg31 : memref<128xi32, #tpu.memory_space<vmem>>) target_semaphore(%arg6 : memref<!tpu.dma_semaphore, #tpu.memory_space<semaphore_mem>>)
      %dma_wait3A = arith.constant 0 : i32
      %dma_wait3A_221 = tpu.memref_slice %arg2[%add3A_23, %dma_wait3A] : memref<50000x128xi32, #tpu.memory_space<hbm>> -> memref<1x128xi32, #tpu.memory_space<hbm>>
      %dma_wait3A_222 = tpu.memref_squeeze %dma_wait3A_221 : memref<1x128xi32, #tpu.memory_space<hbm>> -> memref<128xi32, #tpu.memory_space<hbm>>
      %dma_wait3A_223 = arith.constant 0 : i32
      %dma_wait3A_224 = tpu.memref_slice %arg2[%add3A_23, %dma_wait3A_223] : memref<50000x128xi32, #tpu.memory_space<hbm>> -> memref<1x128xi32, #tpu.memory_space<hbm>>
      %dma_wait3A_225 = tpu.memref_squeeze %dma_wait3A_224 : memref<1x128xi32, #tpu.memory_space<hbm>> -> memref<128xi32, #tpu.memory_space<hbm>>
      tpu.wait_dma2 semaphore(%arg6 : memref<!tpu.dma_semaphore, #tpu.memory_space<semaphore_mem>>) src(%dma_wait3A_225 : memref<128xi32, #tpu.memory_space<hbm>>) dst(%arg7 : memref<128xi32, #tpu.memory_space<vmem>>)
      %dma_wait3A_226 = arith.constant 0 : i32
      %dma_wait3A_227 = tpu.memref_slice %arg2[%add3A_30, %dma_wait3A_226] : memref<50000x128xi32, #tpu.memory_space<hbm>> -> memref<1x128xi32, #tpu.memory_space<hbm>>
      %dma_wait3A_228 = tpu.memref_squeeze %dma_wait3A_227 : memref<1x128xi32, #tpu.memory_space<hbm>> -> memref<128xi32, #tpu.memory_space<hbm>>
      %dma_wait3A_229 = arith.constant 0 : i32
      %dma_wait3A_230 = tpu.memref_slice %arg2[%add3A_30, %dma_wait3A_229] : memref<50000x128xi32, #tpu.memory_space<hbm>> -> memref<1x128xi32, #tpu.memory_space<hbm>>
      %dma_wait3A_231 = tpu.memref_squeeze %dma_wait3A_230 : memref<1x128xi32, #tpu.memory_space<hbm>> -> memref<128xi32, #tpu.memory_space<hbm>>
      tpu.wait_dma2 semaphore(%arg6 : memref<!tpu.dma_semaphore, #tpu.memory_space<semaphore_mem>>) src(%dma_wait3A_231 : memref<128xi32, #tpu.memory_space<hbm>>) dst(%arg8 : memref<128xi32, #tpu.memory_space<vmem>>)
      %dma_wait3A_232 = arith.constant 0 : i32
      %dma_wait3A_233 = tpu.memref_slice %arg2[%add3A_38, %dma_wait3A_232] : memref<50000x128xi32, #tpu.memory_space<hbm>> -> memref<1x128xi32, #tpu.memory_space<hbm>>
      %dma_wait3A_234 = tpu.memref_squeeze %dma_wait3A_233 : memref<1x128xi32, #tpu.memory_space<hbm>> -> memref<128xi32, #tpu.memory_space<hbm>>
      %dma_wait3A_235 = arith.constant 0 : i32
      %dma_wait3A_236 = tpu.memref_slice %arg2[%add3A_38, %dma_wait3A_235] : memref<50000x128xi32, #tpu.memory_space<hbm>> -> memref<1x128xi32, #tpu.memory_space<hbm>>
      %dma_wait3A_237 = tpu.memref_squeeze %dma_wait3A_236 : memref<1x128xi32, #tpu.memory_space<hbm>> -> memref<128xi32, #tpu.memory_space<hbm>>
      tpu.wait_dma2 semaphore(%arg6 : memref<!tpu.dma_semaphore, #tpu.memory_space<semaphore_mem>>) src(%dma_wait3A_237 : memref<128xi32, #tpu.memory_space<hbm>>) dst(%arg9 : memref<128xi32, #tpu.memory_space<vmem>>)
      %dma_wait3A_238 = arith.constant 0 : i32
      %dma_wait3A_239 = tpu.memref_slice %arg2[%add3A_46, %dma_wait3A_238] : memref<50000x128xi32, #tpu.memory_space<hbm>> -> memref<1x128xi32, #tpu.memory_space<hbm>>
      %dma_wait3A_240 = tpu.memref_squeeze %dma_wait3A_239 : memref<1x128xi32, #tpu.memory_space<hbm>> -> memref<128xi32, #tpu.memory_space<hbm>>
      %dma_wait3A_241 = arith.constant 0 : i32
      %dma_wait3A_242 = tpu.memref_slice %arg2[%add3A_46, %dma_wait3A_241] : memref<50000x128xi32, #tpu.memory_space<hbm>> -> memref<1x128xi32, #tpu.memory_space<hbm>>
      %dma_wait3A_243 = tpu.memref_squeeze %dma_wait3A_242 : memref<1x128xi32, #tpu.memory_space<hbm>> -> memref<128xi32, #tpu.memory_space<hbm>>
      tpu.wait_dma2 semaphore(%arg6 : memref<!tpu.dma_semaphore, #tpu.memory_space<semaphore_mem>>) src(%dma_wait3A_243 : memref<128xi32, #tpu.memory_space<hbm>>) dst(%arg10 : memref<128xi32, #tpu.memory_space<vmem>>)
      %dma_wait3A_244 = arith.constant 0 : i32
      %dma_wait3A_245 = tpu.memref_slice %arg2[%add3A_54, %dma_wait3A_244] : memref<50000x128xi32, #tpu.memory_space<hbm>> -> memref<1x128xi32, #tpu.memory_space<hbm>>
      %dma_wait3A_246 = tpu.memref_squeeze %dma_wait3A_245 : memref<1x128xi32, #tpu.memory_space<hbm>> -> memref<128xi32, #tpu.memory_space<hbm>>
      %dma_wait3A_247 = arith.constant 0 : i32
      %dma_wait3A_248 = tpu.memref_slice %arg2[%add3A_54, %dma_wait3A_247] : memref<50000x128xi32, #tpu.memory_space<hbm>> -> memref<1x128xi32, #tpu.memory_space<hbm>>
      %dma_wait3A_249 = tpu.memref_squeeze %dma_wait3A_248 : memref<1x128xi32, #tpu.memory_space<hbm>> -> memref<128xi32, #tpu.memory_space<hbm>>
      tpu.wait_dma2 semaphore(%arg6 : memref<!tpu.dma_semaphore, #tpu.memory_space<semaphore_mem>>) src(%dma_wait3A_249 : memref<128xi32, #tpu.memory_space<hbm>>) dst(%arg11 : memref<128xi32, #tpu.memory_space<vmem>>)
      %dma_wait3A_250 = arith.constant 0 : i32
      %dma_wait3A_251 = tpu.memref_slice %arg2[%add3A_62, %dma_wait3A_250] : memref<50000x128xi32, #tpu.memory_space<hbm>> -> memref<1x128xi32, #tpu.memory_space<hbm>>
      %dma_wait3A_252 = tpu.memref_squeeze %dma_wait3A_251 : memref<1x128xi32, #tpu.memory_space<hbm>> -> memref<128xi32, #tpu.memory_space<hbm>>
      %dma_wait3A_253 = arith.constant 0 : i32
      %dma_wait3A_254 = tpu.memref_slice %arg2[%add3A_62, %dma_wait3A_253] : memref<50000x128xi32, #tpu.memory_space<hbm>> -> memref<1x128xi32, #tpu.memory_space<hbm>>
      %dma_wait3A_255 = tpu.memref_squeeze %dma_wait3A_254 : memref<1x128xi32, #tpu.memory_space<hbm>> -> memref<128xi32, #tpu.memory_space<hbm>>
      tpu.wait_dma2 semaphore(%arg6 : memref<!tpu.dma_semaphore, #tpu.memory_space<semaphore_mem>>) src(%dma_wait3A_255 : memref<128xi32, #tpu.memory_space<hbm>>) dst(%arg12 : memref<128xi32, #tpu.memory_space<vmem>>)
      %dma_wait3A_256 = arith.constant 0 : i32
      %dma_wait3A_257 = tpu.memref_slice %arg2[%add3A_70, %dma_wait3A_256] : memref<50000x128xi32, #tpu.memory_space<hbm>> -> memref<1x128xi32, #tpu.memory_space<hbm>>
      %dma_wait3A_258 = tpu.memref_squeeze %dma_wait3A_257 : memref<1x128xi32, #tpu.memory_space<hbm>> -> memref<128xi32, #tpu.memory_space<hbm>>
      %dma_wait3A_259 = arith.constant 0 : i32
      %dma_wait3A_260 = tpu.memref_slice %arg2[%add3A_70, %dma_wait3A_259] : memref<50000x128xi32, #tpu.memory_space<hbm>> -> memref<1x128xi32, #tpu.memory_space<hbm>>
      %dma_wait3A_261 = tpu.memref_squeeze %dma_wait3A_260 : memref<1x128xi32, #tpu.memory_space<hbm>> -> memref<128xi32, #tpu.memory_space<hbm>>
      tpu.wait_dma2 semaphore(%arg6 : memref<!tpu.dma_semaphore, #tpu.memory_space<semaphore_mem>>) src(%dma_wait3A_261 : memref<128xi32, #tpu.memory_space<hbm>>) dst(%arg13 : memref<128xi32, #tpu.memory_space<vmem>>)
      %dma_wait3A_262 = arith.constant 0 : i32
      %dma_wait3A_263 = tpu.memref_slice %arg2[%add3A_78, %dma_wait3A_262] : memref<50000x128xi32, #tpu.memory_space<hbm>> -> memref<1x128xi32, #tpu.memory_space<hbm>>
      %dma_wait3A_264 = tpu.memref_squeeze %dma_wait3A_263 : memref<1x128xi32, #tpu.memory_space<hbm>> -> memref<128xi32, #tpu.memory_space<hbm>>
      %dma_wait3A_265 = arith.constant 0 : i32
      %dma_wait3A_266 = tpu.memref_slice %arg2[%add3A_78, %dma_wait3A_265] : memref<50000x128xi32, #tpu.memory_space<hbm>> -> memref<1x128xi32, #tpu.memory_space<hbm>>
      %dma_wait3A_267 = tpu.memref_squeeze %dma_wait3A_266 : memref<1x128xi32, #tpu.memory_space<hbm>> -> memref<128xi32, #tpu.memory_space<hbm>>
      tpu.wait_dma2 semaphore(%arg6 : memref<!tpu.dma_semaphore, #tpu.memory_space<semaphore_mem>>) src(%dma_wait3A_267 : memref<128xi32, #tpu.memory_space<hbm>>) dst(%arg14 : memref<128xi32, #tpu.memory_space<vmem>>)
      %dma_wait3A_268 = arith.constant 0 : i32
      %dma_wait3A_269 = tpu.memref_slice %arg2[%add3A_86, %dma_wait3A_268] : memref<50000x128xi32, #tpu.memory_space<hbm>> -> memref<1x128xi32, #tpu.memory_space<hbm>>
      %dma_wait3A_270 = tpu.memref_squeeze %dma_wait3A_269 : memref<1x128xi32, #tpu.memory_space<hbm>> -> memref<128xi32, #tpu.memory_space<hbm>>
      %dma_wait3A_271 = arith.constant 0 : i32
      %dma_wait3A_272 = tpu.memref_slice %arg2[%add3A_86, %dma_wait3A_271] : memref<50000x128xi32, #tpu.memory_space<hbm>> -> memref<1x128xi32, #tpu.memory_space<hbm>>
      %dma_wait3A_273 = tpu.memref_squeeze %dma_wait3A_272 : memref<1x128xi32, #tpu.memory_space<hbm>> -> memref<128xi32, #tpu.memory_space<hbm>>
      tpu.wait_dma2 semaphore(%arg6 : memref<!tpu.dma_semaphore, #tpu.memory_space<semaphore_mem>>) src(%dma_wait3A_273 : memref<128xi32, #tpu.memory_space<hbm>>) dst(%arg15 : memref<128xi32, #tpu.memory_space<vmem>>)
      %dma_wait3A_274 = arith.constant 0 : i32
      %dma_wait3A_275 = tpu.memref_slice %arg2[%add3A_94, %dma_wait3A_274] : memref<50000x128xi32, #tpu.memory_space<hbm>> -> memref<1x128xi32, #tpu.memory_space<hbm>>
      %dma_wait3A_276 = tpu.memref_squeeze %dma_wait3A_275 : memref<1x128xi32, #tpu.memory_space<hbm>> -> memref<128xi32, #tpu.memory_space<hbm>>
      %dma_wait3A_277 = arith.constant 0 : i32
      %dma_wait3A_278 = tpu.memref_slice %arg2[%add3A_94, %dma_wait3A_277] : memref<50000x128xi32, #tpu.memory_space<hbm>> -> memref<1x128xi32, #tpu.memory_space<hbm>>
      %dma_wait3A_279 = tpu.memref_squeeze %dma_wait3A_278 : memref<1x128xi32, #tpu.memory_space<hbm>> -> memref<128xi32, #tpu.memory_space<hbm>>
      tpu.wait_dma2 semaphore(%arg6 : memref<!tpu.dma_semaphore, #tpu.memory_space<semaphore_mem>>) src(%dma_wait3A_279 : memref<128xi32, #tpu.memory_space<hbm>>) dst(%arg16 : memref<128xi32, #tpu.memory_space<vmem>>)
      %dma_wait3A_280 = arith.constant 0 : i32
      %dma_wait3A_281 = tpu.memref_slice %arg2[%add3A_102, %dma_wait3A_280] : memref<50000x128xi32, #tpu.memory_space<hbm>> -> memref<1x128xi32, #tpu.memory_space<hbm>>
      %dma_wait3A_282 = tpu.memref_squeeze %dma_wait3A_281 : memref<1x128xi32, #tpu.memory_space<hbm>> -> memref<128xi32, #tpu.memory_space<hbm>>
      %dma_wait3A_283 = arith.constant 0 : i32
      %dma_wait3A_284 = tpu.memref_slice %arg2[%add3A_102, %dma_wait3A_283] : memref<50000x128xi32, #tpu.memory_space<hbm>> -> memref<1x128xi32, #tpu.memory_space<hbm>>
      %dma_wait3A_285 = tpu.memref_squeeze %dma_wait3A_284 : memref<1x128xi32, #tpu.memory_space<hbm>> -> memref<128xi32, #tpu.memory_space<hbm>>
      tpu.wait_dma2 semaphore(%arg6 : memref<!tpu.dma_semaphore, #tpu.memory_space<semaphore_mem>>) src(%dma_wait3A_285 : memref<128xi32, #tpu.memory_space<hbm>>) dst(%arg17 : memref<128xi32, #tpu.memory_space<vmem>>)
      %dma_wait3A_286 = arith.constant 0 : i32
      %dma_wait3A_287 = tpu.memref_slice %arg2[%add3A_110, %dma_wait3A_286] : memref<50000x128xi32, #tpu.memory_space<hbm>> -> memref<1x128xi32, #tpu.memory_space<hbm>>
      %dma_wait3A_288 = tpu.memref_squeeze %dma_wait3A_287 : memref<1x128xi32, #tpu.memory_space<hbm>> -> memref<128xi32, #tpu.memory_space<hbm>>
      %dma_wait3A_289 = arith.constant 0 : i32
      %dma_wait3A_290 = tpu.memref_slice %arg2[%add3A_110, %dma_wait3A_289] : memref<50000x128xi32, #tpu.memory_space<hbm>> -> memref<1x128xi32, #tpu.memory_space<hbm>>
      %dma_wait3A_291 = tpu.memref_squeeze %dma_wait3A_290 : memref<1x128xi32, #tpu.memory_space<hbm>> -> memref<128xi32, #tpu.memory_space<hbm>>
      tpu.wait_dma2 semaphore(%arg6 : memref<!tpu.dma_semaphore, #tpu.memory_space<semaphore_mem>>) src(%dma_wait3A_291 : memref<128xi32, #tpu.memory_space<hbm>>) dst(%arg18 : memref<128xi32, #tpu.memory_space<vmem>>)
      %dma_wait3A_292 = arith.constant 0 : i32
      %dma_wait3A_293 = tpu.memref_slice %arg2[%add3A_118, %dma_wait3A_292] : memref<50000x128xi32, #tpu.memory_space<hbm>> -> memref<1x128xi32, #tpu.memory_space<hbm>>
      %dma_wait3A_294 = tpu.memref_squeeze %dma_wait3A_293 : memref<1x128xi32, #tpu.memory_space<hbm>> -> memref<128xi32, #tpu.memory_space<hbm>>
      %dma_wait3A_295 = arith.constant 0 : i32
      %dma_wait3A_296 = tpu.memref_slice %arg2[%add3A_118, %dma_wait3A_295] : memref<50000x128xi32, #tpu.memory_space<hbm>> -> memref<1x128xi32, #tpu.memory_space<hbm>>
      %dma_wait3A_297 = tpu.memref_squeeze %dma_wait3A_296 : memref<1x128xi32, #tpu.memory_space<hbm>> -> memref<128xi32, #tpu.memory_space<hbm>>
      tpu.wait_dma2 semaphore(%arg6 : memref<!tpu.dma_semaphore, #tpu.memory_space<semaphore_mem>>) src(%dma_wait3A_297 : memref<128xi32, #tpu.memory_space<hbm>>) dst(%arg19 : memref<128xi32, #tpu.memory_space<vmem>>)
      %dma_wait3A_298 = arith.constant 0 : i32
      %dma_wait3A_299 = tpu.memref_slice %arg2[%add3A_126, %dma_wait3A_298] : memref<50000x128xi32, #tpu.memory_space<hbm>> -> memref<1x128xi32, #tpu.memory_space<hbm>>
      %dma_wait3A_300 = tpu.memref_squeeze %dma_wait3A_299 : memref<1x128xi32, #tpu.memory_space<hbm>> -> memref<128xi32, #tpu.memory_space<hbm>>
      %dma_wait3A_301 = arith.constant 0 : i32
      %dma_wait3A_302 = tpu.memref_slice %arg2[%add3A_126, %dma_wait3A_301] : memref<50000x128xi32, #tpu.memory_space<hbm>> -> memref<1x128xi32, #tpu.memory_space<hbm>>
      %dma_wait3A_303 = tpu.memref_squeeze %dma_wait3A_302 : memref<1x128xi32, #tpu.memory_space<hbm>> -> memref<128xi32, #tpu.memory_space<hbm>>
      tpu.wait_dma2 semaphore(%arg6 : memref<!tpu.dma_semaphore, #tpu.memory_space<semaphore_mem>>) src(%dma_wait3A_303 : memref<128xi32, #tpu.memory_space<hbm>>) dst(%arg20 : memref<128xi32, #tpu.memory_space<vmem>>)
      %dma_wait3A_304 = arith.constant 0 : i32
      %dma_wait3A_305 = tpu.memref_slice %arg2[%add3A_134, %dma_wait3A_304] : memref<50000x128xi32, #tpu.memory_space<hbm>> -> memref<1x128xi32, #tpu.memory_space<hbm>>
      %dma_wait3A_306 = tpu.memref_squeeze %dma_wait3A_305 : memref<1x128xi32, #tpu.memory_space<hbm>> -> memref<128xi32, #tpu.memory_space<hbm>>
      %dma_wait3A_307 = arith.constant 0 : i32
      %dma_wait3A_308 = tpu.memref_slice %arg2[%add3A_134, %dma_wait3A_307] : memref<50000x128xi32, #tpu.memory_space<hbm>> -> memref<1x128xi32, #tpu.memory_space<hbm>>
      %dma_wait3A_309 = tpu.memref_squeeze %dma_wait3A_308 : memref<1x128xi32, #tpu.memory_space<hbm>> -> memref<128xi32, #tpu.memory_space<hbm>>
      tpu.wait_dma2 semaphore(%arg6 : memref<!tpu.dma_semaphore, #tpu.memory_space<semaphore_mem>>) src(%dma_wait3A_309 : memref<128xi32, #tpu.memory_space<hbm>>) dst(%arg21 : memref<128xi32, #tpu.memory_space<vmem>>)
      %dma_wait3A_310 = arith.constant 0 : i32
      %dma_wait3A_311 = tpu.memref_slice %arg2[%add3A_142, %dma_wait3A_310] : memref<50000x128xi32, #tpu.memory_space<hbm>> -> memref<1x128xi32, #tpu.memory_space<hbm>>
      %dma_wait3A_312 = tpu.memref_squeeze %dma_wait3A_311 : memref<1x128xi32, #tpu.memory_space<hbm>> -> memref<128xi32, #tpu.memory_space<hbm>>
      %dma_wait3A_313 = arith.constant 0 : i32
      %dma_wait3A_314 = tpu.memref_slice %arg2[%add3A_142, %dma_wait3A_313] : memref<50000x128xi32, #tpu.memory_space<hbm>> -> memref<1x128xi32, #tpu.memory_space<hbm>>
      %dma_wait3A_315 = tpu.memref_squeeze %dma_wait3A_314 : memref<1x128xi32, #tpu.memory_space<hbm>> -> memref<128xi32, #tpu.memory_space<hbm>>
      tpu.wait_dma2 semaphore(%arg6 : memref<!tpu.dma_semaphore, #tpu.memory_space<semaphore_mem>>) src(%dma_wait3A_315 : memref<128xi32, #tpu.memory_space<hbm>>) dst(%arg22 : memref<128xi32, #tpu.memory_space<vmem>>)
      %dma_wait3A_316 = arith.constant 0 : i32
      %dma_wait3A_317 = tpu.memref_slice %arg2[%add3A_150, %dma_wait3A_316] : memref<50000x128xi32, #tpu.memory_space<hbm>> -> memref<1x128xi32, #tpu.memory_space<hbm>>
      %dma_wait3A_318 = tpu.memref_squeeze %dma_wait3A_317 : memref<1x128xi32, #tpu.memory_space<hbm>> -> memref<128xi32, #tpu.memory_space<hbm>>
      %dma_wait3A_319 = arith.constant 0 : i32
      %dma_wait3A_320 = tpu.memref_slice %arg2[%add3A_150, %dma_wait3A_319] : memref<50000x128xi32, #tpu.memory_space<hbm>> -> memref<1x128xi32, #tpu.memory_space<hbm>>
      %dma_wait3A_321 = tpu.memref_squeeze %dma_wait3A_320 : memref<1x128xi32, #tpu.memory_space<hbm>> -> memref<128xi32, #tpu.memory_space<hbm>>
      tpu.wait_dma2 semaphore(%arg6 : memref<!tpu.dma_semaphore, #tpu.memory_space<semaphore_mem>>) src(%dma_wait3A_321 : memref<128xi32, #tpu.memory_space<hbm>>) dst(%arg23 : memref<128xi32, #tpu.memory_space<vmem>>)
      %dma_wait3A_322 = arith.constant 0 : i32
      %dma_wait3A_323 = tpu.memref_slice %arg2[%add3A_158, %dma_wait3A_322] : memref<50000x128xi32, #tpu.memory_space<hbm>> -> memref<1x128xi32, #tpu.memory_space<hbm>>
      %dma_wait3A_324 = tpu.memref_squeeze %dma_wait3A_323 : memref<1x128xi32, #tpu.memory_space<hbm>> -> memref<128xi32, #tpu.memory_space<hbm>>
      %dma_wait3A_325 = arith.constant 0 : i32
      %dma_wait3A_326 = tpu.memref_slice %arg2[%add3A_158, %dma_wait3A_325] : memref<50000x128xi32, #tpu.memory_space<hbm>> -> memref<1x128xi32, #tpu.memory_space<hbm>>
      %dma_wait3A_327 = tpu.memref_squeeze %dma_wait3A_326 : memref<1x128xi32, #tpu.memory_space<hbm>> -> memref<128xi32, #tpu.memory_space<hbm>>
      tpu.wait_dma2 semaphore(%arg6 : memref<!tpu.dma_semaphore, #tpu.memory_space<semaphore_mem>>) src(%dma_wait3A_327 : memref<128xi32, #tpu.memory_space<hbm>>) dst(%arg24 : memref<128xi32, #tpu.memory_space<vmem>>)
      %dma_wait3A_328 = arith.constant 0 : i32
      %dma_wait3A_329 = tpu.memref_slice %arg2[%add3A_166, %dma_wait3A_328] : memref<50000x128xi32, #tpu.memory_space<hbm>> -> memref<1x128xi32, #tpu.memory_space<hbm>>
      %dma_wait3A_330 = tpu.memref_squeeze %dma_wait3A_329 : memref<1x128xi32, #tpu.memory_space<hbm>> -> memref<128xi32, #tpu.memory_space<hbm>>
      %dma_wait3A_331 = arith.constant 0 : i32
      %dma_wait3A_332 = tpu.memref_slice %arg2[%add3A_166, %dma_wait3A_331] : memref<50000x128xi32, #tpu.memory_space<hbm>> -> memref<1x128xi32, #tpu.memory_space<hbm>>
      %dma_wait3A_333 = tpu.memref_squeeze %dma_wait3A_332 : memref<1x128xi32, #tpu.memory_space<hbm>> -> memref<128xi32, #tpu.memory_space<hbm>>
      tpu.wait_dma2 semaphore(%arg6 : memref<!tpu.dma_semaphore, #tpu.memory_space<semaphore_mem>>) src(%dma_wait3A_333 : memref<128xi32, #tpu.memory_space<hbm>>) dst(%arg25 : memref<128xi32, #tpu.memory_space<vmem>>)
      %dma_wait3A_334 = arith.constant 0 : i32
      %dma_wait3A_335 = tpu.memref_slice %arg2[%add3A_174, %dma_wait3A_334] : memref<50000x128xi32, #tpu.memory_space<hbm>> -> memref<1x128xi32, #tpu.memory_space<hbm>>
      %dma_wait3A_336 = tpu.memref_squeeze %dma_wait3A_335 : memref<1x128xi32, #tpu.memory_space<hbm>> -> memref<128xi32, #tpu.memory_space<hbm>>
      %dma_wait3A_337 = arith.constant 0 : i32
      %dma_wait3A_338 = tpu.memref_slice %arg2[%add3A_174, %dma_wait3A_337] : memref<50000x128xi32, #tpu.memory_space<hbm>> -> memref<1x128xi32, #tpu.memory_space<hbm>>
      %dma_wait3A_339 = tpu.memref_squeeze %dma_wait3A_338 : memref<1x128xi32, #tpu.memory_space<hbm>> -> memref<128xi32, #tpu.memory_space<hbm>>
      tpu.wait_dma2 semaphore(%arg6 : memref<!tpu.dma_semaphore, #tpu.memory_space<semaphore_mem>>) src(%dma_wait3A_339 : memref<128xi32, #tpu.memory_space<hbm>>) dst(%arg26 : memref<128xi32, #tpu.memory_space<vmem>>)
      %dma_wait3A_340 = arith.constant 0 : i32
      %dma_wait3A_341 = tpu.memref_slice %arg2[%add3A_182, %dma_wait3A_340] : memref<50000x128xi32, #tpu.memory_space<hbm>> -> memref<1x128xi32, #tpu.memory_space<hbm>>
      %dma_wait3A_342 = tpu.memref_squeeze %dma_wait3A_341 : memref<1x128xi32, #tpu.memory_space<hbm>> -> memref<128xi32, #tpu.memory_space<hbm>>
      %dma_wait3A_343 = arith.constant 0 : i32
      %dma_wait3A_344 = tpu.memref_slice %arg2[%add3A_182, %dma_wait3A_343] : memref<50000x128xi32, #tpu.memory_space<hbm>> -> memref<1x128xi32, #tpu.memory_space<hbm>>
      %dma_wait3A_345 = tpu.memref_squeeze %dma_wait3A_344 : memref<1x128xi32, #tpu.memory_space<hbm>> -> memref<128xi32, #tpu.memory_space<hbm>>
      tpu.wait_dma2 semaphore(%arg6 : memref<!tpu.dma_semaphore, #tpu.memory_space<semaphore_mem>>) src(%dma_wait3A_345 : memref<128xi32, #tpu.memory_space<hbm>>) dst(%arg27 : memref<128xi32, #tpu.memory_space<vmem>>)
      %dma_wait3A_346 = arith.constant 0 : i32
      %dma_wait3A_347 = tpu.memref_slice %arg2[%add3A_190, %dma_wait3A_346] : memref<50000x128xi32, #tpu.memory_space<hbm>> -> memref<1x128xi32, #tpu.memory_space<hbm>>
      %dma_wait3A_348 = tpu.memref_squeeze %dma_wait3A_347 : memref<1x128xi32, #tpu.memory_space<hbm>> -> memref<128xi32, #tpu.memory_space<hbm>>
      %dma_wait3A_349 = arith.constant 0 : i32
      %dma_wait3A_350 = tpu.memref_slice %arg2[%add3A_190, %dma_wait3A_349] : memref<50000x128xi32, #tpu.memory_space<hbm>> -> memref<1x128xi32, #tpu.memory_space<hbm>>
      %dma_wait3A_351 = tpu.memref_squeeze %dma_wait3A_350 : memref<1x128xi32, #tpu.memory_space<hbm>> -> memref<128xi32, #tpu.memory_space<hbm>>
      tpu.wait_dma2 semaphore(%arg6 : memref<!tpu.dma_semaphore, #tpu.memory_space<semaphore_mem>>) src(%dma_wait3A_351 : memref<128xi32, #tpu.memory_space<hbm>>) dst(%arg28 : memref<128xi32, #tpu.memory_space<vmem>>)
      %dma_wait3A_352 = arith.constant 0 : i32
      %dma_wait3A_353 = tpu.memref_slice %arg2[%add3A_198, %dma_wait3A_352] : memref<50000x128xi32, #tpu.memory_space<hbm>> -> memref<1x128xi32, #tpu.memory_space<hbm>>
      %dma_wait3A_354 = tpu.memref_squeeze %dma_wait3A_353 : memref<1x128xi32, #tpu.memory_space<hbm>> -> memref<128xi32, #tpu.memory_space<hbm>>
      %dma_wait3A_355 = arith.constant 0 : i32
      %dma_wait3A_356 = tpu.memref_slice %arg2[%add3A_198, %dma_wait3A_355] : memref<50000x128xi32, #tpu.memory_space<hbm>> -> memref<1x128xi32, #tpu.memory_space<hbm>>
      %dma_wait3A_357 = tpu.memref_squeeze %dma_wait3A_356 : memref<1x128xi32, #tpu.memory_space<hbm>> -> memref<128xi32, #tpu.memory_space<hbm>>
      tpu.wait_dma2 semaphore(%arg6 : memref<!tpu.dma_semaphore, #tpu.memory_space<semaphore_mem>>) src(%dma_wait3A_357 : memref<128xi32, #tpu.memory_space<hbm>>) dst(%arg29 : memref<128xi32, #tpu.memory_space<vmem>>)
      %dma_wait3A_358 = arith.constant 0 : i32
      %dma_wait3A_359 = tpu.memref_slice %arg2[%add3A_206, %dma_wait3A_358] : memref<50000x128xi32, #tpu.memory_space<hbm>> -> memref<1x128xi32, #tpu.memory_space<hbm>>
      %dma_wait3A_360 = tpu.memref_squeeze %dma_wait3A_359 : memref<1x128xi32, #tpu.memory_space<hbm>> -> memref<128xi32, #tpu.memory_space<hbm>>
      %dma_wait3A_361 = arith.constant 0 : i32
      %dma_wait3A_362 = tpu.memref_slice %arg2[%add3A_206, %dma_wait3A_361] : memref<50000x128xi32, #tpu.memory_space<hbm>> -> memref<1x128xi32, #tpu.memory_space<hbm>>
      %dma_wait3A_363 = tpu.memref_squeeze %dma_wait3A_362 : memref<1x128xi32, #tpu.memory_space<hbm>> -> memref<128xi32, #tpu.memory_space<hbm>>
      tpu.wait_dma2 semaphore(%arg6 : memref<!tpu.dma_semaphore, #tpu.memory_space<semaphore_mem>>) src(%dma_wait3A_363 : memref<128xi32, #tpu.memory_space<hbm>>) dst(%arg30 : memref<128xi32, #tpu.memory_space<vmem>>)
      %dma_wait3A_364 = arith.constant 0 : i32
      %dma_wait3A_365 = tpu.memref_slice %arg2[%add3A_214, %dma_wait3A_364] : memref<50000x128xi32, #tpu.memory_space<hbm>> -> memref<1x128xi32, #tpu.memory_space<hbm>>
      %dma_wait3A_366 = tpu.memref_squeeze %dma_wait3A_365 : memref<1x128xi32, #tpu.memory_space<hbm>> -> memref<128xi32, #tpu.memory_space<hbm>>
      %dma_wait3A_367 = arith.constant 0 : i32
      %dma_wait3A_368 = tpu.memref_slice %arg2[%add3A_214, %dma_wait3A_367] : memref<50000x128xi32, #tpu.memory_space<hbm>> -> memref<1x128xi32, #tpu.memory_space<hbm>>
      %dma_wait3A_369 = tpu.memref_squeeze %dma_wait3A_368 : memref<1x128xi32, #tpu.memory_space<hbm>> -> memref<128xi32, #tpu.memory_space<hbm>>
      tpu.wait_dma2 semaphore(%arg6 : memref<!tpu.dma_semaphore, #tpu.memory_space<semaphore_mem>>) src(%dma_wait3A_369 : memref<128xi32, #tpu.memory_space<hbm>>) dst(%arg31 : memref<128xi32, #tpu.memory_space<vmem>>)
      %dma_start3A_370 = arith.constant 0 : i32
      %dma_start3A_371 = arith.constant 0 : i32
      %dma_start3A_372 = tpu.memref_slice %arg5[%dma_start3A_370, %dma_start3A_371] : memref<3200x8xf32, #tpu.memory_space<vmem>> -> memref<128x8xf32, #tpu.memory_space<vmem>>
      %dma_start3A_373 = arith.constant 0 : i32
      %dma_start3A_374 = arith.constant 0 : i32
      %dma_start3A_375 = tpu.memref_slice %arg3[%dma_start3A_373, %dma_start3A_374] : memref<100000x8xf32, #tpu.memory_space<hbm>> -> memref<100000x8xf32, #tpu.memory_space<hbm>>
      tpu.enqueue_indirect_dma source(%dma_start3A_375 : memref<100000x8xf32, #tpu.memory_space<hbm>>) target(%dma_start3A_372 : memref<128x8xf32, #tpu.memory_space<vmem>>) offsets(%arg7 : memref<128xi32, #tpu.memory_space<vmem>>) semaphore(%arg6 : memref<!tpu.dma_semaphore, #tpu.memory_space<semaphore_mem>>)
      %dma_start3A_376 = arith.constant 128 : i32
      %dma_start3A_377 = arith.constant 0 : i32
      %dma_start3A_378 = tpu.memref_slice %arg5[%dma_start3A_376, %dma_start3A_377] : memref<3200x8xf32, #tpu.memory_space<vmem>> -> memref<128x8xf32, #tpu.memory_space<vmem>>
      %dma_start3A_379 = arith.constant 0 : i32
      %dma_start3A_380 = arith.constant 0 : i32
      %dma_start3A_381 = tpu.memref_slice %arg3[%dma_start3A_379, %dma_start3A_380] : memref<100000x8xf32, #tpu.memory_space<hbm>> -> memref<100000x8xf32, #tpu.memory_space<hbm>>
      tpu.enqueue_indirect_dma source(%dma_start3A_381 : memref<100000x8xf32, #tpu.memory_space<hbm>>) target(%dma_start3A_378 : memref<128x8xf32, #tpu.memory_space<vmem>>) offsets(%arg8 : memref<128xi32, #tpu.memory_space<vmem>>) semaphore(%arg6 : memref<!tpu.dma_semaphore, #tpu.memory_space<semaphore_mem>>)
      %dma_start3A_382 = arith.constant 256 : i32
      %dma_start3A_383 = arith.constant 0 : i32
      %dma_start3A_384 = tpu.memref_slice %arg5[%dma_start3A_382, %dma_start3A_383] : memref<3200x8xf32, #tpu.memory_space<vmem>> -> memref<128x8xf32, #tpu.memory_space<vmem>>
      %dma_start3A_385 = arith.constant 0 : i32
      %dma_start3A_386 = arith.constant 0 : i32
      %dma_start3A_387 = tpu.memref_slice %arg3[%dma_start3A_385, %dma_start3A_386] : memref<100000x8xf32, #tpu.memory_space<hbm>> -> memref<100000x8xf32, #tpu.memory_space<hbm>>
      tpu.enqueue_indirect_dma source(%dma_start3A_387 : memref<100000x8xf32, #tpu.memory_space<hbm>>) target(%dma_start3A_384 : memref<128x8xf32, #tpu.memory_space<vmem>>) offsets(%arg9 : memref<128xi32, #tpu.memory_space<vmem>>) semaphore(%arg6 : memref<!tpu.dma_semaphore, #tpu.memory_space<semaphore_mem>>)
      %dma_start3A_388 = arith.constant 384 : i32
      %dma_start3A_389 = arith.constant 0 : i32
      %dma_start3A_390 = tpu.memref_slice %arg5[%dma_start3A_388, %dma_start3A_389] : memref<3200x8xf32, #tpu.memory_space<vmem>> -> memref<128x8xf32, #tpu.memory_space<vmem>>
      %dma_start3A_391 = arith.constant 0 : i32
      %dma_start3A_392 = arith.constant 0 : i32
      %dma_start3A_393 = tpu.memref_slice %arg3[%dma_start3A_391, %dma_start3A_392] : memref<100000x8xf32, #tpu.memory_space<hbm>> -> memref<100000x8xf32, #tpu.memory_space<hbm>>
      tpu.enqueue_indirect_dma source(%dma_start3A_393 : memref<100000x8xf32, #tpu.memory_space<hbm>>) target(%dma_start3A_390 : memref<128x8xf32, #tpu.memory_space<vmem>>) offsets(%arg10 : memref<128xi32, #tpu.memory_space<vmem>>) semaphore(%arg6 : memref<!tpu.dma_semaphore, #tpu.memory_space<semaphore_mem>>)
      %dma_start3A_394 = arith.constant 512 : i32
      %dma_start3A_395 = arith.constant 0 : i32
      %dma_start3A_396 = tpu.memref_slice %arg5[%dma_start3A_394, %dma_start3A_395] : memref<3200x8xf32, #tpu.memory_space<vmem>> -> memref<128x8xf32, #tpu.memory_space<vmem>>
      %dma_start3A_397 = arith.constant 0 : i32
      %dma_start3A_398 = arith.constant 0 : i32
      %dma_start3A_399 = tpu.memref_slice %arg3[%dma_start3A_397, %dma_start3A_398] : memref<100000x8xf32, #tpu.memory_space<hbm>> -> memref<100000x8xf32, #tpu.memory_space<hbm>>
      tpu.enqueue_indirect_dma source(%dma_start3A_399 : memref<100000x8xf32, #tpu.memory_space<hbm>>) target(%dma_start3A_396 : memref<128x8xf32, #tpu.memory_space<vmem>>) offsets(%arg11 : memref<128xi32, #tpu.memory_space<vmem>>) semaphore(%arg6 : memref<!tpu.dma_semaphore, #tpu.memory_space<semaphore_mem>>)
      %dma_start3A_400 = arith.constant 640 : i32
      %dma_start3A_401 = arith.constant 0 : i32
      %dma_start3A_402 = tpu.memref_slice %arg5[%dma_start3A_400, %dma_start3A_401] : memref<3200x8xf32, #tpu.memory_space<vmem>> -> memref<128x8xf32, #tpu.memory_space<vmem>>
      %dma_start3A_403 = arith.constant 0 : i32
      %dma_start3A_404 = arith.constant 0 : i32
      %dma_start3A_405 = tpu.memref_slice %arg3[%dma_start3A_403, %dma_start3A_404] : memref<100000x8xf32, #tpu.memory_space<hbm>> -> memref<100000x8xf32, #tpu.memory_space<hbm>>
      tpu.enqueue_indirect_dma source(%dma_start3A_405 : memref<100000x8xf32, #tpu.memory_space<hbm>>) target(%dma_start3A_402 : memref<128x8xf32, #tpu.memory_space<vmem>>) offsets(%arg12 : memref<128xi32, #tpu.memory_space<vmem>>) semaphore(%arg6 : memref<!tpu.dma_semaphore, #tpu.memory_space<semaphore_mem>>)
      %dma_start3A_406 = arith.constant 768 : i32
      %dma_start3A_407 = arith.constant 0 : i32
      %dma_start3A_408 = tpu.memref_slice %arg5[%dma_start3A_406, %dma_start3A_407] : memref<3200x8xf32, #tpu.memory_space<vmem>> -> memref<128x8xf32, #tpu.memory_space<vmem>>
      %dma_start3A_409 = arith.constant 0 : i32
      %dma_start3A_410 = arith.constant 0 : i32
      %dma_start3A_411 = tpu.memref_slice %arg3[%dma_start3A_409, %dma_start3A_410] : memref<100000x8xf32, #tpu.memory_space<hbm>> -> memref<100000x8xf32, #tpu.memory_space<hbm>>
      tpu.enqueue_indirect_dma source(%dma_start3A_411 : memref<100000x8xf32, #tpu.memory_space<hbm>>) target(%dma_start3A_408 : memref<128x8xf32, #tpu.memory_space<vmem>>) offsets(%arg13 : memref<128xi32, #tpu.memory_space<vmem>>) semaphore(%arg6 : memref<!tpu.dma_semaphore, #tpu.memory_space<semaphore_mem>>)
      %dma_start3A_412 = arith.constant 896 : i32
      %dma_start3A_413 = arith.constant 0 : i32
      %dma_start3A_414 = tpu.memref_slice %arg5[%dma_start3A_412, %dma_start3A_413] : memref<3200x8xf32, #tpu.memory_space<vmem>> -> memref<128x8xf32, #tpu.memory_space<vmem>>
      %dma_start3A_415 = arith.constant 0 : i32
      %dma_start3A_416 = arith.constant 0 : i32
      %dma_start3A_417 = tpu.memref_slice %arg3[%dma_start3A_415, %dma_start3A_416] : memref<100000x8xf32, #tpu.memory_space<hbm>> -> memref<100000x8xf32, #tpu.memory_space<hbm>>
      tpu.enqueue_indirect_dma source(%dma_start3A_417 : memref<100000x8xf32, #tpu.memory_space<hbm>>) target(%dma_start3A_414 : memref<128x8xf32, #tpu.memory_space<vmem>>) offsets(%arg14 : memref<128xi32, #tpu.memory_space<vmem>>) semaphore(%arg6 : memref<!tpu.dma_semaphore, #tpu.memory_space<semaphore_mem>>)
      %dma_start3A_418 = arith.constant 1024 : i32
      %dma_start3A_419 = arith.constant 0 : i32
      %dma_start3A_420 = tpu.memref_slice %arg5[%dma_start3A_418, %dma_start3A_419] : memref<3200x8xf32, #tpu.memory_space<vmem>> -> memref<128x8xf32, #tpu.memory_space<vmem>>
      %dma_start3A_421 = arith.constant 0 : i32
      %dma_start3A_422 = arith.constant 0 : i32
      %dma_start3A_423 = tpu.memref_slice %arg3[%dma_start3A_421, %dma_start3A_422] : memref<100000x8xf32, #tpu.memory_space<hbm>> -> memref<100000x8xf32, #tpu.memory_space<hbm>>
      tpu.enqueue_indirect_dma source(%dma_start3A_423 : memref<100000x8xf32, #tpu.memory_space<hbm>>) target(%dma_start3A_420 : memref<128x8xf32, #tpu.memory_space<vmem>>) offsets(%arg15 : memref<128xi32, #tpu.memory_space<vmem>>) semaphore(%arg6 : memref<!tpu.dma_semaphore, #tpu.memory_space<semaphore_mem>>)
      %dma_start3A_424 = arith.constant 1152 : i32
      %dma_start3A_425 = arith.constant 0 : i32
      %dma_start3A_426 = tpu.memref_slice %arg5[%dma_start3A_424, %dma_start3A_425] : memref<3200x8xf32, #tpu.memory_space<vmem>> -> memref<128x8xf32, #tpu.memory_space<vmem>>
      %dma_start3A_427 = arith.constant 0 : i32
      %dma_start3A_428 = arith.constant 0 : i32
      %dma_start3A_429 = tpu.memref_slice %arg3[%dma_start3A_427, %dma_start3A_428] : memref<100000x8xf32, #tpu.memory_space<hbm>> -> memref<100000x8xf32, #tpu.memory_space<hbm>>
      tpu.enqueue_indirect_dma source(%dma_start3A_429 : memref<100000x8xf32, #tpu.memory_space<hbm>>) target(%dma_start3A_426 : memref<128x8xf32, #tpu.memory_space<vmem>>) offsets(%arg16 : memref<128xi32, #tpu.memory_space<vmem>>) semaphore(%arg6 : memref<!tpu.dma_semaphore, #tpu.memory_space<semaphore_mem>>)
      %dma_start3A_430 = arith.constant 1280 : i32
      %dma_start3A_431 = arith.constant 0 : i32
      %dma_start3A_432 = tpu.memref_slice %arg5[%dma_start3A_430, %dma_start3A_431] : memref<3200x8xf32, #tpu.memory_space<vmem>> -> memref<128x8xf32, #tpu.memory_space<vmem>>
      %dma_start3A_433 = arith.constant 0 : i32
      %dma_start3A_434 = arith.constant 0 : i32
      %dma_start3A_435 = tpu.memref_slice %arg3[%dma_start3A_433, %dma_start3A_434] : memref<100000x8xf32, #tpu.memory_space<hbm>> -> memref<100000x8xf32, #tpu.memory_space<hbm>>
      tpu.enqueue_indirect_dma source(%dma_start3A_435 : memref<100000x8xf32, #tpu.memory_space<hbm>>) target(%dma_start3A_432 : memref<128x8xf32, #tpu.memory_space<vmem>>) offsets(%arg17 : memref<128xi32, #tpu.memory_space<vmem>>) semaphore(%arg6 : memref<!tpu.dma_semaphore, #tpu.memory_space<semaphore_mem>>)
      %dma_start3A_436 = arith.constant 1408 : i32
      %dma_start3A_437 = arith.constant 0 : i32
      %dma_start3A_438 = tpu.memref_slice %arg5[%dma_start3A_436, %dma_start3A_437] : memref<3200x8xf32, #tpu.memory_space<vmem>> -> memref<128x8xf32, #tpu.memory_space<vmem>>
      %dma_start3A_439 = arith.constant 0 : i32
      %dma_start3A_440 = arith.constant 0 : i32
      %dma_start3A_441 = tpu.memref_slice %arg3[%dma_start3A_439, %dma_start3A_440] : memref<100000x8xf32, #tpu.memory_space<hbm>> -> memref<100000x8xf32, #tpu.memory_space<hbm>>
      tpu.enqueue_indirect_dma source(%dma_start3A_441 : memref<100000x8xf32, #tpu.memory_space<hbm>>) target(%dma_start3A_438 : memref<128x8xf32, #tpu.memory_space<vmem>>) offsets(%arg18 : memref<128xi32, #tpu.memory_space<vmem>>) semaphore(%arg6 : memref<!tpu.dma_semaphore, #tpu.memory_space<semaphore_mem>>)
      %dma_start3A_442 = arith.constant 1536 : i32
      %dma_start3A_443 = arith.constant 0 : i32
      %dma_start3A_444 = tpu.memref_slice %arg5[%dma_start3A_442, %dma_start3A_443] : memref<3200x8xf32, #tpu.memory_space<vmem>> -> memref<128x8xf32, #tpu.memory_space<vmem>>
      %dma_start3A_445 = arith.constant 0 : i32
      %dma_start3A_446 = arith.constant 0 : i32
      %dma_start3A_447 = tpu.memref_slice %arg3[%dma_start3A_445, %dma_start3A_446] : memref<100000x8xf32, #tpu.memory_space<hbm>> -> memref<100000x8xf32, #tpu.memory_space<hbm>>
      tpu.enqueue_indirect_dma source(%dma_start3A_447 : memref<100000x8xf32, #tpu.memory_space<hbm>>) target(%dma_start3A_444 : memref<128x8xf32, #tpu.memory_space<vmem>>) offsets(%arg19 : memref<128xi32, #tpu.memory_space<vmem>>) semaphore(%arg6 : memref<!tpu.dma_semaphore, #tpu.memory_space<semaphore_mem>>)
      %dma_start3A_448 = arith.constant 1664 : i32
      %dma_start3A_449 = arith.constant 0 : i32
      %dma_start3A_450 = tpu.memref_slice %arg5[%dma_start3A_448, %dma_start3A_449] : memref<3200x8xf32, #tpu.memory_space<vmem>> -> memref<128x8xf32, #tpu.memory_space<vmem>>
      %dma_start3A_451 = arith.constant 0 : i32
      %dma_start3A_452 = arith.constant 0 : i32
      %dma_start3A_453 = tpu.memref_slice %arg3[%dma_start3A_451, %dma_start3A_452] : memref<100000x8xf32, #tpu.memory_space<hbm>> -> memref<100000x8xf32, #tpu.memory_space<hbm>>
      tpu.enqueue_indirect_dma source(%dma_start3A_453 : memref<100000x8xf32, #tpu.memory_space<hbm>>) target(%dma_start3A_450 : memref<128x8xf32, #tpu.memory_space<vmem>>) offsets(%arg20 : memref<128xi32, #tpu.memory_space<vmem>>) semaphore(%arg6 : memref<!tpu.dma_semaphore, #tpu.memory_space<semaphore_mem>>)
      %dma_start3A_454 = arith.constant 1792 : i32
      %dma_start3A_455 = arith.constant 0 : i32
      %dma_start3A_456 = tpu.memref_slice %arg5[%dma_start3A_454, %dma_start3A_455] : memref<3200x8xf32, #tpu.memory_space<vmem>> -> memref<128x8xf32, #tpu.memory_space<vmem>>
      %dma_start3A_457 = arith.constant 0 : i32
      %dma_start3A_458 = arith.constant 0 : i32
      %dma_start3A_459 = tpu.memref_slice %arg3[%dma_start3A_457, %dma_start3A_458] : memref<100000x8xf32, #tpu.memory_space<hbm>> -> memref<100000x8xf32, #tpu.memory_space<hbm>>
      tpu.enqueue_indirect_dma source(%dma_start3A_459 : memref<100000x8xf32, #tpu.memory_space<hbm>>) target(%dma_start3A_456 : memref<128x8xf32, #tpu.memory_space<vmem>>) offsets(%arg21 : memref<128xi32, #tpu.memory_space<vmem>>) semaphore(%arg6 : memref<!tpu.dma_semaphore, #tpu.memory_space<semaphore_mem>>)
      %dma_start3A_460 = arith.constant 1920 : i32
      %dma_start3A_461 = arith.constant 0 : i32
      %dma_start3A_462 = tpu.memref_slice %arg5[%dma_start3A_460, %dma_start3A_461] : memref<3200x8xf32, #tpu.memory_space<vmem>> -> memref<128x8xf32, #tpu.memory_space<vmem>>
      %dma_start3A_463 = arith.constant 0 : i32
      %dma_start3A_464 = arith.constant 0 : i32
      %dma_start3A_465 = tpu.memref_slice %arg3[%dma_start3A_463, %dma_start3A_464] : memref<100000x8xf32, #tpu.memory_space<hbm>> -> memref<100000x8xf32, #tpu.memory_space<hbm>>
      tpu.enqueue_indirect_dma source(%dma_start3A_465 : memref<100000x8xf32, #tpu.memory_space<hbm>>) target(%dma_start3A_462 : memref<128x8xf32, #tpu.memory_space<vmem>>) offsets(%arg22 : memref<128xi32, #tpu.memory_space<vmem>>) semaphore(%arg6 : memref<!tpu.dma_semaphore, #tpu.memory_space<semaphore_mem>>)
      %dma_start3A_466 = arith.constant 2048 : i32
      %dma_start3A_467 = arith.constant 0 : i32
      %dma_start3A_468 = tpu.memref_slice %arg5[%dma_start3A_466, %dma_start3A_467] : memref<3200x8xf32, #tpu.memory_space<vmem>> -> memref<128x8xf32, #tpu.memory_space<vmem>>
      %dma_start3A_469 = arith.constant 0 : i32
      %dma_start3A_470 = arith.constant 0 : i32
      %dma_start3A_471 = tpu.memref_slice %arg3[%dma_start3A_469, %dma_start3A_470] : memref<100000x8xf32, #tpu.memory_space<hbm>> -> memref<100000x8xf32, #tpu.memory_space<hbm>>
      tpu.enqueue_indirect_dma source(%dma_start3A_471 : memref<100000x8xf32, #tpu.memory_space<hbm>>) target(%dma_start3A_468 : memref<128x8xf32, #tpu.memory_space<vmem>>) offsets(%arg23 : memref<128xi32, #tpu.memory_space<vmem>>) semaphore(%arg6 : memref<!tpu.dma_semaphore, #tpu.memory_space<semaphore_mem>>)
      %dma_start3A_472 = arith.constant 2176 : i32
      %dma_start3A_473 = arith.constant 0 : i32
      %dma_start3A_474 = tpu.memref_slice %arg5[%dma_start3A_472, %dma_start3A_473] : memref<3200x8xf32, #tpu.memory_space<vmem>> -> memref<128x8xf32, #tpu.memory_space<vmem>>
      %dma_start3A_475 = arith.constant 0 : i32
      %dma_start3A_476 = arith.constant 0 : i32
      %dma_start3A_477 = tpu.memref_slice %arg3[%dma_start3A_475, %dma_start3A_476] : memref<100000x8xf32, #tpu.memory_space<hbm>> -> memref<100000x8xf32, #tpu.memory_space<hbm>>
      tpu.enqueue_indirect_dma source(%dma_start3A_477 : memref<100000x8xf32, #tpu.memory_space<hbm>>) target(%dma_start3A_474 : memref<128x8xf32, #tpu.memory_space<vmem>>) offsets(%arg24 : memref<128xi32, #tpu.memory_space<vmem>>) semaphore(%arg6 : memref<!tpu.dma_semaphore, #tpu.memory_space<semaphore_mem>>)
      %dma_start3A_478 = arith.constant 2304 : i32
      %dma_start3A_479 = arith.constant 0 : i32
      %dma_start3A_480 = tpu.memref_slice %arg5[%dma_start3A_478, %dma_start3A_479] : memref<3200x8xf32, #tpu.memory_space<vmem>> -> memref<128x8xf32, #tpu.memory_space<vmem>>
      %dma_start3A_481 = arith.constant 0 : i32
      %dma_start3A_482 = arith.constant 0 : i32
      %dma_start3A_483 = tpu.memref_slice %arg3[%dma_start3A_481, %dma_start3A_482] : memref<100000x8xf32, #tpu.memory_space<hbm>> -> memref<100000x8xf32, #tpu.memory_space<hbm>>
      tpu.enqueue_indirect_dma source(%dma_start3A_483 : memref<100000x8xf32, #tpu.memory_space<hbm>>) target(%dma_start3A_480 : memref<128x8xf32, #tpu.memory_space<vmem>>) offsets(%arg25 : memref<128xi32, #tpu.memory_space<vmem>>) semaphore(%arg6 : memref<!tpu.dma_semaphore, #tpu.memory_space<semaphore_mem>>)
      %dma_start3A_484 = arith.constant 2432 : i32
      %dma_start3A_485 = arith.constant 0 : i32
      %dma_start3A_486 = tpu.memref_slice %arg5[%dma_start3A_484, %dma_start3A_485] : memref<3200x8xf32, #tpu.memory_space<vmem>> -> memref<128x8xf32, #tpu.memory_space<vmem>>
      %dma_start3A_487 = arith.constant 0 : i32
      %dma_start3A_488 = arith.constant 0 : i32
      %dma_start3A_489 = tpu.memref_slice %arg3[%dma_start3A_487, %dma_start3A_488] : memref<100000x8xf32, #tpu.memory_space<hbm>> -> memref<100000x8xf32, #tpu.memory_space<hbm>>
      tpu.enqueue_indirect_dma source(%dma_start3A_489 : memref<100000x8xf32, #tpu.memory_space<hbm>>) target(%dma_start3A_486 : memref<128x8xf32, #tpu.memory_space<vmem>>) offsets(%arg26 : memref<128xi32, #tpu.memory_space<vmem>>) semaphore(%arg6 : memref<!tpu.dma_semaphore, #tpu.memory_space<semaphore_mem>>)
      %dma_start3A_490 = arith.constant 2560 : i32
      %dma_start3A_491 = arith.constant 0 : i32
      %dma_start3A_492 = tpu.memref_slice %arg5[%dma_start3A_490, %dma_start3A_491] : memref<3200x8xf32, #tpu.memory_space<vmem>> -> memref<128x8xf32, #tpu.memory_space<vmem>>
      %dma_start3A_493 = arith.constant 0 : i32
      %dma_start3A_494 = arith.constant 0 : i32
      %dma_start3A_495 = tpu.memref_slice %arg3[%dma_start3A_493, %dma_start3A_494] : memref<100000x8xf32, #tpu.memory_space<hbm>> -> memref<100000x8xf32, #tpu.memory_space<hbm>>
      tpu.enqueue_indirect_dma source(%dma_start3A_495 : memref<100000x8xf32, #tpu.memory_space<hbm>>) target(%dma_start3A_492 : memref<128x8xf32, #tpu.memory_space<vmem>>) offsets(%arg27 : memref<128xi32, #tpu.memory_space<vmem>>) semaphore(%arg6 : memref<!tpu.dma_semaphore, #tpu.memory_space<semaphore_mem>>)
      %dma_start3A_496 = arith.constant 2688 : i32
      %dma_start3A_497 = arith.constant 0 : i32
      %dma_start3A_498 = tpu.memref_slice %arg5[%dma_start3A_496, %dma_start3A_497] : memref<3200x8xf32, #tpu.memory_space<vmem>> -> memref<128x8xf32, #tpu.memory_space<vmem>>
      %dma_start3A_499 = arith.constant 0 : i32
      %dma_start3A_500 = arith.constant 0 : i32
      %dma_start3A_501 = tpu.memref_slice %arg3[%dma_start3A_499, %dma_start3A_500] : memref<100000x8xf32, #tpu.memory_space<hbm>> -> memref<100000x8xf32, #tpu.memory_space<hbm>>
      tpu.enqueue_indirect_dma source(%dma_start3A_501 : memref<100000x8xf32, #tpu.memory_space<hbm>>) target(%dma_start3A_498 : memref<128x8xf32, #tpu.memory_space<vmem>>) offsets(%arg28 : memref<128xi32, #tpu.memory_space<vmem>>) semaphore(%arg6 : memref<!tpu.dma_semaphore, #tpu.memory_space<semaphore_mem>>)
      %dma_start3A_502 = arith.constant 2816 : i32
      %dma_start3A_503 = arith.constant 0 : i32
      %dma_start3A_504 = tpu.memref_slice %arg5[%dma_start3A_502, %dma_start3A_503] : memref<3200x8xf32, #tpu.memory_space<vmem>> -> memref<128x8xf32, #tpu.memory_space<vmem>>
      %dma_start3A_505 = arith.constant 0 : i32
      %dma_start3A_506 = arith.constant 0 : i32
      %dma_start3A_507 = tpu.memref_slice %arg3[%dma_start3A_505, %dma_start3A_506] : memref<100000x8xf32, #tpu.memory_space<hbm>> -> memref<100000x8xf32, #tpu.memory_space<hbm>>
      tpu.enqueue_indirect_dma source(%dma_start3A_507 : memref<100000x8xf32, #tpu.memory_space<hbm>>) target(%dma_start3A_504 : memref<128x8xf32, #tpu.memory_space<vmem>>) offsets(%arg29 : memref<128xi32, #tpu.memory_space<vmem>>) semaphore(%arg6 : memref<!tpu.dma_semaphore, #tpu.memory_space<semaphore_mem>>)
      %dma_start3A_508 = arith.constant 2944 : i32
      %dma_start3A_509 = arith.constant 0 : i32
      %dma_start3A_510 = tpu.memref_slice %arg5[%dma_start3A_508, %dma_start3A_509] : memref<3200x8xf32, #tpu.memory_space<vmem>> -> memref<128x8xf32, #tpu.memory_space<vmem>>
      %dma_start3A_511 = arith.constant 0 : i32
      %dma_start3A_512 = arith.constant 0 : i32
      %dma_start3A_513 = tpu.memref_slice %arg3[%dma_start3A_511, %dma_start3A_512] : memref<100000x8xf32, #tpu.memory_space<hbm>> -> memref<100000x8xf32, #tpu.memory_space<hbm>>
      tpu.enqueue_indirect_dma source(%dma_start3A_513 : memref<100000x8xf32, #tpu.memory_space<hbm>>) target(%dma_start3A_510 : memref<128x8xf32, #tpu.memory_space<vmem>>) offsets(%arg30 : memref<128xi32, #tpu.memory_space<vmem>>) semaphore(%arg6 : memref<!tpu.dma_semaphore, #tpu.memory_space<semaphore_mem>>)
      %dma_start3A_514 = arith.constant 3072 : i32
      %dma_start3A_515 = arith.constant 0 : i32
      %dma_start3A_516 = tpu.memref_slice %arg5[%dma_start3A_514, %dma_start3A_515] : memref<3200x8xf32, #tpu.memory_space<vmem>> -> memref<128x8xf32, #tpu.memory_space<vmem>>
      %dma_start3A_517 = arith.constant 0 : i32
      %dma_start3A_518 = arith.constant 0 : i32
      %dma_start3A_519 = tpu.memref_slice %arg3[%dma_start3A_517, %dma_start3A_518] : memref<100000x8xf32, #tpu.memory_space<hbm>> -> memref<100000x8xf32, #tpu.memory_space<hbm>>
      tpu.enqueue_indirect_dma source(%dma_start3A_519 : memref<100000x8xf32, #tpu.memory_space<hbm>>) target(%dma_start3A_516 : memref<128x8xf32, #tpu.memory_space<vmem>>) offsets(%arg31 : memref<128xi32, #tpu.memory_space<vmem>>) semaphore(%arg6 : memref<!tpu.dma_semaphore, #tpu.memory_space<semaphore_mem>>)
      %dma_wait3A_520 = arith.constant 0 : i32
      %dma_wait3A_521 = arith.constant 0 : i32
      %dma_wait3A_522 = tpu.memref_slice %arg5[%dma_wait3A_520, %dma_wait3A_521] : memref<3200x8xf32, #tpu.memory_space<vmem>> -> memref<128x8xf32, #tpu.memory_space<vmem>>
      %dma_wait3A_523 = arith.constant 0 : i32
      %dma_wait3A_524 = arith.constant 0 : i32
      %dma_wait3A_525 = tpu.memref_slice %arg3[%dma_wait3A_523, %dma_wait3A_524] : memref<100000x8xf32, #tpu.memory_space<hbm>> -> memref<100000x8xf32, #tpu.memory_space<hbm>>
      tpu.wait_indirect_dma semaphore(%arg6 : memref<!tpu.dma_semaphore, #tpu.memory_space<semaphore_mem>>) src(%dma_wait3A_525 : memref<100000x8xf32, #tpu.memory_space<hbm>>) dst(%dma_wait3A_522 : memref<128x8xf32, #tpu.memory_space<vmem>>)
      %dma_wait3A_526 = arith.constant 128 : i32
      %dma_wait3A_527 = arith.constant 0 : i32
      %dma_wait3A_528 = tpu.memref_slice %arg5[%dma_wait3A_526, %dma_wait3A_527] : memref<3200x8xf32, #tpu.memory_space<vmem>> -> memref<128x8xf32, #tpu.memory_space<vmem>>
      %dma_wait3A_529 = arith.constant 0 : i32
      %dma_wait3A_530 = arith.constant 0 : i32
      %dma_wait3A_531 = tpu.memref_slice %arg3[%dma_wait3A_529, %dma_wait3A_530] : memref<100000x8xf32, #tpu.memory_space<hbm>> -> memref<100000x8xf32, #tpu.memory_space<hbm>>
      tpu.wait_indirect_dma semaphore(%arg6 : memref<!tpu.dma_semaphore, #tpu.memory_space<semaphore_mem>>) src(%dma_wait3A_531 : memref<100000x8xf32, #tpu.memory_space<hbm>>) dst(%dma_wait3A_528 : memref<128x8xf32, #tpu.memory_space<vmem>>)
      %dma_wait3A_532 = arith.constant 256 : i32
      %dma_wait3A_533 = arith.constant 0 : i32
      %dma_wait3A_534 = tpu.memref_slice %arg5[%dma_wait3A_532, %dma_wait3A_533] : memref<3200x8xf32, #tpu.memory_space<vmem>> -> memref<128x8xf32, #tpu.memory_space<vmem>>
      %dma_wait3A_535 = arith.constant 0 : i32
      %dma_wait3A_536 = arith.constant 0 : i32
      %dma_wait3A_537 = tpu.memref_slice %arg3[%dma_wait3A_535, %dma_wait3A_536] : memref<100000x8xf32, #tpu.memory_space<hbm>> -> memref<100000x8xf32, #tpu.memory_space<hbm>>
      tpu.wait_indirect_dma semaphore(%arg6 : memref<!tpu.dma_semaphore, #tpu.memory_space<semaphore_mem>>) src(%dma_wait3A_537 : memref<100000x8xf32, #tpu.memory_space<hbm>>) dst(%dma_wait3A_534 : memref<128x8xf32, #tpu.memory_space<vmem>>)
      %dma_wait3A_538 = arith.constant 384 : i32
      %dma_wait3A_539 = arith.constant 0 : i32
      %dma_wait3A_540 = tpu.memref_slice %arg5[%dma_wait3A_538, %dma_wait3A_539] : memref<3200x8xf32, #tpu.memory_space<vmem>> -> memref<128x8xf32, #tpu.memory_space<vmem>>
      %dma_wait3A_541 = arith.constant 0 : i32
      %dma_wait3A_542 = arith.constant 0 : i32
      %dma_wait3A_543 = tpu.memref_slice %arg3[%dma_wait3A_541, %dma_wait3A_542] : memref<100000x8xf32, #tpu.memory_space<hbm>> -> memref<100000x8xf32, #tpu.memory_space<hbm>>
      tpu.wait_indirect_dma semaphore(%arg6 : memref<!tpu.dma_semaphore, #tpu.memory_space<semaphore_mem>>) src(%dma_wait3A_543 : memref<100000x8xf32, #tpu.memory_space<hbm>>) dst(%dma_wait3A_540 : memref<128x8xf32, #tpu.memory_space<vmem>>)
      %dma_wait3A_544 = arith.constant 512 : i32
      %dma_wait3A_545 = arith.constant 0 : i32
      %dma_wait3A_546 = tpu.memref_slice %arg5[%dma_wait3A_544, %dma_wait3A_545] : memref<3200x8xf32, #tpu.memory_space<vmem>> -> memref<128x8xf32, #tpu.memory_space<vmem>>
      %dma_wait3A_547 = arith.constant 0 : i32
      %dma_wait3A_548 = arith.constant 0 : i32
      %dma_wait3A_549 = tpu.memref_slice %arg3[%dma_wait3A_547, %dma_wait3A_548] : memref<100000x8xf32, #tpu.memory_space<hbm>> -> memref<100000x8xf32, #tpu.memory_space<hbm>>
      tpu.wait_indirect_dma semaphore(%arg6 : memref<!tpu.dma_semaphore, #tpu.memory_space<semaphore_mem>>) src(%dma_wait3A_549 : memref<100000x8xf32, #tpu.memory_space<hbm>>) dst(%dma_wait3A_546 : memref<128x8xf32, #tpu.memory_space<vmem>>)
      %dma_wait3A_550 = arith.constant 640 : i32
      %dma_wait3A_551 = arith.constant 0 : i32
      %dma_wait3A_552 = tpu.memref_slice %arg5[%dma_wait3A_550, %dma_wait3A_551] : memref<3200x8xf32, #tpu.memory_space<vmem>> -> memref<128x8xf32, #tpu.memory_space<vmem>>
      %dma_wait3A_553 = arith.constant 0 : i32
      %dma_wait3A_554 = arith.constant 0 : i32
      %dma_wait3A_555 = tpu.memref_slice %arg3[%dma_wait3A_553, %dma_wait3A_554] : memref<100000x8xf32, #tpu.memory_space<hbm>> -> memref<100000x8xf32, #tpu.memory_space<hbm>>
      tpu.wait_indirect_dma semaphore(%arg6 : memref<!tpu.dma_semaphore, #tpu.memory_space<semaphore_mem>>) src(%dma_wait3A_555 : memref<100000x8xf32, #tpu.memory_space<hbm>>) dst(%dma_wait3A_552 : memref<128x8xf32, #tpu.memory_space<vmem>>)
      %dma_wait3A_556 = arith.constant 768 : i32
      %dma_wait3A_557 = arith.constant 0 : i32
      %dma_wait3A_558 = tpu.memref_slice %arg5[%dma_wait3A_556, %dma_wait3A_557] : memref<3200x8xf32, #tpu.memory_space<vmem>> -> memref<128x8xf32, #tpu.memory_space<vmem>>
      %dma_wait3A_559 = arith.constant 0 : i32
      %dma_wait3A_560 = arith.constant 0 : i32
      %dma_wait3A_561 = tpu.memref_slice %arg3[%dma_wait3A_559, %dma_wait3A_560] : memref<100000x8xf32, #tpu.memory_space<hbm>> -> memref<100000x8xf32, #tpu.memory_space<hbm>>
      tpu.wait_indirect_dma semaphore(%arg6 : memref<!tpu.dma_semaphore, #tpu.memory_space<semaphore_mem>>) src(%dma_wait3A_561 : memref<100000x8xf32, #tpu.memory_space<hbm>>) dst(%dma_wait3A_558 : memref<128x8xf32, #tpu.memory_space<vmem>>)
      %dma_wait3A_562 = arith.constant 896 : i32
      %dma_wait3A_563 = arith.constant 0 : i32
      %dma_wait3A_564 = tpu.memref_slice %arg5[%dma_wait3A_562, %dma_wait3A_563] : memref<3200x8xf32, #tpu.memory_space<vmem>> -> memref<128x8xf32, #tpu.memory_space<vmem>>
      %dma_wait3A_565 = arith.constant 0 : i32
      %dma_wait3A_566 = arith.constant 0 : i32
      %dma_wait3A_567 = tpu.memref_slice %arg3[%dma_wait3A_565, %dma_wait3A_566] : memref<100000x8xf32, #tpu.memory_space<hbm>> -> memref<100000x8xf32, #tpu.memory_space<hbm>>
      tpu.wait_indirect_dma semaphore(%arg6 : memref<!tpu.dma_semaphore, #tpu.memory_space<semaphore_mem>>) src(%dma_wait3A_567 : memref<100000x8xf32, #tpu.memory_space<hbm>>) dst(%dma_wait3A_564 : memref<128x8xf32, #tpu.memory_space<vmem>>)
      %dma_wait3A_568 = arith.constant 1024 : i32
      %dma_wait3A_569 = arith.constant 0 : i32
      %dma_wait3A_570 = tpu.memref_slice %arg5[%dma_wait3A_568, %dma_wait3A_569] : memref<3200x8xf32, #tpu.memory_space<vmem>> -> memref<128x8xf32, #tpu.memory_space<vmem>>
      %dma_wait3A_571 = arith.constant 0 : i32
      %dma_wait3A_572 = arith.constant 0 : i32
      %dma_wait3A_573 = tpu.memref_slice %arg3[%dma_wait3A_571, %dma_wait3A_572] : memref<100000x8xf32, #tpu.memory_space<hbm>> -> memref<100000x8xf32, #tpu.memory_space<hbm>>
      tpu.wait_indirect_dma semaphore(%arg6 : memref<!tpu.dma_semaphore, #tpu.memory_space<semaphore_mem>>) src(%dma_wait3A_573 : memref<100000x8xf32, #tpu.memory_space<hbm>>) dst(%dma_wait3A_570 : memref<128x8xf32, #tpu.memory_space<vmem>>)
      %dma_wait3A_574 = arith.constant 1152 : i32
      %dma_wait3A_575 = arith.constant 0 : i32
      %dma_wait3A_576 = tpu.memref_slice %arg5[%dma_wait3A_574, %dma_wait3A_575] : memref<3200x8xf32, #tpu.memory_space<vmem>> -> memref<128x8xf32, #tpu.memory_space<vmem>>
      %dma_wait3A_577 = arith.constant 0 : i32
      %dma_wait3A_578 = arith.constant 0 : i32
      %dma_wait3A_579 = tpu.memref_slice %arg3[%dma_wait3A_577, %dma_wait3A_578] : memref<100000x8xf32, #tpu.memory_space<hbm>> -> memref<100000x8xf32, #tpu.memory_space<hbm>>
      tpu.wait_indirect_dma semaphore(%arg6 : memref<!tpu.dma_semaphore, #tpu.memory_space<semaphore_mem>>) src(%dma_wait3A_579 : memref<100000x8xf32, #tpu.memory_space<hbm>>) dst(%dma_wait3A_576 : memref<128x8xf32, #tpu.memory_space<vmem>>)
      %dma_wait3A_580 = arith.constant 1280 : i32
      %dma_wait3A_581 = arith.constant 0 : i32
      %dma_wait3A_582 = tpu.memref_slice %arg5[%dma_wait3A_580, %dma_wait3A_581] : memref<3200x8xf32, #tpu.memory_space<vmem>> -> memref<128x8xf32, #tpu.memory_space<vmem>>
      %dma_wait3A_583 = arith.constant 0 : i32
      %dma_wait3A_584 = arith.constant 0 : i32
      %dma_wait3A_585 = tpu.memref_slice %arg3[%dma_wait3A_583, %dma_wait3A_584] : memref<100000x8xf32, #tpu.memory_space<hbm>> -> memref<100000x8xf32, #tpu.memory_space<hbm>>
      tpu.wait_indirect_dma semaphore(%arg6 : memref<!tpu.dma_semaphore, #tpu.memory_space<semaphore_mem>>) src(%dma_wait3A_585 : memref<100000x8xf32, #tpu.memory_space<hbm>>) dst(%dma_wait3A_582 : memref<128x8xf32, #tpu.memory_space<vmem>>)
      %dma_wait3A_586 = arith.constant 1408 : i32
      %dma_wait3A_587 = arith.constant 0 : i32
      %dma_wait3A_588 = tpu.memref_slice %arg5[%dma_wait3A_586, %dma_wait3A_587] : memref<3200x8xf32, #tpu.memory_space<vmem>> -> memref<128x8xf32, #tpu.memory_space<vmem>>
      %dma_wait3A_589 = arith.constant 0 : i32
      %dma_wait3A_590 = arith.constant 0 : i32
      %dma_wait3A_591 = tpu.memref_slice %arg3[%dma_wait3A_589, %dma_wait3A_590] : memref<100000x8xf32, #tpu.memory_space<hbm>> -> memref<100000x8xf32, #tpu.memory_space<hbm>>
      tpu.wait_indirect_dma semaphore(%arg6 : memref<!tpu.dma_semaphore, #tpu.memory_space<semaphore_mem>>) src(%dma_wait3A_591 : memref<100000x8xf32, #tpu.memory_space<hbm>>) dst(%dma_wait3A_588 : memref<128x8xf32, #tpu.memory_space<vmem>>)
      %dma_wait3A_592 = arith.constant 1536 : i32
      %dma_wait3A_593 = arith.constant 0 : i32
      %dma_wait3A_594 = tpu.memref_slice %arg5[%dma_wait3A_592, %dma_wait3A_593] : memref<3200x8xf32, #tpu.memory_space<vmem>> -> memref<128x8xf32, #tpu.memory_space<vmem>>
      %dma_wait3A_595 = arith.constant 0 : i32
      %dma_wait3A_596 = arith.constant 0 : i32
      %dma_wait3A_597 = tpu.memref_slice %arg3[%dma_wait3A_595, %dma_wait3A_596] : memref<100000x8xf32, #tpu.memory_space<hbm>> -> memref<100000x8xf32, #tpu.memory_space<hbm>>
      tpu.wait_indirect_dma semaphore(%arg6 : memref<!tpu.dma_semaphore, #tpu.memory_space<semaphore_mem>>) src(%dma_wait3A_597 : memref<100000x8xf32, #tpu.memory_space<hbm>>) dst(%dma_wait3A_594 : memref<128x8xf32, #tpu.memory_space<vmem>>)
      %dma_wait3A_598 = arith.constant 1664 : i32
      %dma_wait3A_599 = arith.constant 0 : i32
      %dma_wait3A_600 = tpu.memref_slice %arg5[%dma_wait3A_598, %dma_wait3A_599] : memref<3200x8xf32, #tpu.memory_space<vmem>> -> memref<128x8xf32, #tpu.memory_space<vmem>>
      %dma_wait3A_601 = arith.constant 0 : i32
      %dma_wait3A_602 = arith.constant 0 : i32
      %dma_wait3A_603 = tpu.memref_slice %arg3[%dma_wait3A_601, %dma_wait3A_602] : memref<100000x8xf32, #tpu.memory_space<hbm>> -> memref<100000x8xf32, #tpu.memory_space<hbm>>
      tpu.wait_indirect_dma semaphore(%arg6 : memref<!tpu.dma_semaphore, #tpu.memory_space<semaphore_mem>>) src(%dma_wait3A_603 : memref<100000x8xf32, #tpu.memory_space<hbm>>) dst(%dma_wait3A_600 : memref<128x8xf32, #tpu.memory_space<vmem>>)
      %dma_wait3A_604 = arith.constant 1792 : i32
      %dma_wait3A_605 = arith.constant 0 : i32
      %dma_wait3A_606 = tpu.memref_slice %arg5[%dma_wait3A_604, %dma_wait3A_605] : memref<3200x8xf32, #tpu.memory_space<vmem>> -> memref<128x8xf32, #tpu.memory_space<vmem>>
      %dma_wait3A_607 = arith.constant 0 : i32
      %dma_wait3A_608 = arith.constant 0 : i32
      %dma_wait3A_609 = tpu.memref_slice %arg3[%dma_wait3A_607, %dma_wait3A_608] : memref<100000x8xf32, #tpu.memory_space<hbm>> -> memref<100000x8xf32, #tpu.memory_space<hbm>>
      tpu.wait_indirect_dma semaphore(%arg6 : memref<!tpu.dma_semaphore, #tpu.memory_space<semaphore_mem>>) src(%dma_wait3A_609 : memref<100000x8xf32, #tpu.memory_space<hbm>>) dst(%dma_wait3A_606 : memref<128x8xf32, #tpu.memory_space<vmem>>)
      %dma_wait3A_610 = arith.constant 1920 : i32
      %dma_wait3A_611 = arith.constant 0 : i32
      %dma_wait3A_612 = tpu.memref_slice %arg5[%dma_wait3A_610, %dma_wait3A_611] : memref<3200x8xf32, #tpu.memory_space<vmem>> -> memref<128x8xf32, #tpu.memory_space<vmem>>
      %dma_wait3A_613 = arith.constant 0 : i32
      %dma_wait3A_614 = arith.constant 0 : i32
      %dma_wait3A_615 = tpu.memref_slice %arg3[%dma_wait3A_613, %dma_wait3A_614] : memref<100000x8xf32, #tpu.memory_space<hbm>> -> memref<100000x8xf32, #tpu.memory_space<hbm>>
      tpu.wait_indirect_dma semaphore(%arg6 : memref<!tpu.dma_semaphore, #tpu.memory_space<semaphore_mem>>) src(%dma_wait3A_615 : memref<100000x8xf32, #tpu.memory_space<hbm>>) dst(%dma_wait3A_612 : memref<128x8xf32, #tpu.memory_space<vmem>>)
      %dma_wait3A_616 = arith.constant 2048 : i32
      %dma_wait3A_617 = arith.constant 0 : i32
      %dma_wait3A_618 = tpu.memref_slice %arg5[%dma_wait3A_616, %dma_wait3A_617] : memref<3200x8xf32, #tpu.memory_space<vmem>> -> memref<128x8xf32, #tpu.memory_space<vmem>>
      %dma_wait3A_619 = arith.constant 0 : i32
      %dma_wait3A_620 = arith.constant 0 : i32
      %dma_wait3A_621 = tpu.memref_slice %arg3[%dma_wait3A_619, %dma_wait3A_620] : memref<100000x8xf32, #tpu.memory_space<hbm>> -> memref<100000x8xf32, #tpu.memory_space<hbm>>
      tpu.wait_indirect_dma semaphore(%arg6 : memref<!tpu.dma_semaphore, #tpu.memory_space<semaphore_mem>>) src(%dma_wait3A_621 : memref<100000x8xf32, #tpu.memory_space<hbm>>) dst(%dma_wait3A_618 : memref<128x8xf32, #tpu.memory_space<vmem>>)
      %dma_wait3A_622 = arith.constant 2176 : i32
      %dma_wait3A_623 = arith.constant 0 : i32
      %dma_wait3A_624 = tpu.memref_slice %arg5[%dma_wait3A_622, %dma_wait3A_623] : memref<3200x8xf32, #tpu.memory_space<vmem>> -> memref<128x8xf32, #tpu.memory_space<vmem>>
      %dma_wait3A_625 = arith.constant 0 : i32
      %dma_wait3A_626 = arith.constant 0 : i32
      %dma_wait3A_627 = tpu.memref_slice %arg3[%dma_wait3A_625, %dma_wait3A_626] : memref<100000x8xf32, #tpu.memory_space<hbm>> -> memref<100000x8xf32, #tpu.memory_space<hbm>>
      tpu.wait_indirect_dma semaphore(%arg6 : memref<!tpu.dma_semaphore, #tpu.memory_space<semaphore_mem>>) src(%dma_wait3A_627 : memref<100000x8xf32, #tpu.memory_space<hbm>>) dst(%dma_wait3A_624 : memref<128x8xf32, #tpu.memory_space<vmem>>)
      %dma_wait3A_628 = arith.constant 2304 : i32
      %dma_wait3A_629 = arith.constant 0 : i32
      %dma_wait3A_630 = tpu.memref_slice %arg5[%dma_wait3A_628, %dma_wait3A_629] : memref<3200x8xf32, #tpu.memory_space<vmem>> -> memref<128x8xf32, #tpu.memory_space<vmem>>
      %dma_wait3A_631 = arith.constant 0 : i32
      %dma_wait3A_632 = arith.constant 0 : i32
      %dma_wait3A_633 = tpu.memref_slice %arg3[%dma_wait3A_631, %dma_wait3A_632] : memref<100000x8xf32, #tpu.memory_space<hbm>> -> memref<100000x8xf32, #tpu.memory_space<hbm>>
      tpu.wait_indirect_dma semaphore(%arg6 : memref<!tpu.dma_semaphore, #tpu.memory_space<semaphore_mem>>) src(%dma_wait3A_633 : memref<100000x8xf32, #tpu.memory_space<hbm>>) dst(%dma_wait3A_630 : memref<128x8xf32, #tpu.memory_space<vmem>>)
      %dma_wait3A_634 = arith.constant 2432 : i32
      %dma_wait3A_635 = arith.constant 0 : i32
      %dma_wait3A_636 = tpu.memref_slice %arg5[%dma_wait3A_634, %dma_wait3A_635] : memref<3200x8xf32, #tpu.memory_space<vmem>> -> memref<128x8xf32, #tpu.memory_space<vmem>>
      %dma_wait3A_637 = arith.constant 0 : i32
      %dma_wait3A_638 = arith.constant 0 : i32
      %dma_wait3A_639 = tpu.memref_slice %arg3[%dma_wait3A_637, %dma_wait3A_638] : memref<100000x8xf32, #tpu.memory_space<hbm>> -> memref<100000x8xf32, #tpu.memory_space<hbm>>
      tpu.wait_indirect_dma semaphore(%arg6 : memref<!tpu.dma_semaphore, #tpu.memory_space<semaphore_mem>>) src(%dma_wait3A_639 : memref<100000x8xf32, #tpu.memory_space<hbm>>) dst(%dma_wait3A_636 : memref<128x8xf32, #tpu.memory_space<vmem>>)
      %dma_wait3A_640 = arith.constant 2560 : i32
      %dma_wait3A_641 = arith.constant 0 : i32
      %dma_wait3A_642 = tpu.memref_slice %arg5[%dma_wait3A_640, %dma_wait3A_641] : memref<3200x8xf32, #tpu.memory_space<vmem>> -> memref<128x8xf32, #tpu.memory_space<vmem>>
      %dma_wait3A_643 = arith.constant 0 : i32
      %dma_wait3A_644 = arith.constant 0 : i32
      %dma_wait3A_645 = tpu.memref_slice %arg3[%dma_wait3A_643, %dma_wait3A_644] : memref<100000x8xf32, #tpu.memory_space<hbm>> -> memref<100000x8xf32, #tpu.memory_space<hbm>>
      tpu.wait_indirect_dma semaphore(%arg6 : memref<!tpu.dma_semaphore, #tpu.memory_space<semaphore_mem>>) src(%dma_wait3A_645 : memref<100000x8xf32, #tpu.memory_space<hbm>>) dst(%dma_wait3A_642 : memref<128x8xf32, #tpu.memory_space<vmem>>)
      %dma_wait3A_646 = arith.constant 2688 : i32
      %dma_wait3A_647 = arith.constant 0 : i32
      %dma_wait3A_648 = tpu.memref_slice %arg5[%dma_wait3A_646, %dma_wait3A_647] : memref<3200x8xf32, #tpu.memory_space<vmem>> -> memref<128x8xf32, #tpu.memory_space<vmem>>
      %dma_wait3A_649 = arith.constant 0 : i32
      %dma_wait3A_650 = arith.constant 0 : i32
      %dma_wait3A_651 = tpu.memref_slice %arg3[%dma_wait3A_649, %dma_wait3A_650] : memref<100000x8xf32, #tpu.memory_space<hbm>> -> memref<100000x8xf32, #tpu.memory_space<hbm>>
      tpu.wait_indirect_dma semaphore(%arg6 : memref<!tpu.dma_semaphore, #tpu.memory_space<semaphore_mem>>) src(%dma_wait3A_651 : memref<100000x8xf32, #tpu.memory_space<hbm>>) dst(%dma_wait3A_648 : memref<128x8xf32, #tpu.memory_space<vmem>>)
      %dma_wait3A_652 = arith.constant 2816 : i32
      %dma_wait3A_653 = arith.constant 0 : i32
      %dma_wait3A_654 = tpu.memref_slice %arg5[%dma_wait3A_652, %dma_wait3A_653] : memref<3200x8xf32, #tpu.memory_space<vmem>> -> memref<128x8xf32, #tpu.memory_space<vmem>>
      %dma_wait3A_655 = arith.constant 0 : i32
      %dma_wait3A_656 = arith.constant 0 : i32
      %dma_wait3A_657 = tpu.memref_slice %arg3[%dma_wait3A_655, %dma_wait3A_656] : memref<100000x8xf32, #tpu.memory_space<hbm>> -> memref<100000x8xf32, #tpu.memory_space<hbm>>
      tpu.wait_indirect_dma semaphore(%arg6 : memref<!tpu.dma_semaphore, #tpu.memory_space<semaphore_mem>>) src(%dma_wait3A_657 : memref<100000x8xf32, #tpu.memory_space<hbm>>) dst(%dma_wait3A_654 : memref<128x8xf32, #tpu.memory_space<vmem>>)
      %dma_wait3A_658 = arith.constant 2944 : i32
      %dma_wait3A_659 = arith.constant 0 : i32
      %dma_wait3A_660 = tpu.memref_slice %arg5[%dma_wait3A_658, %dma_wait3A_659] : memref<3200x8xf32, #tpu.memory_space<vmem>> -> memref<128x8xf32, #tpu.memory_space<vmem>>
      %dma_wait3A_661 = arith.constant 0 : i32
      %dma_wait3A_662 = arith.constant 0 : i32
      %dma_wait3A_663 = tpu.memref_slice %arg3[%dma_wait3A_661, %dma_wait3A_662] : memref<100000x8xf32, #tpu.memory_space<hbm>> -> memref<100000x8xf32, #tpu.memory_space<hbm>>
      tpu.wait_indirect_dma semaphore(%arg6 : memref<!tpu.dma_semaphore, #tpu.memory_space<semaphore_mem>>) src(%dma_wait3A_663 : memref<100000x8xf32, #tpu.memory_space<hbm>>) dst(%dma_wait3A_660 : memref<128x8xf32, #tpu.memory_space<vmem>>)
      %dma_wait3A_664 = arith.constant 3072 : i32
      %dma_wait3A_665 = arith.constant 0 : i32
      %dma_wait3A_666 = tpu.memref_slice %arg5[%dma_wait3A_664, %dma_wait3A_665] : memref<3200x8xf32, #tpu.memory_space<vmem>> -> memref<128x8xf32, #tpu.memory_space<vmem>>
      %dma_wait3A_667 = arith.constant 0 : i32
      %dma_wait3A_668 = arith.constant 0 : i32
      %dma_wait3A_669 = tpu.memref_slice %arg3[%dma_wait3A_667, %dma_wait3A_668] : memref<100000x8xf32, #tpu.memory_space<hbm>> -> memref<100000x8xf32, #tpu.memory_space<hbm>>
      tpu.wait_indirect_dma semaphore(%arg6 : memref<!tpu.dma_semaphore, #tpu.memory_space<semaphore_mem>>) src(%dma_wait3A_669 : memref<100000x8xf32, #tpu.memory_space<hbm>>) dst(%dma_wait3A_666 : memref<128x8xf32, #tpu.memory_space<vmem>>)
      "tpu.region"() ({
        %run_scoped3A = tpu.sem_alloc : memref<!tpu.dma_semaphore, #tpu.memory_space<semaphore_mem>>
        %dma_start3A_670 = arith.constant 0 : i32
        %dma_start3A_671 = tpu.memref_slice %arg4[%mul3A_21, %dma_start3A_670] : memref<6400000x8xf32, #tpu.memory_space<hbm>> -> memref<3200x8xf32, #tpu.memory_space<hbm>>
        %dma_start3A_672 = arith.constant 0 : i32
        %dma_start3A_673 = tpu.memref_slice %arg4[%mul3A_21, %dma_start3A_672] : memref<6400000x8xf32, #tpu.memory_space<hbm>> -> memref<3200x8xf32, #tpu.memory_space<hbm>>
        tpu.enqueue_dma source(%arg5 : memref<3200x8xf32, #tpu.memory_space<vmem>>) target(%dma_start3A_673 : memref<3200x8xf32, #tpu.memory_space<hbm>>) target_semaphore(%run_scoped3A : memref<!tpu.dma_semaphore, #tpu.memory_space<semaphore_mem>>)
        %dma_wait3A_674 = arith.constant 0 : i32
        %dma_wait3A_675 = tpu.memref_slice %arg4[%mul3A_21, %dma_wait3A_674] : memref<6400000x8xf32, #tpu.memory_space<hbm>> -> memref<3200x8xf32, #tpu.memory_space<hbm>>
        %dma_wait3A_676 = arith.constant 0 : i32
        %dma_wait3A_677 = tpu.memref_slice %arg4[%mul3A_21, %dma_wait3A_676] : memref<6400000x8xf32, #tpu.memory_space<hbm>> -> memref<3200x8xf32, #tpu.memory_space<hbm>>
        tpu.wait_dma2 semaphore(%run_scoped3A : memref<!tpu.dma_semaphore, #tpu.memory_space<semaphore_mem>>) src(%arg5 : memref<3200x8xf32, #tpu.memory_space<vmem>>) dst(%dma_wait3A_677 : memref<3200x8xf32, #tpu.memory_space<hbm>>)
        tpu.yield
      }) : () -> ()
    }
    %while3A_13 = arith.constant 1 : i32
    scf.for %while3A_14 = %while3A_11 to %while3A_7 step %while3A_13  : i32 {
      %mul3A_15 = arith.constant 32 : i32
      %mul3A_16 = arith.muli %while3A_14, %mul3A_15 : i32
      %add3A_17 = arith.addi %add3A, %mul3A_16 : i32
      %mul3A_18 = arith.constant 25 : i32
      %mul3A_19 = arith.muli %add3A_17, %mul3A_18 : i32
      %mul3A_20 = arith.constant 3200 : i32
      %mul3A_21 = arith.muli %add3A_17, %mul3A_20 : i32
      %add3A_22 = arith.constant 0 : i32
      %add3A_23 = arith.addi %mul3A_19, %add3A_22 : i32
      %dma_start3A = arith.constant 0 : i32
      %dma_start3A_24 = tpu.memref_slice %arg2[%add3A_23, %dma_start3A] : memref<50000x128xi32, #tpu.memory_space<hbm>> -> memref<1x128xi32, #tpu.memory_space<hbm>>
      %dma_start3A_25 = tpu.memref_squeeze %dma_start3A_24 : memref<1x128xi32, #tpu.memory_space<hbm>> -> memref<128xi32, #tpu.memory_space<hbm>>
      %dma_start3A_26 = arith.constant 0 : i32
      %dma_start3A_27 = tpu.memref_slice %arg2[%add3A_23, %dma_start3A_26] : memref<50000x128xi32, #tpu.memory_space<hbm>> -> memref<1x128xi32, #tpu.memory_space<hbm>>
      %dma_start3A_28 = tpu.memref_squeeze %dma_start3A_27 : memref<1x128xi32, #tpu.memory_space<hbm>> -> memref<128xi32, #tpu.memory_space<hbm>>
      tpu.enqueue_dma source(%dma_start3A_28 : memref<128xi32, #tpu.memory_space<hbm>>) target(%arg7 : memref<128xi32, #tpu.memory_space<vmem>>) target_semaphore(%arg6 : memref<!tpu.dma_semaphore, #tpu.memory_space<semaphore_mem>>)
      %add3A_29 = arith.constant 1 : i32
      %add3A_30 = arith.addi %mul3A_19, %add3A_29 : i32
      %dma_start3A_31 = arith.constant 0 : i32
      %dma_start3A_32 = tpu.memref_slice %arg2[%add3A_30, %dma_start3A_31] : memref<50000x128xi32, #tpu.memory_space<hbm>> -> memref<1x128xi32, #tpu.memory_space<hbm>>
      %dma_start3A_33 = tpu.memref_squeeze %dma_start3A_32 : memref<1x128xi32, #tpu.memory_space<hbm>> -> memref<128xi32, #tpu.memory_space<hbm>>
      %dma_start3A_34 = arith.constant 0 : i32
      %dma_start3A_35 = tpu.memref_slice %arg2[%add3A_30, %dma_start3A_34] : memref<50000x128xi32, #tpu.memory_space<hbm>> -> memref<1x128xi32, #tpu.memory_space<hbm>>
      %dma_start3A_36 = tpu.memref_squeeze %dma_start3A_35 : memref<1x128xi32, #tpu.memory_space<hbm>> -> memref<128xi32, #tpu.memory_space<hbm>>
      tpu.enqueue_dma source(%dma_start3A_36 : memref<128xi32, #tpu.memory_space<hbm>>) target(%arg8 : memref<128xi32, #tpu.memory_space<vmem>>) target_semaphore(%arg6 : memref<!tpu.dma_semaphore, #tpu.memory_space<semaphore_mem>>)
      %add3A_37 = arith.constant 2 : i32
      %add3A_38 = arith.addi %mul3A_19, %add3A_37 : i32
      %dma_start3A_39 = arith.constant 0 : i32
      %dma_start3A_40 = tpu.memref_slice %arg2[%add3A_38, %dma_start3A_39] : memref<50000x128xi32, #tpu.memory_space<hbm>> -> memref<1x128xi32, #tpu.memory_space<hbm>>
      %dma_start3A_41 = tpu.memref_squeeze %dma_start3A_40 : memref<1x128xi32, #tpu.memory_space<hbm>> -> memref<128xi32, #tpu.memory_space<hbm>>
      %dma_start3A_42 = arith.constant 0 : i32
      %dma_start3A_43 = tpu.memref_slice %arg2[%add3A_38, %dma_start3A_42] : memref<50000x128xi32, #tpu.memory_space<hbm>> -> memref<1x128xi32, #tpu.memory_space<hbm>>
      %dma_start3A_44 = tpu.memref_squeeze %dma_start3A_43 : memref<1x128xi32, #tpu.memory_space<hbm>> -> memref<128xi32, #tpu.memory_space<hbm>>
      tpu.enqueue_dma source(%dma_start3A_44 : memref<128xi32, #tpu.memory_space<hbm>>) target(%arg9 : memref<128xi32, #tpu.memory_space<vmem>>) target_semaphore(%arg6 : memref<!tpu.dma_semaphore, #tpu.memory_space<semaphore_mem>>)
      %add3A_45 = arith.constant 3 : i32
      %add3A_46 = arith.addi %mul3A_19, %add3A_45 : i32
      %dma_start3A_47 = arith.constant 0 : i32
      %dma_start3A_48 = tpu.memref_slice %arg2[%add3A_46, %dma_start3A_47] : memref<50000x128xi32, #tpu.memory_space<hbm>> -> memref<1x128xi32, #tpu.memory_space<hbm>>
      %dma_start3A_49 = tpu.memref_squeeze %dma_start3A_48 : memref<1x128xi32, #tpu.memory_space<hbm>> -> memref<128xi32, #tpu.memory_space<hbm>>
      %dma_start3A_50 = arith.constant 0 : i32
      %dma_start3A_51 = tpu.memref_slice %arg2[%add3A_46, %dma_start3A_50] : memref<50000x128xi32, #tpu.memory_space<hbm>> -> memref<1x128xi32, #tpu.memory_space<hbm>>
      %dma_start3A_52 = tpu.memref_squeeze %dma_start3A_51 : memref<1x128xi32, #tpu.memory_space<hbm>> -> memref<128xi32, #tpu.memory_space<hbm>>
      tpu.enqueue_dma source(%dma_start3A_52 : memref<128xi32, #tpu.memory_space<hbm>>) target(%arg10 : memref<128xi32, #tpu.memory_space<vmem>>) target_semaphore(%arg6 : memref<!tpu.dma_semaphore, #tpu.memory_space<semaphore_mem>>)
      %add3A_53 = arith.constant 4 : i32
      %add3A_54 = arith.addi %mul3A_19, %add3A_53 : i32
      %dma_start3A_55 = arith.constant 0 : i32
      %dma_start3A_56 = tpu.memref_slice %arg2[%add3A_54, %dma_start3A_55] : memref<50000x128xi32, #tpu.memory_space<hbm>> -> memref<1x128xi32, #tpu.memory_space<hbm>>
      %dma_start3A_57 = tpu.memref_squeeze %dma_start3A_56 : memref<1x128xi32, #tpu.memory_space<hbm>> -> memref<128xi32, #tpu.memory_space<hbm>>
      %dma_start3A_58 = arith.constant 0 : i32
      %dma_start3A_59 = tpu.memref_slice %arg2[%add3A_54, %dma_start3A_58] : memref<50000x128xi32, #tpu.memory_space<hbm>> -> memref<1x128xi32, #tpu.memory_space<hbm>>
      %dma_start3A_60 = tpu.memref_squeeze %dma_start3A_59 : memref<1x128xi32, #tpu.memory_space<hbm>> -> memref<128xi32, #tpu.memory_space<hbm>>
      tpu.enqueue_dma source(%dma_start3A_60 : memref<128xi32, #tpu.memory_space<hbm>>) target(%arg11 : memref<128xi32, #tpu.memory_space<vmem>>) target_semaphore(%arg6 : memref<!tpu.dma_semaphore, #tpu.memory_space<semaphore_mem>>)
      %add3A_61 = arith.constant 5 : i32
      %add3A_62 = arith.addi %mul3A_19, %add3A_61 : i32
      %dma_start3A_63 = arith.constant 0 : i32
      %dma_start3A_64 = tpu.memref_slice %arg2[%add3A_62, %dma_start3A_63] : memref<50000x128xi32, #tpu.memory_space<hbm>> -> memref<1x128xi32, #tpu.memory_space<hbm>>
      %dma_start3A_65 = tpu.memref_squeeze %dma_start3A_64 : memref<1x128xi32, #tpu.memory_space<hbm>> -> memref<128xi32, #tpu.memory_space<hbm>>
      %dma_start3A_66 = arith.constant 0 : i32
      %dma_start3A_67 = tpu.memref_slice %arg2[%add3A_62, %dma_start3A_66] : memref<50000x128xi32, #tpu.memory_space<hbm>> -> memref<1x128xi32, #tpu.memory_space<hbm>>
      %dma_start3A_68 = tpu.memref_squeeze %dma_start3A_67 : memref<1x128xi32, #tpu.memory_space<hbm>> -> memref<128xi32, #tpu.memory_space<hbm>>
      tpu.enqueue_dma source(%dma_start3A_68 : memref<128xi32, #tpu.memory_space<hbm>>) target(%arg12 : memref<128xi32, #tpu.memory_space<vmem>>) target_semaphore(%arg6 : memref<!tpu.dma_semaphore, #tpu.memory_space<semaphore_mem>>)
      %add3A_69 = arith.constant 6 : i32
      %add3A_70 = arith.addi %mul3A_19, %add3A_69 : i32
      %dma_start3A_71 = arith.constant 0 : i32
      %dma_start3A_72 = tpu.memref_slice %arg2[%add3A_70, %dma_start3A_71] : memref<50000x128xi32, #tpu.memory_space<hbm>> -> memref<1x128xi32, #tpu.memory_space<hbm>>
      %dma_start3A_73 = tpu.memref_squeeze %dma_start3A_72 : memref<1x128xi32, #tpu.memory_space<hbm>> -> memref<128xi32, #tpu.memory_space<hbm>>
      %dma_start3A_74 = arith.constant 0 : i32
      %dma_start3A_75 = tpu.memref_slice %arg2[%add3A_70, %dma_start3A_74] : memref<50000x128xi32, #tpu.memory_space<hbm>> -> memref<1x128xi32, #tpu.memory_space<hbm>>
      %dma_start3A_76 = tpu.memref_squeeze %dma_start3A_75 : memref<1x128xi32, #tpu.memory_space<hbm>> -> memref<128xi32, #tpu.memory_space<hbm>>
      tpu.enqueue_dma source(%dma_start3A_76 : memref<128xi32, #tpu.memory_space<hbm>>) target(%arg13 : memref<128xi32, #tpu.memory_space<vmem>>) target_semaphore(%arg6 : memref<!tpu.dma_semaphore, #tpu.memory_space<semaphore_mem>>)
      %add3A_77 = arith.constant 7 : i32
      %add3A_78 = arith.addi %mul3A_19, %add3A_77 : i32
      %dma_start3A_79 = arith.constant 0 : i32
      %dma_start3A_80 = tpu.memref_slice %arg2[%add3A_78, %dma_start3A_79] : memref<50000x128xi32, #tpu.memory_space<hbm>> -> memref<1x128xi32, #tpu.memory_space<hbm>>
      %dma_start3A_81 = tpu.memref_squeeze %dma_start3A_80 : memref<1x128xi32, #tpu.memory_space<hbm>> -> memref<128xi32, #tpu.memory_space<hbm>>
      %dma_start3A_82 = arith.constant 0 : i32
      %dma_start3A_83 = tpu.memref_slice %arg2[%add3A_78, %dma_start3A_82] : memref<50000x128xi32, #tpu.memory_space<hbm>> -> memref<1x128xi32, #tpu.memory_space<hbm>>
      %dma_start3A_84 = tpu.memref_squeeze %dma_start3A_83 : memref<1x128xi32, #tpu.memory_space<hbm>> -> memref<128xi32, #tpu.memory_space<hbm>>
      tpu.enqueue_dma source(%dma_start3A_84 : memref<128xi32, #tpu.memory_space<hbm>>) target(%arg14 : memref<128xi32, #tpu.memory_space<vmem>>) target_semaphore(%arg6 : memref<!tpu.dma_semaphore, #tpu.memory_space<semaphore_mem>>)
      %add3A_85 = arith.constant 8 : i32
      %add3A_86 = arith.addi %mul3A_19, %add3A_85 : i32
      %dma_start3A_87 = arith.constant 0 : i32
      %dma_start3A_88 = tpu.memref_slice %arg2[%add3A_86, %dma_start3A_87] : memref<50000x128xi32, #tpu.memory_space<hbm>> -> memref<1x128xi32, #tpu.memory_space<hbm>>
      %dma_start3A_89 = tpu.memref_squeeze %dma_start3A_88 : memref<1x128xi32, #tpu.memory_space<hbm>> -> memref<128xi32, #tpu.memory_space<hbm>>
      %dma_start3A_90 = arith.constant 0 : i32
      %dma_start3A_91 = tpu.memref_slice %arg2[%add3A_86, %dma_start3A_90] : memref<50000x128xi32, #tpu.memory_space<hbm>> -> memref<1x128xi32, #tpu.memory_space<hbm>>
      %dma_start3A_92 = tpu.memref_squeeze %dma_start3A_91 : memref<1x128xi32, #tpu.memory_space<hbm>> -> memref<128xi32, #tpu.memory_space<hbm>>
      tpu.enqueue_dma source(%dma_start3A_92 : memref<128xi32, #tpu.memory_space<hbm>>) target(%arg15 : memref<128xi32, #tpu.memory_space<vmem>>) target_semaphore(%arg6 : memref<!tpu.dma_semaphore, #tpu.memory_space<semaphore_mem>>)
      %add3A_93 = arith.constant 9 : i32
      %add3A_94 = arith.addi %mul3A_19, %add3A_93 : i32
      %dma_start3A_95 = arith.constant 0 : i32
      %dma_start3A_96 = tpu.memref_slice %arg2[%add3A_94, %dma_start3A_95] : memref<50000x128xi32, #tpu.memory_space<hbm>> -> memref<1x128xi32, #tpu.memory_space<hbm>>
      %dma_start3A_97 = tpu.memref_squeeze %dma_start3A_96 : memref<1x128xi32, #tpu.memory_space<hbm>> -> memref<128xi32, #tpu.memory_space<hbm>>
      %dma_start3A_98 = arith.constant 0 : i32
      %dma_start3A_99 = tpu.memref_slice %arg2[%add3A_94, %dma_start3A_98] : memref<50000x128xi32, #tpu.memory_space<hbm>> -> memref<1x128xi32, #tpu.memory_space<hbm>>
      %dma_start3A_100 = tpu.memref_squeeze %dma_start3A_99 : memref<1x128xi32, #tpu.memory_space<hbm>> -> memref<128xi32, #tpu.memory_space<hbm>>
      tpu.enqueue_dma source(%dma_start3A_100 : memref<128xi32, #tpu.memory_space<hbm>>) target(%arg16 : memref<128xi32, #tpu.memory_space<vmem>>) target_semaphore(%arg6 : memref<!tpu.dma_semaphore, #tpu.memory_space<semaphore_mem>>)
      %add3A_101 = arith.constant 10 : i32
      %add3A_102 = arith.addi %mul3A_19, %add3A_101 : i32
      %dma_start3A_103 = arith.constant 0 : i32
      %dma_start3A_104 = tpu.memref_slice %arg2[%add3A_102, %dma_start3A_103] : memref<50000x128xi32, #tpu.memory_space<hbm>> -> memref<1x128xi32, #tpu.memory_space<hbm>>
      %dma_start3A_105 = tpu.memref_squeeze %dma_start3A_104 : memref<1x128xi32, #tpu.memory_space<hbm>> -> memref<128xi32, #tpu.memory_space<hbm>>
      %dma_start3A_106 = arith.constant 0 : i32
      %dma_start3A_107 = tpu.memref_slice %arg2[%add3A_102, %dma_start3A_106] : memref<50000x128xi32, #tpu.memory_space<hbm>> -> memref<1x128xi32, #tpu.memory_space<hbm>>
      %dma_start3A_108 = tpu.memref_squeeze %dma_start3A_107 : memref<1x128xi32, #tpu.memory_space<hbm>> -> memref<128xi32, #tpu.memory_space<hbm>>
      tpu.enqueue_dma source(%dma_start3A_108 : memref<128xi32, #tpu.memory_space<hbm>>) target(%arg17 : memref<128xi32, #tpu.memory_space<vmem>>) target_semaphore(%arg6 : memref<!tpu.dma_semaphore, #tpu.memory_space<semaphore_mem>>)
      %add3A_109 = arith.constant 11 : i32
      %add3A_110 = arith.addi %mul3A_19, %add3A_109 : i32
      %dma_start3A_111 = arith.constant 0 : i32
      %dma_start3A_112 = tpu.memref_slice %arg2[%add3A_110, %dma_start3A_111] : memref<50000x128xi32, #tpu.memory_space<hbm>> -> memref<1x128xi32, #tpu.memory_space<hbm>>
      %dma_start3A_113 = tpu.memref_squeeze %dma_start3A_112 : memref<1x128xi32, #tpu.memory_space<hbm>> -> memref<128xi32, #tpu.memory_space<hbm>>
      %dma_start3A_114 = arith.constant 0 : i32
      %dma_start3A_115 = tpu.memref_slice %arg2[%add3A_110, %dma_start3A_114] : memref<50000x128xi32, #tpu.memory_space<hbm>> -> memref<1x128xi32, #tpu.memory_space<hbm>>
      %dma_start3A_116 = tpu.memref_squeeze %dma_start3A_115 : memref<1x128xi32, #tpu.memory_space<hbm>> -> memref<128xi32, #tpu.memory_space<hbm>>
      tpu.enqueue_dma source(%dma_start3A_116 : memref<128xi32, #tpu.memory_space<hbm>>) target(%arg18 : memref<128xi32, #tpu.memory_space<vmem>>) target_semaphore(%arg6 : memref<!tpu.dma_semaphore, #tpu.memory_space<semaphore_mem>>)
      %add3A_117 = arith.constant 12 : i32
      %add3A_118 = arith.addi %mul3A_19, %add3A_117 : i32
      %dma_start3A_119 = arith.constant 0 : i32
      %dma_start3A_120 = tpu.memref_slice %arg2[%add3A_118, %dma_start3A_119] : memref<50000x128xi32, #tpu.memory_space<hbm>> -> memref<1x128xi32, #tpu.memory_space<hbm>>
      %dma_start3A_121 = tpu.memref_squeeze %dma_start3A_120 : memref<1x128xi32, #tpu.memory_space<hbm>> -> memref<128xi32, #tpu.memory_space<hbm>>
      %dma_start3A_122 = arith.constant 0 : i32
      %dma_start3A_123 = tpu.memref_slice %arg2[%add3A_118, %dma_start3A_122] : memref<50000x128xi32, #tpu.memory_space<hbm>> -> memref<1x128xi32, #tpu.memory_space<hbm>>
      %dma_start3A_124 = tpu.memref_squeeze %dma_start3A_123 : memref<1x128xi32, #tpu.memory_space<hbm>> -> memref<128xi32, #tpu.memory_space<hbm>>
      tpu.enqueue_dma source(%dma_start3A_124 : memref<128xi32, #tpu.memory_space<hbm>>) target(%arg19 : memref<128xi32, #tpu.memory_space<vmem>>) target_semaphore(%arg6 : memref<!tpu.dma_semaphore, #tpu.memory_space<semaphore_mem>>)
      %add3A_125 = arith.constant 13 : i32
      %add3A_126 = arith.addi %mul3A_19, %add3A_125 : i32
      %dma_start3A_127 = arith.constant 0 : i32
      %dma_start3A_128 = tpu.memref_slice %arg2[%add3A_126, %dma_start3A_127] : memref<50000x128xi32, #tpu.memory_space<hbm>> -> memref<1x128xi32, #tpu.memory_space<hbm>>
      %dma_start3A_129 = tpu.memref_squeeze %dma_start3A_128 : memref<1x128xi32, #tpu.memory_space<hbm>> -> memref<128xi32, #tpu.memory_space<hbm>>
      %dma_start3A_130 = arith.constant 0 : i32
      %dma_start3A_131 = tpu.memref_slice %arg2[%add3A_126, %dma_start3A_130] : memref<50000x128xi32, #tpu.memory_space<hbm>> -> memref<1x128xi32, #tpu.memory_space<hbm>>
      %dma_start3A_132 = tpu.memref_squeeze %dma_start3A_131 : memref<1x128xi32, #tpu.memory_space<hbm>> -> memref<128xi32, #tpu.memory_space<hbm>>
      tpu.enqueue_dma source(%dma_start3A_132 : memref<128xi32, #tpu.memory_space<hbm>>) target(%arg20 : memref<128xi32, #tpu.memory_space<vmem>>) target_semaphore(%arg6 : memref<!tpu.dma_semaphore, #tpu.memory_space<semaphore_mem>>)
      %add3A_133 = arith.constant 14 : i32
      %add3A_134 = arith.addi %mul3A_19, %add3A_133 : i32
      %dma_start3A_135 = arith.constant 0 : i32
      %dma_start3A_136 = tpu.memref_slice %arg2[%add3A_134, %dma_start3A_135] : memref<50000x128xi32, #tpu.memory_space<hbm>> -> memref<1x128xi32, #tpu.memory_space<hbm>>
      %dma_start3A_137 = tpu.memref_squeeze %dma_start3A_136 : memref<1x128xi32, #tpu.memory_space<hbm>> -> memref<128xi32, #tpu.memory_space<hbm>>
      %dma_start3A_138 = arith.constant 0 : i32
      %dma_start3A_139 = tpu.memref_slice %arg2[%add3A_134, %dma_start3A_138] : memref<50000x128xi32, #tpu.memory_space<hbm>> -> memref<1x128xi32, #tpu.memory_space<hbm>>
      %dma_start3A_140 = tpu.memref_squeeze %dma_start3A_139 : memref<1x128xi32, #tpu.memory_space<hbm>> -> memref<128xi32, #tpu.memory_space<hbm>>
      tpu.enqueue_dma source(%dma_start3A_140 : memref<128xi32, #tpu.memory_space<hbm>>) target(%arg21 : memref<128xi32, #tpu.memory_space<vmem>>) target_semaphore(%arg6 : memref<!tpu.dma_semaphore, #tpu.memory_space<semaphore_mem>>)
      %add3A_141 = arith.constant 15 : i32
      %add3A_142 = arith.addi %mul3A_19, %add3A_141 : i32
      %dma_start3A_143 = arith.constant 0 : i32
      %dma_start3A_144 = tpu.memref_slice %arg2[%add3A_142, %dma_start3A_143] : memref<50000x128xi32, #tpu.memory_space<hbm>> -> memref<1x128xi32, #tpu.memory_space<hbm>>
      %dma_start3A_145 = tpu.memref_squeeze %dma_start3A_144 : memref<1x128xi32, #tpu.memory_space<hbm>> -> memref<128xi32, #tpu.memory_space<hbm>>
      %dma_start3A_146 = arith.constant 0 : i32
      %dma_start3A_147 = tpu.memref_slice %arg2[%add3A_142, %dma_start3A_146] : memref<50000x128xi32, #tpu.memory_space<hbm>> -> memref<1x128xi32, #tpu.memory_space<hbm>>
      %dma_start3A_148 = tpu.memref_squeeze %dma_start3A_147 : memref<1x128xi32, #tpu.memory_space<hbm>> -> memref<128xi32, #tpu.memory_space<hbm>>
      tpu.enqueue_dma source(%dma_start3A_148 : memref<128xi32, #tpu.memory_space<hbm>>) target(%arg22 : memref<128xi32, #tpu.memory_space<vmem>>) target_semaphore(%arg6 : memref<!tpu.dma_semaphore, #tpu.memory_space<semaphore_mem>>)
      %add3A_149 = arith.constant 16 : i32
      %add3A_150 = arith.addi %mul3A_19, %add3A_149 : i32
      %dma_start3A_151 = arith.constant 0 : i32
      %dma_start3A_152 = tpu.memref_slice %arg2[%add3A_150, %dma_start3A_151] : memref<50000x128xi32, #tpu.memory_space<hbm>> -> memref<1x128xi32, #tpu.memory_space<hbm>>
      %dma_start3A_153 = tpu.memref_squeeze %dma_start3A_152 : memref<1x128xi32, #tpu.memory_space<hbm>> -> memref<128xi32, #tpu.memory_space<hbm>>
      %dma_start3A_154 = arith.constant 0 : i32
      %dma_start3A_155 = tpu.memref_slice %arg2[%add3A_150, %dma_start3A_154] : memref<50000x128xi32, #tpu.memory_space<hbm>> -> memref<1x128xi32, #tpu.memory_space<hbm>>
      %dma_start3A_156 = tpu.memref_squeeze %dma_start3A_155 : memref<1x128xi32, #tpu.memory_space<hbm>> -> memref<128xi32, #tpu.memory_space<hbm>>
      tpu.enqueue_dma source(%dma_start3A_156 : memref<128xi32, #tpu.memory_space<hbm>>) target(%arg23 : memref<128xi32, #tpu.memory_space<vmem>>) target_semaphore(%arg6 : memref<!tpu.dma_semaphore, #tpu.memory_space<semaphore_mem>>)
      %add3A_157 = arith.constant 17 : i32
      %add3A_158 = arith.addi %mul3A_19, %add3A_157 : i32
      %dma_start3A_159 = arith.constant 0 : i32
      %dma_start3A_160 = tpu.memref_slice %arg2[%add3A_158, %dma_start3A_159] : memref<50000x128xi32, #tpu.memory_space<hbm>> -> memref<1x128xi32, #tpu.memory_space<hbm>>
      %dma_start3A_161 = tpu.memref_squeeze %dma_start3A_160 : memref<1x128xi32, #tpu.memory_space<hbm>> -> memref<128xi32, #tpu.memory_space<hbm>>
      %dma_start3A_162 = arith.constant 0 : i32
      %dma_start3A_163 = tpu.memref_slice %arg2[%add3A_158, %dma_start3A_162] : memref<50000x128xi32, #tpu.memory_space<hbm>> -> memref<1x128xi32, #tpu.memory_space<hbm>>
      %dma_start3A_164 = tpu.memref_squeeze %dma_start3A_163 : memref<1x128xi32, #tpu.memory_space<hbm>> -> memref<128xi32, #tpu.memory_space<hbm>>
      tpu.enqueue_dma source(%dma_start3A_164 : memref<128xi32, #tpu.memory_space<hbm>>) target(%arg24 : memref<128xi32, #tpu.memory_space<vmem>>) target_semaphore(%arg6 : memref<!tpu.dma_semaphore, #tpu.memory_space<semaphore_mem>>)
      %add3A_165 = arith.constant 18 : i32
      %add3A_166 = arith.addi %mul3A_19, %add3A_165 : i32
      %dma_start3A_167 = arith.constant 0 : i32
      %dma_start3A_168 = tpu.memref_slice %arg2[%add3A_166, %dma_start3A_167] : memref<50000x128xi32, #tpu.memory_space<hbm>> -> memref<1x128xi32, #tpu.memory_space<hbm>>
      %dma_start3A_169 = tpu.memref_squeeze %dma_start3A_168 : memref<1x128xi32, #tpu.memory_space<hbm>> -> memref<128xi32, #tpu.memory_space<hbm>>
      %dma_start3A_170 = arith.constant 0 : i32
      %dma_start3A_171 = tpu.memref_slice %arg2[%add3A_166, %dma_start3A_170] : memref<50000x128xi32, #tpu.memory_space<hbm>> -> memref<1x128xi32, #tpu.memory_space<hbm>>
      %dma_start3A_172 = tpu.memref_squeeze %dma_start3A_171 : memref<1x128xi32, #tpu.memory_space<hbm>> -> memref<128xi32, #tpu.memory_space<hbm>>
      tpu.enqueue_dma source(%dma_start3A_172 : memref<128xi32, #tpu.memory_space<hbm>>) target(%arg25 : memref<128xi32, #tpu.memory_space<vmem>>) target_semaphore(%arg6 : memref<!tpu.dma_semaphore, #tpu.memory_space<semaphore_mem>>)
      %add3A_173 = arith.constant 19 : i32
      %add3A_174 = arith.addi %mul3A_19, %add3A_173 : i32
      %dma_start3A_175 = arith.constant 0 : i32
      %dma_start3A_176 = tpu.memref_slice %arg2[%add3A_174, %dma_start3A_175] : memref<50000x128xi32, #tpu.memory_space<hbm>> -> memref<1x128xi32, #tpu.memory_space<hbm>>
      %dma_start3A_177 = tpu.memref_squeeze %dma_start3A_176 : memref<1x128xi32, #tpu.memory_space<hbm>> -> memref<128xi32, #tpu.memory_space<hbm>>
      %dma_start3A_178 = arith.constant 0 : i32
      %dma_start3A_179 = tpu.memref_slice %arg2[%add3A_174, %dma_start3A_178] : memref<50000x128xi32, #tpu.memory_space<hbm>> -> memref<1x128xi32, #tpu.memory_space<hbm>>
      %dma_start3A_180 = tpu.memref_squeeze %dma_start3A_179 : memref<1x128xi32, #tpu.memory_space<hbm>> -> memref<128xi32, #tpu.memory_space<hbm>>
      tpu.enqueue_dma source(%dma_start3A_180 : memref<128xi32, #tpu.memory_space<hbm>>) target(%arg26 : memref<128xi32, #tpu.memory_space<vmem>>) target_semaphore(%arg6 : memref<!tpu.dma_semaphore, #tpu.memory_space<semaphore_mem>>)
      %add3A_181 = arith.constant 20 : i32
      %add3A_182 = arith.addi %mul3A_19, %add3A_181 : i32
      %dma_start3A_183 = arith.constant 0 : i32
      %dma_start3A_184 = tpu.memref_slice %arg2[%add3A_182, %dma_start3A_183] : memref<50000x128xi32, #tpu.memory_space<hbm>> -> memref<1x128xi32, #tpu.memory_space<hbm>>
      %dma_start3A_185 = tpu.memref_squeeze %dma_start3A_184 : memref<1x128xi32, #tpu.memory_space<hbm>> -> memref<128xi32, #tpu.memory_space<hbm>>
      %dma_start3A_186 = arith.constant 0 : i32
      %dma_start3A_187 = tpu.memref_slice %arg2[%add3A_182, %dma_start3A_186] : memref<50000x128xi32, #tpu.memory_space<hbm>> -> memref<1x128xi32, #tpu.memory_space<hbm>>
      %dma_start3A_188 = tpu.memref_squeeze %dma_start3A_187 : memref<1x128xi32, #tpu.memory_space<hbm>> -> memref<128xi32, #tpu.memory_space<hbm>>
      tpu.enqueue_dma source(%dma_start3A_188 : memref<128xi32, #tpu.memory_space<hbm>>) target(%arg27 : memref<128xi32, #tpu.memory_space<vmem>>) target_semaphore(%arg6 : memref<!tpu.dma_semaphore, #tpu.memory_space<semaphore_mem>>)
      %add3A_189 = arith.constant 21 : i32
      %add3A_190 = arith.addi %mul3A_19, %add3A_189 : i32
      %dma_start3A_191 = arith.constant 0 : i32
      %dma_start3A_192 = tpu.memref_slice %arg2[%add3A_190, %dma_start3A_191] : memref<50000x128xi32, #tpu.memory_space<hbm>> -> memref<1x128xi32, #tpu.memory_space<hbm>>
      %dma_start3A_193 = tpu.memref_squeeze %dma_start3A_192 : memref<1x128xi32, #tpu.memory_space<hbm>> -> memref<128xi32, #tpu.memory_space<hbm>>
      %dma_start3A_194 = arith.constant 0 : i32
      %dma_start3A_195 = tpu.memref_slice %arg2[%add3A_190, %dma_start3A_194] : memref<50000x128xi32, #tpu.memory_space<hbm>> -> memref<1x128xi32, #tpu.memory_space<hbm>>
      %dma_start3A_196 = tpu.memref_squeeze %dma_start3A_195 : memref<1x128xi32, #tpu.memory_space<hbm>> -> memref<128xi32, #tpu.memory_space<hbm>>
      tpu.enqueue_dma source(%dma_start3A_196 : memref<128xi32, #tpu.memory_space<hbm>>) target(%arg28 : memref<128xi32, #tpu.memory_space<vmem>>) target_semaphore(%arg6 : memref<!tpu.dma_semaphore, #tpu.memory_space<semaphore_mem>>)
      %add3A_197 = arith.constant 22 : i32
      %add3A_198 = arith.addi %mul3A_19, %add3A_197 : i32
      %dma_start3A_199 = arith.constant 0 : i32
      %dma_start3A_200 = tpu.memref_slice %arg2[%add3A_198, %dma_start3A_199] : memref<50000x128xi32, #tpu.memory_space<hbm>> -> memref<1x128xi32, #tpu.memory_space<hbm>>
      %dma_start3A_201 = tpu.memref_squeeze %dma_start3A_200 : memref<1x128xi32, #tpu.memory_space<hbm>> -> memref<128xi32, #tpu.memory_space<hbm>>
      %dma_start3A_202 = arith.constant 0 : i32
      %dma_start3A_203 = tpu.memref_slice %arg2[%add3A_198, %dma_start3A_202] : memref<50000x128xi32, #tpu.memory_space<hbm>> -> memref<1x128xi32, #tpu.memory_space<hbm>>
      %dma_start3A_204 = tpu.memref_squeeze %dma_start3A_203 : memref<1x128xi32, #tpu.memory_space<hbm>> -> memref<128xi32, #tpu.memory_space<hbm>>
      tpu.enqueue_dma source(%dma_start3A_204 : memref<128xi32, #tpu.memory_space<hbm>>) target(%arg29 : memref<128xi32, #tpu.memory_space<vmem>>) target_semaphore(%arg6 : memref<!tpu.dma_semaphore, #tpu.memory_space<semaphore_mem>>)
      %add3A_205 = arith.constant 23 : i32
      %add3A_206 = arith.addi %mul3A_19, %add3A_205 : i32
      %dma_start3A_207 = arith.constant 0 : i32
      %dma_start3A_208 = tpu.memref_slice %arg2[%add3A_206, %dma_start3A_207] : memref<50000x128xi32, #tpu.memory_space<hbm>> -> memref<1x128xi32, #tpu.memory_space<hbm>>
      %dma_start3A_209 = tpu.memref_squeeze %dma_start3A_208 : memref<1x128xi32, #tpu.memory_space<hbm>> -> memref<128xi32, #tpu.memory_space<hbm>>
      %dma_start3A_210 = arith.constant 0 : i32
      %dma_start3A_211 = tpu.memref_slice %arg2[%add3A_206, %dma_start3A_210] : memref<50000x128xi32, #tpu.memory_space<hbm>> -> memref<1x128xi32, #tpu.memory_space<hbm>>
      %dma_start3A_212 = tpu.memref_squeeze %dma_start3A_211 : memref<1x128xi32, #tpu.memory_space<hbm>> -> memref<128xi32, #tpu.memory_space<hbm>>
      tpu.enqueue_dma source(%dma_start3A_212 : memref<128xi32, #tpu.memory_space<hbm>>) target(%arg30 : memref<128xi32, #tpu.memory_space<vmem>>) target_semaphore(%arg6 : memref<!tpu.dma_semaphore, #tpu.memory_space<semaphore_mem>>)
      %add3A_213 = arith.constant 24 : i32
      %add3A_214 = arith.addi %mul3A_19, %add3A_213 : i32
      %dma_start3A_215 = arith.constant 0 : i32
      %dma_start3A_216 = tpu.memref_slice %arg2[%add3A_214, %dma_start3A_215] : memref<50000x128xi32, #tpu.memory_space<hbm>> -> memref<1x128xi32, #tpu.memory_space<hbm>>
      %dma_start3A_217 = tpu.memref_squeeze %dma_start3A_216 : memref<1x128xi32, #tpu.memory_space<hbm>> -> memref<128xi32, #tpu.memory_space<hbm>>
      %dma_start3A_218 = arith.constant 0 : i32
      %dma_start3A_219 = tpu.memref_slice %arg2[%add3A_214, %dma_start3A_218] : memref<50000x128xi32, #tpu.memory_space<hbm>> -> memref<1x128xi32, #tpu.memory_space<hbm>>
      %dma_start3A_220 = tpu.memref_squeeze %dma_start3A_219 : memref<1x128xi32, #tpu.memory_space<hbm>> -> memref<128xi32, #tpu.memory_space<hbm>>
      tpu.enqueue_dma source(%dma_start3A_220 : memref<128xi32, #tpu.memory_space<hbm>>) target(%arg31 : memref<128xi32, #tpu.memory_space<vmem>>) target_semaphore(%arg6 : memref<!tpu.dma_semaphore, #tpu.memory_space<semaphore_mem>>)
      %dma_wait3A = arith.constant 0 : i32
      %dma_wait3A_221 = tpu.memref_slice %arg2[%add3A_23, %dma_wait3A] : memref<50000x128xi32, #tpu.memory_space<hbm>> -> memref<1x128xi32, #tpu.memory_space<hbm>>
      %dma_wait3A_222 = tpu.memref_squeeze %dma_wait3A_221 : memref<1x128xi32, #tpu.memory_space<hbm>> -> memref<128xi32, #tpu.memory_space<hbm>>
      %dma_wait3A_223 = arith.constant 0 : i32
      %dma_wait3A_224 = tpu.memref_slice %arg2[%add3A_23, %dma_wait3A_223] : memref<50000x128xi32, #tpu.memory_space<hbm>> -> memref<1x128xi32, #tpu.memory_space<hbm>>
      %dma_wait3A_225 = tpu.memref_squeeze %dma_wait3A_224 : memref<1x128xi32, #tpu.memory_space<hbm>> -> memref<128xi32, #tpu.memory_space<hbm>>
      tpu.wait_dma2 semaphore(%arg6 : memref<!tpu.dma_semaphore, #tpu.memory_space<semaphore_mem>>) src(%dma_wait3A_225 : memref<128xi32, #tpu.memory_space<hbm>>) dst(%arg7 : memref<128xi32, #tpu.memory_space<vmem>>)
      %dma_wait3A_226 = arith.constant 0 : i32
      %dma_wait3A_227 = tpu.memref_slice %arg2[%add3A_30, %dma_wait3A_226] : memref<50000x128xi32, #tpu.memory_space<hbm>> -> memref<1x128xi32, #tpu.memory_space<hbm>>
      %dma_wait3A_228 = tpu.memref_squeeze %dma_wait3A_227 : memref<1x128xi32, #tpu.memory_space<hbm>> -> memref<128xi32, #tpu.memory_space<hbm>>
      %dma_wait3A_229 = arith.constant 0 : i32
      %dma_wait3A_230 = tpu.memref_slice %arg2[%add3A_30, %dma_wait3A_229] : memref<50000x128xi32, #tpu.memory_space<hbm>> -> memref<1x128xi32, #tpu.memory_space<hbm>>
      %dma_wait3A_231 = tpu.memref_squeeze %dma_wait3A_230 : memref<1x128xi32, #tpu.memory_space<hbm>> -> memref<128xi32, #tpu.memory_space<hbm>>
      tpu.wait_dma2 semaphore(%arg6 : memref<!tpu.dma_semaphore, #tpu.memory_space<semaphore_mem>>) src(%dma_wait3A_231 : memref<128xi32, #tpu.memory_space<hbm>>) dst(%arg8 : memref<128xi32, #tpu.memory_space<vmem>>)
      %dma_wait3A_232 = arith.constant 0 : i32
      %dma_wait3A_233 = tpu.memref_slice %arg2[%add3A_38, %dma_wait3A_232] : memref<50000x128xi32, #tpu.memory_space<hbm>> -> memref<1x128xi32, #tpu.memory_space<hbm>>
      %dma_wait3A_234 = tpu.memref_squeeze %dma_wait3A_233 : memref<1x128xi32, #tpu.memory_space<hbm>> -> memref<128xi32, #tpu.memory_space<hbm>>
      %dma_wait3A_235 = arith.constant 0 : i32
      %dma_wait3A_236 = tpu.memref_slice %arg2[%add3A_38, %dma_wait3A_235] : memref<50000x128xi32, #tpu.memory_space<hbm>> -> memref<1x128xi32, #tpu.memory_space<hbm>>
      %dma_wait3A_237 = tpu.memref_squeeze %dma_wait3A_236 : memref<1x128xi32, #tpu.memory_space<hbm>> -> memref<128xi32, #tpu.memory_space<hbm>>
      tpu.wait_dma2 semaphore(%arg6 : memref<!tpu.dma_semaphore, #tpu.memory_space<semaphore_mem>>) src(%dma_wait3A_237 : memref<128xi32, #tpu.memory_space<hbm>>) dst(%arg9 : memref<128xi32, #tpu.memory_space<vmem>>)
      %dma_wait3A_238 = arith.constant 0 : i32
      %dma_wait3A_239 = tpu.memref_slice %arg2[%add3A_46, %dma_wait3A_238] : memref<50000x128xi32, #tpu.memory_space<hbm>> -> memref<1x128xi32, #tpu.memory_space<hbm>>
      %dma_wait3A_240 = tpu.memref_squeeze %dma_wait3A_239 : memref<1x128xi32, #tpu.memory_space<hbm>> -> memref<128xi32, #tpu.memory_space<hbm>>
      %dma_wait3A_241 = arith.constant 0 : i32
      %dma_wait3A_242 = tpu.memref_slice %arg2[%add3A_46, %dma_wait3A_241] : memref<50000x128xi32, #tpu.memory_space<hbm>> -> memref<1x128xi32, #tpu.memory_space<hbm>>
      %dma_wait3A_243 = tpu.memref_squeeze %dma_wait3A_242 : memref<1x128xi32, #tpu.memory_space<hbm>> -> memref<128xi32, #tpu.memory_space<hbm>>
      tpu.wait_dma2 semaphore(%arg6 : memref<!tpu.dma_semaphore, #tpu.memory_space<semaphore_mem>>) src(%dma_wait3A_243 : memref<128xi32, #tpu.memory_space<hbm>>) dst(%arg10 : memref<128xi32, #tpu.memory_space<vmem>>)
      %dma_wait3A_244 = arith.constant 0 : i32
      %dma_wait3A_245 = tpu.memref_slice %arg2[%add3A_54, %dma_wait3A_244] : memref<50000x128xi32, #tpu.memory_space<hbm>> -> memref<1x128xi32, #tpu.memory_space<hbm>>
      %dma_wait3A_246 = tpu.memref_squeeze %dma_wait3A_245 : memref<1x128xi32, #tpu.memory_space<hbm>> -> memref<128xi32, #tpu.memory_space<hbm>>
      %dma_wait3A_247 = arith.constant 0 : i32
      %dma_wait3A_248 = tpu.memref_slice %arg2[%add3A_54, %dma_wait3A_247] : memref<50000x128xi32, #tpu.memory_space<hbm>> -> memref<1x128xi32, #tpu.memory_space<hbm>>
      %dma_wait3A_249 = tpu.memref_squeeze %dma_wait3A_248 : memref<1x128xi32, #tpu.memory_space<hbm>> -> memref<128xi32, #tpu.memory_space<hbm>>
      tpu.wait_dma2 semaphore(%arg6 : memref<!tpu.dma_semaphore, #tpu.memory_space<semaphore_mem>>) src(%dma_wait3A_249 : memref<128xi32, #tpu.memory_space<hbm>>) dst(%arg11 : memref<128xi32, #tpu.memory_space<vmem>>)
      %dma_wait3A_250 = arith.constant 0 : i32
      %dma_wait3A_251 = tpu.memref_slice %arg2[%add3A_62, %dma_wait3A_250] : memref<50000x128xi32, #tpu.memory_space<hbm>> -> memref<1x128xi32, #tpu.memory_space<hbm>>
      %dma_wait3A_252 = tpu.memref_squeeze %dma_wait3A_251 : memref<1x128xi32, #tpu.memory_space<hbm>> -> memref<128xi32, #tpu.memory_space<hbm>>
      %dma_wait3A_253 = arith.constant 0 : i32
      %dma_wait3A_254 = tpu.memref_slice %arg2[%add3A_62, %dma_wait3A_253] : memref<50000x128xi32, #tpu.memory_space<hbm>> -> memref<1x128xi32, #tpu.memory_space<hbm>>
      %dma_wait3A_255 = tpu.memref_squeeze %dma_wait3A_254 : memref<1x128xi32, #tpu.memory_space<hbm>> -> memref<128xi32, #tpu.memory_space<hbm>>
      tpu.wait_dma2 semaphore(%arg6 : memref<!tpu.dma_semaphore, #tpu.memory_space<semaphore_mem>>) src(%dma_wait3A_255 : memref<128xi32, #tpu.memory_space<hbm>>) dst(%arg12 : memref<128xi32, #tpu.memory_space<vmem>>)
      %dma_wait3A_256 = arith.constant 0 : i32
      %dma_wait3A_257 = tpu.memref_slice %arg2[%add3A_70, %dma_wait3A_256] : memref<50000x128xi32, #tpu.memory_space<hbm>> -> memref<1x128xi32, #tpu.memory_space<hbm>>
      %dma_wait3A_258 = tpu.memref_squeeze %dma_wait3A_257 : memref<1x128xi32, #tpu.memory_space<hbm>> -> memref<128xi32, #tpu.memory_space<hbm>>
      %dma_wait3A_259 = arith.constant 0 : i32
      %dma_wait3A_260 = tpu.memref_slice %arg2[%add3A_70, %dma_wait3A_259] : memref<50000x128xi32, #tpu.memory_space<hbm>> -> memref<1x128xi32, #tpu.memory_space<hbm>>
      %dma_wait3A_261 = tpu.memref_squeeze %dma_wait3A_260 : memref<1x128xi32, #tpu.memory_space<hbm>> -> memref<128xi32, #tpu.memory_space<hbm>>
      tpu.wait_dma2 semaphore(%arg6 : memref<!tpu.dma_semaphore, #tpu.memory_space<semaphore_mem>>) src(%dma_wait3A_261 : memref<128xi32, #tpu.memory_space<hbm>>) dst(%arg13 : memref<128xi32, #tpu.memory_space<vmem>>)
      %dma_wait3A_262 = arith.constant 0 : i32
      %dma_wait3A_263 = tpu.memref_slice %arg2[%add3A_78, %dma_wait3A_262] : memref<50000x128xi32, #tpu.memory_space<hbm>> -> memref<1x128xi32, #tpu.memory_space<hbm>>
      %dma_wait3A_264 = tpu.memref_squeeze %dma_wait3A_263 : memref<1x128xi32, #tpu.memory_space<hbm>> -> memref<128xi32, #tpu.memory_space<hbm>>
      %dma_wait3A_265 = arith.constant 0 : i32
      %dma_wait3A_266 = tpu.memref_slice %arg2[%add3A_78, %dma_wait3A_265] : memref<50000x128xi32, #tpu.memory_space<hbm>> -> memref<1x128xi32, #tpu.memory_space<hbm>>
      %dma_wait3A_267 = tpu.memref_squeeze %dma_wait3A_266 : memref<1x128xi32, #tpu.memory_space<hbm>> -> memref<128xi32, #tpu.memory_space<hbm>>
      tpu.wait_dma2 semaphore(%arg6 : memref<!tpu.dma_semaphore, #tpu.memory_space<semaphore_mem>>) src(%dma_wait3A_267 : memref<128xi32, #tpu.memory_space<hbm>>) dst(%arg14 : memref<128xi32, #tpu.memory_space<vmem>>)
      %dma_wait3A_268 = arith.constant 0 : i32
      %dma_wait3A_269 = tpu.memref_slice %arg2[%add3A_86, %dma_wait3A_268] : memref<50000x128xi32, #tpu.memory_space<hbm>> -> memref<1x128xi32, #tpu.memory_space<hbm>>
      %dma_wait3A_270 = tpu.memref_squeeze %dma_wait3A_269 : memref<1x128xi32, #tpu.memory_space<hbm>> -> memref<128xi32, #tpu.memory_space<hbm>>
      %dma_wait3A_271 = arith.constant 0 : i32
      %dma_wait3A_272 = tpu.memref_slice %arg2[%add3A_86, %dma_wait3A_271] : memref<50000x128xi32, #tpu.memory_space<hbm>> -> memref<1x128xi32, #tpu.memory_space<hbm>>
      %dma_wait3A_273 = tpu.memref_squeeze %dma_wait3A_272 : memref<1x128xi32, #tpu.memory_space<hbm>> -> memref<128xi32, #tpu.memory_space<hbm>>
      tpu.wait_dma2 semaphore(%arg6 : memref<!tpu.dma_semaphore, #tpu.memory_space<semaphore_mem>>) src(%dma_wait3A_273 : memref<128xi32, #tpu.memory_space<hbm>>) dst(%arg15 : memref<128xi32, #tpu.memory_space<vmem>>)
      %dma_wait3A_274 = arith.constant 0 : i32
      %dma_wait3A_275 = tpu.memref_slice %arg2[%add3A_94, %dma_wait3A_274] : memref<50000x128xi32, #tpu.memory_space<hbm>> -> memref<1x128xi32, #tpu.memory_space<hbm>>
      %dma_wait3A_276 = tpu.memref_squeeze %dma_wait3A_275 : memref<1x128xi32, #tpu.memory_space<hbm>> -> memref<128xi32, #tpu.memory_space<hbm>>
      %dma_wait3A_277 = arith.constant 0 : i32
      %dma_wait3A_278 = tpu.memref_slice %arg2[%add3A_94, %dma_wait3A_277] : memref<50000x128xi32, #tpu.memory_space<hbm>> -> memref<1x128xi32, #tpu.memory_space<hbm>>
      %dma_wait3A_279 = tpu.memref_squeeze %dma_wait3A_278 : memref<1x128xi32, #tpu.memory_space<hbm>> -> memref<128xi32, #tpu.memory_space<hbm>>
      tpu.wait_dma2 semaphore(%arg6 : memref<!tpu.dma_semaphore, #tpu.memory_space<semaphore_mem>>) src(%dma_wait3A_279 : memref<128xi32, #tpu.memory_space<hbm>>) dst(%arg16 : memref<128xi32, #tpu.memory_space<vmem>>)
      %dma_wait3A_280 = arith.constant 0 : i32
      %dma_wait3A_281 = tpu.memref_slice %arg2[%add3A_102, %dma_wait3A_280] : memref<50000x128xi32, #tpu.memory_space<hbm>> -> memref<1x128xi32, #tpu.memory_space<hbm>>
      %dma_wait3A_282 = tpu.memref_squeeze %dma_wait3A_281 : memref<1x128xi32, #tpu.memory_space<hbm>> -> memref<128xi32, #tpu.memory_space<hbm>>
      %dma_wait3A_283 = arith.constant 0 : i32
      %dma_wait3A_284 = tpu.memref_slice %arg2[%add3A_102, %dma_wait3A_283] : memref<50000x128xi32, #tpu.memory_space<hbm>> -> memref<1x128xi32, #tpu.memory_space<hbm>>
      %dma_wait3A_285 = tpu.memref_squeeze %dma_wait3A_284 : memref<1x128xi32, #tpu.memory_space<hbm>> -> memref<128xi32, #tpu.memory_space<hbm>>
      tpu.wait_dma2 semaphore(%arg6 : memref<!tpu.dma_semaphore, #tpu.memory_space<semaphore_mem>>) src(%dma_wait3A_285 : memref<128xi32, #tpu.memory_space<hbm>>) dst(%arg17 : memref<128xi32, #tpu.memory_space<vmem>>)
      %dma_wait3A_286 = arith.constant 0 : i32
      %dma_wait3A_287 = tpu.memref_slice %arg2[%add3A_110, %dma_wait3A_286] : memref<50000x128xi32, #tpu.memory_space<hbm>> -> memref<1x128xi32, #tpu.memory_space<hbm>>
      %dma_wait3A_288 = tpu.memref_squeeze %dma_wait3A_287 : memref<1x128xi32, #tpu.memory_space<hbm>> -> memref<128xi32, #tpu.memory_space<hbm>>
      %dma_wait3A_289 = arith.constant 0 : i32
      %dma_wait3A_290 = tpu.memref_slice %arg2[%add3A_110, %dma_wait3A_289] : memref<50000x128xi32, #tpu.memory_space<hbm>> -> memref<1x128xi32, #tpu.memory_space<hbm>>
      %dma_wait3A_291 = tpu.memref_squeeze %dma_wait3A_290 : memref<1x128xi32, #tpu.memory_space<hbm>> -> memref<128xi32, #tpu.memory_space<hbm>>
      tpu.wait_dma2 semaphore(%arg6 : memref<!tpu.dma_semaphore, #tpu.memory_space<semaphore_mem>>) src(%dma_wait3A_291 : memref<128xi32, #tpu.memory_space<hbm>>) dst(%arg18 : memref<128xi32, #tpu.memory_space<vmem>>)
      %dma_wait3A_292 = arith.constant 0 : i32
      %dma_wait3A_293 = tpu.memref_slice %arg2[%add3A_118, %dma_wait3A_292] : memref<50000x128xi32, #tpu.memory_space<hbm>> -> memref<1x128xi32, #tpu.memory_space<hbm>>
      %dma_wait3A_294 = tpu.memref_squeeze %dma_wait3A_293 : memref<1x128xi32, #tpu.memory_space<hbm>> -> memref<128xi32, #tpu.memory_space<hbm>>
      %dma_wait3A_295 = arith.constant 0 : i32
      %dma_wait3A_296 = tpu.memref_slice %arg2[%add3A_118, %dma_wait3A_295] : memref<50000x128xi32, #tpu.memory_space<hbm>> -> memref<1x128xi32, #tpu.memory_space<hbm>>
      %dma_wait3A_297 = tpu.memref_squeeze %dma_wait3A_296 : memref<1x128xi32, #tpu.memory_space<hbm>> -> memref<128xi32, #tpu.memory_space<hbm>>
      tpu.wait_dma2 semaphore(%arg6 : memref<!tpu.dma_semaphore, #tpu.memory_space<semaphore_mem>>) src(%dma_wait3A_297 : memref<128xi32, #tpu.memory_space<hbm>>) dst(%arg19 : memref<128xi32, #tpu.memory_space<vmem>>)
      %dma_wait3A_298 = arith.constant 0 : i32
      %dma_wait3A_299 = tpu.memref_slice %arg2[%add3A_126, %dma_wait3A_298] : memref<50000x128xi32, #tpu.memory_space<hbm>> -> memref<1x128xi32, #tpu.memory_space<hbm>>
      %dma_wait3A_300 = tpu.memref_squeeze %dma_wait3A_299 : memref<1x128xi32, #tpu.memory_space<hbm>> -> memref<128xi32, #tpu.memory_space<hbm>>
      %dma_wait3A_301 = arith.constant 0 : i32
      %dma_wait3A_302 = tpu.memref_slice %arg2[%add3A_126, %dma_wait3A_301] : memref<50000x128xi32, #tpu.memory_space<hbm>> -> memref<1x128xi32, #tpu.memory_space<hbm>>
      %dma_wait3A_303 = tpu.memref_squeeze %dma_wait3A_302 : memref<1x128xi32, #tpu.memory_space<hbm>> -> memref<128xi32, #tpu.memory_space<hbm>>
      tpu.wait_dma2 semaphore(%arg6 : memref<!tpu.dma_semaphore, #tpu.memory_space<semaphore_mem>>) src(%dma_wait3A_303 : memref<128xi32, #tpu.memory_space<hbm>>) dst(%arg20 : memref<128xi32, #tpu.memory_space<vmem>>)
      %dma_wait3A_304 = arith.constant 0 : i32
      %dma_wait3A_305 = tpu.memref_slice %arg2[%add3A_134, %dma_wait3A_304] : memref<50000x128xi32, #tpu.memory_space<hbm>> -> memref<1x128xi32, #tpu.memory_space<hbm>>
      %dma_wait3A_306 = tpu.memref_squeeze %dma_wait3A_305 : memref<1x128xi32, #tpu.memory_space<hbm>> -> memref<128xi32, #tpu.memory_space<hbm>>
      %dma_wait3A_307 = arith.constant 0 : i32
      %dma_wait3A_308 = tpu.memref_slice %arg2[%add3A_134, %dma_wait3A_307] : memref<50000x128xi32, #tpu.memory_space<hbm>> -> memref<1x128xi32, #tpu.memory_space<hbm>>
      %dma_wait3A_309 = tpu.memref_squeeze %dma_wait3A_308 : memref<1x128xi32, #tpu.memory_space<hbm>> -> memref<128xi32, #tpu.memory_space<hbm>>
      tpu.wait_dma2 semaphore(%arg6 : memref<!tpu.dma_semaphore, #tpu.memory_space<semaphore_mem>>) src(%dma_wait3A_309 : memref<128xi32, #tpu.memory_space<hbm>>) dst(%arg21 : memref<128xi32, #tpu.memory_space<vmem>>)
      %dma_wait3A_310 = arith.constant 0 : i32
      %dma_wait3A_311 = tpu.memref_slice %arg2[%add3A_142, %dma_wait3A_310] : memref<50000x128xi32, #tpu.memory_space<hbm>> -> memref<1x128xi32, #tpu.memory_space<hbm>>
      %dma_wait3A_312 = tpu.memref_squeeze %dma_wait3A_311 : memref<1x128xi32, #tpu.memory_space<hbm>> -> memref<128xi32, #tpu.memory_space<hbm>>
      %dma_wait3A_313 = arith.constant 0 : i32
      %dma_wait3A_314 = tpu.memref_slice %arg2[%add3A_142, %dma_wait3A_313] : memref<50000x128xi32, #tpu.memory_space<hbm>> -> memref<1x128xi32, #tpu.memory_space<hbm>>
      %dma_wait3A_315 = tpu.memref_squeeze %dma_wait3A_314 : memref<1x128xi32, #tpu.memory_space<hbm>> -> memref<128xi32, #tpu.memory_space<hbm>>
      tpu.wait_dma2 semaphore(%arg6 : memref<!tpu.dma_semaphore, #tpu.memory_space<semaphore_mem>>) src(%dma_wait3A_315 : memref<128xi32, #tpu.memory_space<hbm>>) dst(%arg22 : memref<128xi32, #tpu.memory_space<vmem>>)
      %dma_wait3A_316 = arith.constant 0 : i32
      %dma_wait3A_317 = tpu.memref_slice %arg2[%add3A_150, %dma_wait3A_316] : memref<50000x128xi32, #tpu.memory_space<hbm>> -> memref<1x128xi32, #tpu.memory_space<hbm>>
      %dma_wait3A_318 = tpu.memref_squeeze %dma_wait3A_317 : memref<1x128xi32, #tpu.memory_space<hbm>> -> memref<128xi32, #tpu.memory_space<hbm>>
      %dma_wait3A_319 = arith.constant 0 : i32
      %dma_wait3A_320 = tpu.memref_slice %arg2[%add3A_150, %dma_wait3A_319] : memref<50000x128xi32, #tpu.memory_space<hbm>> -> memref<1x128xi32, #tpu.memory_space<hbm>>
      %dma_wait3A_321 = tpu.memref_squeeze %dma_wait3A_320 : memref<1x128xi32, #tpu.memory_space<hbm>> -> memref<128xi32, #tpu.memory_space<hbm>>
      tpu.wait_dma2 semaphore(%arg6 : memref<!tpu.dma_semaphore, #tpu.memory_space<semaphore_mem>>) src(%dma_wait3A_321 : memref<128xi32, #tpu.memory_space<hbm>>) dst(%arg23 : memref<128xi32, #tpu.memory_space<vmem>>)
      %dma_wait3A_322 = arith.constant 0 : i32
      %dma_wait3A_323 = tpu.memref_slice %arg2[%add3A_158, %dma_wait3A_322] : memref<50000x128xi32, #tpu.memory_space<hbm>> -> memref<1x128xi32, #tpu.memory_space<hbm>>
      %dma_wait3A_324 = tpu.memref_squeeze %dma_wait3A_323 : memref<1x128xi32, #tpu.memory_space<hbm>> -> memref<128xi32, #tpu.memory_space<hbm>>
      %dma_wait3A_325 = arith.constant 0 : i32
      %dma_wait3A_326 = tpu.memref_slice %arg2[%add3A_158, %dma_wait3A_325] : memref<50000x128xi32, #tpu.memory_space<hbm>> -> memref<1x128xi32, #tpu.memory_space<hbm>>
      %dma_wait3A_327 = tpu.memref_squeeze %dma_wait3A_326 : memref<1x128xi32, #tpu.memory_space<hbm>> -> memref<128xi32, #tpu.memory_space<hbm>>
      tpu.wait_dma2 semaphore(%arg6 : memref<!tpu.dma_semaphore, #tpu.memory_space<semaphore_mem>>) src(%dma_wait3A_327 : memref<128xi32, #tpu.memory_space<hbm>>) dst(%arg24 : memref<128xi32, #tpu.memory_space<vmem>>)
      %dma_wait3A_328 = arith.constant 0 : i32
      %dma_wait3A_329 = tpu.memref_slice %arg2[%add3A_166, %dma_wait3A_328] : memref<50000x128xi32, #tpu.memory_space<hbm>> -> memref<1x128xi32, #tpu.memory_space<hbm>>
      %dma_wait3A_330 = tpu.memref_squeeze %dma_wait3A_329 : memref<1x128xi32, #tpu.memory_space<hbm>> -> memref<128xi32, #tpu.memory_space<hbm>>
      %dma_wait3A_331 = arith.constant 0 : i32
      %dma_wait3A_332 = tpu.memref_slice %arg2[%add3A_166, %dma_wait3A_331] : memref<50000x128xi32, #tpu.memory_space<hbm>> -> memref<1x128xi32, #tpu.memory_space<hbm>>
      %dma_wait3A_333 = tpu.memref_squeeze %dma_wait3A_332 : memref<1x128xi32, #tpu.memory_space<hbm>> -> memref<128xi32, #tpu.memory_space<hbm>>
      tpu.wait_dma2 semaphore(%arg6 : memref<!tpu.dma_semaphore, #tpu.memory_space<semaphore_mem>>) src(%dma_wait3A_333 : memref<128xi32, #tpu.memory_space<hbm>>) dst(%arg25 : memref<128xi32, #tpu.memory_space<vmem>>)
      %dma_wait3A_334 = arith.constant 0 : i32
      %dma_wait3A_335 = tpu.memref_slice %arg2[%add3A_174, %dma_wait3A_334] : memref<50000x128xi32, #tpu.memory_space<hbm>> -> memref<1x128xi32, #tpu.memory_space<hbm>>
      %dma_wait3A_336 = tpu.memref_squeeze %dma_wait3A_335 : memref<1x128xi32, #tpu.memory_space<hbm>> -> memref<128xi32, #tpu.memory_space<hbm>>
      %dma_wait3A_337 = arith.constant 0 : i32
      %dma_wait3A_338 = tpu.memref_slice %arg2[%add3A_174, %dma_wait3A_337] : memref<50000x128xi32, #tpu.memory_space<hbm>> -> memref<1x128xi32, #tpu.memory_space<hbm>>
      %dma_wait3A_339 = tpu.memref_squeeze %dma_wait3A_338 : memref<1x128xi32, #tpu.memory_space<hbm>> -> memref<128xi32, #tpu.memory_space<hbm>>
      tpu.wait_dma2 semaphore(%arg6 : memref<!tpu.dma_semaphore, #tpu.memory_space<semaphore_mem>>) src(%dma_wait3A_339 : memref<128xi32, #tpu.memory_space<hbm>>) dst(%arg26 : memref<128xi32, #tpu.memory_space<vmem>>)
      %dma_wait3A_340 = arith.constant 0 : i32
      %dma_wait3A_341 = tpu.memref_slice %arg2[%add3A_182, %dma_wait3A_340] : memref<50000x128xi32, #tpu.memory_space<hbm>> -> memref<1x128xi32, #tpu.memory_space<hbm>>
      %dma_wait3A_342 = tpu.memref_squeeze %dma_wait3A_341 : memref<1x128xi32, #tpu.memory_space<hbm>> -> memref<128xi32, #tpu.memory_space<hbm>>
      %dma_wait3A_343 = arith.constant 0 : i32
      %dma_wait3A_344 = tpu.memref_slice %arg2[%add3A_182, %dma_wait3A_343] : memref<50000x128xi32, #tpu.memory_space<hbm>> -> memref<1x128xi32, #tpu.memory_space<hbm>>
      %dma_wait3A_345 = tpu.memref_squeeze %dma_wait3A_344 : memref<1x128xi32, #tpu.memory_space<hbm>> -> memref<128xi32, #tpu.memory_space<hbm>>
      tpu.wait_dma2 semaphore(%arg6 : memref<!tpu.dma_semaphore, #tpu.memory_space<semaphore_mem>>) src(%dma_wait3A_345 : memref<128xi32, #tpu.memory_space<hbm>>) dst(%arg27 : memref<128xi32, #tpu.memory_space<vmem>>)
      %dma_wait3A_346 = arith.constant 0 : i32
      %dma_wait3A_347 = tpu.memref_slice %arg2[%add3A_190, %dma_wait3A_346] : memref<50000x128xi32, #tpu.memory_space<hbm>> -> memref<1x128xi32, #tpu.memory_space<hbm>>
      %dma_wait3A_348 = tpu.memref_squeeze %dma_wait3A_347 : memref<1x128xi32, #tpu.memory_space<hbm>> -> memref<128xi32, #tpu.memory_space<hbm>>
      %dma_wait3A_349 = arith.constant 0 : i32
      %dma_wait3A_350 = tpu.memref_slice %arg2[%add3A_190, %dma_wait3A_349] : memref<50000x128xi32, #tpu.memory_space<hbm>> -> memref<1x128xi32, #tpu.memory_space<hbm>>
      %dma_wait3A_351 = tpu.memref_squeeze %dma_wait3A_350 : memref<1x128xi32, #tpu.memory_space<hbm>> -> memref<128xi32, #tpu.memory_space<hbm>>
      tpu.wait_dma2 semaphore(%arg6 : memref<!tpu.dma_semaphore, #tpu.memory_space<semaphore_mem>>) src(%dma_wait3A_351 : memref<128xi32, #tpu.memory_space<hbm>>) dst(%arg28 : memref<128xi32, #tpu.memory_space<vmem>>)
      %dma_wait3A_352 = arith.constant 0 : i32
      %dma_wait3A_353 = tpu.memref_slice %arg2[%add3A_198, %dma_wait3A_352] : memref<50000x128xi32, #tpu.memory_space<hbm>> -> memref<1x128xi32, #tpu.memory_space<hbm>>
      %dma_wait3A_354 = tpu.memref_squeeze %dma_wait3A_353 : memref<1x128xi32, #tpu.memory_space<hbm>> -> memref<128xi32, #tpu.memory_space<hbm>>
      %dma_wait3A_355 = arith.constant 0 : i32
      %dma_wait3A_356 = tpu.memref_slice %arg2[%add3A_198, %dma_wait3A_355] : memref<50000x128xi32, #tpu.memory_space<hbm>> -> memref<1x128xi32, #tpu.memory_space<hbm>>
      %dma_wait3A_357 = tpu.memref_squeeze %dma_wait3A_356 : memref<1x128xi32, #tpu.memory_space<hbm>> -> memref<128xi32, #tpu.memory_space<hbm>>
      tpu.wait_dma2 semaphore(%arg6 : memref<!tpu.dma_semaphore, #tpu.memory_space<semaphore_mem>>) src(%dma_wait3A_357 : memref<128xi32, #tpu.memory_space<hbm>>) dst(%arg29 : memref<128xi32, #tpu.memory_space<vmem>>)
      %dma_wait3A_358 = arith.constant 0 : i32
      %dma_wait3A_359 = tpu.memref_slice %arg2[%add3A_206, %dma_wait3A_358] : memref<50000x128xi32, #tpu.memory_space<hbm>> -> memref<1x128xi32, #tpu.memory_space<hbm>>
      %dma_wait3A_360 = tpu.memref_squeeze %dma_wait3A_359 : memref<1x128xi32, #tpu.memory_space<hbm>> -> memref<128xi32, #tpu.memory_space<hbm>>
      %dma_wait3A_361 = arith.constant 0 : i32
      %dma_wait3A_362 = tpu.memref_slice %arg2[%add3A_206, %dma_wait3A_361] : memref<50000x128xi32, #tpu.memory_space<hbm>> -> memref<1x128xi32, #tpu.memory_space<hbm>>
      %dma_wait3A_363 = tpu.memref_squeeze %dma_wait3A_362 : memref<1x128xi32, #tpu.memory_space<hbm>> -> memref<128xi32, #tpu.memory_space<hbm>>
      tpu.wait_dma2 semaphore(%arg6 : memref<!tpu.dma_semaphore, #tpu.memory_space<semaphore_mem>>) src(%dma_wait3A_363 : memref<128xi32, #tpu.memory_space<hbm>>) dst(%arg30 : memref<128xi32, #tpu.memory_space<vmem>>)
      %dma_wait3A_364 = arith.constant 0 : i32
      %dma_wait3A_365 = tpu.memref_slice %arg2[%add3A_214, %dma_wait3A_364] : memref<50000x128xi32, #tpu.memory_space<hbm>> -> memref<1x128xi32, #tpu.memory_space<hbm>>
      %dma_wait3A_366 = tpu.memref_squeeze %dma_wait3A_365 : memref<1x128xi32, #tpu.memory_space<hbm>> -> memref<128xi32, #tpu.memory_space<hbm>>
      %dma_wait3A_367 = arith.constant 0 : i32
      %dma_wait3A_368 = tpu.memref_slice %arg2[%add3A_214, %dma_wait3A_367] : memref<50000x128xi32, #tpu.memory_space<hbm>> -> memref<1x128xi32, #tpu.memory_space<hbm>>
      %dma_wait3A_369 = tpu.memref_squeeze %dma_wait3A_368 : memref<1x128xi32, #tpu.memory_space<hbm>> -> memref<128xi32, #tpu.memory_space<hbm>>
      tpu.wait_dma2 semaphore(%arg6 : memref<!tpu.dma_semaphore, #tpu.memory_space<semaphore_mem>>) src(%dma_wait3A_369 : memref<128xi32, #tpu.memory_space<hbm>>) dst(%arg31 : memref<128xi32, #tpu.memory_space<vmem>>)
      %dma_start3A_370 = arith.constant 0 : i32
      %dma_start3A_371 = arith.constant 0 : i32
      %dma_start3A_372 = tpu.memref_slice %arg5[%dma_start3A_370, %dma_start3A_371] : memref<3200x8xf32, #tpu.memory_space<vmem>> -> memref<128x8xf32, #tpu.memory_space<vmem>>
      %dma_start3A_373 = arith.constant 0 : i32
      %dma_start3A_374 = arith.constant 0 : i32
      %dma_start3A_375 = tpu.memref_slice %arg3[%dma_start3A_373, %dma_start3A_374] : memref<100000x8xf32, #tpu.memory_space<hbm>> -> memref<100000x8xf32, #tpu.memory_space<hbm>>
      tpu.enqueue_indirect_dma source(%dma_start3A_375 : memref<100000x8xf32, #tpu.memory_space<hbm>>) target(%dma_start3A_372 : memref<128x8xf32, #tpu.memory_space<vmem>>) offsets(%arg7 : memref<128xi32, #tpu.memory_space<vmem>>) semaphore(%arg6 : memref<!tpu.dma_semaphore, #tpu.memory_space<semaphore_mem>>)
      %dma_start3A_376 = arith.constant 128 : i32
      %dma_start3A_377 = arith.constant 0 : i32
      %dma_start3A_378 = tpu.memref_slice %arg5[%dma_start3A_376, %dma_start3A_377] : memref<3200x8xf32, #tpu.memory_space<vmem>> -> memref<128x8xf32, #tpu.memory_space<vmem>>
      %dma_start3A_379 = arith.constant 0 : i32
      %dma_start3A_380 = arith.constant 0 : i32
      %dma_start3A_381 = tpu.memref_slice %arg3[%dma_start3A_379, %dma_start3A_380] : memref<100000x8xf32, #tpu.memory_space<hbm>> -> memref<100000x8xf32, #tpu.memory_space<hbm>>
      tpu.enqueue_indirect_dma source(%dma_start3A_381 : memref<100000x8xf32, #tpu.memory_space<hbm>>) target(%dma_start3A_378 : memref<128x8xf32, #tpu.memory_space<vmem>>) offsets(%arg8 : memref<128xi32, #tpu.memory_space<vmem>>) semaphore(%arg6 : memref<!tpu.dma_semaphore, #tpu.memory_space<semaphore_mem>>)
      %dma_start3A_382 = arith.constant 256 : i32
      %dma_start3A_383 = arith.constant 0 : i32
      %dma_start3A_384 = tpu.memref_slice %arg5[%dma_start3A_382, %dma_start3A_383] : memref<3200x8xf32, #tpu.memory_space<vmem>> -> memref<128x8xf32, #tpu.memory_space<vmem>>
      %dma_start3A_385 = arith.constant 0 : i32
      %dma_start3A_386 = arith.constant 0 : i32
      %dma_start3A_387 = tpu.memref_slice %arg3[%dma_start3A_385, %dma_start3A_386] : memref<100000x8xf32, #tpu.memory_space<hbm>> -> memref<100000x8xf32, #tpu.memory_space<hbm>>
      tpu.enqueue_indirect_dma source(%dma_start3A_387 : memref<100000x8xf32, #tpu.memory_space<hbm>>) target(%dma_start3A_384 : memref<128x8xf32, #tpu.memory_space<vmem>>) offsets(%arg9 : memref<128xi32, #tpu.memory_space<vmem>>) semaphore(%arg6 : memref<!tpu.dma_semaphore, #tpu.memory_space<semaphore_mem>>)
      %dma_start3A_388 = arith.constant 384 : i32
      %dma_start3A_389 = arith.constant 0 : i32
      %dma_start3A_390 = tpu.memref_slice %arg5[%dma_start3A_388, %dma_start3A_389] : memref<3200x8xf32, #tpu.memory_space<vmem>> -> memref<128x8xf32, #tpu.memory_space<vmem>>
      %dma_start3A_391 = arith.constant 0 : i32
      %dma_start3A_392 = arith.constant 0 : i32
      %dma_start3A_393 = tpu.memref_slice %arg3[%dma_start3A_391, %dma_start3A_392] : memref<100000x8xf32, #tpu.memory_space<hbm>> -> memref<100000x8xf32, #tpu.memory_space<hbm>>
      tpu.enqueue_indirect_dma source(%dma_start3A_393 : memref<100000x8xf32, #tpu.memory_space<hbm>>) target(%dma_start3A_390 : memref<128x8xf32, #tpu.memory_space<vmem>>) offsets(%arg10 : memref<128xi32, #tpu.memory_space<vmem>>) semaphore(%arg6 : memref<!tpu.dma_semaphore, #tpu.memory_space<semaphore_mem>>)
      %dma_start3A_394 = arith.constant 512 : i32
      %dma_start3A_395 = arith.constant 0 : i32
      %dma_start3A_396 = tpu.memref_slice %arg5[%dma_start3A_394, %dma_start3A_395] : memref<3200x8xf32, #tpu.memory_space<vmem>> -> memref<128x8xf32, #tpu.memory_space<vmem>>
      %dma_start3A_397 = arith.constant 0 : i32
      %dma_start3A_398 = arith.constant 0 : i32
      %dma_start3A_399 = tpu.memref_slice %arg3[%dma_start3A_397, %dma_start3A_398] : memref<100000x8xf32, #tpu.memory_space<hbm>> -> memref<100000x8xf32, #tpu.memory_space<hbm>>
      tpu.enqueue_indirect_dma source(%dma_start3A_399 : memref<100000x8xf32, #tpu.memory_space<hbm>>) target(%dma_start3A_396 : memref<128x8xf32, #tpu.memory_space<vmem>>) offsets(%arg11 : memref<128xi32, #tpu.memory_space<vmem>>) semaphore(%arg6 : memref<!tpu.dma_semaphore, #tpu.memory_space<semaphore_mem>>)
      %dma_start3A_400 = arith.constant 640 : i32
      %dma_start3A_401 = arith.constant 0 : i32
      %dma_start3A_402 = tpu.memref_slice %arg5[%dma_start3A_400, %dma_start3A_401] : memref<3200x8xf32, #tpu.memory_space<vmem>> -> memref<128x8xf32, #tpu.memory_space<vmem>>
      %dma_start3A_403 = arith.constant 0 : i32
      %dma_start3A_404 = arith.constant 0 : i32
      %dma_start3A_405 = tpu.memref_slice %arg3[%dma_start3A_403, %dma_start3A_404] : memref<100000x8xf32, #tpu.memory_space<hbm>> -> memref<100000x8xf32, #tpu.memory_space<hbm>>
      tpu.enqueue_indirect_dma source(%dma_start3A_405 : memref<100000x8xf32, #tpu.memory_space<hbm>>) target(%dma_start3A_402 : memref<128x8xf32, #tpu.memory_space<vmem>>) offsets(%arg12 : memref<128xi32, #tpu.memory_space<vmem>>) semaphore(%arg6 : memref<!tpu.dma_semaphore, #tpu.memory_space<semaphore_mem>>)
      %dma_start3A_406 = arith.constant 768 : i32
      %dma_start3A_407 = arith.constant 0 : i32
      %dma_start3A_408 = tpu.memref_slice %arg5[%dma_start3A_406, %dma_start3A_407] : memref<3200x8xf32, #tpu.memory_space<vmem>> -> memref<128x8xf32, #tpu.memory_space<vmem>>
      %dma_start3A_409 = arith.constant 0 : i32
      %dma_start3A_410 = arith.constant 0 : i32
      %dma_start3A_411 = tpu.memref_slice %arg3[%dma_start3A_409, %dma_start3A_410] : memref<100000x8xf32, #tpu.memory_space<hbm>> -> memref<100000x8xf32, #tpu.memory_space<hbm>>
      tpu.enqueue_indirect_dma source(%dma_start3A_411 : memref<100000x8xf32, #tpu.memory_space<hbm>>) target(%dma_start3A_408 : memref<128x8xf32, #tpu.memory_space<vmem>>) offsets(%arg13 : memref<128xi32, #tpu.memory_space<vmem>>) semaphore(%arg6 : memref<!tpu.dma_semaphore, #tpu.memory_space<semaphore_mem>>)
      %dma_start3A_412 = arith.constant 896 : i32
      %dma_start3A_413 = arith.constant 0 : i32
      %dma_start3A_414 = tpu.memref_slice %arg5[%dma_start3A_412, %dma_start3A_413] : memref<3200x8xf32, #tpu.memory_space<vmem>> -> memref<128x8xf32, #tpu.memory_space<vmem>>
      %dma_start3A_415 = arith.constant 0 : i32
      %dma_start3A_416 = arith.constant 0 : i32
      %dma_start3A_417 = tpu.memref_slice %arg3[%dma_start3A_415, %dma_start3A_416] : memref<100000x8xf32, #tpu.memory_space<hbm>> -> memref<100000x8xf32, #tpu.memory_space<hbm>>
      tpu.enqueue_indirect_dma source(%dma_start3A_417 : memref<100000x8xf32, #tpu.memory_space<hbm>>) target(%dma_start3A_414 : memref<128x8xf32, #tpu.memory_space<vmem>>) offsets(%arg14 : memref<128xi32, #tpu.memory_space<vmem>>) semaphore(%arg6 : memref<!tpu.dma_semaphore, #tpu.memory_space<semaphore_mem>>)
      %dma_start3A_418 = arith.constant 1024 : i32
      %dma_start3A_419 = arith.constant 0 : i32
      %dma_start3A_420 = tpu.memref_slice %arg5[%dma_start3A_418, %dma_start3A_419] : memref<3200x8xf32, #tpu.memory_space<vmem>> -> memref<128x8xf32, #tpu.memory_space<vmem>>
      %dma_start3A_421 = arith.constant 0 : i32
      %dma_start3A_422 = arith.constant 0 : i32
      %dma_start3A_423 = tpu.memref_slice %arg3[%dma_start3A_421, %dma_start3A_422] : memref<100000x8xf32, #tpu.memory_space<hbm>> -> memref<100000x8xf32, #tpu.memory_space<hbm>>
      tpu.enqueue_indirect_dma source(%dma_start3A_423 : memref<100000x8xf32, #tpu.memory_space<hbm>>) target(%dma_start3A_420 : memref<128x8xf32, #tpu.memory_space<vmem>>) offsets(%arg15 : memref<128xi32, #tpu.memory_space<vmem>>) semaphore(%arg6 : memref<!tpu.dma_semaphore, #tpu.memory_space<semaphore_mem>>)
      %dma_start3A_424 = arith.constant 1152 : i32
      %dma_start3A_425 = arith.constant 0 : i32
      %dma_start3A_426 = tpu.memref_slice %arg5[%dma_start3A_424, %dma_start3A_425] : memref<3200x8xf32, #tpu.memory_space<vmem>> -> memref<128x8xf32, #tpu.memory_space<vmem>>
      %dma_start3A_427 = arith.constant 0 : i32
      %dma_start3A_428 = arith.constant 0 : i32
      %dma_start3A_429 = tpu.memref_slice %arg3[%dma_start3A_427, %dma_start3A_428] : memref<100000x8xf32, #tpu.memory_space<hbm>> -> memref<100000x8xf32, #tpu.memory_space<hbm>>
      tpu.enqueue_indirect_dma source(%dma_start3A_429 : memref<100000x8xf32, #tpu.memory_space<hbm>>) target(%dma_start3A_426 : memref<128x8xf32, #tpu.memory_space<vmem>>) offsets(%arg16 : memref<128xi32, #tpu.memory_space<vmem>>) semaphore(%arg6 : memref<!tpu.dma_semaphore, #tpu.memory_space<semaphore_mem>>)
      %dma_start3A_430 = arith.constant 1280 : i32
      %dma_start3A_431 = arith.constant 0 : i32
      %dma_start3A_432 = tpu.memref_slice %arg5[%dma_start3A_430, %dma_start3A_431] : memref<3200x8xf32, #tpu.memory_space<vmem>> -> memref<128x8xf32, #tpu.memory_space<vmem>>
      %dma_start3A_433 = arith.constant 0 : i32
      %dma_start3A_434 = arith.constant 0 : i32
      %dma_start3A_435 = tpu.memref_slice %arg3[%dma_start3A_433, %dma_start3A_434] : memref<100000x8xf32, #tpu.memory_space<hbm>> -> memref<100000x8xf32, #tpu.memory_space<hbm>>
      tpu.enqueue_indirect_dma source(%dma_start3A_435 : memref<100000x8xf32, #tpu.memory_space<hbm>>) target(%dma_start3A_432 : memref<128x8xf32, #tpu.memory_space<vmem>>) offsets(%arg17 : memref<128xi32, #tpu.memory_space<vmem>>) semaphore(%arg6 : memref<!tpu.dma_semaphore, #tpu.memory_space<semaphore_mem>>)
      %dma_start3A_436 = arith.constant 1408 : i32
      %dma_start3A_437 = arith.constant 0 : i32
      %dma_start3A_438 = tpu.memref_slice %arg5[%dma_start3A_436, %dma_start3A_437] : memref<3200x8xf32, #tpu.memory_space<vmem>> -> memref<128x8xf32, #tpu.memory_space<vmem>>
      %dma_start3A_439 = arith.constant 0 : i32
      %dma_start3A_440 = arith.constant 0 : i32
      %dma_start3A_441 = tpu.memref_slice %arg3[%dma_start3A_439, %dma_start3A_440] : memref<100000x8xf32, #tpu.memory_space<hbm>> -> memref<100000x8xf32, #tpu.memory_space<hbm>>
      tpu.enqueue_indirect_dma source(%dma_start3A_441 : memref<100000x8xf32, #tpu.memory_space<hbm>>) target(%dma_start3A_438 : memref<128x8xf32, #tpu.memory_space<vmem>>) offsets(%arg18 : memref<128xi32, #tpu.memory_space<vmem>>) semaphore(%arg6 : memref<!tpu.dma_semaphore, #tpu.memory_space<semaphore_mem>>)
      %dma_start3A_442 = arith.constant 1536 : i32
      %dma_start3A_443 = arith.constant 0 : i32
      %dma_start3A_444 = tpu.memref_slice %arg5[%dma_start3A_442, %dma_start3A_443] : memref<3200x8xf32, #tpu.memory_space<vmem>> -> memref<128x8xf32, #tpu.memory_space<vmem>>
      %dma_start3A_445 = arith.constant 0 : i32
      %dma_start3A_446 = arith.constant 0 : i32
      %dma_start3A_447 = tpu.memref_slice %arg3[%dma_start3A_445, %dma_start3A_446] : memref<100000x8xf32, #tpu.memory_space<hbm>> -> memref<100000x8xf32, #tpu.memory_space<hbm>>
      tpu.enqueue_indirect_dma source(%dma_start3A_447 : memref<100000x8xf32, #tpu.memory_space<hbm>>) target(%dma_start3A_444 : memref<128x8xf32, #tpu.memory_space<vmem>>) offsets(%arg19 : memref<128xi32, #tpu.memory_space<vmem>>) semaphore(%arg6 : memref<!tpu.dma_semaphore, #tpu.memory_space<semaphore_mem>>)
      %dma_start3A_448 = arith.constant 1664 : i32
      %dma_start3A_449 = arith.constant 0 : i32
      %dma_start3A_450 = tpu.memref_slice %arg5[%dma_start3A_448, %dma_start3A_449] : memref<3200x8xf32, #tpu.memory_space<vmem>> -> memref<128x8xf32, #tpu.memory_space<vmem>>
      %dma_start3A_451 = arith.constant 0 : i32
      %dma_start3A_452 = arith.constant 0 : i32
      %dma_start3A_453 = tpu.memref_slice %arg3[%dma_start3A_451, %dma_start3A_452] : memref<100000x8xf32, #tpu.memory_space<hbm>> -> memref<100000x8xf32, #tpu.memory_space<hbm>>
      tpu.enqueue_indirect_dma source(%dma_start3A_453 : memref<100000x8xf32, #tpu.memory_space<hbm>>) target(%dma_start3A_450 : memref<128x8xf32, #tpu.memory_space<vmem>>) offsets(%arg20 : memref<128xi32, #tpu.memory_space<vmem>>) semaphore(%arg6 : memref<!tpu.dma_semaphore, #tpu.memory_space<semaphore_mem>>)
      %dma_start3A_454 = arith.constant 1792 : i32
      %dma_start3A_455 = arith.constant 0 : i32
      %dma_start3A_456 = tpu.memref_slice %arg5[%dma_start3A_454, %dma_start3A_455] : memref<3200x8xf32, #tpu.memory_space<vmem>> -> memref<128x8xf32, #tpu.memory_space<vmem>>
      %dma_start3A_457 = arith.constant 0 : i32
      %dma_start3A_458 = arith.constant 0 : i32
      %dma_start3A_459 = tpu.memref_slice %arg3[%dma_start3A_457, %dma_start3A_458] : memref<100000x8xf32, #tpu.memory_space<hbm>> -> memref<100000x8xf32, #tpu.memory_space<hbm>>
      tpu.enqueue_indirect_dma source(%dma_start3A_459 : memref<100000x8xf32, #tpu.memory_space<hbm>>) target(%dma_start3A_456 : memref<128x8xf32, #tpu.memory_space<vmem>>) offsets(%arg21 : memref<128xi32, #tpu.memory_space<vmem>>) semaphore(%arg6 : memref<!tpu.dma_semaphore, #tpu.memory_space<semaphore_mem>>)
      %dma_start3A_460 = arith.constant 1920 : i32
      %dma_start3A_461 = arith.constant 0 : i32
      %dma_start3A_462 = tpu.memref_slice %arg5[%dma_start3A_460, %dma_start3A_461] : memref<3200x8xf32, #tpu.memory_space<vmem>> -> memref<128x8xf32, #tpu.memory_space<vmem>>
      %dma_start3A_463 = arith.constant 0 : i32
      %dma_start3A_464 = arith.constant 0 : i32
      %dma_start3A_465 = tpu.memref_slice %arg3[%dma_start3A_463, %dma_start3A_464] : memref<100000x8xf32, #tpu.memory_space<hbm>> -> memref<100000x8xf32, #tpu.memory_space<hbm>>
      tpu.enqueue_indirect_dma source(%dma_start3A_465 : memref<100000x8xf32, #tpu.memory_space<hbm>>) target(%dma_start3A_462 : memref<128x8xf32, #tpu.memory_space<vmem>>) offsets(%arg22 : memref<128xi32, #tpu.memory_space<vmem>>) semaphore(%arg6 : memref<!tpu.dma_semaphore, #tpu.memory_space<semaphore_mem>>)
      %dma_start3A_466 = arith.constant 2048 : i32
      %dma_start3A_467 = arith.constant 0 : i32
      %dma_start3A_468 = tpu.memref_slice %arg5[%dma_start3A_466, %dma_start3A_467] : memref<3200x8xf32, #tpu.memory_space<vmem>> -> memref<128x8xf32, #tpu.memory_space<vmem>>
      %dma_start3A_469 = arith.constant 0 : i32
      %dma_start3A_470 = arith.constant 0 : i32
      %dma_start3A_471 = tpu.memref_slice %arg3[%dma_start3A_469, %dma_start3A_470] : memref<100000x8xf32, #tpu.memory_space<hbm>> -> memref<100000x8xf32, #tpu.memory_space<hbm>>
      tpu.enqueue_indirect_dma source(%dma_start3A_471 : memref<100000x8xf32, #tpu.memory_space<hbm>>) target(%dma_start3A_468 : memref<128x8xf32, #tpu.memory_space<vmem>>) offsets(%arg23 : memref<128xi32, #tpu.memory_space<vmem>>) semaphore(%arg6 : memref<!tpu.dma_semaphore, #tpu.memory_space<semaphore_mem>>)
      %dma_start3A_472 = arith.constant 2176 : i32
      %dma_start3A_473 = arith.constant 0 : i32
      %dma_start3A_474 = tpu.memref_slice %arg5[%dma_start3A_472, %dma_start3A_473] : memref<3200x8xf32, #tpu.memory_space<vmem>> -> memref<128x8xf32, #tpu.memory_space<vmem>>
      %dma_start3A_475 = arith.constant 0 : i32
      %dma_start3A_476 = arith.constant 0 : i32
      %dma_start3A_477 = tpu.memref_slice %arg3[%dma_start3A_475, %dma_start3A_476] : memref<100000x8xf32, #tpu.memory_space<hbm>> -> memref<100000x8xf32, #tpu.memory_space<hbm>>
      tpu.enqueue_indirect_dma source(%dma_start3A_477 : memref<100000x8xf32, #tpu.memory_space<hbm>>) target(%dma_start3A_474 : memref<128x8xf32, #tpu.memory_space<vmem>>) offsets(%arg24 : memref<128xi32, #tpu.memory_space<vmem>>) semaphore(%arg6 : memref<!tpu.dma_semaphore, #tpu.memory_space<semaphore_mem>>)
      %dma_start3A_478 = arith.constant 2304 : i32
      %dma_start3A_479 = arith.constant 0 : i32
      %dma_start3A_480 = tpu.memref_slice %arg5[%dma_start3A_478, %dma_start3A_479] : memref<3200x8xf32, #tpu.memory_space<vmem>> -> memref<128x8xf32, #tpu.memory_space<vmem>>
      %dma_start3A_481 = arith.constant 0 : i32
      %dma_start3A_482 = arith.constant 0 : i32
      %dma_start3A_483 = tpu.memref_slice %arg3[%dma_start3A_481, %dma_start3A_482] : memref<100000x8xf32, #tpu.memory_space<hbm>> -> memref<100000x8xf32, #tpu.memory_space<hbm>>
      tpu.enqueue_indirect_dma source(%dma_start3A_483 : memref<100000x8xf32, #tpu.memory_space<hbm>>) target(%dma_start3A_480 : memref<128x8xf32, #tpu.memory_space<vmem>>) offsets(%arg25 : memref<128xi32, #tpu.memory_space<vmem>>) semaphore(%arg6 : memref<!tpu.dma_semaphore, #tpu.memory_space<semaphore_mem>>)
      %dma_start3A_484 = arith.constant 2432 : i32
      %dma_start3A_485 = arith.constant 0 : i32
      %dma_start3A_486 = tpu.memref_slice %arg5[%dma_start3A_484, %dma_start3A_485] : memref<3200x8xf32, #tpu.memory_space<vmem>> -> memref<128x8xf32, #tpu.memory_space<vmem>>
      %dma_start3A_487 = arith.constant 0 : i32
      %dma_start3A_488 = arith.constant 0 : i32
      %dma_start3A_489 = tpu.memref_slice %arg3[%dma_start3A_487, %dma_start3A_488] : memref<100000x8xf32, #tpu.memory_space<hbm>> -> memref<100000x8xf32, #tpu.memory_space<hbm>>
      tpu.enqueue_indirect_dma source(%dma_start3A_489 : memref<100000x8xf32, #tpu.memory_space<hbm>>) target(%dma_start3A_486 : memref<128x8xf32, #tpu.memory_space<vmem>>) offsets(%arg26 : memref<128xi32, #tpu.memory_space<vmem>>) semaphore(%arg6 : memref<!tpu.dma_semaphore, #tpu.memory_space<semaphore_mem>>)
      %dma_start3A_490 = arith.constant 2560 : i32
      %dma_start3A_491 = arith.constant 0 : i32
      %dma_start3A_492 = tpu.memref_slice %arg5[%dma_start3A_490, %dma_start3A_491] : memref<3200x8xf32, #tpu.memory_space<vmem>> -> memref<128x8xf32, #tpu.memory_space<vmem>>
      %dma_start3A_493 = arith.constant 0 : i32
      %dma_start3A_494 = arith.constant 0 : i32
      %dma_start3A_495 = tpu.memref_slice %arg3[%dma_start3A_493, %dma_start3A_494] : memref<100000x8xf32, #tpu.memory_space<hbm>> -> memref<100000x8xf32, #tpu.memory_space<hbm>>
      tpu.enqueue_indirect_dma source(%dma_start3A_495 : memref<100000x8xf32, #tpu.memory_space<hbm>>) target(%dma_start3A_492 : memref<128x8xf32, #tpu.memory_space<vmem>>) offsets(%arg27 : memref<128xi32, #tpu.memory_space<vmem>>) semaphore(%arg6 : memref<!tpu.dma_semaphore, #tpu.memory_space<semaphore_mem>>)
      %dma_start3A_496 = arith.constant 2688 : i32
      %dma_start3A_497 = arith.constant 0 : i32
      %dma_start3A_498 = tpu.memref_slice %arg5[%dma_start3A_496, %dma_start3A_497] : memref<3200x8xf32, #tpu.memory_space<vmem>> -> memref<128x8xf32, #tpu.memory_space<vmem>>
      %dma_start3A_499 = arith.constant 0 : i32
      %dma_start3A_500 = arith.constant 0 : i32
      %dma_start3A_501 = tpu.memref_slice %arg3[%dma_start3A_499, %dma_start3A_500] : memref<100000x8xf32, #tpu.memory_space<hbm>> -> memref<100000x8xf32, #tpu.memory_space<hbm>>
      tpu.enqueue_indirect_dma source(%dma_start3A_501 : memref<100000x8xf32, #tpu.memory_space<hbm>>) target(%dma_start3A_498 : memref<128x8xf32, #tpu.memory_space<vmem>>) offsets(%arg28 : memref<128xi32, #tpu.memory_space<vmem>>) semaphore(%arg6 : memref<!tpu.dma_semaphore, #tpu.memory_space<semaphore_mem>>)
      %dma_start3A_502 = arith.constant 2816 : i32
      %dma_start3A_503 = arith.constant 0 : i32
      %dma_start3A_504 = tpu.memref_slice %arg5[%dma_start3A_502, %dma_start3A_503] : memref<3200x8xf32, #tpu.memory_space<vmem>> -> memref<128x8xf32, #tpu.memory_space<vmem>>
      %dma_start3A_505 = arith.constant 0 : i32
      %dma_start3A_506 = arith.constant 0 : i32
      %dma_start3A_507 = tpu.memref_slice %arg3[%dma_start3A_505, %dma_start3A_506] : memref<100000x8xf32, #tpu.memory_space<hbm>> -> memref<100000x8xf32, #tpu.memory_space<hbm>>
      tpu.enqueue_indirect_dma source(%dma_start3A_507 : memref<100000x8xf32, #tpu.memory_space<hbm>>) target(%dma_start3A_504 : memref<128x8xf32, #tpu.memory_space<vmem>>) offsets(%arg29 : memref<128xi32, #tpu.memory_space<vmem>>) semaphore(%arg6 : memref<!tpu.dma_semaphore, #tpu.memory_space<semaphore_mem>>)
      %dma_start3A_508 = arith.constant 2944 : i32
      %dma_start3A_509 = arith.constant 0 : i32
      %dma_start3A_510 = tpu.memref_slice %arg5[%dma_start3A_508, %dma_start3A_509] : memref<3200x8xf32, #tpu.memory_space<vmem>> -> memref<128x8xf32, #tpu.memory_space<vmem>>
      %dma_start3A_511 = arith.constant 0 : i32
      %dma_start3A_512 = arith.constant 0 : i32
      %dma_start3A_513 = tpu.memref_slice %arg3[%dma_start3A_511, %dma_start3A_512] : memref<100000x8xf32, #tpu.memory_space<hbm>> -> memref<100000x8xf32, #tpu.memory_space<hbm>>
      tpu.enqueue_indirect_dma source(%dma_start3A_513 : memref<100000x8xf32, #tpu.memory_space<hbm>>) target(%dma_start3A_510 : memref<128x8xf32, #tpu.memory_space<vmem>>) offsets(%arg30 : memref<128xi32, #tpu.memory_space<vmem>>) semaphore(%arg6 : memref<!tpu.dma_semaphore, #tpu.memory_space<semaphore_mem>>)
      %dma_start3A_514 = arith.constant 3072 : i32
      %dma_start3A_515 = arith.constant 0 : i32
      %dma_start3A_516 = tpu.memref_slice %arg5[%dma_start3A_514, %dma_start3A_515] : memref<3200x8xf32, #tpu.memory_space<vmem>> -> memref<128x8xf32, #tpu.memory_space<vmem>>
      %dma_start3A_517 = arith.constant 0 : i32
      %dma_start3A_518 = arith.constant 0 : i32
      %dma_start3A_519 = tpu.memref_slice %arg3[%dma_start3A_517, %dma_start3A_518] : memref<100000x8xf32, #tpu.memory_space<hbm>> -> memref<100000x8xf32, #tpu.memory_space<hbm>>
      tpu.enqueue_indirect_dma source(%dma_start3A_519 : memref<100000x8xf32, #tpu.memory_space<hbm>>) target(%dma_start3A_516 : memref<128x8xf32, #tpu.memory_space<vmem>>) offsets(%arg31 : memref<128xi32, #tpu.memory_space<vmem>>) semaphore(%arg6 : memref<!tpu.dma_semaphore, #tpu.memory_space<semaphore_mem>>)
      %dma_wait3A_520 = arith.constant 0 : i32
      %dma_wait3A_521 = arith.constant 0 : i32
      %dma_wait3A_522 = tpu.memref_slice %arg5[%dma_wait3A_520, %dma_wait3A_521] : memref<3200x8xf32, #tpu.memory_space<vmem>> -> memref<128x8xf32, #tpu.memory_space<vmem>>
      %dma_wait3A_523 = arith.constant 0 : i32
      %dma_wait3A_524 = arith.constant 0 : i32
      %dma_wait3A_525 = tpu.memref_slice %arg3[%dma_wait3A_523, %dma_wait3A_524] : memref<100000x8xf32, #tpu.memory_space<hbm>> -> memref<100000x8xf32, #tpu.memory_space<hbm>>
      tpu.wait_indirect_dma semaphore(%arg6 : memref<!tpu.dma_semaphore, #tpu.memory_space<semaphore_mem>>) src(%dma_wait3A_525 : memref<100000x8xf32, #tpu.memory_space<hbm>>) dst(%dma_wait3A_522 : memref<128x8xf32, #tpu.memory_space<vmem>>)
      %dma_wait3A_526 = arith.constant 128 : i32
      %dma_wait3A_527 = arith.constant 0 : i32
      %dma_wait3A_528 = tpu.memref_slice %arg5[%dma_wait3A_526, %dma_wait3A_527] : memref<3200x8xf32, #tpu.memory_space<vmem>> -> memref<128x8xf32, #tpu.memory_space<vmem>>
      %dma_wait3A_529 = arith.constant 0 : i32
      %dma_wait3A_530 = arith.constant 0 : i32
      %dma_wait3A_531 = tpu.memref_slice %arg3[%dma_wait3A_529, %dma_wait3A_530] : memref<100000x8xf32, #tpu.memory_space<hbm>> -> memref<100000x8xf32, #tpu.memory_space<hbm>>
      tpu.wait_indirect_dma semaphore(%arg6 : memref<!tpu.dma_semaphore, #tpu.memory_space<semaphore_mem>>) src(%dma_wait3A_531 : memref<100000x8xf32, #tpu.memory_space<hbm>>) dst(%dma_wait3A_528 : memref<128x8xf32, #tpu.memory_space<vmem>>)
      %dma_wait3A_532 = arith.constant 256 : i32
      %dma_wait3A_533 = arith.constant 0 : i32
      %dma_wait3A_534 = tpu.memref_slice %arg5[%dma_wait3A_532, %dma_wait3A_533] : memref<3200x8xf32, #tpu.memory_space<vmem>> -> memref<128x8xf32, #tpu.memory_space<vmem>>
      %dma_wait3A_535 = arith.constant 0 : i32
      %dma_wait3A_536 = arith.constant 0 : i32
      %dma_wait3A_537 = tpu.memref_slice %arg3[%dma_wait3A_535, %dma_wait3A_536] : memref<100000x8xf32, #tpu.memory_space<hbm>> -> memref<100000x8xf32, #tpu.memory_space<hbm>>
      tpu.wait_indirect_dma semaphore(%arg6 : memref<!tpu.dma_semaphore, #tpu.memory_space<semaphore_mem>>) src(%dma_wait3A_537 : memref<100000x8xf32, #tpu.memory_space<hbm>>) dst(%dma_wait3A_534 : memref<128x8xf32, #tpu.memory_space<vmem>>)
      %dma_wait3A_538 = arith.constant 384 : i32
      %dma_wait3A_539 = arith.constant 0 : i32
      %dma_wait3A_540 = tpu.memref_slice %arg5[%dma_wait3A_538, %dma_wait3A_539] : memref<3200x8xf32, #tpu.memory_space<vmem>> -> memref<128x8xf32, #tpu.memory_space<vmem>>
      %dma_wait3A_541 = arith.constant 0 : i32
      %dma_wait3A_542 = arith.constant 0 : i32
      %dma_wait3A_543 = tpu.memref_slice %arg3[%dma_wait3A_541, %dma_wait3A_542] : memref<100000x8xf32, #tpu.memory_space<hbm>> -> memref<100000x8xf32, #tpu.memory_space<hbm>>
      tpu.wait_indirect_dma semaphore(%arg6 : memref<!tpu.dma_semaphore, #tpu.memory_space<semaphore_mem>>) src(%dma_wait3A_543 : memref<100000x8xf32, #tpu.memory_space<hbm>>) dst(%dma_wait3A_540 : memref<128x8xf32, #tpu.memory_space<vmem>>)
      %dma_wait3A_544 = arith.constant 512 : i32
      %dma_wait3A_545 = arith.constant 0 : i32
      %dma_wait3A_546 = tpu.memref_slice %arg5[%dma_wait3A_544, %dma_wait3A_545] : memref<3200x8xf32, #tpu.memory_space<vmem>> -> memref<128x8xf32, #tpu.memory_space<vmem>>
      %dma_wait3A_547 = arith.constant 0 : i32
      %dma_wait3A_548 = arith.constant 0 : i32
      %dma_wait3A_549 = tpu.memref_slice %arg3[%dma_wait3A_547, %dma_wait3A_548] : memref<100000x8xf32, #tpu.memory_space<hbm>> -> memref<100000x8xf32, #tpu.memory_space<hbm>>
      tpu.wait_indirect_dma semaphore(%arg6 : memref<!tpu.dma_semaphore, #tpu.memory_space<semaphore_mem>>) src(%dma_wait3A_549 : memref<100000x8xf32, #tpu.memory_space<hbm>>) dst(%dma_wait3A_546 : memref<128x8xf32, #tpu.memory_space<vmem>>)
      %dma_wait3A_550 = arith.constant 640 : i32
      %dma_wait3A_551 = arith.constant 0 : i32
      %dma_wait3A_552 = tpu.memref_slice %arg5[%dma_wait3A_550, %dma_wait3A_551] : memref<3200x8xf32, #tpu.memory_space<vmem>> -> memref<128x8xf32, #tpu.memory_space<vmem>>
      %dma_wait3A_553 = arith.constant 0 : i32
      %dma_wait3A_554 = arith.constant 0 : i32
      %dma_wait3A_555 = tpu.memref_slice %arg3[%dma_wait3A_553, %dma_wait3A_554] : memref<100000x8xf32, #tpu.memory_space<hbm>> -> memref<100000x8xf32, #tpu.memory_space<hbm>>
      tpu.wait_indirect_dma semaphore(%arg6 : memref<!tpu.dma_semaphore, #tpu.memory_space<semaphore_mem>>) src(%dma_wait3A_555 : memref<100000x8xf32, #tpu.memory_space<hbm>>) dst(%dma_wait3A_552 : memref<128x8xf32, #tpu.memory_space<vmem>>)
      %dma_wait3A_556 = arith.constant 768 : i32
      %dma_wait3A_557 = arith.constant 0 : i32
      %dma_wait3A_558 = tpu.memref_slice %arg5[%dma_wait3A_556, %dma_wait3A_557] : memref<3200x8xf32, #tpu.memory_space<vmem>> -> memref<128x8xf32, #tpu.memory_space<vmem>>
      %dma_wait3A_559 = arith.constant 0 : i32
      %dma_wait3A_560 = arith.constant 0 : i32
      %dma_wait3A_561 = tpu.memref_slice %arg3[%dma_wait3A_559, %dma_wait3A_560] : memref<100000x8xf32, #tpu.memory_space<hbm>> -> memref<100000x8xf32, #tpu.memory_space<hbm>>
      tpu.wait_indirect_dma semaphore(%arg6 : memref<!tpu.dma_semaphore, #tpu.memory_space<semaphore_mem>>) src(%dma_wait3A_561 : memref<100000x8xf32, #tpu.memory_space<hbm>>) dst(%dma_wait3A_558 : memref<128x8xf32, #tpu.memory_space<vmem>>)
      %dma_wait3A_562 = arith.constant 896 : i32
      %dma_wait3A_563 = arith.constant 0 : i32
      %dma_wait3A_564 = tpu.memref_slice %arg5[%dma_wait3A_562, %dma_wait3A_563] : memref<3200x8xf32, #tpu.memory_space<vmem>> -> memref<128x8xf32, #tpu.memory_space<vmem>>
      %dma_wait3A_565 = arith.constant 0 : i32
      %dma_wait3A_566 = arith.constant 0 : i32
      %dma_wait3A_567 = tpu.memref_slice %arg3[%dma_wait3A_565, %dma_wait3A_566] : memref<100000x8xf32, #tpu.memory_space<hbm>> -> memref<100000x8xf32, #tpu.memory_space<hbm>>
      tpu.wait_indirect_dma semaphore(%arg6 : memref<!tpu.dma_semaphore, #tpu.memory_space<semaphore_mem>>) src(%dma_wait3A_567 : memref<100000x8xf32, #tpu.memory_space<hbm>>) dst(%dma_wait3A_564 : memref<128x8xf32, #tpu.memory_space<vmem>>)
      %dma_wait3A_568 = arith.constant 1024 : i32
      %dma_wait3A_569 = arith.constant 0 : i32
      %dma_wait3A_570 = tpu.memref_slice %arg5[%dma_wait3A_568, %dma_wait3A_569] : memref<3200x8xf32, #tpu.memory_space<vmem>> -> memref<128x8xf32, #tpu.memory_space<vmem>>
      %dma_wait3A_571 = arith.constant 0 : i32
      %dma_wait3A_572 = arith.constant 0 : i32
      %dma_wait3A_573 = tpu.memref_slice %arg3[%dma_wait3A_571, %dma_wait3A_572] : memref<100000x8xf32, #tpu.memory_space<hbm>> -> memref<100000x8xf32, #tpu.memory_space<hbm>>
      tpu.wait_indirect_dma semaphore(%arg6 : memref<!tpu.dma_semaphore, #tpu.memory_space<semaphore_mem>>) src(%dma_wait3A_573 : memref<100000x8xf32, #tpu.memory_space<hbm>>) dst(%dma_wait3A_570 : memref<128x8xf32, #tpu.memory_space<vmem>>)
      %dma_wait3A_574 = arith.constant 1152 : i32
      %dma_wait3A_575 = arith.constant 0 : i32
      %dma_wait3A_576 = tpu.memref_slice %arg5[%dma_wait3A_574, %dma_wait3A_575] : memref<3200x8xf32, #tpu.memory_space<vmem>> -> memref<128x8xf32, #tpu.memory_space<vmem>>
      %dma_wait3A_577 = arith.constant 0 : i32
      %dma_wait3A_578 = arith.constant 0 : i32
      %dma_wait3A_579 = tpu.memref_slice %arg3[%dma_wait3A_577, %dma_wait3A_578] : memref<100000x8xf32, #tpu.memory_space<hbm>> -> memref<100000x8xf32, #tpu.memory_space<hbm>>
      tpu.wait_indirect_dma semaphore(%arg6 : memref<!tpu.dma_semaphore, #tpu.memory_space<semaphore_mem>>) src(%dma_wait3A_579 : memref<100000x8xf32, #tpu.memory_space<hbm>>) dst(%dma_wait3A_576 : memref<128x8xf32, #tpu.memory_space<vmem>>)
      %dma_wait3A_580 = arith.constant 1280 : i32
      %dma_wait3A_581 = arith.constant 0 : i32
      %dma_wait3A_582 = tpu.memref_slice %arg5[%dma_wait3A_580, %dma_wait3A_581] : memref<3200x8xf32, #tpu.memory_space<vmem>> -> memref<128x8xf32, #tpu.memory_space<vmem>>
      %dma_wait3A_583 = arith.constant 0 : i32
      %dma_wait3A_584 = arith.constant 0 : i32
      %dma_wait3A_585 = tpu.memref_slice %arg3[%dma_wait3A_583, %dma_wait3A_584] : memref<100000x8xf32, #tpu.memory_space<hbm>> -> memref<100000x8xf32, #tpu.memory_space<hbm>>
      tpu.wait_indirect_dma semaphore(%arg6 : memref<!tpu.dma_semaphore, #tpu.memory_space<semaphore_mem>>) src(%dma_wait3A_585 : memref<100000x8xf32, #tpu.memory_space<hbm>>) dst(%dma_wait3A_582 : memref<128x8xf32, #tpu.memory_space<vmem>>)
      %dma_wait3A_586 = arith.constant 1408 : i32
      %dma_wait3A_587 = arith.constant 0 : i32
      %dma_wait3A_588 = tpu.memref_slice %arg5[%dma_wait3A_586, %dma_wait3A_587] : memref<3200x8xf32, #tpu.memory_space<vmem>> -> memref<128x8xf32, #tpu.memory_space<vmem>>
      %dma_wait3A_589 = arith.constant 0 : i32
      %dma_wait3A_590 = arith.constant 0 : i32
      %dma_wait3A_591 = tpu.memref_slice %arg3[%dma_wait3A_589, %dma_wait3A_590] : memref<100000x8xf32, #tpu.memory_space<hbm>> -> memref<100000x8xf32, #tpu.memory_space<hbm>>
      tpu.wait_indirect_dma semaphore(%arg6 : memref<!tpu.dma_semaphore, #tpu.memory_space<semaphore_mem>>) src(%dma_wait3A_591 : memref<100000x8xf32, #tpu.memory_space<hbm>>) dst(%dma_wait3A_588 : memref<128x8xf32, #tpu.memory_space<vmem>>)
      %dma_wait3A_592 = arith.constant 1536 : i32
      %dma_wait3A_593 = arith.constant 0 : i32
      %dma_wait3A_594 = tpu.memref_slice %arg5[%dma_wait3A_592, %dma_wait3A_593] : memref<3200x8xf32, #tpu.memory_space<vmem>> -> memref<128x8xf32, #tpu.memory_space<vmem>>
      %dma_wait3A_595 = arith.constant 0 : i32
      %dma_wait3A_596 = arith.constant 0 : i32
      %dma_wait3A_597 = tpu.memref_slice %arg3[%dma_wait3A_595, %dma_wait3A_596] : memref<100000x8xf32, #tpu.memory_space<hbm>> -> memref<100000x8xf32, #tpu.memory_space<hbm>>
      tpu.wait_indirect_dma semaphore(%arg6 : memref<!tpu.dma_semaphore, #tpu.memory_space<semaphore_mem>>) src(%dma_wait3A_597 : memref<100000x8xf32, #tpu.memory_space<hbm>>) dst(%dma_wait3A_594 : memref<128x8xf32, #tpu.memory_space<vmem>>)
      %dma_wait3A_598 = arith.constant 1664 : i32
      %dma_wait3A_599 = arith.constant 0 : i32
      %dma_wait3A_600 = tpu.memref_slice %arg5[%dma_wait3A_598, %dma_wait3A_599] : memref<3200x8xf32, #tpu.memory_space<vmem>> -> memref<128x8xf32, #tpu.memory_space<vmem>>
      %dma_wait3A_601 = arith.constant 0 : i32
      %dma_wait3A_602 = arith.constant 0 : i32
      %dma_wait3A_603 = tpu.memref_slice %arg3[%dma_wait3A_601, %dma_wait3A_602] : memref<100000x8xf32, #tpu.memory_space<hbm>> -> memref<100000x8xf32, #tpu.memory_space<hbm>>
      tpu.wait_indirect_dma semaphore(%arg6 : memref<!tpu.dma_semaphore, #tpu.memory_space<semaphore_mem>>) src(%dma_wait3A_603 : memref<100000x8xf32, #tpu.memory_space<hbm>>) dst(%dma_wait3A_600 : memref<128x8xf32, #tpu.memory_space<vmem>>)
      %dma_wait3A_604 = arith.constant 1792 : i32
      %dma_wait3A_605 = arith.constant 0 : i32
      %dma_wait3A_606 = tpu.memref_slice %arg5[%dma_wait3A_604, %dma_wait3A_605] : memref<3200x8xf32, #tpu.memory_space<vmem>> -> memref<128x8xf32, #tpu.memory_space<vmem>>
      %dma_wait3A_607 = arith.constant 0 : i32
      %dma_wait3A_608 = arith.constant 0 : i32
      %dma_wait3A_609 = tpu.memref_slice %arg3[%dma_wait3A_607, %dma_wait3A_608] : memref<100000x8xf32, #tpu.memory_space<hbm>> -> memref<100000x8xf32, #tpu.memory_space<hbm>>
      tpu.wait_indirect_dma semaphore(%arg6 : memref<!tpu.dma_semaphore, #tpu.memory_space<semaphore_mem>>) src(%dma_wait3A_609 : memref<100000x8xf32, #tpu.memory_space<hbm>>) dst(%dma_wait3A_606 : memref<128x8xf32, #tpu.memory_space<vmem>>)
      %dma_wait3A_610 = arith.constant 1920 : i32
      %dma_wait3A_611 = arith.constant 0 : i32
      %dma_wait3A_612 = tpu.memref_slice %arg5[%dma_wait3A_610, %dma_wait3A_611] : memref<3200x8xf32, #tpu.memory_space<vmem>> -> memref<128x8xf32, #tpu.memory_space<vmem>>
      %dma_wait3A_613 = arith.constant 0 : i32
      %dma_wait3A_614 = arith.constant 0 : i32
      %dma_wait3A_615 = tpu.memref_slice %arg3[%dma_wait3A_613, %dma_wait3A_614] : memref<100000x8xf32, #tpu.memory_space<hbm>> -> memref<100000x8xf32, #tpu.memory_space<hbm>>
      tpu.wait_indirect_dma semaphore(%arg6 : memref<!tpu.dma_semaphore, #tpu.memory_space<semaphore_mem>>) src(%dma_wait3A_615 : memref<100000x8xf32, #tpu.memory_space<hbm>>) dst(%dma_wait3A_612 : memref<128x8xf32, #tpu.memory_space<vmem>>)
      %dma_wait3A_616 = arith.constant 2048 : i32
      %dma_wait3A_617 = arith.constant 0 : i32
      %dma_wait3A_618 = tpu.memref_slice %arg5[%dma_wait3A_616, %dma_wait3A_617] : memref<3200x8xf32, #tpu.memory_space<vmem>> -> memref<128x8xf32, #tpu.memory_space<vmem>>
      %dma_wait3A_619 = arith.constant 0 : i32
      %dma_wait3A_620 = arith.constant 0 : i32
      %dma_wait3A_621 = tpu.memref_slice %arg3[%dma_wait3A_619, %dma_wait3A_620] : memref<100000x8xf32, #tpu.memory_space<hbm>> -> memref<100000x8xf32, #tpu.memory_space<hbm>>
      tpu.wait_indirect_dma semaphore(%arg6 : memref<!tpu.dma_semaphore, #tpu.memory_space<semaphore_mem>>) src(%dma_wait3A_621 : memref<100000x8xf32, #tpu.memory_space<hbm>>) dst(%dma_wait3A_618 : memref<128x8xf32, #tpu.memory_space<vmem>>)
      %dma_wait3A_622 = arith.constant 2176 : i32
      %dma_wait3A_623 = arith.constant 0 : i32
      %dma_wait3A_624 = tpu.memref_slice %arg5[%dma_wait3A_622, %dma_wait3A_623] : memref<3200x8xf32, #tpu.memory_space<vmem>> -> memref<128x8xf32, #tpu.memory_space<vmem>>
      %dma_wait3A_625 = arith.constant 0 : i32
      %dma_wait3A_626 = arith.constant 0 : i32
      %dma_wait3A_627 = tpu.memref_slice %arg3[%dma_wait3A_625, %dma_wait3A_626] : memref<100000x8xf32, #tpu.memory_space<hbm>> -> memref<100000x8xf32, #tpu.memory_space<hbm>>
      tpu.wait_indirect_dma semaphore(%arg6 : memref<!tpu.dma_semaphore, #tpu.memory_space<semaphore_mem>>) src(%dma_wait3A_627 : memref<100000x8xf32, #tpu.memory_space<hbm>>) dst(%dma_wait3A_624 : memref<128x8xf32, #tpu.memory_space<vmem>>)
      %dma_wait3A_628 = arith.constant 2304 : i32
      %dma_wait3A_629 = arith.constant 0 : i32
      %dma_wait3A_630 = tpu.memref_slice %arg5[%dma_wait3A_628, %dma_wait3A_629] : memref<3200x8xf32, #tpu.memory_space<vmem>> -> memref<128x8xf32, #tpu.memory_space<vmem>>
      %dma_wait3A_631 = arith.constant 0 : i32
      %dma_wait3A_632 = arith.constant 0 : i32
      %dma_wait3A_633 = tpu.memref_slice %arg3[%dma_wait3A_631, %dma_wait3A_632] : memref<100000x8xf32, #tpu.memory_space<hbm>> -> memref<100000x8xf32, #tpu.memory_space<hbm>>
      tpu.wait_indirect_dma semaphore(%arg6 : memref<!tpu.dma_semaphore, #tpu.memory_space<semaphore_mem>>) src(%dma_wait3A_633 : memref<100000x8xf32, #tpu.memory_space<hbm>>) dst(%dma_wait3A_630 : memref<128x8xf32, #tpu.memory_space<vmem>>)
      %dma_wait3A_634 = arith.constant 2432 : i32
      %dma_wait3A_635 = arith.constant 0 : i32
      %dma_wait3A_636 = tpu.memref_slice %arg5[%dma_wait3A_634, %dma_wait3A_635] : memref<3200x8xf32, #tpu.memory_space<vmem>> -> memref<128x8xf32, #tpu.memory_space<vmem>>
      %dma_wait3A_637 = arith.constant 0 : i32
      %dma_wait3A_638 = arith.constant 0 : i32
      %dma_wait3A_639 = tpu.memref_slice %arg3[%dma_wait3A_637, %dma_wait3A_638] : memref<100000x8xf32, #tpu.memory_space<hbm>> -> memref<100000x8xf32, #tpu.memory_space<hbm>>
      tpu.wait_indirect_dma semaphore(%arg6 : memref<!tpu.dma_semaphore, #tpu.memory_space<semaphore_mem>>) src(%dma_wait3A_639 : memref<100000x8xf32, #tpu.memory_space<hbm>>) dst(%dma_wait3A_636 : memref<128x8xf32, #tpu.memory_space<vmem>>)
      %dma_wait3A_640 = arith.constant 2560 : i32
      %dma_wait3A_641 = arith.constant 0 : i32
      %dma_wait3A_642 = tpu.memref_slice %arg5[%dma_wait3A_640, %dma_wait3A_641] : memref<3200x8xf32, #tpu.memory_space<vmem>> -> memref<128x8xf32, #tpu.memory_space<vmem>>
      %dma_wait3A_643 = arith.constant 0 : i32
      %dma_wait3A_644 = arith.constant 0 : i32
      %dma_wait3A_645 = tpu.memref_slice %arg3[%dma_wait3A_643, %dma_wait3A_644] : memref<100000x8xf32, #tpu.memory_space<hbm>> -> memref<100000x8xf32, #tpu.memory_space<hbm>>
      tpu.wait_indirect_dma semaphore(%arg6 : memref<!tpu.dma_semaphore, #tpu.memory_space<semaphore_mem>>) src(%dma_wait3A_645 : memref<100000x8xf32, #tpu.memory_space<hbm>>) dst(%dma_wait3A_642 : memref<128x8xf32, #tpu.memory_space<vmem>>)
      %dma_wait3A_646 = arith.constant 2688 : i32
      %dma_wait3A_647 = arith.constant 0 : i32
      %dma_wait3A_648 = tpu.memref_slice %arg5[%dma_wait3A_646, %dma_wait3A_647] : memref<3200x8xf32, #tpu.memory_space<vmem>> -> memref<128x8xf32, #tpu.memory_space<vmem>>
      %dma_wait3A_649 = arith.constant 0 : i32
      %dma_wait3A_650 = arith.constant 0 : i32
      %dma_wait3A_651 = tpu.memref_slice %arg3[%dma_wait3A_649, %dma_wait3A_650] : memref<100000x8xf32, #tpu.memory_space<hbm>> -> memref<100000x8xf32, #tpu.memory_space<hbm>>
      tpu.wait_indirect_dma semaphore(%arg6 : memref<!tpu.dma_semaphore, #tpu.memory_space<semaphore_mem>>) src(%dma_wait3A_651 : memref<100000x8xf32, #tpu.memory_space<hbm>>) dst(%dma_wait3A_648 : memref<128x8xf32, #tpu.memory_space<vmem>>)
      %dma_wait3A_652 = arith.constant 2816 : i32
      %dma_wait3A_653 = arith.constant 0 : i32
      %dma_wait3A_654 = tpu.memref_slice %arg5[%dma_wait3A_652, %dma_wait3A_653] : memref<3200x8xf32, #tpu.memory_space<vmem>> -> memref<128x8xf32, #tpu.memory_space<vmem>>
      %dma_wait3A_655 = arith.constant 0 : i32
      %dma_wait3A_656 = arith.constant 0 : i32
      %dma_wait3A_657 = tpu.memref_slice %arg3[%dma_wait3A_655, %dma_wait3A_656] : memref<100000x8xf32, #tpu.memory_space<hbm>> -> memref<100000x8xf32, #tpu.memory_space<hbm>>
      tpu.wait_indirect_dma semaphore(%arg6 : memref<!tpu.dma_semaphore, #tpu.memory_space<semaphore_mem>>) src(%dma_wait3A_657 : memref<100000x8xf32, #tpu.memory_space<hbm>>) dst(%dma_wait3A_654 : memref<128x8xf32, #tpu.memory_space<vmem>>)
      %dma_wait3A_658 = arith.constant 2944 : i32
      %dma_wait3A_659 = arith.constant 0 : i32
      %dma_wait3A_660 = tpu.memref_slice %arg5[%dma_wait3A_658, %dma_wait3A_659] : memref<3200x8xf32, #tpu.memory_space<vmem>> -> memref<128x8xf32, #tpu.memory_space<vmem>>
      %dma_wait3A_661 = arith.constant 0 : i32
      %dma_wait3A_662 = arith.constant 0 : i32
      %dma_wait3A_663 = tpu.memref_slice %arg3[%dma_wait3A_661, %dma_wait3A_662] : memref<100000x8xf32, #tpu.memory_space<hbm>> -> memref<100000x8xf32, #tpu.memory_space<hbm>>
      tpu.wait_indirect_dma semaphore(%arg6 : memref<!tpu.dma_semaphore, #tpu.memory_space<semaphore_mem>>) src(%dma_wait3A_663 : memref<100000x8xf32, #tpu.memory_space<hbm>>) dst(%dma_wait3A_660 : memref<128x8xf32, #tpu.memory_space<vmem>>)
      %dma_wait3A_664 = arith.constant 3072 : i32
      %dma_wait3A_665 = arith.constant 0 : i32
      %dma_wait3A_666 = tpu.memref_slice %arg5[%dma_wait3A_664, %dma_wait3A_665] : memref<3200x8xf32, #tpu.memory_space<vmem>> -> memref<128x8xf32, #tpu.memory_space<vmem>>
      %dma_wait3A_667 = arith.constant 0 : i32
      %dma_wait3A_668 = arith.constant 0 : i32
      %dma_wait3A_669 = tpu.memref_slice %arg3[%dma_wait3A_667, %dma_wait3A_668] : memref<100000x8xf32, #tpu.memory_space<hbm>> -> memref<100000x8xf32, #tpu.memory_space<hbm>>
      tpu.wait_indirect_dma semaphore(%arg6 : memref<!tpu.dma_semaphore, #tpu.memory_space<semaphore_mem>>) src(%dma_wait3A_669 : memref<100000x8xf32, #tpu.memory_space<hbm>>) dst(%dma_wait3A_666 : memref<128x8xf32, #tpu.memory_space<vmem>>)
      "tpu.region"() ({
        %run_scoped3A = tpu.sem_alloc : memref<!tpu.dma_semaphore, #tpu.memory_space<semaphore_mem>>
        %dma_start3A_670 = arith.constant 0 : i32
        %dma_start3A_671 = tpu.memref_slice %arg4[%mul3A_21, %dma_start3A_670] : memref<6400000x8xf32, #tpu.memory_space<hbm>> -> memref<3200x8xf32, #tpu.memory_space<hbm>>
        %dma_start3A_672 = arith.constant 0 : i32
        %dma_start3A_673 = tpu.memref_slice %arg4[%mul3A_21, %dma_start3A_672] : memref<6400000x8xf32, #tpu.memory_space<hbm>> -> memref<3200x8xf32, #tpu.memory_space<hbm>>
        tpu.enqueue_dma source(%arg5 : memref<3200x8xf32, #tpu.memory_space<vmem>>) target(%dma_start3A_673 : memref<3200x8xf32, #tpu.memory_space<hbm>>) target_semaphore(%run_scoped3A : memref<!tpu.dma_semaphore, #tpu.memory_space<semaphore_mem>>)
        %dma_wait3A_674 = arith.constant 0 : i32
        %dma_wait3A_675 = tpu.memref_slice %arg4[%mul3A_21, %dma_wait3A_674] : memref<6400000x8xf32, #tpu.memory_space<hbm>> -> memref<3200x8xf32, #tpu.memory_space<hbm>>
        %dma_wait3A_676 = arith.constant 0 : i32
        %dma_wait3A_677 = tpu.memref_slice %arg4[%mul3A_21, %dma_wait3A_676] : memref<6400000x8xf32, #tpu.memory_space<hbm>> -> memref<3200x8xf32, #tpu.memory_space<hbm>>
        tpu.wait_dma2 semaphore(%run_scoped3A : memref<!tpu.dma_semaphore, #tpu.memory_space<semaphore_mem>>) src(%arg5 : memref<3200x8xf32, #tpu.memory_space<vmem>>) dst(%dma_wait3A_677 : memref<3200x8xf32, #tpu.memory_space<hbm>>)
        tpu.yield
      }) : () -> ()
    }
    return
  }
}

#map = affine_map<(d0, d1) -> (0, 0)>
#map1 = affine_map<(d0, d1) -> (0, 0, 0)>
module attributes {stable_mosaic.version = 14 : i64} {
  func.func @_scatter_kernel(%arg0: i32, %arg1: i32, %arg2: memref<50000x128xi32, #tpu.memory_space<hbm>>, %arg3: memref<6400000x8xf32, #tpu.memory_space<hbm>>, %arg4: memref<100000x8xf32, #tpu.memory_space<hbm>>, %arg5: memref<2x100000x8xf32, #tpu.memory_space<hbm>>, %arg6: memref<100000x8xf32, #tpu.memory_space<vmem_shared>>, %arg7: memref<3200x8xf32, #tpu.memory_space<vmem>>, %arg8: memref<6250x8xf32, #tpu.memory_space<vmem>>, %arg9: memref<!tpu.dma_semaphore, #tpu.memory_space<semaphore_mem>>, %arg10: memref<128xi32, #tpu.memory_space<vmem>>, %arg11: memref<128xi32, #tpu.memory_space<vmem>>, %arg12: memref<128xi32, #tpu.memory_space<vmem>>, %arg13: memref<128xi32, #tpu.memory_space<vmem>>, %arg14: memref<128xi32, #tpu.memory_space<vmem>>, %arg15: memref<128xi32, #tpu.memory_space<vmem>>, %arg16: memref<128xi32, #tpu.memory_space<vmem>>, %arg17: memref<128xi32, #tpu.memory_space<vmem>>, %arg18: memref<128xi32, #tpu.memory_space<vmem>>, %arg19: memref<128xi32, #tpu.memory_space<vmem>>, %arg20: memref<128xi32, #tpu.memory_space<vmem>>, %arg21: memref<128xi32, #tpu.memory_space<vmem>>, %arg22: memref<128xi32, #tpu.memory_space<vmem>>, %arg23: memref<128xi32, #tpu.memory_space<vmem>>, %arg24: memref<128xi32, #tpu.memory_space<vmem>>, %arg25: memref<128xi32, #tpu.memory_space<vmem>>, %arg26: memref<128xi32, #tpu.memory_space<vmem>>, %arg27: memref<128xi32, #tpu.memory_space<vmem>>, %arg28: memref<128xi32, #tpu.memory_space<vmem>>, %arg29: memref<128xi32, #tpu.memory_space<vmem>>, %arg30: memref<128xi32, #tpu.memory_space<vmem>>, %arg31: memref<128xi32, #tpu.memory_space<vmem>>, %arg32: memref<128xi32, #tpu.memory_space<vmem>>, %arg33: memref<128xi32, #tpu.memory_space<vmem>>, %arg34: memref<128xi32, #tpu.memory_space<vmem>>) attributes {dimension_semantics = [#tpu.dimension_semantics<core_parallel>, #tpu.dimension_semantics<subcore_parallel>], iteration_bounds = array<i64: 2, 16>, scalar_prefetch = 0 : i64, scratch_operands = 29 : i64, tpu.core_type = #tpu.core_type<sc_vector_subcore>, window_params = [{transform_indices = #map}, {transform_indices = #map}, {transform_indices = #map}, {transform_indices = #map1}]} {
    %mul3A = arith.constant 2 : i32
    %mul3A_0 = arith.muli %arg1, %mul3A : i32
    %add3A = arith.addi %mul3A_0, %arg0 : i32
    %mul3A_1 = arith.constant 6250 : i32
    %mul3A_2 = arith.muli %arg1, %mul3A_1 : i32
    "tpu.region"() ({
      %run_scoped3A = tpu.sem_alloc : memref<!tpu.dma_semaphore, #tpu.memory_space<semaphore_mem>>
      %dma_start3A = arith.constant 0 : i32
      %dma_start3A_23 = tpu.memref_slice %arg4[%mul3A_2, %dma_start3A] : memref<100000x8xf32, #tpu.memory_space<hbm>> -> memref<6250x8xf32, #tpu.memory_space<hbm>>
      %dma_start3A_24 = arith.constant 0 : i32
      %dma_start3A_25 = tpu.memref_slice %arg4[%mul3A_2, %dma_start3A_24] : memref<100000x8xf32, #tpu.memory_space<hbm>> -> memref<6250x8xf32, #tpu.memory_space<hbm>>
      tpu.enqueue_dma source(%dma_start3A_25 : memref<6250x8xf32, #tpu.memory_space<hbm>>) target(%arg8 : memref<6250x8xf32, #tpu.memory_space<vmem>>) target_semaphore(%run_scoped3A : memref<!tpu.dma_semaphore, #tpu.memory_space<semaphore_mem>>)
      %dma_wait3A = arith.constant 0 : i32
      %dma_wait3A_26 = tpu.memref_slice %arg4[%mul3A_2, %dma_wait3A] : memref<100000x8xf32, #tpu.memory_space<hbm>> -> memref<6250x8xf32, #tpu.memory_space<hbm>>
      %dma_wait3A_27 = arith.constant 0 : i32
      %dma_wait3A_28 = tpu.memref_slice %arg4[%mul3A_2, %dma_wait3A_27] : memref<100000x8xf32, #tpu.memory_space<hbm>> -> memref<6250x8xf32, #tpu.memory_space<hbm>>
      tpu.wait_dma2 semaphore(%run_scoped3A : memref<!tpu.dma_semaphore, #tpu.memory_space<semaphore_mem>>) src(%dma_wait3A_28 : memref<6250x8xf32, #tpu.memory_space<hbm>>) dst(%arg8 : memref<6250x8xf32, #tpu.memory_space<vmem>>)
      tpu.yield
    }) : () -> ()
    %mul3A_3 = arith.constant 6250 : i32
    %mul3A_4 = arith.muli %arg1, %mul3A_3 : i32
    "tpu.region"() ({
      %run_scoped3A = tpu.sem_alloc : memref<!tpu.dma_semaphore, #tpu.memory_space<semaphore_mem>>
      %dma_start3A = arith.constant 0 : i32
      %dma_start3A_23 = tpu.memref_slice %arg6[%mul3A_4, %dma_start3A] : memref<100000x8xf32, #tpu.memory_space<vmem_shared>> -> memref<6250x8xf32, #tpu.memory_space<vmem_shared>>
      %dma_start3A_24 = arith.constant 0 : i32
      %dma_start3A_25 = tpu.memref_slice %arg6[%mul3A_4, %dma_start3A_24] : memref<100000x8xf32, #tpu.memory_space<vmem_shared>> -> memref<6250x8xf32, #tpu.memory_space<vmem_shared>>
      tpu.enqueue_dma source(%arg8 : memref<6250x8xf32, #tpu.memory_space<vmem>>) target(%dma_start3A_25 : memref<6250x8xf32, #tpu.memory_space<vmem_shared>>) target_semaphore(%run_scoped3A : memref<!tpu.dma_semaphore, #tpu.memory_space<semaphore_mem>>)
      %dma_wait3A = arith.constant 0 : i32
      %dma_wait3A_26 = tpu.memref_slice %arg6[%mul3A_4, %dma_wait3A] : memref<100000x8xf32, #tpu.memory_space<vmem_shared>> -> memref<6250x8xf32, #tpu.memory_space<vmem_shared>>
      %dma_wait3A_27 = arith.constant 0 : i32
      %dma_wait3A_28 = tpu.memref_slice %arg6[%mul3A_4, %dma_wait3A_27] : memref<100000x8xf32, #tpu.memory_space<vmem_shared>> -> memref<6250x8xf32, #tpu.memory_space<vmem_shared>>
      tpu.wait_dma2 semaphore(%run_scoped3A : memref<!tpu.dma_semaphore, #tpu.memory_space<semaphore_mem>>) src(%arg8 : memref<6250x8xf32, #tpu.memory_space<vmem>>) dst(%dma_wait3A_28 : memref<6250x8xf32, #tpu.memory_space<vmem_shared>>)
      tpu.yield
    }) : () -> ()
    %barrier3A = arith.constant 0 : index
    tpu.barrier barrier_id(%barrier3A)
    %lt3A = arith.constant 16 : i32
    %lt3A_5 = arith.cmpi slt, %add3A, %lt3A : i32
    %jit3A = arith.constant 1 : i32
    %jit3A_6 = arith.constant 0 : i32
    %select_n3A = arith.select %lt3A_5, %jit3A, %jit3A_6 : i32
    %add3A_7 = arith.constant 62 : i32
    %add3A_8 = arith.addi %add3A_7, %select_n3A : i32
    %while3A = arith.constant 0 : i32
    %while3A_9 = arith.constant 0 : i32
    %while3A_10 = arith.subi %add3A_8, %while3A_9 : i32
    %while3A_11 = arith.addi %while3A_9, %while3A_10 : i32
    %while3A_12 = arith.constant 1 : i32
    %while3A_13 = arith.divsi %while3A_10, %while3A_12 : i32
    %while3A_14 = arith.muli %while3A_13, %while3A_12 : i32
    %while3A_15 = arith.addi %while3A_9, %while3A_14 : i32
    %while3A_16 = arith.constant 1 : i32
    scf.for %while3A_23 = %while3A_9 to %while3A_15 step %while3A_16  : i32 {
      %mul3A_24 = arith.constant 32 : i32
      %mul3A_25 = arith.muli %while3A_23, %mul3A_24 : i32
      %add3A_26 = arith.addi %add3A, %mul3A_25 : i32
      %mul3A_27 = arith.constant 25 : i32
      %mul3A_28 = arith.muli %add3A_26, %mul3A_27 : i32
      %mul3A_29 = arith.constant 3200 : i32
      %mul3A_30 = arith.muli %add3A_26, %mul3A_29 : i32
      %add3A_31 = arith.constant 0 : i32
      %add3A_32 = arith.addi %mul3A_28, %add3A_31 : i32
      %dma_start3A = arith.constant 0 : i32
      %dma_start3A_33 = tpu.memref_slice %arg2[%add3A_32, %dma_start3A] : memref<50000x128xi32, #tpu.memory_space<hbm>> -> memref<1x128xi32, #tpu.memory_space<hbm>>
      %dma_start3A_34 = tpu.memref_squeeze %dma_start3A_33 : memref<1x128xi32, #tpu.memory_space<hbm>> -> memref<128xi32, #tpu.memory_space<hbm>>
      %dma_start3A_35 = arith.constant 0 : i32
      %dma_start3A_36 = tpu.memref_slice %arg2[%add3A_32, %dma_start3A_35] : memref<50000x128xi32, #tpu.memory_space<hbm>> -> memref<1x128xi32, #tpu.memory_space<hbm>>
      %dma_start3A_37 = tpu.memref_squeeze %dma_start3A_36 : memref<1x128xi32, #tpu.memory_space<hbm>> -> memref<128xi32, #tpu.memory_space<hbm>>
      tpu.enqueue_dma source(%dma_start3A_37 : memref<128xi32, #tpu.memory_space<hbm>>) target(%arg10 : memref<128xi32, #tpu.memory_space<vmem>>) target_semaphore(%arg9 : memref<!tpu.dma_semaphore, #tpu.memory_space<semaphore_mem>>)
      %add3A_38 = arith.constant 1 : i32
      %add3A_39 = arith.addi %mul3A_28, %add3A_38 : i32
      %dma_start3A_40 = arith.constant 0 : i32
      %dma_start3A_41 = tpu.memref_slice %arg2[%add3A_39, %dma_start3A_40] : memref<50000x128xi32, #tpu.memory_space<hbm>> -> memref<1x128xi32, #tpu.memory_space<hbm>>
      %dma_start3A_42 = tpu.memref_squeeze %dma_start3A_41 : memref<1x128xi32, #tpu.memory_space<hbm>> -> memref<128xi32, #tpu.memory_space<hbm>>
      %dma_start3A_43 = arith.constant 0 : i32
      %dma_start3A_44 = tpu.memref_slice %arg2[%add3A_39, %dma_start3A_43] : memref<50000x128xi32, #tpu.memory_space<hbm>> -> memref<1x128xi32, #tpu.memory_space<hbm>>
      %dma_start3A_45 = tpu.memref_squeeze %dma_start3A_44 : memref<1x128xi32, #tpu.memory_space<hbm>> -> memref<128xi32, #tpu.memory_space<hbm>>
      tpu.enqueue_dma source(%dma_start3A_45 : memref<128xi32, #tpu.memory_space<hbm>>) target(%arg11 : memref<128xi32, #tpu.memory_space<vmem>>) target_semaphore(%arg9 : memref<!tpu.dma_semaphore, #tpu.memory_space<semaphore_mem>>)
      %add3A_46 = arith.constant 2 : i32
      %add3A_47 = arith.addi %mul3A_28, %add3A_46 : i32
      %dma_start3A_48 = arith.constant 0 : i32
      %dma_start3A_49 = tpu.memref_slice %arg2[%add3A_47, %dma_start3A_48] : memref<50000x128xi32, #tpu.memory_space<hbm>> -> memref<1x128xi32, #tpu.memory_space<hbm>>
      %dma_start3A_50 = tpu.memref_squeeze %dma_start3A_49 : memref<1x128xi32, #tpu.memory_space<hbm>> -> memref<128xi32, #tpu.memory_space<hbm>>
      %dma_start3A_51 = arith.constant 0 : i32
      %dma_start3A_52 = tpu.memref_slice %arg2[%add3A_47, %dma_start3A_51] : memref<50000x128xi32, #tpu.memory_space<hbm>> -> memref<1x128xi32, #tpu.memory_space<hbm>>
      %dma_start3A_53 = tpu.memref_squeeze %dma_start3A_52 : memref<1x128xi32, #tpu.memory_space<hbm>> -> memref<128xi32, #tpu.memory_space<hbm>>
      tpu.enqueue_dma source(%dma_start3A_53 : memref<128xi32, #tpu.memory_space<hbm>>) target(%arg12 : memref<128xi32, #tpu.memory_space<vmem>>) target_semaphore(%arg9 : memref<!tpu.dma_semaphore, #tpu.memory_space<semaphore_mem>>)
      %add3A_54 = arith.constant 3 : i32
      %add3A_55 = arith.addi %mul3A_28, %add3A_54 : i32
      %dma_start3A_56 = arith.constant 0 : i32
      %dma_start3A_57 = tpu.memref_slice %arg2[%add3A_55, %dma_start3A_56] : memref<50000x128xi32, #tpu.memory_space<hbm>> -> memref<1x128xi32, #tpu.memory_space<hbm>>
      %dma_start3A_58 = tpu.memref_squeeze %dma_start3A_57 : memref<1x128xi32, #tpu.memory_space<hbm>> -> memref<128xi32, #tpu.memory_space<hbm>>
      %dma_start3A_59 = arith.constant 0 : i32
      %dma_start3A_60 = tpu.memref_slice %arg2[%add3A_55, %dma_start3A_59] : memref<50000x128xi32, #tpu.memory_space<hbm>> -> memref<1x128xi32, #tpu.memory_space<hbm>>
      %dma_start3A_61 = tpu.memref_squeeze %dma_start3A_60 : memref<1x128xi32, #tpu.memory_space<hbm>> -> memref<128xi32, #tpu.memory_space<hbm>>
      tpu.enqueue_dma source(%dma_start3A_61 : memref<128xi32, #tpu.memory_space<hbm>>) target(%arg13 : memref<128xi32, #tpu.memory_space<vmem>>) target_semaphore(%arg9 : memref<!tpu.dma_semaphore, #tpu.memory_space<semaphore_mem>>)
      %add3A_62 = arith.constant 4 : i32
      %add3A_63 = arith.addi %mul3A_28, %add3A_62 : i32
      %dma_start3A_64 = arith.constant 0 : i32
      %dma_start3A_65 = tpu.memref_slice %arg2[%add3A_63, %dma_start3A_64] : memref<50000x128xi32, #tpu.memory_space<hbm>> -> memref<1x128xi32, #tpu.memory_space<hbm>>
      %dma_start3A_66 = tpu.memref_squeeze %dma_start3A_65 : memref<1x128xi32, #tpu.memory_space<hbm>> -> memref<128xi32, #tpu.memory_space<hbm>>
      %dma_start3A_67 = arith.constant 0 : i32
      %dma_start3A_68 = tpu.memref_slice %arg2[%add3A_63, %dma_start3A_67] : memref<50000x128xi32, #tpu.memory_space<hbm>> -> memref<1x128xi32, #tpu.memory_space<hbm>>
      %dma_start3A_69 = tpu.memref_squeeze %dma_start3A_68 : memref<1x128xi32, #tpu.memory_space<hbm>> -> memref<128xi32, #tpu.memory_space<hbm>>
      tpu.enqueue_dma source(%dma_start3A_69 : memref<128xi32, #tpu.memory_space<hbm>>) target(%arg14 : memref<128xi32, #tpu.memory_space<vmem>>) target_semaphore(%arg9 : memref<!tpu.dma_semaphore, #tpu.memory_space<semaphore_mem>>)
      %add3A_70 = arith.constant 5 : i32
      %add3A_71 = arith.addi %mul3A_28, %add3A_70 : i32
      %dma_start3A_72 = arith.constant 0 : i32
      %dma_start3A_73 = tpu.memref_slice %arg2[%add3A_71, %dma_start3A_72] : memref<50000x128xi32, #tpu.memory_space<hbm>> -> memref<1x128xi32, #tpu.memory_space<hbm>>
      %dma_start3A_74 = tpu.memref_squeeze %dma_start3A_73 : memref<1x128xi32, #tpu.memory_space<hbm>> -> memref<128xi32, #tpu.memory_space<hbm>>
      %dma_start3A_75 = arith.constant 0 : i32
      %dma_start3A_76 = tpu.memref_slice %arg2[%add3A_71, %dma_start3A_75] : memref<50000x128xi32, #tpu.memory_space<hbm>> -> memref<1x128xi32, #tpu.memory_space<hbm>>
      %dma_start3A_77 = tpu.memref_squeeze %dma_start3A_76 : memref<1x128xi32, #tpu.memory_space<hbm>> -> memref<128xi32, #tpu.memory_space<hbm>>
      tpu.enqueue_dma source(%dma_start3A_77 : memref<128xi32, #tpu.memory_space<hbm>>) target(%arg15 : memref<128xi32, #tpu.memory_space<vmem>>) target_semaphore(%arg9 : memref<!tpu.dma_semaphore, #tpu.memory_space<semaphore_mem>>)
      %add3A_78 = arith.constant 6 : i32
      %add3A_79 = arith.addi %mul3A_28, %add3A_78 : i32
      %dma_start3A_80 = arith.constant 0 : i32
      %dma_start3A_81 = tpu.memref_slice %arg2[%add3A_79, %dma_start3A_80] : memref<50000x128xi32, #tpu.memory_space<hbm>> -> memref<1x128xi32, #tpu.memory_space<hbm>>
      %dma_start3A_82 = tpu.memref_squeeze %dma_start3A_81 : memref<1x128xi32, #tpu.memory_space<hbm>> -> memref<128xi32, #tpu.memory_space<hbm>>
      %dma_start3A_83 = arith.constant 0 : i32
      %dma_start3A_84 = tpu.memref_slice %arg2[%add3A_79, %dma_start3A_83] : memref<50000x128xi32, #tpu.memory_space<hbm>> -> memref<1x128xi32, #tpu.memory_space<hbm>>
      %dma_start3A_85 = tpu.memref_squeeze %dma_start3A_84 : memref<1x128xi32, #tpu.memory_space<hbm>> -> memref<128xi32, #tpu.memory_space<hbm>>
      tpu.enqueue_dma source(%dma_start3A_85 : memref<128xi32, #tpu.memory_space<hbm>>) target(%arg16 : memref<128xi32, #tpu.memory_space<vmem>>) target_semaphore(%arg9 : memref<!tpu.dma_semaphore, #tpu.memory_space<semaphore_mem>>)
      %add3A_86 = arith.constant 7 : i32
      %add3A_87 = arith.addi %mul3A_28, %add3A_86 : i32
      %dma_start3A_88 = arith.constant 0 : i32
      %dma_start3A_89 = tpu.memref_slice %arg2[%add3A_87, %dma_start3A_88] : memref<50000x128xi32, #tpu.memory_space<hbm>> -> memref<1x128xi32, #tpu.memory_space<hbm>>
      %dma_start3A_90 = tpu.memref_squeeze %dma_start3A_89 : memref<1x128xi32, #tpu.memory_space<hbm>> -> memref<128xi32, #tpu.memory_space<hbm>>
      %dma_start3A_91 = arith.constant 0 : i32
      %dma_start3A_92 = tpu.memref_slice %arg2[%add3A_87, %dma_start3A_91] : memref<50000x128xi32, #tpu.memory_space<hbm>> -> memref<1x128xi32, #tpu.memory_space<hbm>>
      %dma_start3A_93 = tpu.memref_squeeze %dma_start3A_92 : memref<1x128xi32, #tpu.memory_space<hbm>> -> memref<128xi32, #tpu.memory_space<hbm>>
      tpu.enqueue_dma source(%dma_start3A_93 : memref<128xi32, #tpu.memory_space<hbm>>) target(%arg17 : memref<128xi32, #tpu.memory_space<vmem>>) target_semaphore(%arg9 : memref<!tpu.dma_semaphore, #tpu.memory_space<semaphore_mem>>)
      %add3A_94 = arith.constant 8 : i32
      %add3A_95 = arith.addi %mul3A_28, %add3A_94 : i32
      %dma_start3A_96 = arith.constant 0 : i32
      %dma_start3A_97 = tpu.memref_slice %arg2[%add3A_95, %dma_start3A_96] : memref<50000x128xi32, #tpu.memory_space<hbm>> -> memref<1x128xi32, #tpu.memory_space<hbm>>
      %dma_start3A_98 = tpu.memref_squeeze %dma_start3A_97 : memref<1x128xi32, #tpu.memory_space<hbm>> -> memref<128xi32, #tpu.memory_space<hbm>>
      %dma_start3A_99 = arith.constant 0 : i32
      %dma_start3A_100 = tpu.memref_slice %arg2[%add3A_95, %dma_start3A_99] : memref<50000x128xi32, #tpu.memory_space<hbm>> -> memref<1x128xi32, #tpu.memory_space<hbm>>
      %dma_start3A_101 = tpu.memref_squeeze %dma_start3A_100 : memref<1x128xi32, #tpu.memory_space<hbm>> -> memref<128xi32, #tpu.memory_space<hbm>>
      tpu.enqueue_dma source(%dma_start3A_101 : memref<128xi32, #tpu.memory_space<hbm>>) target(%arg18 : memref<128xi32, #tpu.memory_space<vmem>>) target_semaphore(%arg9 : memref<!tpu.dma_semaphore, #tpu.memory_space<semaphore_mem>>)
      %add3A_102 = arith.constant 9 : i32
      %add3A_103 = arith.addi %mul3A_28, %add3A_102 : i32
      %dma_start3A_104 = arith.constant 0 : i32
      %dma_start3A_105 = tpu.memref_slice %arg2[%add3A_103, %dma_start3A_104] : memref<50000x128xi32, #tpu.memory_space<hbm>> -> memref<1x128xi32, #tpu.memory_space<hbm>>
      %dma_start3A_106 = tpu.memref_squeeze %dma_start3A_105 : memref<1x128xi32, #tpu.memory_space<hbm>> -> memref<128xi32, #tpu.memory_space<hbm>>
      %dma_start3A_107 = arith.constant 0 : i32
      %dma_start3A_108 = tpu.memref_slice %arg2[%add3A_103, %dma_start3A_107] : memref<50000x128xi32, #tpu.memory_space<hbm>> -> memref<1x128xi32, #tpu.memory_space<hbm>>
      %dma_start3A_109 = tpu.memref_squeeze %dma_start3A_108 : memref<1x128xi32, #tpu.memory_space<hbm>> -> memref<128xi32, #tpu.memory_space<hbm>>
      tpu.enqueue_dma source(%dma_start3A_109 : memref<128xi32, #tpu.memory_space<hbm>>) target(%arg19 : memref<128xi32, #tpu.memory_space<vmem>>) target_semaphore(%arg9 : memref<!tpu.dma_semaphore, #tpu.memory_space<semaphore_mem>>)
      %add3A_110 = arith.constant 10 : i32
      %add3A_111 = arith.addi %mul3A_28, %add3A_110 : i32
      %dma_start3A_112 = arith.constant 0 : i32
      %dma_start3A_113 = tpu.memref_slice %arg2[%add3A_111, %dma_start3A_112] : memref<50000x128xi32, #tpu.memory_space<hbm>> -> memref<1x128xi32, #tpu.memory_space<hbm>>
      %dma_start3A_114 = tpu.memref_squeeze %dma_start3A_113 : memref<1x128xi32, #tpu.memory_space<hbm>> -> memref<128xi32, #tpu.memory_space<hbm>>
      %dma_start3A_115 = arith.constant 0 : i32
      %dma_start3A_116 = tpu.memref_slice %arg2[%add3A_111, %dma_start3A_115] : memref<50000x128xi32, #tpu.memory_space<hbm>> -> memref<1x128xi32, #tpu.memory_space<hbm>>
      %dma_start3A_117 = tpu.memref_squeeze %dma_start3A_116 : memref<1x128xi32, #tpu.memory_space<hbm>> -> memref<128xi32, #tpu.memory_space<hbm>>
      tpu.enqueue_dma source(%dma_start3A_117 : memref<128xi32, #tpu.memory_space<hbm>>) target(%arg20 : memref<128xi32, #tpu.memory_space<vmem>>) target_semaphore(%arg9 : memref<!tpu.dma_semaphore, #tpu.memory_space<semaphore_mem>>)
      %add3A_118 = arith.constant 11 : i32
      %add3A_119 = arith.addi %mul3A_28, %add3A_118 : i32
      %dma_start3A_120 = arith.constant 0 : i32
      %dma_start3A_121 = tpu.memref_slice %arg2[%add3A_119, %dma_start3A_120] : memref<50000x128xi32, #tpu.memory_space<hbm>> -> memref<1x128xi32, #tpu.memory_space<hbm>>
      %dma_start3A_122 = tpu.memref_squeeze %dma_start3A_121 : memref<1x128xi32, #tpu.memory_space<hbm>> -> memref<128xi32, #tpu.memory_space<hbm>>
      %dma_start3A_123 = arith.constant 0 : i32
      %dma_start3A_124 = tpu.memref_slice %arg2[%add3A_119, %dma_start3A_123] : memref<50000x128xi32, #tpu.memory_space<hbm>> -> memref<1x128xi32, #tpu.memory_space<hbm>>
      %dma_start3A_125 = tpu.memref_squeeze %dma_start3A_124 : memref<1x128xi32, #tpu.memory_space<hbm>> -> memref<128xi32, #tpu.memory_space<hbm>>
      tpu.enqueue_dma source(%dma_start3A_125 : memref<128xi32, #tpu.memory_space<hbm>>) target(%arg21 : memref<128xi32, #tpu.memory_space<vmem>>) target_semaphore(%arg9 : memref<!tpu.dma_semaphore, #tpu.memory_space<semaphore_mem>>)
      %add3A_126 = arith.constant 12 : i32
      %add3A_127 = arith.addi %mul3A_28, %add3A_126 : i32
      %dma_start3A_128 = arith.constant 0 : i32
      %dma_start3A_129 = tpu.memref_slice %arg2[%add3A_127, %dma_start3A_128] : memref<50000x128xi32, #tpu.memory_space<hbm>> -> memref<1x128xi32, #tpu.memory_space<hbm>>
      %dma_start3A_130 = tpu.memref_squeeze %dma_start3A_129 : memref<1x128xi32, #tpu.memory_space<hbm>> -> memref<128xi32, #tpu.memory_space<hbm>>
      %dma_start3A_131 = arith.constant 0 : i32
      %dma_start3A_132 = tpu.memref_slice %arg2[%add3A_127, %dma_start3A_131] : memref<50000x128xi32, #tpu.memory_space<hbm>> -> memref<1x128xi32, #tpu.memory_space<hbm>>
      %dma_start3A_133 = tpu.memref_squeeze %dma_start3A_132 : memref<1x128xi32, #tpu.memory_space<hbm>> -> memref<128xi32, #tpu.memory_space<hbm>>
      tpu.enqueue_dma source(%dma_start3A_133 : memref<128xi32, #tpu.memory_space<hbm>>) target(%arg22 : memref<128xi32, #tpu.memory_space<vmem>>) target_semaphore(%arg9 : memref<!tpu.dma_semaphore, #tpu.memory_space<semaphore_mem>>)
      %add3A_134 = arith.constant 13 : i32
      %add3A_135 = arith.addi %mul3A_28, %add3A_134 : i32
      %dma_start3A_136 = arith.constant 0 : i32
      %dma_start3A_137 = tpu.memref_slice %arg2[%add3A_135, %dma_start3A_136] : memref<50000x128xi32, #tpu.memory_space<hbm>> -> memref<1x128xi32, #tpu.memory_space<hbm>>
      %dma_start3A_138 = tpu.memref_squeeze %dma_start3A_137 : memref<1x128xi32, #tpu.memory_space<hbm>> -> memref<128xi32, #tpu.memory_space<hbm>>
      %dma_start3A_139 = arith.constant 0 : i32
      %dma_start3A_140 = tpu.memref_slice %arg2[%add3A_135, %dma_start3A_139] : memref<50000x128xi32, #tpu.memory_space<hbm>> -> memref<1x128xi32, #tpu.memory_space<hbm>>
      %dma_start3A_141 = tpu.memref_squeeze %dma_start3A_140 : memref<1x128xi32, #tpu.memory_space<hbm>> -> memref<128xi32, #tpu.memory_space<hbm>>
      tpu.enqueue_dma source(%dma_start3A_141 : memref<128xi32, #tpu.memory_space<hbm>>) target(%arg23 : memref<128xi32, #tpu.memory_space<vmem>>) target_semaphore(%arg9 : memref<!tpu.dma_semaphore, #tpu.memory_space<semaphore_mem>>)
      %add3A_142 = arith.constant 14 : i32
      %add3A_143 = arith.addi %mul3A_28, %add3A_142 : i32
      %dma_start3A_144 = arith.constant 0 : i32
      %dma_start3A_145 = tpu.memref_slice %arg2[%add3A_143, %dma_start3A_144] : memref<50000x128xi32, #tpu.memory_space<hbm>> -> memref<1x128xi32, #tpu.memory_space<hbm>>
      %dma_start3A_146 = tpu.memref_squeeze %dma_start3A_145 : memref<1x128xi32, #tpu.memory_space<hbm>> -> memref<128xi32, #tpu.memory_space<hbm>>
      %dma_start3A_147 = arith.constant 0 : i32
      %dma_start3A_148 = tpu.memref_slice %arg2[%add3A_143, %dma_start3A_147] : memref<50000x128xi32, #tpu.memory_space<hbm>> -> memref<1x128xi32, #tpu.memory_space<hbm>>
      %dma_start3A_149 = tpu.memref_squeeze %dma_start3A_148 : memref<1x128xi32, #tpu.memory_space<hbm>> -> memref<128xi32, #tpu.memory_space<hbm>>
      tpu.enqueue_dma source(%dma_start3A_149 : memref<128xi32, #tpu.memory_space<hbm>>) target(%arg24 : memref<128xi32, #tpu.memory_space<vmem>>) target_semaphore(%arg9 : memref<!tpu.dma_semaphore, #tpu.memory_space<semaphore_mem>>)
      %add3A_150 = arith.constant 15 : i32
      %add3A_151 = arith.addi %mul3A_28, %add3A_150 : i32
      %dma_start3A_152 = arith.constant 0 : i32
      %dma_start3A_153 = tpu.memref_slice %arg2[%add3A_151, %dma_start3A_152] : memref<50000x128xi32, #tpu.memory_space<hbm>> -> memref<1x128xi32, #tpu.memory_space<hbm>>
      %dma_start3A_154 = tpu.memref_squeeze %dma_start3A_153 : memref<1x128xi32, #tpu.memory_space<hbm>> -> memref<128xi32, #tpu.memory_space<hbm>>
      %dma_start3A_155 = arith.constant 0 : i32
      %dma_start3A_156 = tpu.memref_slice %arg2[%add3A_151, %dma_start3A_155] : memref<50000x128xi32, #tpu.memory_space<hbm>> -> memref<1x128xi32, #tpu.memory_space<hbm>>
      %dma_start3A_157 = tpu.memref_squeeze %dma_start3A_156 : memref<1x128xi32, #tpu.memory_space<hbm>> -> memref<128xi32, #tpu.memory_space<hbm>>
      tpu.enqueue_dma source(%dma_start3A_157 : memref<128xi32, #tpu.memory_space<hbm>>) target(%arg25 : memref<128xi32, #tpu.memory_space<vmem>>) target_semaphore(%arg9 : memref<!tpu.dma_semaphore, #tpu.memory_space<semaphore_mem>>)
      %add3A_158 = arith.constant 16 : i32
      %add3A_159 = arith.addi %mul3A_28, %add3A_158 : i32
      %dma_start3A_160 = arith.constant 0 : i32
      %dma_start3A_161 = tpu.memref_slice %arg2[%add3A_159, %dma_start3A_160] : memref<50000x128xi32, #tpu.memory_space<hbm>> -> memref<1x128xi32, #tpu.memory_space<hbm>>
      %dma_start3A_162 = tpu.memref_squeeze %dma_start3A_161 : memref<1x128xi32, #tpu.memory_space<hbm>> -> memref<128xi32, #tpu.memory_space<hbm>>
      %dma_start3A_163 = arith.constant 0 : i32
      %dma_start3A_164 = tpu.memref_slice %arg2[%add3A_159, %dma_start3A_163] : memref<50000x128xi32, #tpu.memory_space<hbm>> -> memref<1x128xi32, #tpu.memory_space<hbm>>
      %dma_start3A_165 = tpu.memref_squeeze %dma_start3A_164 : memref<1x128xi32, #tpu.memory_space<hbm>> -> memref<128xi32, #tpu.memory_space<hbm>>
      tpu.enqueue_dma source(%dma_start3A_165 : memref<128xi32, #tpu.memory_space<hbm>>) target(%arg26 : memref<128xi32, #tpu.memory_space<vmem>>) target_semaphore(%arg9 : memref<!tpu.dma_semaphore, #tpu.memory_space<semaphore_mem>>)
      %add3A_166 = arith.constant 17 : i32
      %add3A_167 = arith.addi %mul3A_28, %add3A_166 : i32
      %dma_start3A_168 = arith.constant 0 : i32
      %dma_start3A_169 = tpu.memref_slice %arg2[%add3A_167, %dma_start3A_168] : memref<50000x128xi32, #tpu.memory_space<hbm>> -> memref<1x128xi32, #tpu.memory_space<hbm>>
      %dma_start3A_170 = tpu.memref_squeeze %dma_start3A_169 : memref<1x128xi32, #tpu.memory_space<hbm>> -> memref<128xi32, #tpu.memory_space<hbm>>
      %dma_start3A_171 = arith.constant 0 : i32
      %dma_start3A_172 = tpu.memref_slice %arg2[%add3A_167, %dma_start3A_171] : memref<50000x128xi32, #tpu.memory_space<hbm>> -> memref<1x128xi32, #tpu.memory_space<hbm>>
      %dma_start3A_173 = tpu.memref_squeeze %dma_start3A_172 : memref<1x128xi32, #tpu.memory_space<hbm>> -> memref<128xi32, #tpu.memory_space<hbm>>
      tpu.enqueue_dma source(%dma_start3A_173 : memref<128xi32, #tpu.memory_space<hbm>>) target(%arg27 : memref<128xi32, #tpu.memory_space<vmem>>) target_semaphore(%arg9 : memref<!tpu.dma_semaphore, #tpu.memory_space<semaphore_mem>>)
      %add3A_174 = arith.constant 18 : i32
      %add3A_175 = arith.addi %mul3A_28, %add3A_174 : i32
      %dma_start3A_176 = arith.constant 0 : i32
      %dma_start3A_177 = tpu.memref_slice %arg2[%add3A_175, %dma_start3A_176] : memref<50000x128xi32, #tpu.memory_space<hbm>> -> memref<1x128xi32, #tpu.memory_space<hbm>>
      %dma_start3A_178 = tpu.memref_squeeze %dma_start3A_177 : memref<1x128xi32, #tpu.memory_space<hbm>> -> memref<128xi32, #tpu.memory_space<hbm>>
      %dma_start3A_179 = arith.constant 0 : i32
      %dma_start3A_180 = tpu.memref_slice %arg2[%add3A_175, %dma_start3A_179] : memref<50000x128xi32, #tpu.memory_space<hbm>> -> memref<1x128xi32, #tpu.memory_space<hbm>>
      %dma_start3A_181 = tpu.memref_squeeze %dma_start3A_180 : memref<1x128xi32, #tpu.memory_space<hbm>> -> memref<128xi32, #tpu.memory_space<hbm>>
      tpu.enqueue_dma source(%dma_start3A_181 : memref<128xi32, #tpu.memory_space<hbm>>) target(%arg28 : memref<128xi32, #tpu.memory_space<vmem>>) target_semaphore(%arg9 : memref<!tpu.dma_semaphore, #tpu.memory_space<semaphore_mem>>)
      %add3A_182 = arith.constant 19 : i32
      %add3A_183 = arith.addi %mul3A_28, %add3A_182 : i32
      %dma_start3A_184 = arith.constant 0 : i32
      %dma_start3A_185 = tpu.memref_slice %arg2[%add3A_183, %dma_start3A_184] : memref<50000x128xi32, #tpu.memory_space<hbm>> -> memref<1x128xi32, #tpu.memory_space<hbm>>
      %dma_start3A_186 = tpu.memref_squeeze %dma_start3A_185 : memref<1x128xi32, #tpu.memory_space<hbm>> -> memref<128xi32, #tpu.memory_space<hbm>>
      %dma_start3A_187 = arith.constant 0 : i32
      %dma_start3A_188 = tpu.memref_slice %arg2[%add3A_183, %dma_start3A_187] : memref<50000x128xi32, #tpu.memory_space<hbm>> -> memref<1x128xi32, #tpu.memory_space<hbm>>
      %dma_start3A_189 = tpu.memref_squeeze %dma_start3A_188 : memref<1x128xi32, #tpu.memory_space<hbm>> -> memref<128xi32, #tpu.memory_space<hbm>>
      tpu.enqueue_dma source(%dma_start3A_189 : memref<128xi32, #tpu.memory_space<hbm>>) target(%arg29 : memref<128xi32, #tpu.memory_space<vmem>>) target_semaphore(%arg9 : memref<!tpu.dma_semaphore, #tpu.memory_space<semaphore_mem>>)
      %add3A_190 = arith.constant 20 : i32
      %add3A_191 = arith.addi %mul3A_28, %add3A_190 : i32
      %dma_start3A_192 = arith.constant 0 : i32
      %dma_start3A_193 = tpu.memref_slice %arg2[%add3A_191, %dma_start3A_192] : memref<50000x128xi32, #tpu.memory_space<hbm>> -> memref<1x128xi32, #tpu.memory_space<hbm>>
      %dma_start3A_194 = tpu.memref_squeeze %dma_start3A_193 : memref<1x128xi32, #tpu.memory_space<hbm>> -> memref<128xi32, #tpu.memory_space<hbm>>
      %dma_start3A_195 = arith.constant 0 : i32
      %dma_start3A_196 = tpu.memref_slice %arg2[%add3A_191, %dma_start3A_195] : memref<50000x128xi32, #tpu.memory_space<hbm>> -> memref<1x128xi32, #tpu.memory_space<hbm>>
      %dma_start3A_197 = tpu.memref_squeeze %dma_start3A_196 : memref<1x128xi32, #tpu.memory_space<hbm>> -> memref<128xi32, #tpu.memory_space<hbm>>
      tpu.enqueue_dma source(%dma_start3A_197 : memref<128xi32, #tpu.memory_space<hbm>>) target(%arg30 : memref<128xi32, #tpu.memory_space<vmem>>) target_semaphore(%arg9 : memref<!tpu.dma_semaphore, #tpu.memory_space<semaphore_mem>>)
      %add3A_198 = arith.constant 21 : i32
      %add3A_199 = arith.addi %mul3A_28, %add3A_198 : i32
      %dma_start3A_200 = arith.constant 0 : i32
      %dma_start3A_201 = tpu.memref_slice %arg2[%add3A_199, %dma_start3A_200] : memref<50000x128xi32, #tpu.memory_space<hbm>> -> memref<1x128xi32, #tpu.memory_space<hbm>>
      %dma_start3A_202 = tpu.memref_squeeze %dma_start3A_201 : memref<1x128xi32, #tpu.memory_space<hbm>> -> memref<128xi32, #tpu.memory_space<hbm>>
      %dma_start3A_203 = arith.constant 0 : i32
      %dma_start3A_204 = tpu.memref_slice %arg2[%add3A_199, %dma_start3A_203] : memref<50000x128xi32, #tpu.memory_space<hbm>> -> memref<1x128xi32, #tpu.memory_space<hbm>>
      %dma_start3A_205 = tpu.memref_squeeze %dma_start3A_204 : memref<1x128xi32, #tpu.memory_space<hbm>> -> memref<128xi32, #tpu.memory_space<hbm>>
      tpu.enqueue_dma source(%dma_start3A_205 : memref<128xi32, #tpu.memory_space<hbm>>) target(%arg31 : memref<128xi32, #tpu.memory_space<vmem>>) target_semaphore(%arg9 : memref<!tpu.dma_semaphore, #tpu.memory_space<semaphore_mem>>)
      %add3A_206 = arith.constant 22 : i32
      %add3A_207 = arith.addi %mul3A_28, %add3A_206 : i32
      %dma_start3A_208 = arith.constant 0 : i32
      %dma_start3A_209 = tpu.memref_slice %arg2[%add3A_207, %dma_start3A_208] : memref<50000x128xi32, #tpu.memory_space<hbm>> -> memref<1x128xi32, #tpu.memory_space<hbm>>
      %dma_start3A_210 = tpu.memref_squeeze %dma_start3A_209 : memref<1x128xi32, #tpu.memory_space<hbm>> -> memref<128xi32, #tpu.memory_space<hbm>>
      %dma_start3A_211 = arith.constant 0 : i32
      %dma_start3A_212 = tpu.memref_slice %arg2[%add3A_207, %dma_start3A_211] : memref<50000x128xi32, #tpu.memory_space<hbm>> -> memref<1x128xi32, #tpu.memory_space<hbm>>
      %dma_start3A_213 = tpu.memref_squeeze %dma_start3A_212 : memref<1x128xi32, #tpu.memory_space<hbm>> -> memref<128xi32, #tpu.memory_space<hbm>>
      tpu.enqueue_dma source(%dma_start3A_213 : memref<128xi32, #tpu.memory_space<hbm>>) target(%arg32 : memref<128xi32, #tpu.memory_space<vmem>>) target_semaphore(%arg9 : memref<!tpu.dma_semaphore, #tpu.memory_space<semaphore_mem>>)
      %add3A_214 = arith.constant 23 : i32
      %add3A_215 = arith.addi %mul3A_28, %add3A_214 : i32
      %dma_start3A_216 = arith.constant 0 : i32
      %dma_start3A_217 = tpu.memref_slice %arg2[%add3A_215, %dma_start3A_216] : memref<50000x128xi32, #tpu.memory_space<hbm>> -> memref<1x128xi32, #tpu.memory_space<hbm>>
      %dma_start3A_218 = tpu.memref_squeeze %dma_start3A_217 : memref<1x128xi32, #tpu.memory_space<hbm>> -> memref<128xi32, #tpu.memory_space<hbm>>
      %dma_start3A_219 = arith.constant 0 : i32
      %dma_start3A_220 = tpu.memref_slice %arg2[%add3A_215, %dma_start3A_219] : memref<50000x128xi32, #tpu.memory_space<hbm>> -> memref<1x128xi32, #tpu.memory_space<hbm>>
      %dma_start3A_221 = tpu.memref_squeeze %dma_start3A_220 : memref<1x128xi32, #tpu.memory_space<hbm>> -> memref<128xi32, #tpu.memory_space<hbm>>
      tpu.enqueue_dma source(%dma_start3A_221 : memref<128xi32, #tpu.memory_space<hbm>>) target(%arg33 : memref<128xi32, #tpu.memory_space<vmem>>) target_semaphore(%arg9 : memref<!tpu.dma_semaphore, #tpu.memory_space<semaphore_mem>>)
      %add3A_222 = arith.constant 24 : i32
      %add3A_223 = arith.addi %mul3A_28, %add3A_222 : i32
      %dma_start3A_224 = arith.constant 0 : i32
      %dma_start3A_225 = tpu.memref_slice %arg2[%add3A_223, %dma_start3A_224] : memref<50000x128xi32, #tpu.memory_space<hbm>> -> memref<1x128xi32, #tpu.memory_space<hbm>>
      %dma_start3A_226 = tpu.memref_squeeze %dma_start3A_225 : memref<1x128xi32, #tpu.memory_space<hbm>> -> memref<128xi32, #tpu.memory_space<hbm>>
      %dma_start3A_227 = arith.constant 0 : i32
      %dma_start3A_228 = tpu.memref_slice %arg2[%add3A_223, %dma_start3A_227] : memref<50000x128xi32, #tpu.memory_space<hbm>> -> memref<1x128xi32, #tpu.memory_space<hbm>>
      %dma_start3A_229 = tpu.memref_squeeze %dma_start3A_228 : memref<1x128xi32, #tpu.memory_space<hbm>> -> memref<128xi32, #tpu.memory_space<hbm>>
      tpu.enqueue_dma source(%dma_start3A_229 : memref<128xi32, #tpu.memory_space<hbm>>) target(%arg34 : memref<128xi32, #tpu.memory_space<vmem>>) target_semaphore(%arg9 : memref<!tpu.dma_semaphore, #tpu.memory_space<semaphore_mem>>)
      %dma_start3A_230 = arith.constant 0 : i32
      %dma_start3A_231 = tpu.memref_slice %arg3[%mul3A_30, %dma_start3A_230] : memref<6400000x8xf32, #tpu.memory_space<hbm>> -> memref<3200x8xf32, #tpu.memory_space<hbm>>
      %dma_start3A_232 = arith.constant 0 : i32
      %dma_start3A_233 = tpu.memref_slice %arg3[%mul3A_30, %dma_start3A_232] : memref<6400000x8xf32, #tpu.memory_space<hbm>> -> memref<3200x8xf32, #tpu.memory_space<hbm>>
      tpu.enqueue_dma source(%dma_start3A_233 : memref<3200x8xf32, #tpu.memory_space<hbm>>) target(%arg7 : memref<3200x8xf32, #tpu.memory_space<vmem>>) target_semaphore(%arg9 : memref<!tpu.dma_semaphore, #tpu.memory_space<semaphore_mem>>)
      %dma_wait3A = arith.constant 0 : i32
      %dma_wait3A_234 = tpu.memref_slice %arg2[%add3A_32, %dma_wait3A] : memref<50000x128xi32, #tpu.memory_space<hbm>> -> memref<1x128xi32, #tpu.memory_space<hbm>>
      %dma_wait3A_235 = tpu.memref_squeeze %dma_wait3A_234 : memref<1x128xi32, #tpu.memory_space<hbm>> -> memref<128xi32, #tpu.memory_space<hbm>>
      %dma_wait3A_236 = arith.constant 0 : i32
      %dma_wait3A_237 = tpu.memref_slice %arg2[%add3A_32, %dma_wait3A_236] : memref<50000x128xi32, #tpu.memory_space<hbm>> -> memref<1x128xi32, #tpu.memory_space<hbm>>
      %dma_wait3A_238 = tpu.memref_squeeze %dma_wait3A_237 : memref<1x128xi32, #tpu.memory_space<hbm>> -> memref<128xi32, #tpu.memory_space<hbm>>
      tpu.wait_dma2 semaphore(%arg9 : memref<!tpu.dma_semaphore, #tpu.memory_space<semaphore_mem>>) src(%dma_wait3A_238 : memref<128xi32, #tpu.memory_space<hbm>>) dst(%arg10 : memref<128xi32, #tpu.memory_space<vmem>>)
      %dma_wait3A_239 = arith.constant 0 : i32
      %dma_wait3A_240 = tpu.memref_slice %arg2[%add3A_39, %dma_wait3A_239] : memref<50000x128xi32, #tpu.memory_space<hbm>> -> memref<1x128xi32, #tpu.memory_space<hbm>>
      %dma_wait3A_241 = tpu.memref_squeeze %dma_wait3A_240 : memref<1x128xi32, #tpu.memory_space<hbm>> -> memref<128xi32, #tpu.memory_space<hbm>>
      %dma_wait3A_242 = arith.constant 0 : i32
      %dma_wait3A_243 = tpu.memref_slice %arg2[%add3A_39, %dma_wait3A_242] : memref<50000x128xi32, #tpu.memory_space<hbm>> -> memref<1x128xi32, #tpu.memory_space<hbm>>
      %dma_wait3A_244 = tpu.memref_squeeze %dma_wait3A_243 : memref<1x128xi32, #tpu.memory_space<hbm>> -> memref<128xi32, #tpu.memory_space<hbm>>
      tpu.wait_dma2 semaphore(%arg9 : memref<!tpu.dma_semaphore, #tpu.memory_space<semaphore_mem>>) src(%dma_wait3A_244 : memref<128xi32, #tpu.memory_space<hbm>>) dst(%arg11 : memref<128xi32, #tpu.memory_space<vmem>>)
      %dma_wait3A_245 = arith.constant 0 : i32
      %dma_wait3A_246 = tpu.memref_slice %arg2[%add3A_47, %dma_wait3A_245] : memref<50000x128xi32, #tpu.memory_space<hbm>> -> memref<1x128xi32, #tpu.memory_space<hbm>>
      %dma_wait3A_247 = tpu.memref_squeeze %dma_wait3A_246 : memref<1x128xi32, #tpu.memory_space<hbm>> -> memref<128xi32, #tpu.memory_space<hbm>>
      %dma_wait3A_248 = arith.constant 0 : i32
      %dma_wait3A_249 = tpu.memref_slice %arg2[%add3A_47, %dma_wait3A_248] : memref<50000x128xi32, #tpu.memory_space<hbm>> -> memref<1x128xi32, #tpu.memory_space<hbm>>
      %dma_wait3A_250 = tpu.memref_squeeze %dma_wait3A_249 : memref<1x128xi32, #tpu.memory_space<hbm>> -> memref<128xi32, #tpu.memory_space<hbm>>
      tpu.wait_dma2 semaphore(%arg9 : memref<!tpu.dma_semaphore, #tpu.memory_space<semaphore_mem>>) src(%dma_wait3A_250 : memref<128xi32, #tpu.memory_space<hbm>>) dst(%arg12 : memref<128xi32, #tpu.memory_space<vmem>>)
      %dma_wait3A_251 = arith.constant 0 : i32
      %dma_wait3A_252 = tpu.memref_slice %arg2[%add3A_55, %dma_wait3A_251] : memref<50000x128xi32, #tpu.memory_space<hbm>> -> memref<1x128xi32, #tpu.memory_space<hbm>>
      %dma_wait3A_253 = tpu.memref_squeeze %dma_wait3A_252 : memref<1x128xi32, #tpu.memory_space<hbm>> -> memref<128xi32, #tpu.memory_space<hbm>>
      %dma_wait3A_254 = arith.constant 0 : i32
      %dma_wait3A_255 = tpu.memref_slice %arg2[%add3A_55, %dma_wait3A_254] : memref<50000x128xi32, #tpu.memory_space<hbm>> -> memref<1x128xi32, #tpu.memory_space<hbm>>
      %dma_wait3A_256 = tpu.memref_squeeze %dma_wait3A_255 : memref<1x128xi32, #tpu.memory_space<hbm>> -> memref<128xi32, #tpu.memory_space<hbm>>
      tpu.wait_dma2 semaphore(%arg9 : memref<!tpu.dma_semaphore, #tpu.memory_space<semaphore_mem>>) src(%dma_wait3A_256 : memref<128xi32, #tpu.memory_space<hbm>>) dst(%arg13 : memref<128xi32, #tpu.memory_space<vmem>>)
      %dma_wait3A_257 = arith.constant 0 : i32
      %dma_wait3A_258 = tpu.memref_slice %arg2[%add3A_63, %dma_wait3A_257] : memref<50000x128xi32, #tpu.memory_space<hbm>> -> memref<1x128xi32, #tpu.memory_space<hbm>>
      %dma_wait3A_259 = tpu.memref_squeeze %dma_wait3A_258 : memref<1x128xi32, #tpu.memory_space<hbm>> -> memref<128xi32, #tpu.memory_space<hbm>>
      %dma_wait3A_260 = arith.constant 0 : i32
      %dma_wait3A_261 = tpu.memref_slice %arg2[%add3A_63, %dma_wait3A_260] : memref<50000x128xi32, #tpu.memory_space<hbm>> -> memref<1x128xi32, #tpu.memory_space<hbm>>
      %dma_wait3A_262 = tpu.memref_squeeze %dma_wait3A_261 : memref<1x128xi32, #tpu.memory_space<hbm>> -> memref<128xi32, #tpu.memory_space<hbm>>
      tpu.wait_dma2 semaphore(%arg9 : memref<!tpu.dma_semaphore, #tpu.memory_space<semaphore_mem>>) src(%dma_wait3A_262 : memref<128xi32, #tpu.memory_space<hbm>>) dst(%arg14 : memref<128xi32, #tpu.memory_space<vmem>>)
      %dma_wait3A_263 = arith.constant 0 : i32
      %dma_wait3A_264 = tpu.memref_slice %arg2[%add3A_71, %dma_wait3A_263] : memref<50000x128xi32, #tpu.memory_space<hbm>> -> memref<1x128xi32, #tpu.memory_space<hbm>>
      %dma_wait3A_265 = tpu.memref_squeeze %dma_wait3A_264 : memref<1x128xi32, #tpu.memory_space<hbm>> -> memref<128xi32, #tpu.memory_space<hbm>>
      %dma_wait3A_266 = arith.constant 0 : i32
      %dma_wait3A_267 = tpu.memref_slice %arg2[%add3A_71, %dma_wait3A_266] : memref<50000x128xi32, #tpu.memory_space<hbm>> -> memref<1x128xi32, #tpu.memory_space<hbm>>
      %dma_wait3A_268 = tpu.memref_squeeze %dma_wait3A_267 : memref<1x128xi32, #tpu.memory_space<hbm>> -> memref<128xi32, #tpu.memory_space<hbm>>
      tpu.wait_dma2 semaphore(%arg9 : memref<!tpu.dma_semaphore, #tpu.memory_space<semaphore_mem>>) src(%dma_wait3A_268 : memref<128xi32, #tpu.memory_space<hbm>>) dst(%arg15 : memref<128xi32, #tpu.memory_space<vmem>>)
      %dma_wait3A_269 = arith.constant 0 : i32
      %dma_wait3A_270 = tpu.memref_slice %arg2[%add3A_79, %dma_wait3A_269] : memref<50000x128xi32, #tpu.memory_space<hbm>> -> memref<1x128xi32, #tpu.memory_space<hbm>>
      %dma_wait3A_271 = tpu.memref_squeeze %dma_wait3A_270 : memref<1x128xi32, #tpu.memory_space<hbm>> -> memref<128xi32, #tpu.memory_space<hbm>>
      %dma_wait3A_272 = arith.constant 0 : i32
      %dma_wait3A_273 = tpu.memref_slice %arg2[%add3A_79, %dma_wait3A_272] : memref<50000x128xi32, #tpu.memory_space<hbm>> -> memref<1x128xi32, #tpu.memory_space<hbm>>
      %dma_wait3A_274 = tpu.memref_squeeze %dma_wait3A_273 : memref<1x128xi32, #tpu.memory_space<hbm>> -> memref<128xi32, #tpu.memory_space<hbm>>
      tpu.wait_dma2 semaphore(%arg9 : memref<!tpu.dma_semaphore, #tpu.memory_space<semaphore_mem>>) src(%dma_wait3A_274 : memref<128xi32, #tpu.memory_space<hbm>>) dst(%arg16 : memref<128xi32, #tpu.memory_space<vmem>>)
      %dma_wait3A_275 = arith.constant 0 : i32
      %dma_wait3A_276 = tpu.memref_slice %arg2[%add3A_87, %dma_wait3A_275] : memref<50000x128xi32, #tpu.memory_space<hbm>> -> memref<1x128xi32, #tpu.memory_space<hbm>>
      %dma_wait3A_277 = tpu.memref_squeeze %dma_wait3A_276 : memref<1x128xi32, #tpu.memory_space<hbm>> -> memref<128xi32, #tpu.memory_space<hbm>>
      %dma_wait3A_278 = arith.constant 0 : i32
      %dma_wait3A_279 = tpu.memref_slice %arg2[%add3A_87, %dma_wait3A_278] : memref<50000x128xi32, #tpu.memory_space<hbm>> -> memref<1x128xi32, #tpu.memory_space<hbm>>
      %dma_wait3A_280 = tpu.memref_squeeze %dma_wait3A_279 : memref<1x128xi32, #tpu.memory_space<hbm>> -> memref<128xi32, #tpu.memory_space<hbm>>
      tpu.wait_dma2 semaphore(%arg9 : memref<!tpu.dma_semaphore, #tpu.memory_space<semaphore_mem>>) src(%dma_wait3A_280 : memref<128xi32, #tpu.memory_space<hbm>>) dst(%arg17 : memref<128xi32, #tpu.memory_space<vmem>>)
      %dma_wait3A_281 = arith.constant 0 : i32
      %dma_wait3A_282 = tpu.memref_slice %arg2[%add3A_95, %dma_wait3A_281] : memref<50000x128xi32, #tpu.memory_space<hbm>> -> memref<1x128xi32, #tpu.memory_space<hbm>>
      %dma_wait3A_283 = tpu.memref_squeeze %dma_wait3A_282 : memref<1x128xi32, #tpu.memory_space<hbm>> -> memref<128xi32, #tpu.memory_space<hbm>>
      %dma_wait3A_284 = arith.constant 0 : i32
      %dma_wait3A_285 = tpu.memref_slice %arg2[%add3A_95, %dma_wait3A_284] : memref<50000x128xi32, #tpu.memory_space<hbm>> -> memref<1x128xi32, #tpu.memory_space<hbm>>
      %dma_wait3A_286 = tpu.memref_squeeze %dma_wait3A_285 : memref<1x128xi32, #tpu.memory_space<hbm>> -> memref<128xi32, #tpu.memory_space<hbm>>
      tpu.wait_dma2 semaphore(%arg9 : memref<!tpu.dma_semaphore, #tpu.memory_space<semaphore_mem>>) src(%dma_wait3A_286 : memref<128xi32, #tpu.memory_space<hbm>>) dst(%arg18 : memref<128xi32, #tpu.memory_space<vmem>>)
      %dma_wait3A_287 = arith.constant 0 : i32
      %dma_wait3A_288 = tpu.memref_slice %arg2[%add3A_103, %dma_wait3A_287] : memref<50000x128xi32, #tpu.memory_space<hbm>> -> memref<1x128xi32, #tpu.memory_space<hbm>>
      %dma_wait3A_289 = tpu.memref_squeeze %dma_wait3A_288 : memref<1x128xi32, #tpu.memory_space<hbm>> -> memref<128xi32, #tpu.memory_space<hbm>>
      %dma_wait3A_290 = arith.constant 0 : i32
      %dma_wait3A_291 = tpu.memref_slice %arg2[%add3A_103, %dma_wait3A_290] : memref<50000x128xi32, #tpu.memory_space<hbm>> -> memref<1x128xi32, #tpu.memory_space<hbm>>
      %dma_wait3A_292 = tpu.memref_squeeze %dma_wait3A_291 : memref<1x128xi32, #tpu.memory_space<hbm>> -> memref<128xi32, #tpu.memory_space<hbm>>
      tpu.wait_dma2 semaphore(%arg9 : memref<!tpu.dma_semaphore, #tpu.memory_space<semaphore_mem>>) src(%dma_wait3A_292 : memref<128xi32, #tpu.memory_space<hbm>>) dst(%arg19 : memref<128xi32, #tpu.memory_space<vmem>>)
      %dma_wait3A_293 = arith.constant 0 : i32
      %dma_wait3A_294 = tpu.memref_slice %arg2[%add3A_111, %dma_wait3A_293] : memref<50000x128xi32, #tpu.memory_space<hbm>> -> memref<1x128xi32, #tpu.memory_space<hbm>>
      %dma_wait3A_295 = tpu.memref_squeeze %dma_wait3A_294 : memref<1x128xi32, #tpu.memory_space<hbm>> -> memref<128xi32, #tpu.memory_space<hbm>>
      %dma_wait3A_296 = arith.constant 0 : i32
      %dma_wait3A_297 = tpu.memref_slice %arg2[%add3A_111, %dma_wait3A_296] : memref<50000x128xi32, #tpu.memory_space<hbm>> -> memref<1x128xi32, #tpu.memory_space<hbm>>
      %dma_wait3A_298 = tpu.memref_squeeze %dma_wait3A_297 : memref<1x128xi32, #tpu.memory_space<hbm>> -> memref<128xi32, #tpu.memory_space<hbm>>
      tpu.wait_dma2 semaphore(%arg9 : memref<!tpu.dma_semaphore, #tpu.memory_space<semaphore_mem>>) src(%dma_wait3A_298 : memref<128xi32, #tpu.memory_space<hbm>>) dst(%arg20 : memref<128xi32, #tpu.memory_space<vmem>>)
      %dma_wait3A_299 = arith.constant 0 : i32
      %dma_wait3A_300 = tpu.memref_slice %arg2[%add3A_119, %dma_wait3A_299] : memref<50000x128xi32, #tpu.memory_space<hbm>> -> memref<1x128xi32, #tpu.memory_space<hbm>>
      %dma_wait3A_301 = tpu.memref_squeeze %dma_wait3A_300 : memref<1x128xi32, #tpu.memory_space<hbm>> -> memref<128xi32, #tpu.memory_space<hbm>>
      %dma_wait3A_302 = arith.constant 0 : i32
      %dma_wait3A_303 = tpu.memref_slice %arg2[%add3A_119, %dma_wait3A_302] : memref<50000x128xi32, #tpu.memory_space<hbm>> -> memref<1x128xi32, #tpu.memory_space<hbm>>
      %dma_wait3A_304 = tpu.memref_squeeze %dma_wait3A_303 : memref<1x128xi32, #tpu.memory_space<hbm>> -> memref<128xi32, #tpu.memory_space<hbm>>
      tpu.wait_dma2 semaphore(%arg9 : memref<!tpu.dma_semaphore, #tpu.memory_space<semaphore_mem>>) src(%dma_wait3A_304 : memref<128xi32, #tpu.memory_space<hbm>>) dst(%arg21 : memref<128xi32, #tpu.memory_space<vmem>>)
      %dma_wait3A_305 = arith.constant 0 : i32
      %dma_wait3A_306 = tpu.memref_slice %arg2[%add3A_127, %dma_wait3A_305] : memref<50000x128xi32, #tpu.memory_space<hbm>> -> memref<1x128xi32, #tpu.memory_space<hbm>>
      %dma_wait3A_307 = tpu.memref_squeeze %dma_wait3A_306 : memref<1x128xi32, #tpu.memory_space<hbm>> -> memref<128xi32, #tpu.memory_space<hbm>>
      %dma_wait3A_308 = arith.constant 0 : i32
      %dma_wait3A_309 = tpu.memref_slice %arg2[%add3A_127, %dma_wait3A_308] : memref<50000x128xi32, #tpu.memory_space<hbm>> -> memref<1x128xi32, #tpu.memory_space<hbm>>
      %dma_wait3A_310 = tpu.memref_squeeze %dma_wait3A_309 : memref<1x128xi32, #tpu.memory_space<hbm>> -> memref<128xi32, #tpu.memory_space<hbm>>
      tpu.wait_dma2 semaphore(%arg9 : memref<!tpu.dma_semaphore, #tpu.memory_space<semaphore_mem>>) src(%dma_wait3A_310 : memref<128xi32, #tpu.memory_space<hbm>>) dst(%arg22 : memref<128xi32, #tpu.memory_space<vmem>>)
      %dma_wait3A_311 = arith.constant 0 : i32
      %dma_wait3A_312 = tpu.memref_slice %arg2[%add3A_135, %dma_wait3A_311] : memref<50000x128xi32, #tpu.memory_space<hbm>> -> memref<1x128xi32, #tpu.memory_space<hbm>>
      %dma_wait3A_313 = tpu.memref_squeeze %dma_wait3A_312 : memref<1x128xi32, #tpu.memory_space<hbm>> -> memref<128xi32, #tpu.memory_space<hbm>>
      %dma_wait3A_314 = arith.constant 0 : i32
      %dma_wait3A_315 = tpu.memref_slice %arg2[%add3A_135, %dma_wait3A_314] : memref<50000x128xi32, #tpu.memory_space<hbm>> -> memref<1x128xi32, #tpu.memory_space<hbm>>
      %dma_wait3A_316 = tpu.memref_squeeze %dma_wait3A_315 : memref<1x128xi32, #tpu.memory_space<hbm>> -> memref<128xi32, #tpu.memory_space<hbm>>
      tpu.wait_dma2 semaphore(%arg9 : memref<!tpu.dma_semaphore, #tpu.memory_space<semaphore_mem>>) src(%dma_wait3A_316 : memref<128xi32, #tpu.memory_space<hbm>>) dst(%arg23 : memref<128xi32, #tpu.memory_space<vmem>>)
      %dma_wait3A_317 = arith.constant 0 : i32
      %dma_wait3A_318 = tpu.memref_slice %arg2[%add3A_143, %dma_wait3A_317] : memref<50000x128xi32, #tpu.memory_space<hbm>> -> memref<1x128xi32, #tpu.memory_space<hbm>>
      %dma_wait3A_319 = tpu.memref_squeeze %dma_wait3A_318 : memref<1x128xi32, #tpu.memory_space<hbm>> -> memref<128xi32, #tpu.memory_space<hbm>>
      %dma_wait3A_320 = arith.constant 0 : i32
      %dma_wait3A_321 = tpu.memref_slice %arg2[%add3A_143, %dma_wait3A_320] : memref<50000x128xi32, #tpu.memory_space<hbm>> -> memref<1x128xi32, #tpu.memory_space<hbm>>
      %dma_wait3A_322 = tpu.memref_squeeze %dma_wait3A_321 : memref<1x128xi32, #tpu.memory_space<hbm>> -> memref<128xi32, #tpu.memory_space<hbm>>
      tpu.wait_dma2 semaphore(%arg9 : memref<!tpu.dma_semaphore, #tpu.memory_space<semaphore_mem>>) src(%dma_wait3A_322 : memref<128xi32, #tpu.memory_space<hbm>>) dst(%arg24 : memref<128xi32, #tpu.memory_space<vmem>>)
      %dma_wait3A_323 = arith.constant 0 : i32
      %dma_wait3A_324 = tpu.memref_slice %arg2[%add3A_151, %dma_wait3A_323] : memref<50000x128xi32, #tpu.memory_space<hbm>> -> memref<1x128xi32, #tpu.memory_space<hbm>>
      %dma_wait3A_325 = tpu.memref_squeeze %dma_wait3A_324 : memref<1x128xi32, #tpu.memory_space<hbm>> -> memref<128xi32, #tpu.memory_space<hbm>>
      %dma_wait3A_326 = arith.constant 0 : i32
      %dma_wait3A_327 = tpu.memref_slice %arg2[%add3A_151, %dma_wait3A_326] : memref<50000x128xi32, #tpu.memory_space<hbm>> -> memref<1x128xi32, #tpu.memory_space<hbm>>
      %dma_wait3A_328 = tpu.memref_squeeze %dma_wait3A_327 : memref<1x128xi32, #tpu.memory_space<hbm>> -> memref<128xi32, #tpu.memory_space<hbm>>
      tpu.wait_dma2 semaphore(%arg9 : memref<!tpu.dma_semaphore, #tpu.memory_space<semaphore_mem>>) src(%dma_wait3A_328 : memref<128xi32, #tpu.memory_space<hbm>>) dst(%arg25 : memref<128xi32, #tpu.memory_space<vmem>>)
      %dma_wait3A_329 = arith.constant 0 : i32
      %dma_wait3A_330 = tpu.memref_slice %arg2[%add3A_159, %dma_wait3A_329] : memref<50000x128xi32, #tpu.memory_space<hbm>> -> memref<1x128xi32, #tpu.memory_space<hbm>>
      %dma_wait3A_331 = tpu.memref_squeeze %dma_wait3A_330 : memref<1x128xi32, #tpu.memory_space<hbm>> -> memref<128xi32, #tpu.memory_space<hbm>>
      %dma_wait3A_332 = arith.constant 0 : i32
      %dma_wait3A_333 = tpu.memref_slice %arg2[%add3A_159, %dma_wait3A_332] : memref<50000x128xi32, #tpu.memory_space<hbm>> -> memref<1x128xi32, #tpu.memory_space<hbm>>
      %dma_wait3A_334 = tpu.memref_squeeze %dma_wait3A_333 : memref<1x128xi32, #tpu.memory_space<hbm>> -> memref<128xi32, #tpu.memory_space<hbm>>
      tpu.wait_dma2 semaphore(%arg9 : memref<!tpu.dma_semaphore, #tpu.memory_space<semaphore_mem>>) src(%dma_wait3A_334 : memref<128xi32, #tpu.memory_space<hbm>>) dst(%arg26 : memref<128xi32, #tpu.memory_space<vmem>>)
      %dma_wait3A_335 = arith.constant 0 : i32
      %dma_wait3A_336 = tpu.memref_slice %arg2[%add3A_167, %dma_wait3A_335] : memref<50000x128xi32, #tpu.memory_space<hbm>> -> memref<1x128xi32, #tpu.memory_space<hbm>>
      %dma_wait3A_337 = tpu.memref_squeeze %dma_wait3A_336 : memref<1x128xi32, #tpu.memory_space<hbm>> -> memref<128xi32, #tpu.memory_space<hbm>>
      %dma_wait3A_338 = arith.constant 0 : i32
      %dma_wait3A_339 = tpu.memref_slice %arg2[%add3A_167, %dma_wait3A_338] : memref<50000x128xi32, #tpu.memory_space<hbm>> -> memref<1x128xi32, #tpu.memory_space<hbm>>
      %dma_wait3A_340 = tpu.memref_squeeze %dma_wait3A_339 : memref<1x128xi32, #tpu.memory_space<hbm>> -> memref<128xi32, #tpu.memory_space<hbm>>
      tpu.wait_dma2 semaphore(%arg9 : memref<!tpu.dma_semaphore, #tpu.memory_space<semaphore_mem>>) src(%dma_wait3A_340 : memref<128xi32, #tpu.memory_space<hbm>>) dst(%arg27 : memref<128xi32, #tpu.memory_space<vmem>>)
      %dma_wait3A_341 = arith.constant 0 : i32
      %dma_wait3A_342 = tpu.memref_slice %arg2[%add3A_175, %dma_wait3A_341] : memref<50000x128xi32, #tpu.memory_space<hbm>> -> memref<1x128xi32, #tpu.memory_space<hbm>>
      %dma_wait3A_343 = tpu.memref_squeeze %dma_wait3A_342 : memref<1x128xi32, #tpu.memory_space<hbm>> -> memref<128xi32, #tpu.memory_space<hbm>>
      %dma_wait3A_344 = arith.constant 0 : i32
      %dma_wait3A_345 = tpu.memref_slice %arg2[%add3A_175, %dma_wait3A_344] : memref<50000x128xi32, #tpu.memory_space<hbm>> -> memref<1x128xi32, #tpu.memory_space<hbm>>
      %dma_wait3A_346 = tpu.memref_squeeze %dma_wait3A_345 : memref<1x128xi32, #tpu.memory_space<hbm>> -> memref<128xi32, #tpu.memory_space<hbm>>
      tpu.wait_dma2 semaphore(%arg9 : memref<!tpu.dma_semaphore, #tpu.memory_space<semaphore_mem>>) src(%dma_wait3A_346 : memref<128xi32, #tpu.memory_space<hbm>>) dst(%arg28 : memref<128xi32, #tpu.memory_space<vmem>>)
      %dma_wait3A_347 = arith.constant 0 : i32
      %dma_wait3A_348 = tpu.memref_slice %arg2[%add3A_183, %dma_wait3A_347] : memref<50000x128xi32, #tpu.memory_space<hbm>> -> memref<1x128xi32, #tpu.memory_space<hbm>>
      %dma_wait3A_349 = tpu.memref_squeeze %dma_wait3A_348 : memref<1x128xi32, #tpu.memory_space<hbm>> -> memref<128xi32, #tpu.memory_space<hbm>>
      %dma_wait3A_350 = arith.constant 0 : i32
      %dma_wait3A_351 = tpu.memref_slice %arg2[%add3A_183, %dma_wait3A_350] : memref<50000x128xi32, #tpu.memory_space<hbm>> -> memref<1x128xi32, #tpu.memory_space<hbm>>
      %dma_wait3A_352 = tpu.memref_squeeze %dma_wait3A_351 : memref<1x128xi32, #tpu.memory_space<hbm>> -> memref<128xi32, #tpu.memory_space<hbm>>
      tpu.wait_dma2 semaphore(%arg9 : memref<!tpu.dma_semaphore, #tpu.memory_space<semaphore_mem>>) src(%dma_wait3A_352 : memref<128xi32, #tpu.memory_space<hbm>>) dst(%arg29 : memref<128xi32, #tpu.memory_space<vmem>>)
      %dma_wait3A_353 = arith.constant 0 : i32
      %dma_wait3A_354 = tpu.memref_slice %arg2[%add3A_191, %dma_wait3A_353] : memref<50000x128xi32, #tpu.memory_space<hbm>> -> memref<1x128xi32, #tpu.memory_space<hbm>>
      %dma_wait3A_355 = tpu.memref_squeeze %dma_wait3A_354 : memref<1x128xi32, #tpu.memory_space<hbm>> -> memref<128xi32, #tpu.memory_space<hbm>>
      %dma_wait3A_356 = arith.constant 0 : i32
      %dma_wait3A_357 = tpu.memref_slice %arg2[%add3A_191, %dma_wait3A_356] : memref<50000x128xi32, #tpu.memory_space<hbm>> -> memref<1x128xi32, #tpu.memory_space<hbm>>
      %dma_wait3A_358 = tpu.memref_squeeze %dma_wait3A_357 : memref<1x128xi32, #tpu.memory_space<hbm>> -> memref<128xi32, #tpu.memory_space<hbm>>
      tpu.wait_dma2 semaphore(%arg9 : memref<!tpu.dma_semaphore, #tpu.memory_space<semaphore_mem>>) src(%dma_wait3A_358 : memref<128xi32, #tpu.memory_space<hbm>>) dst(%arg30 : memref<128xi32, #tpu.memory_space<vmem>>)
      %dma_wait3A_359 = arith.constant 0 : i32
      %dma_wait3A_360 = tpu.memref_slice %arg2[%add3A_199, %dma_wait3A_359] : memref<50000x128xi32, #tpu.memory_space<hbm>> -> memref<1x128xi32, #tpu.memory_space<hbm>>
      %dma_wait3A_361 = tpu.memref_squeeze %dma_wait3A_360 : memref<1x128xi32, #tpu.memory_space<hbm>> -> memref<128xi32, #tpu.memory_space<hbm>>
      %dma_wait3A_362 = arith.constant 0 : i32
      %dma_wait3A_363 = tpu.memref_slice %arg2[%add3A_199, %dma_wait3A_362] : memref<50000x128xi32, #tpu.memory_space<hbm>> -> memref<1x128xi32, #tpu.memory_space<hbm>>
      %dma_wait3A_364 = tpu.memref_squeeze %dma_wait3A_363 : memref<1x128xi32, #tpu.memory_space<hbm>> -> memref<128xi32, #tpu.memory_space<hbm>>
      tpu.wait_dma2 semaphore(%arg9 : memref<!tpu.dma_semaphore, #tpu.memory_space<semaphore_mem>>) src(%dma_wait3A_364 : memref<128xi32, #tpu.memory_space<hbm>>) dst(%arg31 : memref<128xi32, #tpu.memory_space<vmem>>)
      %dma_wait3A_365 = arith.constant 0 : i32
      %dma_wait3A_366 = tpu.memref_slice %arg2[%add3A_207, %dma_wait3A_365] : memref<50000x128xi32, #tpu.memory_space<hbm>> -> memref<1x128xi32, #tpu.memory_space<hbm>>
      %dma_wait3A_367 = tpu.memref_squeeze %dma_wait3A_366 : memref<1x128xi32, #tpu.memory_space<hbm>> -> memref<128xi32, #tpu.memory_space<hbm>>
      %dma_wait3A_368 = arith.constant 0 : i32
      %dma_wait3A_369 = tpu.memref_slice %arg2[%add3A_207, %dma_wait3A_368] : memref<50000x128xi32, #tpu.memory_space<hbm>> -> memref<1x128xi32, #tpu.memory_space<hbm>>
      %dma_wait3A_370 = tpu.memref_squeeze %dma_wait3A_369 : memref<1x128xi32, #tpu.memory_space<hbm>> -> memref<128xi32, #tpu.memory_space<hbm>>
      tpu.wait_dma2 semaphore(%arg9 : memref<!tpu.dma_semaphore, #tpu.memory_space<semaphore_mem>>) src(%dma_wait3A_370 : memref<128xi32, #tpu.memory_space<hbm>>) dst(%arg32 : memref<128xi32, #tpu.memory_space<vmem>>)
      %dma_wait3A_371 = arith.constant 0 : i32
      %dma_wait3A_372 = tpu.memref_slice %arg2[%add3A_215, %dma_wait3A_371] : memref<50000x128xi32, #tpu.memory_space<hbm>> -> memref<1x128xi32, #tpu.memory_space<hbm>>
      %dma_wait3A_373 = tpu.memref_squeeze %dma_wait3A_372 : memref<1x128xi32, #tpu.memory_space<hbm>> -> memref<128xi32, #tpu.memory_space<hbm>>
      %dma_wait3A_374 = arith.constant 0 : i32
      %dma_wait3A_375 = tpu.memref_slice %arg2[%add3A_215, %dma_wait3A_374] : memref<50000x128xi32, #tpu.memory_space<hbm>> -> memref<1x128xi32, #tpu.memory_space<hbm>>
      %dma_wait3A_376 = tpu.memref_squeeze %dma_wait3A_375 : memref<1x128xi32, #tpu.memory_space<hbm>> -> memref<128xi32, #tpu.memory_space<hbm>>
      tpu.wait_dma2 semaphore(%arg9 : memref<!tpu.dma_semaphore, #tpu.memory_space<semaphore_mem>>) src(%dma_wait3A_376 : memref<128xi32, #tpu.memory_space<hbm>>) dst(%arg33 : memref<128xi32, #tpu.memory_space<vmem>>)
      %dma_wait3A_377 = arith.constant 0 : i32
      %dma_wait3A_378 = tpu.memref_slice %arg2[%add3A_223, %dma_wait3A_377] : memref<50000x128xi32, #tpu.memory_space<hbm>> -> memref<1x128xi32, #tpu.memory_space<hbm>>
      %dma_wait3A_379 = tpu.memref_squeeze %dma_wait3A_378 : memref<1x128xi32, #tpu.memory_space<hbm>> -> memref<128xi32, #tpu.memory_space<hbm>>
      %dma_wait3A_380 = arith.constant 0 : i32
      %dma_wait3A_381 = tpu.memref_slice %arg2[%add3A_223, %dma_wait3A_380] : memref<50000x128xi32, #tpu.memory_space<hbm>> -> memref<1x128xi32, #tpu.memory_space<hbm>>
      %dma_wait3A_382 = tpu.memref_squeeze %dma_wait3A_381 : memref<1x128xi32, #tpu.memory_space<hbm>> -> memref<128xi32, #tpu.memory_space<hbm>>
      tpu.wait_dma2 semaphore(%arg9 : memref<!tpu.dma_semaphore, #tpu.memory_space<semaphore_mem>>) src(%dma_wait3A_382 : memref<128xi32, #tpu.memory_space<hbm>>) dst(%arg34 : memref<128xi32, #tpu.memory_space<vmem>>)
      %dma_wait3A_383 = arith.constant 0 : i32
      %dma_wait3A_384 = tpu.memref_slice %arg3[%mul3A_30, %dma_wait3A_383] : memref<6400000x8xf32, #tpu.memory_space<hbm>> -> memref<3200x8xf32, #tpu.memory_space<hbm>>
      %dma_wait3A_385 = arith.constant 0 : i32
      %dma_wait3A_386 = tpu.memref_slice %arg3[%mul3A_30, %dma_wait3A_385] : memref<6400000x8xf32, #tpu.memory_space<hbm>> -> memref<3200x8xf32, #tpu.memory_space<hbm>>
      tpu.wait_dma2 semaphore(%arg9 : memref<!tpu.dma_semaphore, #tpu.memory_space<semaphore_mem>>) src(%dma_wait3A_386 : memref<3200x8xf32, #tpu.memory_space<hbm>>) dst(%arg7 : memref<3200x8xf32, #tpu.memory_space<vmem>>)
      %dma_start3A_387 = arith.constant 0 : i32
      %dma_start3A_388 = arith.constant 0 : i32
      %dma_start3A_389 = tpu.memref_slice %arg7[%dma_start3A_387, %dma_start3A_388] : memref<3200x8xf32, #tpu.memory_space<vmem>> -> memref<128x8xf32, #tpu.memory_space<vmem>>
      %dma_start3A_390 = arith.constant 0 : i32
      %dma_start3A_391 = arith.constant 0 : i32
      %dma_start3A_392 = tpu.memref_slice %arg6[%dma_start3A_390, %dma_start3A_391] : memref<100000x8xf32, #tpu.memory_space<vmem_shared>> -> memref<100000x8xf32, #tpu.memory_space<vmem_shared>>
      tpu.enqueue_indirect_dma source(%dma_start3A_389 : memref<128x8xf32, #tpu.memory_space<vmem>>) target(%dma_start3A_392 : memref<100000x8xf32, #tpu.memory_space<vmem_shared>>) offsets(%arg10 : memref<128xi32, #tpu.memory_space<vmem>>) semaphore(%arg9 : memref<!tpu.dma_semaphore, #tpu.memory_space<semaphore_mem>>) {add = true}
      %dma_start3A_393 = arith.constant 128 : i32
      %dma_start3A_394 = arith.constant 0 : i32
      %dma_start3A_395 = tpu.memref_slice %arg7[%dma_start3A_393, %dma_start3A_394] : memref<3200x8xf32, #tpu.memory_space<vmem>> -> memref<128x8xf32, #tpu.memory_space<vmem>>
      %dma_start3A_396 = arith.constant 0 : i32
      %dma_start3A_397 = arith.constant 0 : i32
      %dma_start3A_398 = tpu.memref_slice %arg6[%dma_start3A_396, %dma_start3A_397] : memref<100000x8xf32, #tpu.memory_space<vmem_shared>> -> memref<100000x8xf32, #tpu.memory_space<vmem_shared>>
      tpu.enqueue_indirect_dma source(%dma_start3A_395 : memref<128x8xf32, #tpu.memory_space<vmem>>) target(%dma_start3A_398 : memref<100000x8xf32, #tpu.memory_space<vmem_shared>>) offsets(%arg11 : memref<128xi32, #tpu.memory_space<vmem>>) semaphore(%arg9 : memref<!tpu.dma_semaphore, #tpu.memory_space<semaphore_mem>>) {add = true}
      %dma_start3A_399 = arith.constant 256 : i32
      %dma_start3A_400 = arith.constant 0 : i32
      %dma_start3A_401 = tpu.memref_slice %arg7[%dma_start3A_399, %dma_start3A_400] : memref<3200x8xf32, #tpu.memory_space<vmem>> -> memref<128x8xf32, #tpu.memory_space<vmem>>
      %dma_start3A_402 = arith.constant 0 : i32
      %dma_start3A_403 = arith.constant 0 : i32
      %dma_start3A_404 = tpu.memref_slice %arg6[%dma_start3A_402, %dma_start3A_403] : memref<100000x8xf32, #tpu.memory_space<vmem_shared>> -> memref<100000x8xf32, #tpu.memory_space<vmem_shared>>
      tpu.enqueue_indirect_dma source(%dma_start3A_401 : memref<128x8xf32, #tpu.memory_space<vmem>>) target(%dma_start3A_404 : memref<100000x8xf32, #tpu.memory_space<vmem_shared>>) offsets(%arg12 : memref<128xi32, #tpu.memory_space<vmem>>) semaphore(%arg9 : memref<!tpu.dma_semaphore, #tpu.memory_space<semaphore_mem>>) {add = true}
      %dma_start3A_405 = arith.constant 384 : i32
      %dma_start3A_406 = arith.constant 0 : i32
      %dma_start3A_407 = tpu.memref_slice %arg7[%dma_start3A_405, %dma_start3A_406] : memref<3200x8xf32, #tpu.memory_space<vmem>> -> memref<128x8xf32, #tpu.memory_space<vmem>>
      %dma_start3A_408 = arith.constant 0 : i32
      %dma_start3A_409 = arith.constant 0 : i32
      %dma_start3A_410 = tpu.memref_slice %arg6[%dma_start3A_408, %dma_start3A_409] : memref<100000x8xf32, #tpu.memory_space<vmem_shared>> -> memref<100000x8xf32, #tpu.memory_space<vmem_shared>>
      tpu.enqueue_indirect_dma source(%dma_start3A_407 : memref<128x8xf32, #tpu.memory_space<vmem>>) target(%dma_start3A_410 : memref<100000x8xf32, #tpu.memory_space<vmem_shared>>) offsets(%arg13 : memref<128xi32, #tpu.memory_space<vmem>>) semaphore(%arg9 : memref<!tpu.dma_semaphore, #tpu.memory_space<semaphore_mem>>) {add = true}
      %dma_start3A_411 = arith.constant 512 : i32
      %dma_start3A_412 = arith.constant 0 : i32
      %dma_start3A_413 = tpu.memref_slice %arg7[%dma_start3A_411, %dma_start3A_412] : memref<3200x8xf32, #tpu.memory_space<vmem>> -> memref<128x8xf32, #tpu.memory_space<vmem>>
      %dma_start3A_414 = arith.constant 0 : i32
      %dma_start3A_415 = arith.constant 0 : i32
      %dma_start3A_416 = tpu.memref_slice %arg6[%dma_start3A_414, %dma_start3A_415] : memref<100000x8xf32, #tpu.memory_space<vmem_shared>> -> memref<100000x8xf32, #tpu.memory_space<vmem_shared>>
      tpu.enqueue_indirect_dma source(%dma_start3A_413 : memref<128x8xf32, #tpu.memory_space<vmem>>) target(%dma_start3A_416 : memref<100000x8xf32, #tpu.memory_space<vmem_shared>>) offsets(%arg14 : memref<128xi32, #tpu.memory_space<vmem>>) semaphore(%arg9 : memref<!tpu.dma_semaphore, #tpu.memory_space<semaphore_mem>>) {add = true}
      %dma_start3A_417 = arith.constant 640 : i32
      %dma_start3A_418 = arith.constant 0 : i32
      %dma_start3A_419 = tpu.memref_slice %arg7[%dma_start3A_417, %dma_start3A_418] : memref<3200x8xf32, #tpu.memory_space<vmem>> -> memref<128x8xf32, #tpu.memory_space<vmem>>
      %dma_start3A_420 = arith.constant 0 : i32
      %dma_start3A_421 = arith.constant 0 : i32
      %dma_start3A_422 = tpu.memref_slice %arg6[%dma_start3A_420, %dma_start3A_421] : memref<100000x8xf32, #tpu.memory_space<vmem_shared>> -> memref<100000x8xf32, #tpu.memory_space<vmem_shared>>
      tpu.enqueue_indirect_dma source(%dma_start3A_419 : memref<128x8xf32, #tpu.memory_space<vmem>>) target(%dma_start3A_422 : memref<100000x8xf32, #tpu.memory_space<vmem_shared>>) offsets(%arg15 : memref<128xi32, #tpu.memory_space<vmem>>) semaphore(%arg9 : memref<!tpu.dma_semaphore, #tpu.memory_space<semaphore_mem>>) {add = true}
      %dma_start3A_423 = arith.constant 768 : i32
      %dma_start3A_424 = arith.constant 0 : i32
      %dma_start3A_425 = tpu.memref_slice %arg7[%dma_start3A_423, %dma_start3A_424] : memref<3200x8xf32, #tpu.memory_space<vmem>> -> memref<128x8xf32, #tpu.memory_space<vmem>>
      %dma_start3A_426 = arith.constant 0 : i32
      %dma_start3A_427 = arith.constant 0 : i32
      %dma_start3A_428 = tpu.memref_slice %arg6[%dma_start3A_426, %dma_start3A_427] : memref<100000x8xf32, #tpu.memory_space<vmem_shared>> -> memref<100000x8xf32, #tpu.memory_space<vmem_shared>>
      tpu.enqueue_indirect_dma source(%dma_start3A_425 : memref<128x8xf32, #tpu.memory_space<vmem>>) target(%dma_start3A_428 : memref<100000x8xf32, #tpu.memory_space<vmem_shared>>) offsets(%arg16 : memref<128xi32, #tpu.memory_space<vmem>>) semaphore(%arg9 : memref<!tpu.dma_semaphore, #tpu.memory_space<semaphore_mem>>) {add = true}
      %dma_start3A_429 = arith.constant 896 : i32
      %dma_start3A_430 = arith.constant 0 : i32
      %dma_start3A_431 = tpu.memref_slice %arg7[%dma_start3A_429, %dma_start3A_430] : memref<3200x8xf32, #tpu.memory_space<vmem>> -> memref<128x8xf32, #tpu.memory_space<vmem>>
      %dma_start3A_432 = arith.constant 0 : i32
      %dma_start3A_433 = arith.constant 0 : i32
      %dma_start3A_434 = tpu.memref_slice %arg6[%dma_start3A_432, %dma_start3A_433] : memref<100000x8xf32, #tpu.memory_space<vmem_shared>> -> memref<100000x8xf32, #tpu.memory_space<vmem_shared>>
      tpu.enqueue_indirect_dma source(%dma_start3A_431 : memref<128x8xf32, #tpu.memory_space<vmem>>) target(%dma_start3A_434 : memref<100000x8xf32, #tpu.memory_space<vmem_shared>>) offsets(%arg17 : memref<128xi32, #tpu.memory_space<vmem>>) semaphore(%arg9 : memref<!tpu.dma_semaphore, #tpu.memory_space<semaphore_mem>>) {add = true}
      %dma_start3A_435 = arith.constant 1024 : i32
      %dma_start3A_436 = arith.constant 0 : i32
      %dma_start3A_437 = tpu.memref_slice %arg7[%dma_start3A_435, %dma_start3A_436] : memref<3200x8xf32, #tpu.memory_space<vmem>> -> memref<128x8xf32, #tpu.memory_space<vmem>>
      %dma_start3A_438 = arith.constant 0 : i32
      %dma_start3A_439 = arith.constant 0 : i32
      %dma_start3A_440 = tpu.memref_slice %arg6[%dma_start3A_438, %dma_start3A_439] : memref<100000x8xf32, #tpu.memory_space<vmem_shared>> -> memref<100000x8xf32, #tpu.memory_space<vmem_shared>>
      tpu.enqueue_indirect_dma source(%dma_start3A_437 : memref<128x8xf32, #tpu.memory_space<vmem>>) target(%dma_start3A_440 : memref<100000x8xf32, #tpu.memory_space<vmem_shared>>) offsets(%arg18 : memref<128xi32, #tpu.memory_space<vmem>>) semaphore(%arg9 : memref<!tpu.dma_semaphore, #tpu.memory_space<semaphore_mem>>) {add = true}
      %dma_start3A_441 = arith.constant 1152 : i32
      %dma_start3A_442 = arith.constant 0 : i32
      %dma_start3A_443 = tpu.memref_slice %arg7[%dma_start3A_441, %dma_start3A_442] : memref<3200x8xf32, #tpu.memory_space<vmem>> -> memref<128x8xf32, #tpu.memory_space<vmem>>
      %dma_start3A_444 = arith.constant 0 : i32
      %dma_start3A_445 = arith.constant 0 : i32
      %dma_start3A_446 = tpu.memref_slice %arg6[%dma_start3A_444, %dma_start3A_445] : memref<100000x8xf32, #tpu.memory_space<vmem_shared>> -> memref<100000x8xf32, #tpu.memory_space<vmem_shared>>
      tpu.enqueue_indirect_dma source(%dma_start3A_443 : memref<128x8xf32, #tpu.memory_space<vmem>>) target(%dma_start3A_446 : memref<100000x8xf32, #tpu.memory_space<vmem_shared>>) offsets(%arg19 : memref<128xi32, #tpu.memory_space<vmem>>) semaphore(%arg9 : memref<!tpu.dma_semaphore, #tpu.memory_space<semaphore_mem>>) {add = true}
      %dma_start3A_447 = arith.constant 1280 : i32
      %dma_start3A_448 = arith.constant 0 : i32
      %dma_start3A_449 = tpu.memref_slice %arg7[%dma_start3A_447, %dma_start3A_448] : memref<3200x8xf32, #tpu.memory_space<vmem>> -> memref<128x8xf32, #tpu.memory_space<vmem>>
      %dma_start3A_450 = arith.constant 0 : i32
      %dma_start3A_451 = arith.constant 0 : i32
      %dma_start3A_452 = tpu.memref_slice %arg6[%dma_start3A_450, %dma_start3A_451] : memref<100000x8xf32, #tpu.memory_space<vmem_shared>> -> memref<100000x8xf32, #tpu.memory_space<vmem_shared>>
      tpu.enqueue_indirect_dma source(%dma_start3A_449 : memref<128x8xf32, #tpu.memory_space<vmem>>) target(%dma_start3A_452 : memref<100000x8xf32, #tpu.memory_space<vmem_shared>>) offsets(%arg20 : memref<128xi32, #tpu.memory_space<vmem>>) semaphore(%arg9 : memref<!tpu.dma_semaphore, #tpu.memory_space<semaphore_mem>>) {add = true}
      %dma_start3A_453 = arith.constant 1408 : i32
      %dma_start3A_454 = arith.constant 0 : i32
      %dma_start3A_455 = tpu.memref_slice %arg7[%dma_start3A_453, %dma_start3A_454] : memref<3200x8xf32, #tpu.memory_space<vmem>> -> memref<128x8xf32, #tpu.memory_space<vmem>>
      %dma_start3A_456 = arith.constant 0 : i32
      %dma_start3A_457 = arith.constant 0 : i32
      %dma_start3A_458 = tpu.memref_slice %arg6[%dma_start3A_456, %dma_start3A_457] : memref<100000x8xf32, #tpu.memory_space<vmem_shared>> -> memref<100000x8xf32, #tpu.memory_space<vmem_shared>>
      tpu.enqueue_indirect_dma source(%dma_start3A_455 : memref<128x8xf32, #tpu.memory_space<vmem>>) target(%dma_start3A_458 : memref<100000x8xf32, #tpu.memory_space<vmem_shared>>) offsets(%arg21 : memref<128xi32, #tpu.memory_space<vmem>>) semaphore(%arg9 : memref<!tpu.dma_semaphore, #tpu.memory_space<semaphore_mem>>) {add = true}
      %dma_start3A_459 = arith.constant 1536 : i32
      %dma_start3A_460 = arith.constant 0 : i32
      %dma_start3A_461 = tpu.memref_slice %arg7[%dma_start3A_459, %dma_start3A_460] : memref<3200x8xf32, #tpu.memory_space<vmem>> -> memref<128x8xf32, #tpu.memory_space<vmem>>
      %dma_start3A_462 = arith.constant 0 : i32
      %dma_start3A_463 = arith.constant 0 : i32
      %dma_start3A_464 = tpu.memref_slice %arg6[%dma_start3A_462, %dma_start3A_463] : memref<100000x8xf32, #tpu.memory_space<vmem_shared>> -> memref<100000x8xf32, #tpu.memory_space<vmem_shared>>
      tpu.enqueue_indirect_dma source(%dma_start3A_461 : memref<128x8xf32, #tpu.memory_space<vmem>>) target(%dma_start3A_464 : memref<100000x8xf32, #tpu.memory_space<vmem_shared>>) offsets(%arg22 : memref<128xi32, #tpu.memory_space<vmem>>) semaphore(%arg9 : memref<!tpu.dma_semaphore, #tpu.memory_space<semaphore_mem>>) {add = true}
      %dma_start3A_465 = arith.constant 1664 : i32
      %dma_start3A_466 = arith.constant 0 : i32
      %dma_start3A_467 = tpu.memref_slice %arg7[%dma_start3A_465, %dma_start3A_466] : memref<3200x8xf32, #tpu.memory_space<vmem>> -> memref<128x8xf32, #tpu.memory_space<vmem>>
      %dma_start3A_468 = arith.constant 0 : i32
      %dma_start3A_469 = arith.constant 0 : i32
      %dma_start3A_470 = tpu.memref_slice %arg6[%dma_start3A_468, %dma_start3A_469] : memref<100000x8xf32, #tpu.memory_space<vmem_shared>> -> memref<100000x8xf32, #tpu.memory_space<vmem_shared>>
      tpu.enqueue_indirect_dma source(%dma_start3A_467 : memref<128x8xf32, #tpu.memory_space<vmem>>) target(%dma_start3A_470 : memref<100000x8xf32, #tpu.memory_space<vmem_shared>>) offsets(%arg23 : memref<128xi32, #tpu.memory_space<vmem>>) semaphore(%arg9 : memref<!tpu.dma_semaphore, #tpu.memory_space<semaphore_mem>>) {add = true}
      %dma_start3A_471 = arith.constant 1792 : i32
      %dma_start3A_472 = arith.constant 0 : i32
      %dma_start3A_473 = tpu.memref_slice %arg7[%dma_start3A_471, %dma_start3A_472] : memref<3200x8xf32, #tpu.memory_space<vmem>> -> memref<128x8xf32, #tpu.memory_space<vmem>>
      %dma_start3A_474 = arith.constant 0 : i32
      %dma_start3A_475 = arith.constant 0 : i32
      %dma_start3A_476 = tpu.memref_slice %arg6[%dma_start3A_474, %dma_start3A_475] : memref<100000x8xf32, #tpu.memory_space<vmem_shared>> -> memref<100000x8xf32, #tpu.memory_space<vmem_shared>>
      tpu.enqueue_indirect_dma source(%dma_start3A_473 : memref<128x8xf32, #tpu.memory_space<vmem>>) target(%dma_start3A_476 : memref<100000x8xf32, #tpu.memory_space<vmem_shared>>) offsets(%arg24 : memref<128xi32, #tpu.memory_space<vmem>>) semaphore(%arg9 : memref<!tpu.dma_semaphore, #tpu.memory_space<semaphore_mem>>) {add = true}
      %dma_start3A_477 = arith.constant 1920 : i32
      %dma_start3A_478 = arith.constant 0 : i32
      %dma_start3A_479 = tpu.memref_slice %arg7[%dma_start3A_477, %dma_start3A_478] : memref<3200x8xf32, #tpu.memory_space<vmem>> -> memref<128x8xf32, #tpu.memory_space<vmem>>
      %dma_start3A_480 = arith.constant 0 : i32
      %dma_start3A_481 = arith.constant 0 : i32
      %dma_start3A_482 = tpu.memref_slice %arg6[%dma_start3A_480, %dma_start3A_481] : memref<100000x8xf32, #tpu.memory_space<vmem_shared>> -> memref<100000x8xf32, #tpu.memory_space<vmem_shared>>
      tpu.enqueue_indirect_dma source(%dma_start3A_479 : memref<128x8xf32, #tpu.memory_space<vmem>>) target(%dma_start3A_482 : memref<100000x8xf32, #tpu.memory_space<vmem_shared>>) offsets(%arg25 : memref<128xi32, #tpu.memory_space<vmem>>) semaphore(%arg9 : memref<!tpu.dma_semaphore, #tpu.memory_space<semaphore_mem>>) {add = true}
      %dma_start3A_483 = arith.constant 2048 : i32
      %dma_start3A_484 = arith.constant 0 : i32
      %dma_start3A_485 = tpu.memref_slice %arg7[%dma_start3A_483, %dma_start3A_484] : memref<3200x8xf32, #tpu.memory_space<vmem>> -> memref<128x8xf32, #tpu.memory_space<vmem>>
      %dma_start3A_486 = arith.constant 0 : i32
      %dma_start3A_487 = arith.constant 0 : i32
      %dma_start3A_488 = tpu.memref_slice %arg6[%dma_start3A_486, %dma_start3A_487] : memref<100000x8xf32, #tpu.memory_space<vmem_shared>> -> memref<100000x8xf32, #tpu.memory_space<vmem_shared>>
      tpu.enqueue_indirect_dma source(%dma_start3A_485 : memref<128x8xf32, #tpu.memory_space<vmem>>) target(%dma_start3A_488 : memref<100000x8xf32, #tpu.memory_space<vmem_shared>>) offsets(%arg26 : memref<128xi32, #tpu.memory_space<vmem>>) semaphore(%arg9 : memref<!tpu.dma_semaphore, #tpu.memory_space<semaphore_mem>>) {add = true}
      %dma_start3A_489 = arith.constant 2176 : i32
      %dma_start3A_490 = arith.constant 0 : i32
      %dma_start3A_491 = tpu.memref_slice %arg7[%dma_start3A_489, %dma_start3A_490] : memref<3200x8xf32, #tpu.memory_space<vmem>> -> memref<128x8xf32, #tpu.memory_space<vmem>>
      %dma_start3A_492 = arith.constant 0 : i32
      %dma_start3A_493 = arith.constant 0 : i32
      %dma_start3A_494 = tpu.memref_slice %arg6[%dma_start3A_492, %dma_start3A_493] : memref<100000x8xf32, #tpu.memory_space<vmem_shared>> -> memref<100000x8xf32, #tpu.memory_space<vmem_shared>>
      tpu.enqueue_indirect_dma source(%dma_start3A_491 : memref<128x8xf32, #tpu.memory_space<vmem>>) target(%dma_start3A_494 : memref<100000x8xf32, #tpu.memory_space<vmem_shared>>) offsets(%arg27 : memref<128xi32, #tpu.memory_space<vmem>>) semaphore(%arg9 : memref<!tpu.dma_semaphore, #tpu.memory_space<semaphore_mem>>) {add = true}
      %dma_start3A_495 = arith.constant 2304 : i32
      %dma_start3A_496 = arith.constant 0 : i32
      %dma_start3A_497 = tpu.memref_slice %arg7[%dma_start3A_495, %dma_start3A_496] : memref<3200x8xf32, #tpu.memory_space<vmem>> -> memref<128x8xf32, #tpu.memory_space<vmem>>
      %dma_start3A_498 = arith.constant 0 : i32
      %dma_start3A_499 = arith.constant 0 : i32
      %dma_start3A_500 = tpu.memref_slice %arg6[%dma_start3A_498, %dma_start3A_499] : memref<100000x8xf32, #tpu.memory_space<vmem_shared>> -> memref<100000x8xf32, #tpu.memory_space<vmem_shared>>
      tpu.enqueue_indirect_dma source(%dma_start3A_497 : memref<128x8xf32, #tpu.memory_space<vmem>>) target(%dma_start3A_500 : memref<100000x8xf32, #tpu.memory_space<vmem_shared>>) offsets(%arg28 : memref<128xi32, #tpu.memory_space<vmem>>) semaphore(%arg9 : memref<!tpu.dma_semaphore, #tpu.memory_space<semaphore_mem>>) {add = true}
      %dma_start3A_501 = arith.constant 2432 : i32
      %dma_start3A_502 = arith.constant 0 : i32
      %dma_start3A_503 = tpu.memref_slice %arg7[%dma_start3A_501, %dma_start3A_502] : memref<3200x8xf32, #tpu.memory_space<vmem>> -> memref<128x8xf32, #tpu.memory_space<vmem>>
      %dma_start3A_504 = arith.constant 0 : i32
      %dma_start3A_505 = arith.constant 0 : i32
      %dma_start3A_506 = tpu.memref_slice %arg6[%dma_start3A_504, %dma_start3A_505] : memref<100000x8xf32, #tpu.memory_space<vmem_shared>> -> memref<100000x8xf32, #tpu.memory_space<vmem_shared>>
      tpu.enqueue_indirect_dma source(%dma_start3A_503 : memref<128x8xf32, #tpu.memory_space<vmem>>) target(%dma_start3A_506 : memref<100000x8xf32, #tpu.memory_space<vmem_shared>>) offsets(%arg29 : memref<128xi32, #tpu.memory_space<vmem>>) semaphore(%arg9 : memref<!tpu.dma_semaphore, #tpu.memory_space<semaphore_mem>>) {add = true}
      %dma_start3A_507 = arith.constant 2560 : i32
      %dma_start3A_508 = arith.constant 0 : i32
      %dma_start3A_509 = tpu.memref_slice %arg7[%dma_start3A_507, %dma_start3A_508] : memref<3200x8xf32, #tpu.memory_space<vmem>> -> memref<128x8xf32, #tpu.memory_space<vmem>>
      %dma_start3A_510 = arith.constant 0 : i32
      %dma_start3A_511 = arith.constant 0 : i32
      %dma_start3A_512 = tpu.memref_slice %arg6[%dma_start3A_510, %dma_start3A_511] : memref<100000x8xf32, #tpu.memory_space<vmem_shared>> -> memref<100000x8xf32, #tpu.memory_space<vmem_shared>>
      tpu.enqueue_indirect_dma source(%dma_start3A_509 : memref<128x8xf32, #tpu.memory_space<vmem>>) target(%dma_start3A_512 : memref<100000x8xf32, #tpu.memory_space<vmem_shared>>) offsets(%arg30 : memref<128xi32, #tpu.memory_space<vmem>>) semaphore(%arg9 : memref<!tpu.dma_semaphore, #tpu.memory_space<semaphore_mem>>) {add = true}
      %dma_start3A_513 = arith.constant 2688 : i32
      %dma_start3A_514 = arith.constant 0 : i32
      %dma_start3A_515 = tpu.memref_slice %arg7[%dma_start3A_513, %dma_start3A_514] : memref<3200x8xf32, #tpu.memory_space<vmem>> -> memref<128x8xf32, #tpu.memory_space<vmem>>
      %dma_start3A_516 = arith.constant 0 : i32
      %dma_start3A_517 = arith.constant 0 : i32
      %dma_start3A_518 = tpu.memref_slice %arg6[%dma_start3A_516, %dma_start3A_517] : memref<100000x8xf32, #tpu.memory_space<vmem_shared>> -> memref<100000x8xf32, #tpu.memory_space<vmem_shared>>
      tpu.enqueue_indirect_dma source(%dma_start3A_515 : memref<128x8xf32, #tpu.memory_space<vmem>>) target(%dma_start3A_518 : memref<100000x8xf32, #tpu.memory_space<vmem_shared>>) offsets(%arg31 : memref<128xi32, #tpu.memory_space<vmem>>) semaphore(%arg9 : memref<!tpu.dma_semaphore, #tpu.memory_space<semaphore_mem>>) {add = true}
      %dma_start3A_519 = arith.constant 2816 : i32
      %dma_start3A_520 = arith.constant 0 : i32
      %dma_start3A_521 = tpu.memref_slice %arg7[%dma_start3A_519, %dma_start3A_520] : memref<3200x8xf32, #tpu.memory_space<vmem>> -> memref<128x8xf32, #tpu.memory_space<vmem>>
      %dma_start3A_522 = arith.constant 0 : i32
      %dma_start3A_523 = arith.constant 0 : i32
      %dma_start3A_524 = tpu.memref_slice %arg6[%dma_start3A_522, %dma_start3A_523] : memref<100000x8xf32, #tpu.memory_space<vmem_shared>> -> memref<100000x8xf32, #tpu.memory_space<vmem_shared>>
      tpu.enqueue_indirect_dma source(%dma_start3A_521 : memref<128x8xf32, #tpu.memory_space<vmem>>) target(%dma_start3A_524 : memref<100000x8xf32, #tpu.memory_space<vmem_shared>>) offsets(%arg32 : memref<128xi32, #tpu.memory_space<vmem>>) semaphore(%arg9 : memref<!tpu.dma_semaphore, #tpu.memory_space<semaphore_mem>>) {add = true}
      %dma_start3A_525 = arith.constant 2944 : i32
      %dma_start3A_526 = arith.constant 0 : i32
      %dma_start3A_527 = tpu.memref_slice %arg7[%dma_start3A_525, %dma_start3A_526] : memref<3200x8xf32, #tpu.memory_space<vmem>> -> memref<128x8xf32, #tpu.memory_space<vmem>>
      %dma_start3A_528 = arith.constant 0 : i32
      %dma_start3A_529 = arith.constant 0 : i32
      %dma_start3A_530 = tpu.memref_slice %arg6[%dma_start3A_528, %dma_start3A_529] : memref<100000x8xf32, #tpu.memory_space<vmem_shared>> -> memref<100000x8xf32, #tpu.memory_space<vmem_shared>>
      tpu.enqueue_indirect_dma source(%dma_start3A_527 : memref<128x8xf32, #tpu.memory_space<vmem>>) target(%dma_start3A_530 : memref<100000x8xf32, #tpu.memory_space<vmem_shared>>) offsets(%arg33 : memref<128xi32, #tpu.memory_space<vmem>>) semaphore(%arg9 : memref<!tpu.dma_semaphore, #tpu.memory_space<semaphore_mem>>) {add = true}
      %dma_start3A_531 = arith.constant 3072 : i32
      %dma_start3A_532 = arith.constant 0 : i32
      %dma_start3A_533 = tpu.memref_slice %arg7[%dma_start3A_531, %dma_start3A_532] : memref<3200x8xf32, #tpu.memory_space<vmem>> -> memref<128x8xf32, #tpu.memory_space<vmem>>
      %dma_start3A_534 = arith.constant 0 : i32
      %dma_start3A_535 = arith.constant 0 : i32
      %dma_start3A_536 = tpu.memref_slice %arg6[%dma_start3A_534, %dma_start3A_535] : memref<100000x8xf32, #tpu.memory_space<vmem_shared>> -> memref<100000x8xf32, #tpu.memory_space<vmem_shared>>
      tpu.enqueue_indirect_dma source(%dma_start3A_533 : memref<128x8xf32, #tpu.memory_space<vmem>>) target(%dma_start3A_536 : memref<100000x8xf32, #tpu.memory_space<vmem_shared>>) offsets(%arg34 : memref<128xi32, #tpu.memory_space<vmem>>) semaphore(%arg9 : memref<!tpu.dma_semaphore, #tpu.memory_space<semaphore_mem>>) {add = true}
      %dma_wait3A_537 = arith.constant 0 : i32
      %dma_wait3A_538 = arith.constant 0 : i32
      %dma_wait3A_539 = tpu.memref_slice %arg7[%dma_wait3A_537, %dma_wait3A_538] : memref<3200x8xf32, #tpu.memory_space<vmem>> -> memref<128x8xf32, #tpu.memory_space<vmem>>
      %dma_wait3A_540 = arith.constant 0 : i32
      %dma_wait3A_541 = arith.constant 0 : i32
      %dma_wait3A_542 = tpu.memref_slice %arg6[%dma_wait3A_540, %dma_wait3A_541] : memref<100000x8xf32, #tpu.memory_space<vmem_shared>> -> memref<100000x8xf32, #tpu.memory_space<vmem_shared>>
      tpu.wait_indirect_dma semaphore(%arg9 : memref<!tpu.dma_semaphore, #tpu.memory_space<semaphore_mem>>) src(%dma_wait3A_539 : memref<128x8xf32, #tpu.memory_space<vmem>>) dst(%dma_wait3A_542 : memref<100000x8xf32, #tpu.memory_space<vmem_shared>>)
      %dma_wait3A_543 = arith.constant 128 : i32
      %dma_wait3A_544 = arith.constant 0 : i32
      %dma_wait3A_545 = tpu.memref_slice %arg7[%dma_wait3A_543, %dma_wait3A_544] : memref<3200x8xf32, #tpu.memory_space<vmem>> -> memref<128x8xf32, #tpu.memory_space<vmem>>
      %dma_wait3A_546 = arith.constant 0 : i32
      %dma_wait3A_547 = arith.constant 0 : i32
      %dma_wait3A_548 = tpu.memref_slice %arg6[%dma_wait3A_546, %dma_wait3A_547] : memref<100000x8xf32, #tpu.memory_space<vmem_shared>> -> memref<100000x8xf32, #tpu.memory_space<vmem_shared>>
      tpu.wait_indirect_dma semaphore(%arg9 : memref<!tpu.dma_semaphore, #tpu.memory_space<semaphore_mem>>) src(%dma_wait3A_545 : memref<128x8xf32, #tpu.memory_space<vmem>>) dst(%dma_wait3A_548 : memref<100000x8xf32, #tpu.memory_space<vmem_shared>>)
      %dma_wait3A_549 = arith.constant 256 : i32
      %dma_wait3A_550 = arith.constant 0 : i32
      %dma_wait3A_551 = tpu.memref_slice %arg7[%dma_wait3A_549, %dma_wait3A_550] : memref<3200x8xf32, #tpu.memory_space<vmem>> -> memref<128x8xf32, #tpu.memory_space<vmem>>
      %dma_wait3A_552 = arith.constant 0 : i32
      %dma_wait3A_553 = arith.constant 0 : i32
      %dma_wait3A_554 = tpu.memref_slice %arg6[%dma_wait3A_552, %dma_wait3A_553] : memref<100000x8xf32, #tpu.memory_space<vmem_shared>> -> memref<100000x8xf32, #tpu.memory_space<vmem_shared>>
      tpu.wait_indirect_dma semaphore(%arg9 : memref<!tpu.dma_semaphore, #tpu.memory_space<semaphore_mem>>) src(%dma_wait3A_551 : memref<128x8xf32, #tpu.memory_space<vmem>>) dst(%dma_wait3A_554 : memref<100000x8xf32, #tpu.memory_space<vmem_shared>>)
      %dma_wait3A_555 = arith.constant 384 : i32
      %dma_wait3A_556 = arith.constant 0 : i32
      %dma_wait3A_557 = tpu.memref_slice %arg7[%dma_wait3A_555, %dma_wait3A_556] : memref<3200x8xf32, #tpu.memory_space<vmem>> -> memref<128x8xf32, #tpu.memory_space<vmem>>
      %dma_wait3A_558 = arith.constant 0 : i32
      %dma_wait3A_559 = arith.constant 0 : i32
      %dma_wait3A_560 = tpu.memref_slice %arg6[%dma_wait3A_558, %dma_wait3A_559] : memref<100000x8xf32, #tpu.memory_space<vmem_shared>> -> memref<100000x8xf32, #tpu.memory_space<vmem_shared>>
      tpu.wait_indirect_dma semaphore(%arg9 : memref<!tpu.dma_semaphore, #tpu.memory_space<semaphore_mem>>) src(%dma_wait3A_557 : memref<128x8xf32, #tpu.memory_space<vmem>>) dst(%dma_wait3A_560 : memref<100000x8xf32, #tpu.memory_space<vmem_shared>>)
      %dma_wait3A_561 = arith.constant 512 : i32
      %dma_wait3A_562 = arith.constant 0 : i32
      %dma_wait3A_563 = tpu.memref_slice %arg7[%dma_wait3A_561, %dma_wait3A_562] : memref<3200x8xf32, #tpu.memory_space<vmem>> -> memref<128x8xf32, #tpu.memory_space<vmem>>
      %dma_wait3A_564 = arith.constant 0 : i32
      %dma_wait3A_565 = arith.constant 0 : i32
      %dma_wait3A_566 = tpu.memref_slice %arg6[%dma_wait3A_564, %dma_wait3A_565] : memref<100000x8xf32, #tpu.memory_space<vmem_shared>> -> memref<100000x8xf32, #tpu.memory_space<vmem_shared>>
      tpu.wait_indirect_dma semaphore(%arg9 : memref<!tpu.dma_semaphore, #tpu.memory_space<semaphore_mem>>) src(%dma_wait3A_563 : memref<128x8xf32, #tpu.memory_space<vmem>>) dst(%dma_wait3A_566 : memref<100000x8xf32, #tpu.memory_space<vmem_shared>>)
      %dma_wait3A_567 = arith.constant 640 : i32
      %dma_wait3A_568 = arith.constant 0 : i32
      %dma_wait3A_569 = tpu.memref_slice %arg7[%dma_wait3A_567, %dma_wait3A_568] : memref<3200x8xf32, #tpu.memory_space<vmem>> -> memref<128x8xf32, #tpu.memory_space<vmem>>
      %dma_wait3A_570 = arith.constant 0 : i32
      %dma_wait3A_571 = arith.constant 0 : i32
      %dma_wait3A_572 = tpu.memref_slice %arg6[%dma_wait3A_570, %dma_wait3A_571] : memref<100000x8xf32, #tpu.memory_space<vmem_shared>> -> memref<100000x8xf32, #tpu.memory_space<vmem_shared>>
      tpu.wait_indirect_dma semaphore(%arg9 : memref<!tpu.dma_semaphore, #tpu.memory_space<semaphore_mem>>) src(%dma_wait3A_569 : memref<128x8xf32, #tpu.memory_space<vmem>>) dst(%dma_wait3A_572 : memref<100000x8xf32, #tpu.memory_space<vmem_shared>>)
      %dma_wait3A_573 = arith.constant 768 : i32
      %dma_wait3A_574 = arith.constant 0 : i32
      %dma_wait3A_575 = tpu.memref_slice %arg7[%dma_wait3A_573, %dma_wait3A_574] : memref<3200x8xf32, #tpu.memory_space<vmem>> -> memref<128x8xf32, #tpu.memory_space<vmem>>
      %dma_wait3A_576 = arith.constant 0 : i32
      %dma_wait3A_577 = arith.constant 0 : i32
      %dma_wait3A_578 = tpu.memref_slice %arg6[%dma_wait3A_576, %dma_wait3A_577] : memref<100000x8xf32, #tpu.memory_space<vmem_shared>> -> memref<100000x8xf32, #tpu.memory_space<vmem_shared>>
      tpu.wait_indirect_dma semaphore(%arg9 : memref<!tpu.dma_semaphore, #tpu.memory_space<semaphore_mem>>) src(%dma_wait3A_575 : memref<128x8xf32, #tpu.memory_space<vmem>>) dst(%dma_wait3A_578 : memref<100000x8xf32, #tpu.memory_space<vmem_shared>>)
      %dma_wait3A_579 = arith.constant 896 : i32
      %dma_wait3A_580 = arith.constant 0 : i32
      %dma_wait3A_581 = tpu.memref_slice %arg7[%dma_wait3A_579, %dma_wait3A_580] : memref<3200x8xf32, #tpu.memory_space<vmem>> -> memref<128x8xf32, #tpu.memory_space<vmem>>
      %dma_wait3A_582 = arith.constant 0 : i32
      %dma_wait3A_583 = arith.constant 0 : i32
      %dma_wait3A_584 = tpu.memref_slice %arg6[%dma_wait3A_582, %dma_wait3A_583] : memref<100000x8xf32, #tpu.memory_space<vmem_shared>> -> memref<100000x8xf32, #tpu.memory_space<vmem_shared>>
      tpu.wait_indirect_dma semaphore(%arg9 : memref<!tpu.dma_semaphore, #tpu.memory_space<semaphore_mem>>) src(%dma_wait3A_581 : memref<128x8xf32, #tpu.memory_space<vmem>>) dst(%dma_wait3A_584 : memref<100000x8xf32, #tpu.memory_space<vmem_shared>>)
      %dma_wait3A_585 = arith.constant 1024 : i32
      %dma_wait3A_586 = arith.constant 0 : i32
      %dma_wait3A_587 = tpu.memref_slice %arg7[%dma_wait3A_585, %dma_wait3A_586] : memref<3200x8xf32, #tpu.memory_space<vmem>> -> memref<128x8xf32, #tpu.memory_space<vmem>>
      %dma_wait3A_588 = arith.constant 0 : i32
      %dma_wait3A_589 = arith.constant 0 : i32
      %dma_wait3A_590 = tpu.memref_slice %arg6[%dma_wait3A_588, %dma_wait3A_589] : memref<100000x8xf32, #tpu.memory_space<vmem_shared>> -> memref<100000x8xf32, #tpu.memory_space<vmem_shared>>
      tpu.wait_indirect_dma semaphore(%arg9 : memref<!tpu.dma_semaphore, #tpu.memory_space<semaphore_mem>>) src(%dma_wait3A_587 : memref<128x8xf32, #tpu.memory_space<vmem>>) dst(%dma_wait3A_590 : memref<100000x8xf32, #tpu.memory_space<vmem_shared>>)
      %dma_wait3A_591 = arith.constant 1152 : i32
      %dma_wait3A_592 = arith.constant 0 : i32
      %dma_wait3A_593 = tpu.memref_slice %arg7[%dma_wait3A_591, %dma_wait3A_592] : memref<3200x8xf32, #tpu.memory_space<vmem>> -> memref<128x8xf32, #tpu.memory_space<vmem>>
      %dma_wait3A_594 = arith.constant 0 : i32
      %dma_wait3A_595 = arith.constant 0 : i32
      %dma_wait3A_596 = tpu.memref_slice %arg6[%dma_wait3A_594, %dma_wait3A_595] : memref<100000x8xf32, #tpu.memory_space<vmem_shared>> -> memref<100000x8xf32, #tpu.memory_space<vmem_shared>>
      tpu.wait_indirect_dma semaphore(%arg9 : memref<!tpu.dma_semaphore, #tpu.memory_space<semaphore_mem>>) src(%dma_wait3A_593 : memref<128x8xf32, #tpu.memory_space<vmem>>) dst(%dma_wait3A_596 : memref<100000x8xf32, #tpu.memory_space<vmem_shared>>)
      %dma_wait3A_597 = arith.constant 1280 : i32
      %dma_wait3A_598 = arith.constant 0 : i32
      %dma_wait3A_599 = tpu.memref_slice %arg7[%dma_wait3A_597, %dma_wait3A_598] : memref<3200x8xf32, #tpu.memory_space<vmem>> -> memref<128x8xf32, #tpu.memory_space<vmem>>
      %dma_wait3A_600 = arith.constant 0 : i32
      %dma_wait3A_601 = arith.constant 0 : i32
      %dma_wait3A_602 = tpu.memref_slice %arg6[%dma_wait3A_600, %dma_wait3A_601] : memref<100000x8xf32, #tpu.memory_space<vmem_shared>> -> memref<100000x8xf32, #tpu.memory_space<vmem_shared>>
      tpu.wait_indirect_dma semaphore(%arg9 : memref<!tpu.dma_semaphore, #tpu.memory_space<semaphore_mem>>) src(%dma_wait3A_599 : memref<128x8xf32, #tpu.memory_space<vmem>>) dst(%dma_wait3A_602 : memref<100000x8xf32, #tpu.memory_space<vmem_shared>>)
      %dma_wait3A_603 = arith.constant 1408 : i32
      %dma_wait3A_604 = arith.constant 0 : i32
      %dma_wait3A_605 = tpu.memref_slice %arg7[%dma_wait3A_603, %dma_wait3A_604] : memref<3200x8xf32, #tpu.memory_space<vmem>> -> memref<128x8xf32, #tpu.memory_space<vmem>>
      %dma_wait3A_606 = arith.constant 0 : i32
      %dma_wait3A_607 = arith.constant 0 : i32
      %dma_wait3A_608 = tpu.memref_slice %arg6[%dma_wait3A_606, %dma_wait3A_607] : memref<100000x8xf32, #tpu.memory_space<vmem_shared>> -> memref<100000x8xf32, #tpu.memory_space<vmem_shared>>
      tpu.wait_indirect_dma semaphore(%arg9 : memref<!tpu.dma_semaphore, #tpu.memory_space<semaphore_mem>>) src(%dma_wait3A_605 : memref<128x8xf32, #tpu.memory_space<vmem>>) dst(%dma_wait3A_608 : memref<100000x8xf32, #tpu.memory_space<vmem_shared>>)
      %dma_wait3A_609 = arith.constant 1536 : i32
      %dma_wait3A_610 = arith.constant 0 : i32
      %dma_wait3A_611 = tpu.memref_slice %arg7[%dma_wait3A_609, %dma_wait3A_610] : memref<3200x8xf32, #tpu.memory_space<vmem>> -> memref<128x8xf32, #tpu.memory_space<vmem>>
      %dma_wait3A_612 = arith.constant 0 : i32
      %dma_wait3A_613 = arith.constant 0 : i32
      %dma_wait3A_614 = tpu.memref_slice %arg6[%dma_wait3A_612, %dma_wait3A_613] : memref<100000x8xf32, #tpu.memory_space<vmem_shared>> -> memref<100000x8xf32, #tpu.memory_space<vmem_shared>>
      tpu.wait_indirect_dma semaphore(%arg9 : memref<!tpu.dma_semaphore, #tpu.memory_space<semaphore_mem>>) src(%dma_wait3A_611 : memref<128x8xf32, #tpu.memory_space<vmem>>) dst(%dma_wait3A_614 : memref<100000x8xf32, #tpu.memory_space<vmem_shared>>)
      %dma_wait3A_615 = arith.constant 1664 : i32
      %dma_wait3A_616 = arith.constant 0 : i32
      %dma_wait3A_617 = tpu.memref_slice %arg7[%dma_wait3A_615, %dma_wait3A_616] : memref<3200x8xf32, #tpu.memory_space<vmem>> -> memref<128x8xf32, #tpu.memory_space<vmem>>
      %dma_wait3A_618 = arith.constant 0 : i32
      %dma_wait3A_619 = arith.constant 0 : i32
      %dma_wait3A_620 = tpu.memref_slice %arg6[%dma_wait3A_618, %dma_wait3A_619] : memref<100000x8xf32, #tpu.memory_space<vmem_shared>> -> memref<100000x8xf32, #tpu.memory_space<vmem_shared>>
      tpu.wait_indirect_dma semaphore(%arg9 : memref<!tpu.dma_semaphore, #tpu.memory_space<semaphore_mem>>) src(%dma_wait3A_617 : memref<128x8xf32, #tpu.memory_space<vmem>>) dst(%dma_wait3A_620 : memref<100000x8xf32, #tpu.memory_space<vmem_shared>>)
      %dma_wait3A_621 = arith.constant 1792 : i32
      %dma_wait3A_622 = arith.constant 0 : i32
      %dma_wait3A_623 = tpu.memref_slice %arg7[%dma_wait3A_621, %dma_wait3A_622] : memref<3200x8xf32, #tpu.memory_space<vmem>> -> memref<128x8xf32, #tpu.memory_space<vmem>>
      %dma_wait3A_624 = arith.constant 0 : i32
      %dma_wait3A_625 = arith.constant 0 : i32
      %dma_wait3A_626 = tpu.memref_slice %arg6[%dma_wait3A_624, %dma_wait3A_625] : memref<100000x8xf32, #tpu.memory_space<vmem_shared>> -> memref<100000x8xf32, #tpu.memory_space<vmem_shared>>
      tpu.wait_indirect_dma semaphore(%arg9 : memref<!tpu.dma_semaphore, #tpu.memory_space<semaphore_mem>>) src(%dma_wait3A_623 : memref<128x8xf32, #tpu.memory_space<vmem>>) dst(%dma_wait3A_626 : memref<100000x8xf32, #tpu.memory_space<vmem_shared>>)
      %dma_wait3A_627 = arith.constant 1920 : i32
      %dma_wait3A_628 = arith.constant 0 : i32
      %dma_wait3A_629 = tpu.memref_slice %arg7[%dma_wait3A_627, %dma_wait3A_628] : memref<3200x8xf32, #tpu.memory_space<vmem>> -> memref<128x8xf32, #tpu.memory_space<vmem>>
      %dma_wait3A_630 = arith.constant 0 : i32
      %dma_wait3A_631 = arith.constant 0 : i32
      %dma_wait3A_632 = tpu.memref_slice %arg6[%dma_wait3A_630, %dma_wait3A_631] : memref<100000x8xf32, #tpu.memory_space<vmem_shared>> -> memref<100000x8xf32, #tpu.memory_space<vmem_shared>>
      tpu.wait_indirect_dma semaphore(%arg9 : memref<!tpu.dma_semaphore, #tpu.memory_space<semaphore_mem>>) src(%dma_wait3A_629 : memref<128x8xf32, #tpu.memory_space<vmem>>) dst(%dma_wait3A_632 : memref<100000x8xf32, #tpu.memory_space<vmem_shared>>)
      %dma_wait3A_633 = arith.constant 2048 : i32
      %dma_wait3A_634 = arith.constant 0 : i32
      %dma_wait3A_635 = tpu.memref_slice %arg7[%dma_wait3A_633, %dma_wait3A_634] : memref<3200x8xf32, #tpu.memory_space<vmem>> -> memref<128x8xf32, #tpu.memory_space<vmem>>
      %dma_wait3A_636 = arith.constant 0 : i32
      %dma_wait3A_637 = arith.constant 0 : i32
      %dma_wait3A_638 = tpu.memref_slice %arg6[%dma_wait3A_636, %dma_wait3A_637] : memref<100000x8xf32, #tpu.memory_space<vmem_shared>> -> memref<100000x8xf32, #tpu.memory_space<vmem_shared>>
      tpu.wait_indirect_dma semaphore(%arg9 : memref<!tpu.dma_semaphore, #tpu.memory_space<semaphore_mem>>) src(%dma_wait3A_635 : memref<128x8xf32, #tpu.memory_space<vmem>>) dst(%dma_wait3A_638 : memref<100000x8xf32, #tpu.memory_space<vmem_shared>>)
      %dma_wait3A_639 = arith.constant 2176 : i32
      %dma_wait3A_640 = arith.constant 0 : i32
      %dma_wait3A_641 = tpu.memref_slice %arg7[%dma_wait3A_639, %dma_wait3A_640] : memref<3200x8xf32, #tpu.memory_space<vmem>> -> memref<128x8xf32, #tpu.memory_space<vmem>>
      %dma_wait3A_642 = arith.constant 0 : i32
      %dma_wait3A_643 = arith.constant 0 : i32
      %dma_wait3A_644 = tpu.memref_slice %arg6[%dma_wait3A_642, %dma_wait3A_643] : memref<100000x8xf32, #tpu.memory_space<vmem_shared>> -> memref<100000x8xf32, #tpu.memory_space<vmem_shared>>
      tpu.wait_indirect_dma semaphore(%arg9 : memref<!tpu.dma_semaphore, #tpu.memory_space<semaphore_mem>>) src(%dma_wait3A_641 : memref<128x8xf32, #tpu.memory_space<vmem>>) dst(%dma_wait3A_644 : memref<100000x8xf32, #tpu.memory_space<vmem_shared>>)
      %dma_wait3A_645 = arith.constant 2304 : i32
      %dma_wait3A_646 = arith.constant 0 : i32
      %dma_wait3A_647 = tpu.memref_slice %arg7[%dma_wait3A_645, %dma_wait3A_646] : memref<3200x8xf32, #tpu.memory_space<vmem>> -> memref<128x8xf32, #tpu.memory_space<vmem>>
      %dma_wait3A_648 = arith.constant 0 : i32
      %dma_wait3A_649 = arith.constant 0 : i32
      %dma_wait3A_650 = tpu.memref_slice %arg6[%dma_wait3A_648, %dma_wait3A_649] : memref<100000x8xf32, #tpu.memory_space<vmem_shared>> -> memref<100000x8xf32, #tpu.memory_space<vmem_shared>>
      tpu.wait_indirect_dma semaphore(%arg9 : memref<!tpu.dma_semaphore, #tpu.memory_space<semaphore_mem>>) src(%dma_wait3A_647 : memref<128x8xf32, #tpu.memory_space<vmem>>) dst(%dma_wait3A_650 : memref<100000x8xf32, #tpu.memory_space<vmem_shared>>)
      %dma_wait3A_651 = arith.constant 2432 : i32
      %dma_wait3A_652 = arith.constant 0 : i32
      %dma_wait3A_653 = tpu.memref_slice %arg7[%dma_wait3A_651, %dma_wait3A_652] : memref<3200x8xf32, #tpu.memory_space<vmem>> -> memref<128x8xf32, #tpu.memory_space<vmem>>
      %dma_wait3A_654 = arith.constant 0 : i32
      %dma_wait3A_655 = arith.constant 0 : i32
      %dma_wait3A_656 = tpu.memref_slice %arg6[%dma_wait3A_654, %dma_wait3A_655] : memref<100000x8xf32, #tpu.memory_space<vmem_shared>> -> memref<100000x8xf32, #tpu.memory_space<vmem_shared>>
      tpu.wait_indirect_dma semaphore(%arg9 : memref<!tpu.dma_semaphore, #tpu.memory_space<semaphore_mem>>) src(%dma_wait3A_653 : memref<128x8xf32, #tpu.memory_space<vmem>>) dst(%dma_wait3A_656 : memref<100000x8xf32, #tpu.memory_space<vmem_shared>>)
      %dma_wait3A_657 = arith.constant 2560 : i32
      %dma_wait3A_658 = arith.constant 0 : i32
      %dma_wait3A_659 = tpu.memref_slice %arg7[%dma_wait3A_657, %dma_wait3A_658] : memref<3200x8xf32, #tpu.memory_space<vmem>> -> memref<128x8xf32, #tpu.memory_space<vmem>>
      %dma_wait3A_660 = arith.constant 0 : i32
      %dma_wait3A_661 = arith.constant 0 : i32
      %dma_wait3A_662 = tpu.memref_slice %arg6[%dma_wait3A_660, %dma_wait3A_661] : memref<100000x8xf32, #tpu.memory_space<vmem_shared>> -> memref<100000x8xf32, #tpu.memory_space<vmem_shared>>
      tpu.wait_indirect_dma semaphore(%arg9 : memref<!tpu.dma_semaphore, #tpu.memory_space<semaphore_mem>>) src(%dma_wait3A_659 : memref<128x8xf32, #tpu.memory_space<vmem>>) dst(%dma_wait3A_662 : memref<100000x8xf32, #tpu.memory_space<vmem_shared>>)
      %dma_wait3A_663 = arith.constant 2688 : i32
      %dma_wait3A_664 = arith.constant 0 : i32
      %dma_wait3A_665 = tpu.memref_slice %arg7[%dma_wait3A_663, %dma_wait3A_664] : memref<3200x8xf32, #tpu.memory_space<vmem>> -> memref<128x8xf32, #tpu.memory_space<vmem>>
      %dma_wait3A_666 = arith.constant 0 : i32
      %dma_wait3A_667 = arith.constant 0 : i32
      %dma_wait3A_668 = tpu.memref_slice %arg6[%dma_wait3A_666, %dma_wait3A_667] : memref<100000x8xf32, #tpu.memory_space<vmem_shared>> -> memref<100000x8xf32, #tpu.memory_space<vmem_shared>>
      tpu.wait_indirect_dma semaphore(%arg9 : memref<!tpu.dma_semaphore, #tpu.memory_space<semaphore_mem>>) src(%dma_wait3A_665 : memref<128x8xf32, #tpu.memory_space<vmem>>) dst(%dma_wait3A_668 : memref<100000x8xf32, #tpu.memory_space<vmem_shared>>)
      %dma_wait3A_669 = arith.constant 2816 : i32
      %dma_wait3A_670 = arith.constant 0 : i32
      %dma_wait3A_671 = tpu.memref_slice %arg7[%dma_wait3A_669, %dma_wait3A_670] : memref<3200x8xf32, #tpu.memory_space<vmem>> -> memref<128x8xf32, #tpu.memory_space<vmem>>
      %dma_wait3A_672 = arith.constant 0 : i32
      %dma_wait3A_673 = arith.constant 0 : i32
      %dma_wait3A_674 = tpu.memref_slice %arg6[%dma_wait3A_672, %dma_wait3A_673] : memref<100000x8xf32, #tpu.memory_space<vmem_shared>> -> memref<100000x8xf32, #tpu.memory_space<vmem_shared>>
      tpu.wait_indirect_dma semaphore(%arg9 : memref<!tpu.dma_semaphore, #tpu.memory_space<semaphore_mem>>) src(%dma_wait3A_671 : memref<128x8xf32, #tpu.memory_space<vmem>>) dst(%dma_wait3A_674 : memref<100000x8xf32, #tpu.memory_space<vmem_shared>>)
      %dma_wait3A_675 = arith.constant 2944 : i32
      %dma_wait3A_676 = arith.constant 0 : i32
      %dma_wait3A_677 = tpu.memref_slice %arg7[%dma_wait3A_675, %dma_wait3A_676] : memref<3200x8xf32, #tpu.memory_space<vmem>> -> memref<128x8xf32, #tpu.memory_space<vmem>>
      %dma_wait3A_678 = arith.constant 0 : i32
      %dma_wait3A_679 = arith.constant 0 : i32
      %dma_wait3A_680 = tpu.memref_slice %arg6[%dma_wait3A_678, %dma_wait3A_679] : memref<100000x8xf32, #tpu.memory_space<vmem_shared>> -> memref<100000x8xf32, #tpu.memory_space<vmem_shared>>
      tpu.wait_indirect_dma semaphore(%arg9 : memref<!tpu.dma_semaphore, #tpu.memory_space<semaphore_mem>>) src(%dma_wait3A_677 : memref<128x8xf32, #tpu.memory_space<vmem>>) dst(%dma_wait3A_680 : memref<100000x8xf32, #tpu.memory_space<vmem_shared>>)
      %dma_wait3A_681 = arith.constant 3072 : i32
      %dma_wait3A_682 = arith.constant 0 : i32
      %dma_wait3A_683 = tpu.memref_slice %arg7[%dma_wait3A_681, %dma_wait3A_682] : memref<3200x8xf32, #tpu.memory_space<vmem>> -> memref<128x8xf32, #tpu.memory_space<vmem>>
      %dma_wait3A_684 = arith.constant 0 : i32
      %dma_wait3A_685 = arith.constant 0 : i32
      %dma_wait3A_686 = tpu.memref_slice %arg6[%dma_wait3A_684, %dma_wait3A_685] : memref<100000x8xf32, #tpu.memory_space<vmem_shared>> -> memref<100000x8xf32, #tpu.memory_space<vmem_shared>>
      tpu.wait_indirect_dma semaphore(%arg9 : memref<!tpu.dma_semaphore, #tpu.memory_space<semaphore_mem>>) src(%dma_wait3A_683 : memref<128x8xf32, #tpu.memory_space<vmem>>) dst(%dma_wait3A_686 : memref<100000x8xf32, #tpu.memory_space<vmem_shared>>)
    }
    %while3A_17 = arith.constant 1 : i32
    scf.for %while3A_23 = %while3A_15 to %while3A_11 step %while3A_17  : i32 {
      %mul3A_24 = arith.constant 32 : i32
      %mul3A_25 = arith.muli %while3A_23, %mul3A_24 : i32
      %add3A_26 = arith.addi %add3A, %mul3A_25 : i32
      %mul3A_27 = arith.constant 25 : i32
      %mul3A_28 = arith.muli %add3A_26, %mul3A_27 : i32
      %mul3A_29 = arith.constant 3200 : i32
      %mul3A_30 = arith.muli %add3A_26, %mul3A_29 : i32
      %add3A_31 = arith.constant 0 : i32
      %add3A_32 = arith.addi %mul3A_28, %add3A_31 : i32
      %dma_start3A = arith.constant 0 : i32
      %dma_start3A_33 = tpu.memref_slice %arg2[%add3A_32, %dma_start3A] : memref<50000x128xi32, #tpu.memory_space<hbm>> -> memref<1x128xi32, #tpu.memory_space<hbm>>
      %dma_start3A_34 = tpu.memref_squeeze %dma_start3A_33 : memref<1x128xi32, #tpu.memory_space<hbm>> -> memref<128xi32, #tpu.memory_space<hbm>>
      %dma_start3A_35 = arith.constant 0 : i32
      %dma_start3A_36 = tpu.memref_slice %arg2[%add3A_32, %dma_start3A_35] : memref<50000x128xi32, #tpu.memory_space<hbm>> -> memref<1x128xi32, #tpu.memory_space<hbm>>
      %dma_start3A_37 = tpu.memref_squeeze %dma_start3A_36 : memref<1x128xi32, #tpu.memory_space<hbm>> -> memref<128xi32, #tpu.memory_space<hbm>>
      tpu.enqueue_dma source(%dma_start3A_37 : memref<128xi32, #tpu.memory_space<hbm>>) target(%arg10 : memref<128xi32, #tpu.memory_space<vmem>>) target_semaphore(%arg9 : memref<!tpu.dma_semaphore, #tpu.memory_space<semaphore_mem>>)
      %add3A_38 = arith.constant 1 : i32
      %add3A_39 = arith.addi %mul3A_28, %add3A_38 : i32
      %dma_start3A_40 = arith.constant 0 : i32
      %dma_start3A_41 = tpu.memref_slice %arg2[%add3A_39, %dma_start3A_40] : memref<50000x128xi32, #tpu.memory_space<hbm>> -> memref<1x128xi32, #tpu.memory_space<hbm>>
      %dma_start3A_42 = tpu.memref_squeeze %dma_start3A_41 : memref<1x128xi32, #tpu.memory_space<hbm>> -> memref<128xi32, #tpu.memory_space<hbm>>
      %dma_start3A_43 = arith.constant 0 : i32
      %dma_start3A_44 = tpu.memref_slice %arg2[%add3A_39, %dma_start3A_43] : memref<50000x128xi32, #tpu.memory_space<hbm>> -> memref<1x128xi32, #tpu.memory_space<hbm>>
      %dma_start3A_45 = tpu.memref_squeeze %dma_start3A_44 : memref<1x128xi32, #tpu.memory_space<hbm>> -> memref<128xi32, #tpu.memory_space<hbm>>
      tpu.enqueue_dma source(%dma_start3A_45 : memref<128xi32, #tpu.memory_space<hbm>>) target(%arg11 : memref<128xi32, #tpu.memory_space<vmem>>) target_semaphore(%arg9 : memref<!tpu.dma_semaphore, #tpu.memory_space<semaphore_mem>>)
      %add3A_46 = arith.constant 2 : i32
      %add3A_47 = arith.addi %mul3A_28, %add3A_46 : i32
      %dma_start3A_48 = arith.constant 0 : i32
      %dma_start3A_49 = tpu.memref_slice %arg2[%add3A_47, %dma_start3A_48] : memref<50000x128xi32, #tpu.memory_space<hbm>> -> memref<1x128xi32, #tpu.memory_space<hbm>>
      %dma_start3A_50 = tpu.memref_squeeze %dma_start3A_49 : memref<1x128xi32, #tpu.memory_space<hbm>> -> memref<128xi32, #tpu.memory_space<hbm>>
      %dma_start3A_51 = arith.constant 0 : i32
      %dma_start3A_52 = tpu.memref_slice %arg2[%add3A_47, %dma_start3A_51] : memref<50000x128xi32, #tpu.memory_space<hbm>> -> memref<1x128xi32, #tpu.memory_space<hbm>>
      %dma_start3A_53 = tpu.memref_squeeze %dma_start3A_52 : memref<1x128xi32, #tpu.memory_space<hbm>> -> memref<128xi32, #tpu.memory_space<hbm>>
      tpu.enqueue_dma source(%dma_start3A_53 : memref<128xi32, #tpu.memory_space<hbm>>) target(%arg12 : memref<128xi32, #tpu.memory_space<vmem>>) target_semaphore(%arg9 : memref<!tpu.dma_semaphore, #tpu.memory_space<semaphore_mem>>)
      %add3A_54 = arith.constant 3 : i32
      %add3A_55 = arith.addi %mul3A_28, %add3A_54 : i32
      %dma_start3A_56 = arith.constant 0 : i32
      %dma_start3A_57 = tpu.memref_slice %arg2[%add3A_55, %dma_start3A_56] : memref<50000x128xi32, #tpu.memory_space<hbm>> -> memref<1x128xi32, #tpu.memory_space<hbm>>
      %dma_start3A_58 = tpu.memref_squeeze %dma_start3A_57 : memref<1x128xi32, #tpu.memory_space<hbm>> -> memref<128xi32, #tpu.memory_space<hbm>>
      %dma_start3A_59 = arith.constant 0 : i32
      %dma_start3A_60 = tpu.memref_slice %arg2[%add3A_55, %dma_start3A_59] : memref<50000x128xi32, #tpu.memory_space<hbm>> -> memref<1x128xi32, #tpu.memory_space<hbm>>
      %dma_start3A_61 = tpu.memref_squeeze %dma_start3A_60 : memref<1x128xi32, #tpu.memory_space<hbm>> -> memref<128xi32, #tpu.memory_space<hbm>>
      tpu.enqueue_dma source(%dma_start3A_61 : memref<128xi32, #tpu.memory_space<hbm>>) target(%arg13 : memref<128xi32, #tpu.memory_space<vmem>>) target_semaphore(%arg9 : memref<!tpu.dma_semaphore, #tpu.memory_space<semaphore_mem>>)
      %add3A_62 = arith.constant 4 : i32
      %add3A_63 = arith.addi %mul3A_28, %add3A_62 : i32
      %dma_start3A_64 = arith.constant 0 : i32
      %dma_start3A_65 = tpu.memref_slice %arg2[%add3A_63, %dma_start3A_64] : memref<50000x128xi32, #tpu.memory_space<hbm>> -> memref<1x128xi32, #tpu.memory_space<hbm>>
      %dma_start3A_66 = tpu.memref_squeeze %dma_start3A_65 : memref<1x128xi32, #tpu.memory_space<hbm>> -> memref<128xi32, #tpu.memory_space<hbm>>
      %dma_start3A_67 = arith.constant 0 : i32
      %dma_start3A_68 = tpu.memref_slice %arg2[%add3A_63, %dma_start3A_67] : memref<50000x128xi32, #tpu.memory_space<hbm>> -> memref<1x128xi32, #tpu.memory_space<hbm>>
      %dma_start3A_69 = tpu.memref_squeeze %dma_start3A_68 : memref<1x128xi32, #tpu.memory_space<hbm>> -> memref<128xi32, #tpu.memory_space<hbm>>
      tpu.enqueue_dma source(%dma_start3A_69 : memref<128xi32, #tpu.memory_space<hbm>>) target(%arg14 : memref<128xi32, #tpu.memory_space<vmem>>) target_semaphore(%arg9 : memref<!tpu.dma_semaphore, #tpu.memory_space<semaphore_mem>>)
      %add3A_70 = arith.constant 5 : i32
      %add3A_71 = arith.addi %mul3A_28, %add3A_70 : i32
      %dma_start3A_72 = arith.constant 0 : i32
      %dma_start3A_73 = tpu.memref_slice %arg2[%add3A_71, %dma_start3A_72] : memref<50000x128xi32, #tpu.memory_space<hbm>> -> memref<1x128xi32, #tpu.memory_space<hbm>>
      %dma_start3A_74 = tpu.memref_squeeze %dma_start3A_73 : memref<1x128xi32, #tpu.memory_space<hbm>> -> memref<128xi32, #tpu.memory_space<hbm>>
      %dma_start3A_75 = arith.constant 0 : i32
      %dma_start3A_76 = tpu.memref_slice %arg2[%add3A_71, %dma_start3A_75] : memref<50000x128xi32, #tpu.memory_space<hbm>> -> memref<1x128xi32, #tpu.memory_space<hbm>>
      %dma_start3A_77 = tpu.memref_squeeze %dma_start3A_76 : memref<1x128xi32, #tpu.memory_space<hbm>> -> memref<128xi32, #tpu.memory_space<hbm>>
      tpu.enqueue_dma source(%dma_start3A_77 : memref<128xi32, #tpu.memory_space<hbm>>) target(%arg15 : memref<128xi32, #tpu.memory_space<vmem>>) target_semaphore(%arg9 : memref<!tpu.dma_semaphore, #tpu.memory_space<semaphore_mem>>)
      %add3A_78 = arith.constant 6 : i32
      %add3A_79 = arith.addi %mul3A_28, %add3A_78 : i32
      %dma_start3A_80 = arith.constant 0 : i32
      %dma_start3A_81 = tpu.memref_slice %arg2[%add3A_79, %dma_start3A_80] : memref<50000x128xi32, #tpu.memory_space<hbm>> -> memref<1x128xi32, #tpu.memory_space<hbm>>
      %dma_start3A_82 = tpu.memref_squeeze %dma_start3A_81 : memref<1x128xi32, #tpu.memory_space<hbm>> -> memref<128xi32, #tpu.memory_space<hbm>>
      %dma_start3A_83 = arith.constant 0 : i32
      %dma_start3A_84 = tpu.memref_slice %arg2[%add3A_79, %dma_start3A_83] : memref<50000x128xi32, #tpu.memory_space<hbm>> -> memref<1x128xi32, #tpu.memory_space<hbm>>
      %dma_start3A_85 = tpu.memref_squeeze %dma_start3A_84 : memref<1x128xi32, #tpu.memory_space<hbm>> -> memref<128xi32, #tpu.memory_space<hbm>>
      tpu.enqueue_dma source(%dma_start3A_85 : memref<128xi32, #tpu.memory_space<hbm>>) target(%arg16 : memref<128xi32, #tpu.memory_space<vmem>>) target_semaphore(%arg9 : memref<!tpu.dma_semaphore, #tpu.memory_space<semaphore_mem>>)
      %add3A_86 = arith.constant 7 : i32
      %add3A_87 = arith.addi %mul3A_28, %add3A_86 : i32
      %dma_start3A_88 = arith.constant 0 : i32
      %dma_start3A_89 = tpu.memref_slice %arg2[%add3A_87, %dma_start3A_88] : memref<50000x128xi32, #tpu.memory_space<hbm>> -> memref<1x128xi32, #tpu.memory_space<hbm>>
      %dma_start3A_90 = tpu.memref_squeeze %dma_start3A_89 : memref<1x128xi32, #tpu.memory_space<hbm>> -> memref<128xi32, #tpu.memory_space<hbm>>
      %dma_start3A_91 = arith.constant 0 : i32
      %dma_start3A_92 = tpu.memref_slice %arg2[%add3A_87, %dma_start3A_91] : memref<50000x128xi32, #tpu.memory_space<hbm>> -> memref<1x128xi32, #tpu.memory_space<hbm>>
      %dma_start3A_93 = tpu.memref_squeeze %dma_start3A_92 : memref<1x128xi32, #tpu.memory_space<hbm>> -> memref<128xi32, #tpu.memory_space<hbm>>
      tpu.enqueue_dma source(%dma_start3A_93 : memref<128xi32, #tpu.memory_space<hbm>>) target(%arg17 : memref<128xi32, #tpu.memory_space<vmem>>) target_semaphore(%arg9 : memref<!tpu.dma_semaphore, #tpu.memory_space<semaphore_mem>>)
      %add3A_94 = arith.constant 8 : i32
      %add3A_95 = arith.addi %mul3A_28, %add3A_94 : i32
      %dma_start3A_96 = arith.constant 0 : i32
      %dma_start3A_97 = tpu.memref_slice %arg2[%add3A_95, %dma_start3A_96] : memref<50000x128xi32, #tpu.memory_space<hbm>> -> memref<1x128xi32, #tpu.memory_space<hbm>>
      %dma_start3A_98 = tpu.memref_squeeze %dma_start3A_97 : memref<1x128xi32, #tpu.memory_space<hbm>> -> memref<128xi32, #tpu.memory_space<hbm>>
      %dma_start3A_99 = arith.constant 0 : i32
      %dma_start3A_100 = tpu.memref_slice %arg2[%add3A_95, %dma_start3A_99] : memref<50000x128xi32, #tpu.memory_space<hbm>> -> memref<1x128xi32, #tpu.memory_space<hbm>>
      %dma_start3A_101 = tpu.memref_squeeze %dma_start3A_100 : memref<1x128xi32, #tpu.memory_space<hbm>> -> memref<128xi32, #tpu.memory_space<hbm>>
      tpu.enqueue_dma source(%dma_start3A_101 : memref<128xi32, #tpu.memory_space<hbm>>) target(%arg18 : memref<128xi32, #tpu.memory_space<vmem>>) target_semaphore(%arg9 : memref<!tpu.dma_semaphore, #tpu.memory_space<semaphore_mem>>)
      %add3A_102 = arith.constant 9 : i32
      %add3A_103 = arith.addi %mul3A_28, %add3A_102 : i32
      %dma_start3A_104 = arith.constant 0 : i32
      %dma_start3A_105 = tpu.memref_slice %arg2[%add3A_103, %dma_start3A_104] : memref<50000x128xi32, #tpu.memory_space<hbm>> -> memref<1x128xi32, #tpu.memory_space<hbm>>
      %dma_start3A_106 = tpu.memref_squeeze %dma_start3A_105 : memref<1x128xi32, #tpu.memory_space<hbm>> -> memref<128xi32, #tpu.memory_space<hbm>>
      %dma_start3A_107 = arith.constant 0 : i32
      %dma_start3A_108 = tpu.memref_slice %arg2[%add3A_103, %dma_start3A_107] : memref<50000x128xi32, #tpu.memory_space<hbm>> -> memref<1x128xi32, #tpu.memory_space<hbm>>
      %dma_start3A_109 = tpu.memref_squeeze %dma_start3A_108 : memref<1x128xi32, #tpu.memory_space<hbm>> -> memref<128xi32, #tpu.memory_space<hbm>>
      tpu.enqueue_dma source(%dma_start3A_109 : memref<128xi32, #tpu.memory_space<hbm>>) target(%arg19 : memref<128xi32, #tpu.memory_space<vmem>>) target_semaphore(%arg9 : memref<!tpu.dma_semaphore, #tpu.memory_space<semaphore_mem>>)
      %add3A_110 = arith.constant 10 : i32
      %add3A_111 = arith.addi %mul3A_28, %add3A_110 : i32
      %dma_start3A_112 = arith.constant 0 : i32
      %dma_start3A_113 = tpu.memref_slice %arg2[%add3A_111, %dma_start3A_112] : memref<50000x128xi32, #tpu.memory_space<hbm>> -> memref<1x128xi32, #tpu.memory_space<hbm>>
      %dma_start3A_114 = tpu.memref_squeeze %dma_start3A_113 : memref<1x128xi32, #tpu.memory_space<hbm>> -> memref<128xi32, #tpu.memory_space<hbm>>
      %dma_start3A_115 = arith.constant 0 : i32
      %dma_start3A_116 = tpu.memref_slice %arg2[%add3A_111, %dma_start3A_115] : memref<50000x128xi32, #tpu.memory_space<hbm>> -> memref<1x128xi32, #tpu.memory_space<hbm>>
      %dma_start3A_117 = tpu.memref_squeeze %dma_start3A_116 : memref<1x128xi32, #tpu.memory_space<hbm>> -> memref<128xi32, #tpu.memory_space<hbm>>
      tpu.enqueue_dma source(%dma_start3A_117 : memref<128xi32, #tpu.memory_space<hbm>>) target(%arg20 : memref<128xi32, #tpu.memory_space<vmem>>) target_semaphore(%arg9 : memref<!tpu.dma_semaphore, #tpu.memory_space<semaphore_mem>>)
      %add3A_118 = arith.constant 11 : i32
      %add3A_119 = arith.addi %mul3A_28, %add3A_118 : i32
      %dma_start3A_120 = arith.constant 0 : i32
      %dma_start3A_121 = tpu.memref_slice %arg2[%add3A_119, %dma_start3A_120] : memref<50000x128xi32, #tpu.memory_space<hbm>> -> memref<1x128xi32, #tpu.memory_space<hbm>>
      %dma_start3A_122 = tpu.memref_squeeze %dma_start3A_121 : memref<1x128xi32, #tpu.memory_space<hbm>> -> memref<128xi32, #tpu.memory_space<hbm>>
      %dma_start3A_123 = arith.constant 0 : i32
      %dma_start3A_124 = tpu.memref_slice %arg2[%add3A_119, %dma_start3A_123] : memref<50000x128xi32, #tpu.memory_space<hbm>> -> memref<1x128xi32, #tpu.memory_space<hbm>>
      %dma_start3A_125 = tpu.memref_squeeze %dma_start3A_124 : memref<1x128xi32, #tpu.memory_space<hbm>> -> memref<128xi32, #tpu.memory_space<hbm>>
      tpu.enqueue_dma source(%dma_start3A_125 : memref<128xi32, #tpu.memory_space<hbm>>) target(%arg21 : memref<128xi32, #tpu.memory_space<vmem>>) target_semaphore(%arg9 : memref<!tpu.dma_semaphore, #tpu.memory_space<semaphore_mem>>)
      %add3A_126 = arith.constant 12 : i32
      %add3A_127 = arith.addi %mul3A_28, %add3A_126 : i32
      %dma_start3A_128 = arith.constant 0 : i32
      %dma_start3A_129 = tpu.memref_slice %arg2[%add3A_127, %dma_start3A_128] : memref<50000x128xi32, #tpu.memory_space<hbm>> -> memref<1x128xi32, #tpu.memory_space<hbm>>
      %dma_start3A_130 = tpu.memref_squeeze %dma_start3A_129 : memref<1x128xi32, #tpu.memory_space<hbm>> -> memref<128xi32, #tpu.memory_space<hbm>>
      %dma_start3A_131 = arith.constant 0 : i32
      %dma_start3A_132 = tpu.memref_slice %arg2[%add3A_127, %dma_start3A_131] : memref<50000x128xi32, #tpu.memory_space<hbm>> -> memref<1x128xi32, #tpu.memory_space<hbm>>
      %dma_start3A_133 = tpu.memref_squeeze %dma_start3A_132 : memref<1x128xi32, #tpu.memory_space<hbm>> -> memref<128xi32, #tpu.memory_space<hbm>>
      tpu.enqueue_dma source(%dma_start3A_133 : memref<128xi32, #tpu.memory_space<hbm>>) target(%arg22 : memref<128xi32, #tpu.memory_space<vmem>>) target_semaphore(%arg9 : memref<!tpu.dma_semaphore, #tpu.memory_space<semaphore_mem>>)
      %add3A_134 = arith.constant 13 : i32
      %add3A_135 = arith.addi %mul3A_28, %add3A_134 : i32
      %dma_start3A_136 = arith.constant 0 : i32
      %dma_start3A_137 = tpu.memref_slice %arg2[%add3A_135, %dma_start3A_136] : memref<50000x128xi32, #tpu.memory_space<hbm>> -> memref<1x128xi32, #tpu.memory_space<hbm>>
      %dma_start3A_138 = tpu.memref_squeeze %dma_start3A_137 : memref<1x128xi32, #tpu.memory_space<hbm>> -> memref<128xi32, #tpu.memory_space<hbm>>
      %dma_start3A_139 = arith.constant 0 : i32
      %dma_start3A_140 = tpu.memref_slice %arg2[%add3A_135, %dma_start3A_139] : memref<50000x128xi32, #tpu.memory_space<hbm>> -> memref<1x128xi32, #tpu.memory_space<hbm>>
      %dma_start3A_141 = tpu.memref_squeeze %dma_start3A_140 : memref<1x128xi32, #tpu.memory_space<hbm>> -> memref<128xi32, #tpu.memory_space<hbm>>
      tpu.enqueue_dma source(%dma_start3A_141 : memref<128xi32, #tpu.memory_space<hbm>>) target(%arg23 : memref<128xi32, #tpu.memory_space<vmem>>) target_semaphore(%arg9 : memref<!tpu.dma_semaphore, #tpu.memory_space<semaphore_mem>>)
      %add3A_142 = arith.constant 14 : i32
      %add3A_143 = arith.addi %mul3A_28, %add3A_142 : i32
      %dma_start3A_144 = arith.constant 0 : i32
      %dma_start3A_145 = tpu.memref_slice %arg2[%add3A_143, %dma_start3A_144] : memref<50000x128xi32, #tpu.memory_space<hbm>> -> memref<1x128xi32, #tpu.memory_space<hbm>>
      %dma_start3A_146 = tpu.memref_squeeze %dma_start3A_145 : memref<1x128xi32, #tpu.memory_space<hbm>> -> memref<128xi32, #tpu.memory_space<hbm>>
      %dma_start3A_147 = arith.constant 0 : i32
      %dma_start3A_148 = tpu.memref_slice %arg2[%add3A_143, %dma_start3A_147] : memref<50000x128xi32, #tpu.memory_space<hbm>> -> memref<1x128xi32, #tpu.memory_space<hbm>>
      %dma_start3A_149 = tpu.memref_squeeze %dma_start3A_148 : memref<1x128xi32, #tpu.memory_space<hbm>> -> memref<128xi32, #tpu.memory_space<hbm>>
      tpu.enqueue_dma source(%dma_start3A_149 : memref<128xi32, #tpu.memory_space<hbm>>) target(%arg24 : memref<128xi32, #tpu.memory_space<vmem>>) target_semaphore(%arg9 : memref<!tpu.dma_semaphore, #tpu.memory_space<semaphore_mem>>)
      %add3A_150 = arith.constant 15 : i32
      %add3A_151 = arith.addi %mul3A_28, %add3A_150 : i32
      %dma_start3A_152 = arith.constant 0 : i32
      %dma_start3A_153 = tpu.memref_slice %arg2[%add3A_151, %dma_start3A_152] : memref<50000x128xi32, #tpu.memory_space<hbm>> -> memref<1x128xi32, #tpu.memory_space<hbm>>
      %dma_start3A_154 = tpu.memref_squeeze %dma_start3A_153 : memref<1x128xi32, #tpu.memory_space<hbm>> -> memref<128xi32, #tpu.memory_space<hbm>>
      %dma_start3A_155 = arith.constant 0 : i32
      %dma_start3A_156 = tpu.memref_slice %arg2[%add3A_151, %dma_start3A_155] : memref<50000x128xi32, #tpu.memory_space<hbm>> -> memref<1x128xi32, #tpu.memory_space<hbm>>
      %dma_start3A_157 = tpu.memref_squeeze %dma_start3A_156 : memref<1x128xi32, #tpu.memory_space<hbm>> -> memref<128xi32, #tpu.memory_space<hbm>>
      tpu.enqueue_dma source(%dma_start3A_157 : memref<128xi32, #tpu.memory_space<hbm>>) target(%arg25 : memref<128xi32, #tpu.memory_space<vmem>>) target_semaphore(%arg9 : memref<!tpu.dma_semaphore, #tpu.memory_space<semaphore_mem>>)
      %add3A_158 = arith.constant 16 : i32
      %add3A_159 = arith.addi %mul3A_28, %add3A_158 : i32
      %dma_start3A_160 = arith.constant 0 : i32
      %dma_start3A_161 = tpu.memref_slice %arg2[%add3A_159, %dma_start3A_160] : memref<50000x128xi32, #tpu.memory_space<hbm>> -> memref<1x128xi32, #tpu.memory_space<hbm>>
      %dma_start3A_162 = tpu.memref_squeeze %dma_start3A_161 : memref<1x128xi32, #tpu.memory_space<hbm>> -> memref<128xi32, #tpu.memory_space<hbm>>
      %dma_start3A_163 = arith.constant 0 : i32
      %dma_start3A_164 = tpu.memref_slice %arg2[%add3A_159, %dma_start3A_163] : memref<50000x128xi32, #tpu.memory_space<hbm>> -> memref<1x128xi32, #tpu.memory_space<hbm>>
      %dma_start3A_165 = tpu.memref_squeeze %dma_start3A_164 : memref<1x128xi32, #tpu.memory_space<hbm>> -> memref<128xi32, #tpu.memory_space<hbm>>
      tpu.enqueue_dma source(%dma_start3A_165 : memref<128xi32, #tpu.memory_space<hbm>>) target(%arg26 : memref<128xi32, #tpu.memory_space<vmem>>) target_semaphore(%arg9 : memref<!tpu.dma_semaphore, #tpu.memory_space<semaphore_mem>>)
      %add3A_166 = arith.constant 17 : i32
      %add3A_167 = arith.addi %mul3A_28, %add3A_166 : i32
      %dma_start3A_168 = arith.constant 0 : i32
      %dma_start3A_169 = tpu.memref_slice %arg2[%add3A_167, %dma_start3A_168] : memref<50000x128xi32, #tpu.memory_space<hbm>> -> memref<1x128xi32, #tpu.memory_space<hbm>>
      %dma_start3A_170 = tpu.memref_squeeze %dma_start3A_169 : memref<1x128xi32, #tpu.memory_space<hbm>> -> memref<128xi32, #tpu.memory_space<hbm>>
      %dma_start3A_171 = arith.constant 0 : i32
      %dma_start3A_172 = tpu.memref_slice %arg2[%add3A_167, %dma_start3A_171] : memref<50000x128xi32, #tpu.memory_space<hbm>> -> memref<1x128xi32, #tpu.memory_space<hbm>>
      %dma_start3A_173 = tpu.memref_squeeze %dma_start3A_172 : memref<1x128xi32, #tpu.memory_space<hbm>> -> memref<128xi32, #tpu.memory_space<hbm>>
      tpu.enqueue_dma source(%dma_start3A_173 : memref<128xi32, #tpu.memory_space<hbm>>) target(%arg27 : memref<128xi32, #tpu.memory_space<vmem>>) target_semaphore(%arg9 : memref<!tpu.dma_semaphore, #tpu.memory_space<semaphore_mem>>)
      %add3A_174 = arith.constant 18 : i32
      %add3A_175 = arith.addi %mul3A_28, %add3A_174 : i32
      %dma_start3A_176 = arith.constant 0 : i32
      %dma_start3A_177 = tpu.memref_slice %arg2[%add3A_175, %dma_start3A_176] : memref<50000x128xi32, #tpu.memory_space<hbm>> -> memref<1x128xi32, #tpu.memory_space<hbm>>
      %dma_start3A_178 = tpu.memref_squeeze %dma_start3A_177 : memref<1x128xi32, #tpu.memory_space<hbm>> -> memref<128xi32, #tpu.memory_space<hbm>>
      %dma_start3A_179 = arith.constant 0 : i32
      %dma_start3A_180 = tpu.memref_slice %arg2[%add3A_175, %dma_start3A_179] : memref<50000x128xi32, #tpu.memory_space<hbm>> -> memref<1x128xi32, #tpu.memory_space<hbm>>
      %dma_start3A_181 = tpu.memref_squeeze %dma_start3A_180 : memref<1x128xi32, #tpu.memory_space<hbm>> -> memref<128xi32, #tpu.memory_space<hbm>>
      tpu.enqueue_dma source(%dma_start3A_181 : memref<128xi32, #tpu.memory_space<hbm>>) target(%arg28 : memref<128xi32, #tpu.memory_space<vmem>>) target_semaphore(%arg9 : memref<!tpu.dma_semaphore, #tpu.memory_space<semaphore_mem>>)
      %add3A_182 = arith.constant 19 : i32
      %add3A_183 = arith.addi %mul3A_28, %add3A_182 : i32
      %dma_start3A_184 = arith.constant 0 : i32
      %dma_start3A_185 = tpu.memref_slice %arg2[%add3A_183, %dma_start3A_184] : memref<50000x128xi32, #tpu.memory_space<hbm>> -> memref<1x128xi32, #tpu.memory_space<hbm>>
      %dma_start3A_186 = tpu.memref_squeeze %dma_start3A_185 : memref<1x128xi32, #tpu.memory_space<hbm>> -> memref<128xi32, #tpu.memory_space<hbm>>
      %dma_start3A_187 = arith.constant 0 : i32
      %dma_start3A_188 = tpu.memref_slice %arg2[%add3A_183, %dma_start3A_187] : memref<50000x128xi32, #tpu.memory_space<hbm>> -> memref<1x128xi32, #tpu.memory_space<hbm>>
      %dma_start3A_189 = tpu.memref_squeeze %dma_start3A_188 : memref<1x128xi32, #tpu.memory_space<hbm>> -> memref<128xi32, #tpu.memory_space<hbm>>
      tpu.enqueue_dma source(%dma_start3A_189 : memref<128xi32, #tpu.memory_space<hbm>>) target(%arg29 : memref<128xi32, #tpu.memory_space<vmem>>) target_semaphore(%arg9 : memref<!tpu.dma_semaphore, #tpu.memory_space<semaphore_mem>>)
      %add3A_190 = arith.constant 20 : i32
      %add3A_191 = arith.addi %mul3A_28, %add3A_190 : i32
      %dma_start3A_192 = arith.constant 0 : i32
      %dma_start3A_193 = tpu.memref_slice %arg2[%add3A_191, %dma_start3A_192] : memref<50000x128xi32, #tpu.memory_space<hbm>> -> memref<1x128xi32, #tpu.memory_space<hbm>>
      %dma_start3A_194 = tpu.memref_squeeze %dma_start3A_193 : memref<1x128xi32, #tpu.memory_space<hbm>> -> memref<128xi32, #tpu.memory_space<hbm>>
      %dma_start3A_195 = arith.constant 0 : i32
      %dma_start3A_196 = tpu.memref_slice %arg2[%add3A_191, %dma_start3A_195] : memref<50000x128xi32, #tpu.memory_space<hbm>> -> memref<1x128xi32, #tpu.memory_space<hbm>>
      %dma_start3A_197 = tpu.memref_squeeze %dma_start3A_196 : memref<1x128xi32, #tpu.memory_space<hbm>> -> memref<128xi32, #tpu.memory_space<hbm>>
      tpu.enqueue_dma source(%dma_start3A_197 : memref<128xi32, #tpu.memory_space<hbm>>) target(%arg30 : memref<128xi32, #tpu.memory_space<vmem>>) target_semaphore(%arg9 : memref<!tpu.dma_semaphore, #tpu.memory_space<semaphore_mem>>)
      %add3A_198 = arith.constant 21 : i32
      %add3A_199 = arith.addi %mul3A_28, %add3A_198 : i32
      %dma_start3A_200 = arith.constant 0 : i32
      %dma_start3A_201 = tpu.memref_slice %arg2[%add3A_199, %dma_start3A_200] : memref<50000x128xi32, #tpu.memory_space<hbm>> -> memref<1x128xi32, #tpu.memory_space<hbm>>
      %dma_start3A_202 = tpu.memref_squeeze %dma_start3A_201 : memref<1x128xi32, #tpu.memory_space<hbm>> -> memref<128xi32, #tpu.memory_space<hbm>>
      %dma_start3A_203 = arith.constant 0 : i32
      %dma_start3A_204 = tpu.memref_slice %arg2[%add3A_199, %dma_start3A_203] : memref<50000x128xi32, #tpu.memory_space<hbm>> -> memref<1x128xi32, #tpu.memory_space<hbm>>
      %dma_start3A_205 = tpu.memref_squeeze %dma_start3A_204 : memref<1x128xi32, #tpu.memory_space<hbm>> -> memref<128xi32, #tpu.memory_space<hbm>>
      tpu.enqueue_dma source(%dma_start3A_205 : memref<128xi32, #tpu.memory_space<hbm>>) target(%arg31 : memref<128xi32, #tpu.memory_space<vmem>>) target_semaphore(%arg9 : memref<!tpu.dma_semaphore, #tpu.memory_space<semaphore_mem>>)
      %add3A_206 = arith.constant 22 : i32
      %add3A_207 = arith.addi %mul3A_28, %add3A_206 : i32
      %dma_start3A_208 = arith.constant 0 : i32
      %dma_start3A_209 = tpu.memref_slice %arg2[%add3A_207, %dma_start3A_208] : memref<50000x128xi32, #tpu.memory_space<hbm>> -> memref<1x128xi32, #tpu.memory_space<hbm>>
      %dma_start3A_210 = tpu.memref_squeeze %dma_start3A_209 : memref<1x128xi32, #tpu.memory_space<hbm>> -> memref<128xi32, #tpu.memory_space<hbm>>
      %dma_start3A_211 = arith.constant 0 : i32
      %dma_start3A_212 = tpu.memref_slice %arg2[%add3A_207, %dma_start3A_211] : memref<50000x128xi32, #tpu.memory_space<hbm>> -> memref<1x128xi32, #tpu.memory_space<hbm>>
      %dma_start3A_213 = tpu.memref_squeeze %dma_start3A_212 : memref<1x128xi32, #tpu.memory_space<hbm>> -> memref<128xi32, #tpu.memory_space<hbm>>
      tpu.enqueue_dma source(%dma_start3A_213 : memref<128xi32, #tpu.memory_space<hbm>>) target(%arg32 : memref<128xi32, #tpu.memory_space<vmem>>) target_semaphore(%arg9 : memref<!tpu.dma_semaphore, #tpu.memory_space<semaphore_mem>>)
      %add3A_214 = arith.constant 23 : i32
      %add3A_215 = arith.addi %mul3A_28, %add3A_214 : i32
      %dma_start3A_216 = arith.constant 0 : i32
      %dma_start3A_217 = tpu.memref_slice %arg2[%add3A_215, %dma_start3A_216] : memref<50000x128xi32, #tpu.memory_space<hbm>> -> memref<1x128xi32, #tpu.memory_space<hbm>>
      %dma_start3A_218 = tpu.memref_squeeze %dma_start3A_217 : memref<1x128xi32, #tpu.memory_space<hbm>> -> memref<128xi32, #tpu.memory_space<hbm>>
      %dma_start3A_219 = arith.constant 0 : i32
      %dma_start3A_220 = tpu.memref_slice %arg2[%add3A_215, %dma_start3A_219] : memref<50000x128xi32, #tpu.memory_space<hbm>> -> memref<1x128xi32, #tpu.memory_space<hbm>>
      %dma_start3A_221 = tpu.memref_squeeze %dma_start3A_220 : memref<1x128xi32, #tpu.memory_space<hbm>> -> memref<128xi32, #tpu.memory_space<hbm>>
      tpu.enqueue_dma source(%dma_start3A_221 : memref<128xi32, #tpu.memory_space<hbm>>) target(%arg33 : memref<128xi32, #tpu.memory_space<vmem>>) target_semaphore(%arg9 : memref<!tpu.dma_semaphore, #tpu.memory_space<semaphore_mem>>)
      %add3A_222 = arith.constant 24 : i32
      %add3A_223 = arith.addi %mul3A_28, %add3A_222 : i32
      %dma_start3A_224 = arith.constant 0 : i32
      %dma_start3A_225 = tpu.memref_slice %arg2[%add3A_223, %dma_start3A_224] : memref<50000x128xi32, #tpu.memory_space<hbm>> -> memref<1x128xi32, #tpu.memory_space<hbm>>
      %dma_start3A_226 = tpu.memref_squeeze %dma_start3A_225 : memref<1x128xi32, #tpu.memory_space<hbm>> -> memref<128xi32, #tpu.memory_space<hbm>>
      %dma_start3A_227 = arith.constant 0 : i32
      %dma_start3A_228 = tpu.memref_slice %arg2[%add3A_223, %dma_start3A_227] : memref<50000x128xi32, #tpu.memory_space<hbm>> -> memref<1x128xi32, #tpu.memory_space<hbm>>
      %dma_start3A_229 = tpu.memref_squeeze %dma_start3A_228 : memref<1x128xi32, #tpu.memory_space<hbm>> -> memref<128xi32, #tpu.memory_space<hbm>>
      tpu.enqueue_dma source(%dma_start3A_229 : memref<128xi32, #tpu.memory_space<hbm>>) target(%arg34 : memref<128xi32, #tpu.memory_space<vmem>>) target_semaphore(%arg9 : memref<!tpu.dma_semaphore, #tpu.memory_space<semaphore_mem>>)
      %dma_start3A_230 = arith.constant 0 : i32
      %dma_start3A_231 = tpu.memref_slice %arg3[%mul3A_30, %dma_start3A_230] : memref<6400000x8xf32, #tpu.memory_space<hbm>> -> memref<3200x8xf32, #tpu.memory_space<hbm>>
      %dma_start3A_232 = arith.constant 0 : i32
      %dma_start3A_233 = tpu.memref_slice %arg3[%mul3A_30, %dma_start3A_232] : memref<6400000x8xf32, #tpu.memory_space<hbm>> -> memref<3200x8xf32, #tpu.memory_space<hbm>>
      tpu.enqueue_dma source(%dma_start3A_233 : memref<3200x8xf32, #tpu.memory_space<hbm>>) target(%arg7 : memref<3200x8xf32, #tpu.memory_space<vmem>>) target_semaphore(%arg9 : memref<!tpu.dma_semaphore, #tpu.memory_space<semaphore_mem>>)
      %dma_wait3A = arith.constant 0 : i32
      %dma_wait3A_234 = tpu.memref_slice %arg2[%add3A_32, %dma_wait3A] : memref<50000x128xi32, #tpu.memory_space<hbm>> -> memref<1x128xi32, #tpu.memory_space<hbm>>
      %dma_wait3A_235 = tpu.memref_squeeze %dma_wait3A_234 : memref<1x128xi32, #tpu.memory_space<hbm>> -> memref<128xi32, #tpu.memory_space<hbm>>
      %dma_wait3A_236 = arith.constant 0 : i32
      %dma_wait3A_237 = tpu.memref_slice %arg2[%add3A_32, %dma_wait3A_236] : memref<50000x128xi32, #tpu.memory_space<hbm>> -> memref<1x128xi32, #tpu.memory_space<hbm>>
      %dma_wait3A_238 = tpu.memref_squeeze %dma_wait3A_237 : memref<1x128xi32, #tpu.memory_space<hbm>> -> memref<128xi32, #tpu.memory_space<hbm>>
      tpu.wait_dma2 semaphore(%arg9 : memref<!tpu.dma_semaphore, #tpu.memory_space<semaphore_mem>>) src(%dma_wait3A_238 : memref<128xi32, #tpu.memory_space<hbm>>) dst(%arg10 : memref<128xi32, #tpu.memory_space<vmem>>)
      %dma_wait3A_239 = arith.constant 0 : i32
      %dma_wait3A_240 = tpu.memref_slice %arg2[%add3A_39, %dma_wait3A_239] : memref<50000x128xi32, #tpu.memory_space<hbm>> -> memref<1x128xi32, #tpu.memory_space<hbm>>
      %dma_wait3A_241 = tpu.memref_squeeze %dma_wait3A_240 : memref<1x128xi32, #tpu.memory_space<hbm>> -> memref<128xi32, #tpu.memory_space<hbm>>
      %dma_wait3A_242 = arith.constant 0 : i32
      %dma_wait3A_243 = tpu.memref_slice %arg2[%add3A_39, %dma_wait3A_242] : memref<50000x128xi32, #tpu.memory_space<hbm>> -> memref<1x128xi32, #tpu.memory_space<hbm>>
      %dma_wait3A_244 = tpu.memref_squeeze %dma_wait3A_243 : memref<1x128xi32, #tpu.memory_space<hbm>> -> memref<128xi32, #tpu.memory_space<hbm>>
      tpu.wait_dma2 semaphore(%arg9 : memref<!tpu.dma_semaphore, #tpu.memory_space<semaphore_mem>>) src(%dma_wait3A_244 : memref<128xi32, #tpu.memory_space<hbm>>) dst(%arg11 : memref<128xi32, #tpu.memory_space<vmem>>)
      %dma_wait3A_245 = arith.constant 0 : i32
      %dma_wait3A_246 = tpu.memref_slice %arg2[%add3A_47, %dma_wait3A_245] : memref<50000x128xi32, #tpu.memory_space<hbm>> -> memref<1x128xi32, #tpu.memory_space<hbm>>
      %dma_wait3A_247 = tpu.memref_squeeze %dma_wait3A_246 : memref<1x128xi32, #tpu.memory_space<hbm>> -> memref<128xi32, #tpu.memory_space<hbm>>
      %dma_wait3A_248 = arith.constant 0 : i32
      %dma_wait3A_249 = tpu.memref_slice %arg2[%add3A_47, %dma_wait3A_248] : memref<50000x128xi32, #tpu.memory_space<hbm>> -> memref<1x128xi32, #tpu.memory_space<hbm>>
      %dma_wait3A_250 = tpu.memref_squeeze %dma_wait3A_249 : memref<1x128xi32, #tpu.memory_space<hbm>> -> memref<128xi32, #tpu.memory_space<hbm>>
      tpu.wait_dma2 semaphore(%arg9 : memref<!tpu.dma_semaphore, #tpu.memory_space<semaphore_mem>>) src(%dma_wait3A_250 : memref<128xi32, #tpu.memory_space<hbm>>) dst(%arg12 : memref<128xi32, #tpu.memory_space<vmem>>)
      %dma_wait3A_251 = arith.constant 0 : i32
      %dma_wait3A_252 = tpu.memref_slice %arg2[%add3A_55, %dma_wait3A_251] : memref<50000x128xi32, #tpu.memory_space<hbm>> -> memref<1x128xi32, #tpu.memory_space<hbm>>
      %dma_wait3A_253 = tpu.memref_squeeze %dma_wait3A_252 : memref<1x128xi32, #tpu.memory_space<hbm>> -> memref<128xi32, #tpu.memory_space<hbm>>
      %dma_wait3A_254 = arith.constant 0 : i32
      %dma_wait3A_255 = tpu.memref_slice %arg2[%add3A_55, %dma_wait3A_254] : memref<50000x128xi32, #tpu.memory_space<hbm>> -> memref<1x128xi32, #tpu.memory_space<hbm>>
      %dma_wait3A_256 = tpu.memref_squeeze %dma_wait3A_255 : memref<1x128xi32, #tpu.memory_space<hbm>> -> memref<128xi32, #tpu.memory_space<hbm>>
      tpu.wait_dma2 semaphore(%arg9 : memref<!tpu.dma_semaphore, #tpu.memory_space<semaphore_mem>>) src(%dma_wait3A_256 : memref<128xi32, #tpu.memory_space<hbm>>) dst(%arg13 : memref<128xi32, #tpu.memory_space<vmem>>)
      %dma_wait3A_257 = arith.constant 0 : i32
      %dma_wait3A_258 = tpu.memref_slice %arg2[%add3A_63, %dma_wait3A_257] : memref<50000x128xi32, #tpu.memory_space<hbm>> -> memref<1x128xi32, #tpu.memory_space<hbm>>
      %dma_wait3A_259 = tpu.memref_squeeze %dma_wait3A_258 : memref<1x128xi32, #tpu.memory_space<hbm>> -> memref<128xi32, #tpu.memory_space<hbm>>
      %dma_wait3A_260 = arith.constant 0 : i32
      %dma_wait3A_261 = tpu.memref_slice %arg2[%add3A_63, %dma_wait3A_260] : memref<50000x128xi32, #tpu.memory_space<hbm>> -> memref<1x128xi32, #tpu.memory_space<hbm>>
      %dma_wait3A_262 = tpu.memref_squeeze %dma_wait3A_261 : memref<1x128xi32, #tpu.memory_space<hbm>> -> memref<128xi32, #tpu.memory_space<hbm>>
      tpu.wait_dma2 semaphore(%arg9 : memref<!tpu.dma_semaphore, #tpu.memory_space<semaphore_mem>>) src(%dma_wait3A_262 : memref<128xi32, #tpu.memory_space<hbm>>) dst(%arg14 : memref<128xi32, #tpu.memory_space<vmem>>)
      %dma_wait3A_263 = arith.constant 0 : i32
      %dma_wait3A_264 = tpu.memref_slice %arg2[%add3A_71, %dma_wait3A_263] : memref<50000x128xi32, #tpu.memory_space<hbm>> -> memref<1x128xi32, #tpu.memory_space<hbm>>
      %dma_wait3A_265 = tpu.memref_squeeze %dma_wait3A_264 : memref<1x128xi32, #tpu.memory_space<hbm>> -> memref<128xi32, #tpu.memory_space<hbm>>
      %dma_wait3A_266 = arith.constant 0 : i32
      %dma_wait3A_267 = tpu.memref_slice %arg2[%add3A_71, %dma_wait3A_266] : memref<50000x128xi32, #tpu.memory_space<hbm>> -> memref<1x128xi32, #tpu.memory_space<hbm>>
      %dma_wait3A_268 = tpu.memref_squeeze %dma_wait3A_267 : memref<1x128xi32, #tpu.memory_space<hbm>> -> memref<128xi32, #tpu.memory_space<hbm>>
      tpu.wait_dma2 semaphore(%arg9 : memref<!tpu.dma_semaphore, #tpu.memory_space<semaphore_mem>>) src(%dma_wait3A_268 : memref<128xi32, #tpu.memory_space<hbm>>) dst(%arg15 : memref<128xi32, #tpu.memory_space<vmem>>)
      %dma_wait3A_269 = arith.constant 0 : i32
      %dma_wait3A_270 = tpu.memref_slice %arg2[%add3A_79, %dma_wait3A_269] : memref<50000x128xi32, #tpu.memory_space<hbm>> -> memref<1x128xi32, #tpu.memory_space<hbm>>
      %dma_wait3A_271 = tpu.memref_squeeze %dma_wait3A_270 : memref<1x128xi32, #tpu.memory_space<hbm>> -> memref<128xi32, #tpu.memory_space<hbm>>
      %dma_wait3A_272 = arith.constant 0 : i32
      %dma_wait3A_273 = tpu.memref_slice %arg2[%add3A_79, %dma_wait3A_272] : memref<50000x128xi32, #tpu.memory_space<hbm>> -> memref<1x128xi32, #tpu.memory_space<hbm>>
      %dma_wait3A_274 = tpu.memref_squeeze %dma_wait3A_273 : memref<1x128xi32, #tpu.memory_space<hbm>> -> memref<128xi32, #tpu.memory_space<hbm>>
      tpu.wait_dma2 semaphore(%arg9 : memref<!tpu.dma_semaphore, #tpu.memory_space<semaphore_mem>>) src(%dma_wait3A_274 : memref<128xi32, #tpu.memory_space<hbm>>) dst(%arg16 : memref<128xi32, #tpu.memory_space<vmem>>)
      %dma_wait3A_275 = arith.constant 0 : i32
      %dma_wait3A_276 = tpu.memref_slice %arg2[%add3A_87, %dma_wait3A_275] : memref<50000x128xi32, #tpu.memory_space<hbm>> -> memref<1x128xi32, #tpu.memory_space<hbm>>
      %dma_wait3A_277 = tpu.memref_squeeze %dma_wait3A_276 : memref<1x128xi32, #tpu.memory_space<hbm>> -> memref<128xi32, #tpu.memory_space<hbm>>
      %dma_wait3A_278 = arith.constant 0 : i32
      %dma_wait3A_279 = tpu.memref_slice %arg2[%add3A_87, %dma_wait3A_278] : memref<50000x128xi32, #tpu.memory_space<hbm>> -> memref<1x128xi32, #tpu.memory_space<hbm>>
      %dma_wait3A_280 = tpu.memref_squeeze %dma_wait3A_279 : memref<1x128xi32, #tpu.memory_space<hbm>> -> memref<128xi32, #tpu.memory_space<hbm>>
      tpu.wait_dma2 semaphore(%arg9 : memref<!tpu.dma_semaphore, #tpu.memory_space<semaphore_mem>>) src(%dma_wait3A_280 : memref<128xi32, #tpu.memory_space<hbm>>) dst(%arg17 : memref<128xi32, #tpu.memory_space<vmem>>)
      %dma_wait3A_281 = arith.constant 0 : i32
      %dma_wait3A_282 = tpu.memref_slice %arg2[%add3A_95, %dma_wait3A_281] : memref<50000x128xi32, #tpu.memory_space<hbm>> -> memref<1x128xi32, #tpu.memory_space<hbm>>
      %dma_wait3A_283 = tpu.memref_squeeze %dma_wait3A_282 : memref<1x128xi32, #tpu.memory_space<hbm>> -> memref<128xi32, #tpu.memory_space<hbm>>
      %dma_wait3A_284 = arith.constant 0 : i32
      %dma_wait3A_285 = tpu.memref_slice %arg2[%add3A_95, %dma_wait3A_284] : memref<50000x128xi32, #tpu.memory_space<hbm>> -> memref<1x128xi32, #tpu.memory_space<hbm>>
      %dma_wait3A_286 = tpu.memref_squeeze %dma_wait3A_285 : memref<1x128xi32, #tpu.memory_space<hbm>> -> memref<128xi32, #tpu.memory_space<hbm>>
      tpu.wait_dma2 semaphore(%arg9 : memref<!tpu.dma_semaphore, #tpu.memory_space<semaphore_mem>>) src(%dma_wait3A_286 : memref<128xi32, #tpu.memory_space<hbm>>) dst(%arg18 : memref<128xi32, #tpu.memory_space<vmem>>)
      %dma_wait3A_287 = arith.constant 0 : i32
      %dma_wait3A_288 = tpu.memref_slice %arg2[%add3A_103, %dma_wait3A_287] : memref<50000x128xi32, #tpu.memory_space<hbm>> -> memref<1x128xi32, #tpu.memory_space<hbm>>
      %dma_wait3A_289 = tpu.memref_squeeze %dma_wait3A_288 : memref<1x128xi32, #tpu.memory_space<hbm>> -> memref<128xi32, #tpu.memory_space<hbm>>
      %dma_wait3A_290 = arith.constant 0 : i32
      %dma_wait3A_291 = tpu.memref_slice %arg2[%add3A_103, %dma_wait3A_290] : memref<50000x128xi32, #tpu.memory_space<hbm>> -> memref<1x128xi32, #tpu.memory_space<hbm>>
      %dma_wait3A_292 = tpu.memref_squeeze %dma_wait3A_291 : memref<1x128xi32, #tpu.memory_space<hbm>> -> memref<128xi32, #tpu.memory_space<hbm>>
      tpu.wait_dma2 semaphore(%arg9 : memref<!tpu.dma_semaphore, #tpu.memory_space<semaphore_mem>>) src(%dma_wait3A_292 : memref<128xi32, #tpu.memory_space<hbm>>) dst(%arg19 : memref<128xi32, #tpu.memory_space<vmem>>)
      %dma_wait3A_293 = arith.constant 0 : i32
      %dma_wait3A_294 = tpu.memref_slice %arg2[%add3A_111, %dma_wait3A_293] : memref<50000x128xi32, #tpu.memory_space<hbm>> -> memref<1x128xi32, #tpu.memory_space<hbm>>
      %dma_wait3A_295 = tpu.memref_squeeze %dma_wait3A_294 : memref<1x128xi32, #tpu.memory_space<hbm>> -> memref<128xi32, #tpu.memory_space<hbm>>
      %dma_wait3A_296 = arith.constant 0 : i32
      %dma_wait3A_297 = tpu.memref_slice %arg2[%add3A_111, %dma_wait3A_296] : memref<50000x128xi32, #tpu.memory_space<hbm>> -> memref<1x128xi32, #tpu.memory_space<hbm>>
      %dma_wait3A_298 = tpu.memref_squeeze %dma_wait3A_297 : memref<1x128xi32, #tpu.memory_space<hbm>> -> memref<128xi32, #tpu.memory_space<hbm>>
      tpu.wait_dma2 semaphore(%arg9 : memref<!tpu.dma_semaphore, #tpu.memory_space<semaphore_mem>>) src(%dma_wait3A_298 : memref<128xi32, #tpu.memory_space<hbm>>) dst(%arg20 : memref<128xi32, #tpu.memory_space<vmem>>)
      %dma_wait3A_299 = arith.constant 0 : i32
      %dma_wait3A_300 = tpu.memref_slice %arg2[%add3A_119, %dma_wait3A_299] : memref<50000x128xi32, #tpu.memory_space<hbm>> -> memref<1x128xi32, #tpu.memory_space<hbm>>
      %dma_wait3A_301 = tpu.memref_squeeze %dma_wait3A_300 : memref<1x128xi32, #tpu.memory_space<hbm>> -> memref<128xi32, #tpu.memory_space<hbm>>
      %dma_wait3A_302 = arith.constant 0 : i32
      %dma_wait3A_303 = tpu.memref_slice %arg2[%add3A_119, %dma_wait3A_302] : memref<50000x128xi32, #tpu.memory_space<hbm>> -> memref<1x128xi32, #tpu.memory_space<hbm>>
      %dma_wait3A_304 = tpu.memref_squeeze %dma_wait3A_303 : memref<1x128xi32, #tpu.memory_space<hbm>> -> memref<128xi32, #tpu.memory_space<hbm>>
      tpu.wait_dma2 semaphore(%arg9 : memref<!tpu.dma_semaphore, #tpu.memory_space<semaphore_mem>>) src(%dma_wait3A_304 : memref<128xi32, #tpu.memory_space<hbm>>) dst(%arg21 : memref<128xi32, #tpu.memory_space<vmem>>)
      %dma_wait3A_305 = arith.constant 0 : i32
      %dma_wait3A_306 = tpu.memref_slice %arg2[%add3A_127, %dma_wait3A_305] : memref<50000x128xi32, #tpu.memory_space<hbm>> -> memref<1x128xi32, #tpu.memory_space<hbm>>
      %dma_wait3A_307 = tpu.memref_squeeze %dma_wait3A_306 : memref<1x128xi32, #tpu.memory_space<hbm>> -> memref<128xi32, #tpu.memory_space<hbm>>
      %dma_wait3A_308 = arith.constant 0 : i32
      %dma_wait3A_309 = tpu.memref_slice %arg2[%add3A_127, %dma_wait3A_308] : memref<50000x128xi32, #tpu.memory_space<hbm>> -> memref<1x128xi32, #tpu.memory_space<hbm>>
      %dma_wait3A_310 = tpu.memref_squeeze %dma_wait3A_309 : memref<1x128xi32, #tpu.memory_space<hbm>> -> memref<128xi32, #tpu.memory_space<hbm>>
      tpu.wait_dma2 semaphore(%arg9 : memref<!tpu.dma_semaphore, #tpu.memory_space<semaphore_mem>>) src(%dma_wait3A_310 : memref<128xi32, #tpu.memory_space<hbm>>) dst(%arg22 : memref<128xi32, #tpu.memory_space<vmem>>)
      %dma_wait3A_311 = arith.constant 0 : i32
      %dma_wait3A_312 = tpu.memref_slice %arg2[%add3A_135, %dma_wait3A_311] : memref<50000x128xi32, #tpu.memory_space<hbm>> -> memref<1x128xi32, #tpu.memory_space<hbm>>
      %dma_wait3A_313 = tpu.memref_squeeze %dma_wait3A_312 : memref<1x128xi32, #tpu.memory_space<hbm>> -> memref<128xi32, #tpu.memory_space<hbm>>
      %dma_wait3A_314 = arith.constant 0 : i32
      %dma_wait3A_315 = tpu.memref_slice %arg2[%add3A_135, %dma_wait3A_314] : memref<50000x128xi32, #tpu.memory_space<hbm>> -> memref<1x128xi32, #tpu.memory_space<hbm>>
      %dma_wait3A_316 = tpu.memref_squeeze %dma_wait3A_315 : memref<1x128xi32, #tpu.memory_space<hbm>> -> memref<128xi32, #tpu.memory_space<hbm>>
      tpu.wait_dma2 semaphore(%arg9 : memref<!tpu.dma_semaphore, #tpu.memory_space<semaphore_mem>>) src(%dma_wait3A_316 : memref<128xi32, #tpu.memory_space<hbm>>) dst(%arg23 : memref<128xi32, #tpu.memory_space<vmem>>)
      %dma_wait3A_317 = arith.constant 0 : i32
      %dma_wait3A_318 = tpu.memref_slice %arg2[%add3A_143, %dma_wait3A_317] : memref<50000x128xi32, #tpu.memory_space<hbm>> -> memref<1x128xi32, #tpu.memory_space<hbm>>
      %dma_wait3A_319 = tpu.memref_squeeze %dma_wait3A_318 : memref<1x128xi32, #tpu.memory_space<hbm>> -> memref<128xi32, #tpu.memory_space<hbm>>
      %dma_wait3A_320 = arith.constant 0 : i32
      %dma_wait3A_321 = tpu.memref_slice %arg2[%add3A_143, %dma_wait3A_320] : memref<50000x128xi32, #tpu.memory_space<hbm>> -> memref<1x128xi32, #tpu.memory_space<hbm>>
      %dma_wait3A_322 = tpu.memref_squeeze %dma_wait3A_321 : memref<1x128xi32, #tpu.memory_space<hbm>> -> memref<128xi32, #tpu.memory_space<hbm>>
      tpu.wait_dma2 semaphore(%arg9 : memref<!tpu.dma_semaphore, #tpu.memory_space<semaphore_mem>>) src(%dma_wait3A_322 : memref<128xi32, #tpu.memory_space<hbm>>) dst(%arg24 : memref<128xi32, #tpu.memory_space<vmem>>)
      %dma_wait3A_323 = arith.constant 0 : i32
      %dma_wait3A_324 = tpu.memref_slice %arg2[%add3A_151, %dma_wait3A_323] : memref<50000x128xi32, #tpu.memory_space<hbm>> -> memref<1x128xi32, #tpu.memory_space<hbm>>
      %dma_wait3A_325 = tpu.memref_squeeze %dma_wait3A_324 : memref<1x128xi32, #tpu.memory_space<hbm>> -> memref<128xi32, #tpu.memory_space<hbm>>
      %dma_wait3A_326 = arith.constant 0 : i32
      %dma_wait3A_327 = tpu.memref_slice %arg2[%add3A_151, %dma_wait3A_326] : memref<50000x128xi32, #tpu.memory_space<hbm>> -> memref<1x128xi32, #tpu.memory_space<hbm>>
      %dma_wait3A_328 = tpu.memref_squeeze %dma_wait3A_327 : memref<1x128xi32, #tpu.memory_space<hbm>> -> memref<128xi32, #tpu.memory_space<hbm>>
      tpu.wait_dma2 semaphore(%arg9 : memref<!tpu.dma_semaphore, #tpu.memory_space<semaphore_mem>>) src(%dma_wait3A_328 : memref<128xi32, #tpu.memory_space<hbm>>) dst(%arg25 : memref<128xi32, #tpu.memory_space<vmem>>)
      %dma_wait3A_329 = arith.constant 0 : i32
      %dma_wait3A_330 = tpu.memref_slice %arg2[%add3A_159, %dma_wait3A_329] : memref<50000x128xi32, #tpu.memory_space<hbm>> -> memref<1x128xi32, #tpu.memory_space<hbm>>
      %dma_wait3A_331 = tpu.memref_squeeze %dma_wait3A_330 : memref<1x128xi32, #tpu.memory_space<hbm>> -> memref<128xi32, #tpu.memory_space<hbm>>
      %dma_wait3A_332 = arith.constant 0 : i32
      %dma_wait3A_333 = tpu.memref_slice %arg2[%add3A_159, %dma_wait3A_332] : memref<50000x128xi32, #tpu.memory_space<hbm>> -> memref<1x128xi32, #tpu.memory_space<hbm>>
      %dma_wait3A_334 = tpu.memref_squeeze %dma_wait3A_333 : memref<1x128xi32, #tpu.memory_space<hbm>> -> memref<128xi32, #tpu.memory_space<hbm>>
      tpu.wait_dma2 semaphore(%arg9 : memref<!tpu.dma_semaphore, #tpu.memory_space<semaphore_mem>>) src(%dma_wait3A_334 : memref<128xi32, #tpu.memory_space<hbm>>) dst(%arg26 : memref<128xi32, #tpu.memory_space<vmem>>)
      %dma_wait3A_335 = arith.constant 0 : i32
      %dma_wait3A_336 = tpu.memref_slice %arg2[%add3A_167, %dma_wait3A_335] : memref<50000x128xi32, #tpu.memory_space<hbm>> -> memref<1x128xi32, #tpu.memory_space<hbm>>
      %dma_wait3A_337 = tpu.memref_squeeze %dma_wait3A_336 : memref<1x128xi32, #tpu.memory_space<hbm>> -> memref<128xi32, #tpu.memory_space<hbm>>
      %dma_wait3A_338 = arith.constant 0 : i32
      %dma_wait3A_339 = tpu.memref_slice %arg2[%add3A_167, %dma_wait3A_338] : memref<50000x128xi32, #tpu.memory_space<hbm>> -> memref<1x128xi32, #tpu.memory_space<hbm>>
      %dma_wait3A_340 = tpu.memref_squeeze %dma_wait3A_339 : memref<1x128xi32, #tpu.memory_space<hbm>> -> memref<128xi32, #tpu.memory_space<hbm>>
      tpu.wait_dma2 semaphore(%arg9 : memref<!tpu.dma_semaphore, #tpu.memory_space<semaphore_mem>>) src(%dma_wait3A_340 : memref<128xi32, #tpu.memory_space<hbm>>) dst(%arg27 : memref<128xi32, #tpu.memory_space<vmem>>)
      %dma_wait3A_341 = arith.constant 0 : i32
      %dma_wait3A_342 = tpu.memref_slice %arg2[%add3A_175, %dma_wait3A_341] : memref<50000x128xi32, #tpu.memory_space<hbm>> -> memref<1x128xi32, #tpu.memory_space<hbm>>
      %dma_wait3A_343 = tpu.memref_squeeze %dma_wait3A_342 : memref<1x128xi32, #tpu.memory_space<hbm>> -> memref<128xi32, #tpu.memory_space<hbm>>
      %dma_wait3A_344 = arith.constant 0 : i32
      %dma_wait3A_345 = tpu.memref_slice %arg2[%add3A_175, %dma_wait3A_344] : memref<50000x128xi32, #tpu.memory_space<hbm>> -> memref<1x128xi32, #tpu.memory_space<hbm>>
      %dma_wait3A_346 = tpu.memref_squeeze %dma_wait3A_345 : memref<1x128xi32, #tpu.memory_space<hbm>> -> memref<128xi32, #tpu.memory_space<hbm>>
      tpu.wait_dma2 semaphore(%arg9 : memref<!tpu.dma_semaphore, #tpu.memory_space<semaphore_mem>>) src(%dma_wait3A_346 : memref<128xi32, #tpu.memory_space<hbm>>) dst(%arg28 : memref<128xi32, #tpu.memory_space<vmem>>)
      %dma_wait3A_347 = arith.constant 0 : i32
      %dma_wait3A_348 = tpu.memref_slice %arg2[%add3A_183, %dma_wait3A_347] : memref<50000x128xi32, #tpu.memory_space<hbm>> -> memref<1x128xi32, #tpu.memory_space<hbm>>
      %dma_wait3A_349 = tpu.memref_squeeze %dma_wait3A_348 : memref<1x128xi32, #tpu.memory_space<hbm>> -> memref<128xi32, #tpu.memory_space<hbm>>
      %dma_wait3A_350 = arith.constant 0 : i32
      %dma_wait3A_351 = tpu.memref_slice %arg2[%add3A_183, %dma_wait3A_350] : memref<50000x128xi32, #tpu.memory_space<hbm>> -> memref<1x128xi32, #tpu.memory_space<hbm>>
      %dma_wait3A_352 = tpu.memref_squeeze %dma_wait3A_351 : memref<1x128xi32, #tpu.memory_space<hbm>> -> memref<128xi32, #tpu.memory_space<hbm>>
      tpu.wait_dma2 semaphore(%arg9 : memref<!tpu.dma_semaphore, #tpu.memory_space<semaphore_mem>>) src(%dma_wait3A_352 : memref<128xi32, #tpu.memory_space<hbm>>) dst(%arg29 : memref<128xi32, #tpu.memory_space<vmem>>)
      %dma_wait3A_353 = arith.constant 0 : i32
      %dma_wait3A_354 = tpu.memref_slice %arg2[%add3A_191, %dma_wait3A_353] : memref<50000x128xi32, #tpu.memory_space<hbm>> -> memref<1x128xi32, #tpu.memory_space<hbm>>
      %dma_wait3A_355 = tpu.memref_squeeze %dma_wait3A_354 : memref<1x128xi32, #tpu.memory_space<hbm>> -> memref<128xi32, #tpu.memory_space<hbm>>
      %dma_wait3A_356 = arith.constant 0 : i32
      %dma_wait3A_357 = tpu.memref_slice %arg2[%add3A_191, %dma_wait3A_356] : memref<50000x128xi32, #tpu.memory_space<hbm>> -> memref<1x128xi32, #tpu.memory_space<hbm>>
      %dma_wait3A_358 = tpu.memref_squeeze %dma_wait3A_357 : memref<1x128xi32, #tpu.memory_space<hbm>> -> memref<128xi32, #tpu.memory_space<hbm>>
      tpu.wait_dma2 semaphore(%arg9 : memref<!tpu.dma_semaphore, #tpu.memory_space<semaphore_mem>>) src(%dma_wait3A_358 : memref<128xi32, #tpu.memory_space<hbm>>) dst(%arg30 : memref<128xi32, #tpu.memory_space<vmem>>)
      %dma_wait3A_359 = arith.constant 0 : i32
      %dma_wait3A_360 = tpu.memref_slice %arg2[%add3A_199, %dma_wait3A_359] : memref<50000x128xi32, #tpu.memory_space<hbm>> -> memref<1x128xi32, #tpu.memory_space<hbm>>
      %dma_wait3A_361 = tpu.memref_squeeze %dma_wait3A_360 : memref<1x128xi32, #tpu.memory_space<hbm>> -> memref<128xi32, #tpu.memory_space<hbm>>
      %dma_wait3A_362 = arith.constant 0 : i32
      %dma_wait3A_363 = tpu.memref_slice %arg2[%add3A_199, %dma_wait3A_362] : memref<50000x128xi32, #tpu.memory_space<hbm>> -> memref<1x128xi32, #tpu.memory_space<hbm>>
      %dma_wait3A_364 = tpu.memref_squeeze %dma_wait3A_363 : memref<1x128xi32, #tpu.memory_space<hbm>> -> memref<128xi32, #tpu.memory_space<hbm>>
      tpu.wait_dma2 semaphore(%arg9 : memref<!tpu.dma_semaphore, #tpu.memory_space<semaphore_mem>>) src(%dma_wait3A_364 : memref<128xi32, #tpu.memory_space<hbm>>) dst(%arg31 : memref<128xi32, #tpu.memory_space<vmem>>)
      %dma_wait3A_365 = arith.constant 0 : i32
      %dma_wait3A_366 = tpu.memref_slice %arg2[%add3A_207, %dma_wait3A_365] : memref<50000x128xi32, #tpu.memory_space<hbm>> -> memref<1x128xi32, #tpu.memory_space<hbm>>
      %dma_wait3A_367 = tpu.memref_squeeze %dma_wait3A_366 : memref<1x128xi32, #tpu.memory_space<hbm>> -> memref<128xi32, #tpu.memory_space<hbm>>
      %dma_wait3A_368 = arith.constant 0 : i32
      %dma_wait3A_369 = tpu.memref_slice %arg2[%add3A_207, %dma_wait3A_368] : memref<50000x128xi32, #tpu.memory_space<hbm>> -> memref<1x128xi32, #tpu.memory_space<hbm>>
      %dma_wait3A_370 = tpu.memref_squeeze %dma_wait3A_369 : memref<1x128xi32, #tpu.memory_space<hbm>> -> memref<128xi32, #tpu.memory_space<hbm>>
      tpu.wait_dma2 semaphore(%arg9 : memref<!tpu.dma_semaphore, #tpu.memory_space<semaphore_mem>>) src(%dma_wait3A_370 : memref<128xi32, #tpu.memory_space<hbm>>) dst(%arg32 : memref<128xi32, #tpu.memory_space<vmem>>)
      %dma_wait3A_371 = arith.constant 0 : i32
      %dma_wait3A_372 = tpu.memref_slice %arg2[%add3A_215, %dma_wait3A_371] : memref<50000x128xi32, #tpu.memory_space<hbm>> -> memref<1x128xi32, #tpu.memory_space<hbm>>
      %dma_wait3A_373 = tpu.memref_squeeze %dma_wait3A_372 : memref<1x128xi32, #tpu.memory_space<hbm>> -> memref<128xi32, #tpu.memory_space<hbm>>
      %dma_wait3A_374 = arith.constant 0 : i32
      %dma_wait3A_375 = tpu.memref_slice %arg2[%add3A_215, %dma_wait3A_374] : memref<50000x128xi32, #tpu.memory_space<hbm>> -> memref<1x128xi32, #tpu.memory_space<hbm>>
      %dma_wait3A_376 = tpu.memref_squeeze %dma_wait3A_375 : memref<1x128xi32, #tpu.memory_space<hbm>> -> memref<128xi32, #tpu.memory_space<hbm>>
      tpu.wait_dma2 semaphore(%arg9 : memref<!tpu.dma_semaphore, #tpu.memory_space<semaphore_mem>>) src(%dma_wait3A_376 : memref<128xi32, #tpu.memory_space<hbm>>) dst(%arg33 : memref<128xi32, #tpu.memory_space<vmem>>)
      %dma_wait3A_377 = arith.constant 0 : i32
      %dma_wait3A_378 = tpu.memref_slice %arg2[%add3A_223, %dma_wait3A_377] : memref<50000x128xi32, #tpu.memory_space<hbm>> -> memref<1x128xi32, #tpu.memory_space<hbm>>
      %dma_wait3A_379 = tpu.memref_squeeze %dma_wait3A_378 : memref<1x128xi32, #tpu.memory_space<hbm>> -> memref<128xi32, #tpu.memory_space<hbm>>
      %dma_wait3A_380 = arith.constant 0 : i32
      %dma_wait3A_381 = tpu.memref_slice %arg2[%add3A_223, %dma_wait3A_380] : memref<50000x128xi32, #tpu.memory_space<hbm>> -> memref<1x128xi32, #tpu.memory_space<hbm>>
      %dma_wait3A_382 = tpu.memref_squeeze %dma_wait3A_381 : memref<1x128xi32, #tpu.memory_space<hbm>> -> memref<128xi32, #tpu.memory_space<hbm>>
      tpu.wait_dma2 semaphore(%arg9 : memref<!tpu.dma_semaphore, #tpu.memory_space<semaphore_mem>>) src(%dma_wait3A_382 : memref<128xi32, #tpu.memory_space<hbm>>) dst(%arg34 : memref<128xi32, #tpu.memory_space<vmem>>)
      %dma_wait3A_383 = arith.constant 0 : i32
      %dma_wait3A_384 = tpu.memref_slice %arg3[%mul3A_30, %dma_wait3A_383] : memref<6400000x8xf32, #tpu.memory_space<hbm>> -> memref<3200x8xf32, #tpu.memory_space<hbm>>
      %dma_wait3A_385 = arith.constant 0 : i32
      %dma_wait3A_386 = tpu.memref_slice %arg3[%mul3A_30, %dma_wait3A_385] : memref<6400000x8xf32, #tpu.memory_space<hbm>> -> memref<3200x8xf32, #tpu.memory_space<hbm>>
      tpu.wait_dma2 semaphore(%arg9 : memref<!tpu.dma_semaphore, #tpu.memory_space<semaphore_mem>>) src(%dma_wait3A_386 : memref<3200x8xf32, #tpu.memory_space<hbm>>) dst(%arg7 : memref<3200x8xf32, #tpu.memory_space<vmem>>)
      %dma_start3A_387 = arith.constant 0 : i32
      %dma_start3A_388 = arith.constant 0 : i32
      %dma_start3A_389 = tpu.memref_slice %arg7[%dma_start3A_387, %dma_start3A_388] : memref<3200x8xf32, #tpu.memory_space<vmem>> -> memref<128x8xf32, #tpu.memory_space<vmem>>
      %dma_start3A_390 = arith.constant 0 : i32
      %dma_start3A_391 = arith.constant 0 : i32
      %dma_start3A_392 = tpu.memref_slice %arg6[%dma_start3A_390, %dma_start3A_391] : memref<100000x8xf32, #tpu.memory_space<vmem_shared>> -> memref<100000x8xf32, #tpu.memory_space<vmem_shared>>
      tpu.enqueue_indirect_dma source(%dma_start3A_389 : memref<128x8xf32, #tpu.memory_space<vmem>>) target(%dma_start3A_392 : memref<100000x8xf32, #tpu.memory_space<vmem_shared>>) offsets(%arg10 : memref<128xi32, #tpu.memory_space<vmem>>) semaphore(%arg9 : memref<!tpu.dma_semaphore, #tpu.memory_space<semaphore_mem>>) {add = true}
      %dma_start3A_393 = arith.constant 128 : i32
      %dma_start3A_394 = arith.constant 0 : i32
      %dma_start3A_395 = tpu.memref_slice %arg7[%dma_start3A_393, %dma_start3A_394] : memref<3200x8xf32, #tpu.memory_space<vmem>> -> memref<128x8xf32, #tpu.memory_space<vmem>>
      %dma_start3A_396 = arith.constant 0 : i32
      %dma_start3A_397 = arith.constant 0 : i32
      %dma_start3A_398 = tpu.memref_slice %arg6[%dma_start3A_396, %dma_start3A_397] : memref<100000x8xf32, #tpu.memory_space<vmem_shared>> -> memref<100000x8xf32, #tpu.memory_space<vmem_shared>>
      tpu.enqueue_indirect_dma source(%dma_start3A_395 : memref<128x8xf32, #tpu.memory_space<vmem>>) target(%dma_start3A_398 : memref<100000x8xf32, #tpu.memory_space<vmem_shared>>) offsets(%arg11 : memref<128xi32, #tpu.memory_space<vmem>>) semaphore(%arg9 : memref<!tpu.dma_semaphore, #tpu.memory_space<semaphore_mem>>) {add = true}
      %dma_start3A_399 = arith.constant 256 : i32
      %dma_start3A_400 = arith.constant 0 : i32
      %dma_start3A_401 = tpu.memref_slice %arg7[%dma_start3A_399, %dma_start3A_400] : memref<3200x8xf32, #tpu.memory_space<vmem>> -> memref<128x8xf32, #tpu.memory_space<vmem>>
      %dma_start3A_402 = arith.constant 0 : i32
      %dma_start3A_403 = arith.constant 0 : i32
      %dma_start3A_404 = tpu.memref_slice %arg6[%dma_start3A_402, %dma_start3A_403] : memref<100000x8xf32, #tpu.memory_space<vmem_shared>> -> memref<100000x8xf32, #tpu.memory_space<vmem_shared>>
      tpu.enqueue_indirect_dma source(%dma_start3A_401 : memref<128x8xf32, #tpu.memory_space<vmem>>) target(%dma_start3A_404 : memref<100000x8xf32, #tpu.memory_space<vmem_shared>>) offsets(%arg12 : memref<128xi32, #tpu.memory_space<vmem>>) semaphore(%arg9 : memref<!tpu.dma_semaphore, #tpu.memory_space<semaphore_mem>>) {add = true}
      %dma_start3A_405 = arith.constant 384 : i32
      %dma_start3A_406 = arith.constant 0 : i32
      %dma_start3A_407 = tpu.memref_slice %arg7[%dma_start3A_405, %dma_start3A_406] : memref<3200x8xf32, #tpu.memory_space<vmem>> -> memref<128x8xf32, #tpu.memory_space<vmem>>
      %dma_start3A_408 = arith.constant 0 : i32
      %dma_start3A_409 = arith.constant 0 : i32
      %dma_start3A_410 = tpu.memref_slice %arg6[%dma_start3A_408, %dma_start3A_409] : memref<100000x8xf32, #tpu.memory_space<vmem_shared>> -> memref<100000x8xf32, #tpu.memory_space<vmem_shared>>
      tpu.enqueue_indirect_dma source(%dma_start3A_407 : memref<128x8xf32, #tpu.memory_space<vmem>>) target(%dma_start3A_410 : memref<100000x8xf32, #tpu.memory_space<vmem_shared>>) offsets(%arg13 : memref<128xi32, #tpu.memory_space<vmem>>) semaphore(%arg9 : memref<!tpu.dma_semaphore, #tpu.memory_space<semaphore_mem>>) {add = true}
      %dma_start3A_411 = arith.constant 512 : i32
      %dma_start3A_412 = arith.constant 0 : i32
      %dma_start3A_413 = tpu.memref_slice %arg7[%dma_start3A_411, %dma_start3A_412] : memref<3200x8xf32, #tpu.memory_space<vmem>> -> memref<128x8xf32, #tpu.memory_space<vmem>>
      %dma_start3A_414 = arith.constant 0 : i32
      %dma_start3A_415 = arith.constant 0 : i32
      %dma_start3A_416 = tpu.memref_slice %arg6[%dma_start3A_414, %dma_start3A_415] : memref<100000x8xf32, #tpu.memory_space<vmem_shared>> -> memref<100000x8xf32, #tpu.memory_space<vmem_shared>>
      tpu.enqueue_indirect_dma source(%dma_start3A_413 : memref<128x8xf32, #tpu.memory_space<vmem>>) target(%dma_start3A_416 : memref<100000x8xf32, #tpu.memory_space<vmem_shared>>) offsets(%arg14 : memref<128xi32, #tpu.memory_space<vmem>>) semaphore(%arg9 : memref<!tpu.dma_semaphore, #tpu.memory_space<semaphore_mem>>) {add = true}
      %dma_start3A_417 = arith.constant 640 : i32
      %dma_start3A_418 = arith.constant 0 : i32
      %dma_start3A_419 = tpu.memref_slice %arg7[%dma_start3A_417, %dma_start3A_418] : memref<3200x8xf32, #tpu.memory_space<vmem>> -> memref<128x8xf32, #tpu.memory_space<vmem>>
      %dma_start3A_420 = arith.constant 0 : i32
      %dma_start3A_421 = arith.constant 0 : i32
      %dma_start3A_422 = tpu.memref_slice %arg6[%dma_start3A_420, %dma_start3A_421] : memref<100000x8xf32, #tpu.memory_space<vmem_shared>> -> memref<100000x8xf32, #tpu.memory_space<vmem_shared>>
      tpu.enqueue_indirect_dma source(%dma_start3A_419 : memref<128x8xf32, #tpu.memory_space<vmem>>) target(%dma_start3A_422 : memref<100000x8xf32, #tpu.memory_space<vmem_shared>>) offsets(%arg15 : memref<128xi32, #tpu.memory_space<vmem>>) semaphore(%arg9 : memref<!tpu.dma_semaphore, #tpu.memory_space<semaphore_mem>>) {add = true}
      %dma_start3A_423 = arith.constant 768 : i32
      %dma_start3A_424 = arith.constant 0 : i32
      %dma_start3A_425 = tpu.memref_slice %arg7[%dma_start3A_423, %dma_start3A_424] : memref<3200x8xf32, #tpu.memory_space<vmem>> -> memref<128x8xf32, #tpu.memory_space<vmem>>
      %dma_start3A_426 = arith.constant 0 : i32
      %dma_start3A_427 = arith.constant 0 : i32
      %dma_start3A_428 = tpu.memref_slice %arg6[%dma_start3A_426, %dma_start3A_427] : memref<100000x8xf32, #tpu.memory_space<vmem_shared>> -> memref<100000x8xf32, #tpu.memory_space<vmem_shared>>
      tpu.enqueue_indirect_dma source(%dma_start3A_425 : memref<128x8xf32, #tpu.memory_space<vmem>>) target(%dma_start3A_428 : memref<100000x8xf32, #tpu.memory_space<vmem_shared>>) offsets(%arg16 : memref<128xi32, #tpu.memory_space<vmem>>) semaphore(%arg9 : memref<!tpu.dma_semaphore, #tpu.memory_space<semaphore_mem>>) {add = true}
      %dma_start3A_429 = arith.constant 896 : i32
      %dma_start3A_430 = arith.constant 0 : i32
      %dma_start3A_431 = tpu.memref_slice %arg7[%dma_start3A_429, %dma_start3A_430] : memref<3200x8xf32, #tpu.memory_space<vmem>> -> memref<128x8xf32, #tpu.memory_space<vmem>>
      %dma_start3A_432 = arith.constant 0 : i32
      %dma_start3A_433 = arith.constant 0 : i32
      %dma_start3A_434 = tpu.memref_slice %arg6[%dma_start3A_432, %dma_start3A_433] : memref<100000x8xf32, #tpu.memory_space<vmem_shared>> -> memref<100000x8xf32, #tpu.memory_space<vmem_shared>>
      tpu.enqueue_indirect_dma source(%dma_start3A_431 : memref<128x8xf32, #tpu.memory_space<vmem>>) target(%dma_start3A_434 : memref<100000x8xf32, #tpu.memory_space<vmem_shared>>) offsets(%arg17 : memref<128xi32, #tpu.memory_space<vmem>>) semaphore(%arg9 : memref<!tpu.dma_semaphore, #tpu.memory_space<semaphore_mem>>) {add = true}
      %dma_start3A_435 = arith.constant 1024 : i32
      %dma_start3A_436 = arith.constant 0 : i32
      %dma_start3A_437 = tpu.memref_slice %arg7[%dma_start3A_435, %dma_start3A_436] : memref<3200x8xf32, #tpu.memory_space<vmem>> -> memref<128x8xf32, #tpu.memory_space<vmem>>
      %dma_start3A_438 = arith.constant 0 : i32
      %dma_start3A_439 = arith.constant 0 : i32
      %dma_start3A_440 = tpu.memref_slice %arg6[%dma_start3A_438, %dma_start3A_439] : memref<100000x8xf32, #tpu.memory_space<vmem_shared>> -> memref<100000x8xf32, #tpu.memory_space<vmem_shared>>
      tpu.enqueue_indirect_dma source(%dma_start3A_437 : memref<128x8xf32, #tpu.memory_space<vmem>>) target(%dma_start3A_440 : memref<100000x8xf32, #tpu.memory_space<vmem_shared>>) offsets(%arg18 : memref<128xi32, #tpu.memory_space<vmem>>) semaphore(%arg9 : memref<!tpu.dma_semaphore, #tpu.memory_space<semaphore_mem>>) {add = true}
      %dma_start3A_441 = arith.constant 1152 : i32
      %dma_start3A_442 = arith.constant 0 : i32
      %dma_start3A_443 = tpu.memref_slice %arg7[%dma_start3A_441, %dma_start3A_442] : memref<3200x8xf32, #tpu.memory_space<vmem>> -> memref<128x8xf32, #tpu.memory_space<vmem>>
      %dma_start3A_444 = arith.constant 0 : i32
      %dma_start3A_445 = arith.constant 0 : i32
      %dma_start3A_446 = tpu.memref_slice %arg6[%dma_start3A_444, %dma_start3A_445] : memref<100000x8xf32, #tpu.memory_space<vmem_shared>> -> memref<100000x8xf32, #tpu.memory_space<vmem_shared>>
      tpu.enqueue_indirect_dma source(%dma_start3A_443 : memref<128x8xf32, #tpu.memory_space<vmem>>) target(%dma_start3A_446 : memref<100000x8xf32, #tpu.memory_space<vmem_shared>>) offsets(%arg19 : memref<128xi32, #tpu.memory_space<vmem>>) semaphore(%arg9 : memref<!tpu.dma_semaphore, #tpu.memory_space<semaphore_mem>>) {add = true}
      %dma_start3A_447 = arith.constant 1280 : i32
      %dma_start3A_448 = arith.constant 0 : i32
      %dma_start3A_449 = tpu.memref_slice %arg7[%dma_start3A_447, %dma_start3A_448] : memref<3200x8xf32, #tpu.memory_space<vmem>> -> memref<128x8xf32, #tpu.memory_space<vmem>>
      %dma_start3A_450 = arith.constant 0 : i32
      %dma_start3A_451 = arith.constant 0 : i32
      %dma_start3A_452 = tpu.memref_slice %arg6[%dma_start3A_450, %dma_start3A_451] : memref<100000x8xf32, #tpu.memory_space<vmem_shared>> -> memref<100000x8xf32, #tpu.memory_space<vmem_shared>>
      tpu.enqueue_indirect_dma source(%dma_start3A_449 : memref<128x8xf32, #tpu.memory_space<vmem>>) target(%dma_start3A_452 : memref<100000x8xf32, #tpu.memory_space<vmem_shared>>) offsets(%arg20 : memref<128xi32, #tpu.memory_space<vmem>>) semaphore(%arg9 : memref<!tpu.dma_semaphore, #tpu.memory_space<semaphore_mem>>) {add = true}
      %dma_start3A_453 = arith.constant 1408 : i32
      %dma_start3A_454 = arith.constant 0 : i32
      %dma_start3A_455 = tpu.memref_slice %arg7[%dma_start3A_453, %dma_start3A_454] : memref<3200x8xf32, #tpu.memory_space<vmem>> -> memref<128x8xf32, #tpu.memory_space<vmem>>
      %dma_start3A_456 = arith.constant 0 : i32
      %dma_start3A_457 = arith.constant 0 : i32
      %dma_start3A_458 = tpu.memref_slice %arg6[%dma_start3A_456, %dma_start3A_457] : memref<100000x8xf32, #tpu.memory_space<vmem_shared>> -> memref<100000x8xf32, #tpu.memory_space<vmem_shared>>
      tpu.enqueue_indirect_dma source(%dma_start3A_455 : memref<128x8xf32, #tpu.memory_space<vmem>>) target(%dma_start3A_458 : memref<100000x8xf32, #tpu.memory_space<vmem_shared>>) offsets(%arg21 : memref<128xi32, #tpu.memory_space<vmem>>) semaphore(%arg9 : memref<!tpu.dma_semaphore, #tpu.memory_space<semaphore_mem>>) {add = true}
      %dma_start3A_459 = arith.constant 1536 : i32
      %dma_start3A_460 = arith.constant 0 : i32
      %dma_start3A_461 = tpu.memref_slice %arg7[%dma_start3A_459, %dma_start3A_460] : memref<3200x8xf32, #tpu.memory_space<vmem>> -> memref<128x8xf32, #tpu.memory_space<vmem>>
      %dma_start3A_462 = arith.constant 0 : i32
      %dma_start3A_463 = arith.constant 0 : i32
      %dma_start3A_464 = tpu.memref_slice %arg6[%dma_start3A_462, %dma_start3A_463] : memref<100000x8xf32, #tpu.memory_space<vmem_shared>> -> memref<100000x8xf32, #tpu.memory_space<vmem_shared>>
      tpu.enqueue_indirect_dma source(%dma_start3A_461 : memref<128x8xf32, #tpu.memory_space<vmem>>) target(%dma_start3A_464 : memref<100000x8xf32, #tpu.memory_space<vmem_shared>>) offsets(%arg22 : memref<128xi32, #tpu.memory_space<vmem>>) semaphore(%arg9 : memref<!tpu.dma_semaphore, #tpu.memory_space<semaphore_mem>>) {add = true}
      %dma_start3A_465 = arith.constant 1664 : i32
      %dma_start3A_466 = arith.constant 0 : i32
      %dma_start3A_467 = tpu.memref_slice %arg7[%dma_start3A_465, %dma_start3A_466] : memref<3200x8xf32, #tpu.memory_space<vmem>> -> memref<128x8xf32, #tpu.memory_space<vmem>>
      %dma_start3A_468 = arith.constant 0 : i32
      %dma_start3A_469 = arith.constant 0 : i32
      %dma_start3A_470 = tpu.memref_slice %arg6[%dma_start3A_468, %dma_start3A_469] : memref<100000x8xf32, #tpu.memory_space<vmem_shared>> -> memref<100000x8xf32, #tpu.memory_space<vmem_shared>>
      tpu.enqueue_indirect_dma source(%dma_start3A_467 : memref<128x8xf32, #tpu.memory_space<vmem>>) target(%dma_start3A_470 : memref<100000x8xf32, #tpu.memory_space<vmem_shared>>) offsets(%arg23 : memref<128xi32, #tpu.memory_space<vmem>>) semaphore(%arg9 : memref<!tpu.dma_semaphore, #tpu.memory_space<semaphore_mem>>) {add = true}
      %dma_start3A_471 = arith.constant 1792 : i32
      %dma_start3A_472 = arith.constant 0 : i32
      %dma_start3A_473 = tpu.memref_slice %arg7[%dma_start3A_471, %dma_start3A_472] : memref<3200x8xf32, #tpu.memory_space<vmem>> -> memref<128x8xf32, #tpu.memory_space<vmem>>
      %dma_start3A_474 = arith.constant 0 : i32
      %dma_start3A_475 = arith.constant 0 : i32
      %dma_start3A_476 = tpu.memref_slice %arg6[%dma_start3A_474, %dma_start3A_475] : memref<100000x8xf32, #tpu.memory_space<vmem_shared>> -> memref<100000x8xf32, #tpu.memory_space<vmem_shared>>
      tpu.enqueue_indirect_dma source(%dma_start3A_473 : memref<128x8xf32, #tpu.memory_space<vmem>>) target(%dma_start3A_476 : memref<100000x8xf32, #tpu.memory_space<vmem_shared>>) offsets(%arg24 : memref<128xi32, #tpu.memory_space<vmem>>) semaphore(%arg9 : memref<!tpu.dma_semaphore, #tpu.memory_space<semaphore_mem>>) {add = true}
      %dma_start3A_477 = arith.constant 1920 : i32
      %dma_start3A_478 = arith.constant 0 : i32
      %dma_start3A_479 = tpu.memref_slice %arg7[%dma_start3A_477, %dma_start3A_478] : memref<3200x8xf32, #tpu.memory_space<vmem>> -> memref<128x8xf32, #tpu.memory_space<vmem>>
      %dma_start3A_480 = arith.constant 0 : i32
      %dma_start3A_481 = arith.constant 0 : i32
      %dma_start3A_482 = tpu.memref_slice %arg6[%dma_start3A_480, %dma_start3A_481] : memref<100000x8xf32, #tpu.memory_space<vmem_shared>> -> memref<100000x8xf32, #tpu.memory_space<vmem_shared>>
      tpu.enqueue_indirect_dma source(%dma_start3A_479 : memref<128x8xf32, #tpu.memory_space<vmem>>) target(%dma_start3A_482 : memref<100000x8xf32, #tpu.memory_space<vmem_shared>>) offsets(%arg25 : memref<128xi32, #tpu.memory_space<vmem>>) semaphore(%arg9 : memref<!tpu.dma_semaphore, #tpu.memory_space<semaphore_mem>>) {add = true}
      %dma_start3A_483 = arith.constant 2048 : i32
      %dma_start3A_484 = arith.constant 0 : i32
      %dma_start3A_485 = tpu.memref_slice %arg7[%dma_start3A_483, %dma_start3A_484] : memref<3200x8xf32, #tpu.memory_space<vmem>> -> memref<128x8xf32, #tpu.memory_space<vmem>>
      %dma_start3A_486 = arith.constant 0 : i32
      %dma_start3A_487 = arith.constant 0 : i32
      %dma_start3A_488 = tpu.memref_slice %arg6[%dma_start3A_486, %dma_start3A_487] : memref<100000x8xf32, #tpu.memory_space<vmem_shared>> -> memref<100000x8xf32, #tpu.memory_space<vmem_shared>>
      tpu.enqueue_indirect_dma source(%dma_start3A_485 : memref<128x8xf32, #tpu.memory_space<vmem>>) target(%dma_start3A_488 : memref<100000x8xf32, #tpu.memory_space<vmem_shared>>) offsets(%arg26 : memref<128xi32, #tpu.memory_space<vmem>>) semaphore(%arg9 : memref<!tpu.dma_semaphore, #tpu.memory_space<semaphore_mem>>) {add = true}
      %dma_start3A_489 = arith.constant 2176 : i32
      %dma_start3A_490 = arith.constant 0 : i32
      %dma_start3A_491 = tpu.memref_slice %arg7[%dma_start3A_489, %dma_start3A_490] : memref<3200x8xf32, #tpu.memory_space<vmem>> -> memref<128x8xf32, #tpu.memory_space<vmem>>
      %dma_start3A_492 = arith.constant 0 : i32
      %dma_start3A_493 = arith.constant 0 : i32
      %dma_start3A_494 = tpu.memref_slice %arg6[%dma_start3A_492, %dma_start3A_493] : memref<100000x8xf32, #tpu.memory_space<vmem_shared>> -> memref<100000x8xf32, #tpu.memory_space<vmem_shared>>
      tpu.enqueue_indirect_dma source(%dma_start3A_491 : memref<128x8xf32, #tpu.memory_space<vmem>>) target(%dma_start3A_494 : memref<100000x8xf32, #tpu.memory_space<vmem_shared>>) offsets(%arg27 : memref<128xi32, #tpu.memory_space<vmem>>) semaphore(%arg9 : memref<!tpu.dma_semaphore, #tpu.memory_space<semaphore_mem>>) {add = true}
      %dma_start3A_495 = arith.constant 2304 : i32
      %dma_start3A_496 = arith.constant 0 : i32
      %dma_start3A_497 = tpu.memref_slice %arg7[%dma_start3A_495, %dma_start3A_496] : memref<3200x8xf32, #tpu.memory_space<vmem>> -> memref<128x8xf32, #tpu.memory_space<vmem>>
      %dma_start3A_498 = arith.constant 0 : i32
      %dma_start3A_499 = arith.constant 0 : i32
      %dma_start3A_500 = tpu.memref_slice %arg6[%dma_start3A_498, %dma_start3A_499] : memref<100000x8xf32, #tpu.memory_space<vmem_shared>> -> memref<100000x8xf32, #tpu.memory_space<vmem_shared>>
      tpu.enqueue_indirect_dma source(%dma_start3A_497 : memref<128x8xf32, #tpu.memory_space<vmem>>) target(%dma_start3A_500 : memref<100000x8xf32, #tpu.memory_space<vmem_shared>>) offsets(%arg28 : memref<128xi32, #tpu.memory_space<vmem>>) semaphore(%arg9 : memref<!tpu.dma_semaphore, #tpu.memory_space<semaphore_mem>>) {add = true}
      %dma_start3A_501 = arith.constant 2432 : i32
      %dma_start3A_502 = arith.constant 0 : i32
      %dma_start3A_503 = tpu.memref_slice %arg7[%dma_start3A_501, %dma_start3A_502] : memref<3200x8xf32, #tpu.memory_space<vmem>> -> memref<128x8xf32, #tpu.memory_space<vmem>>
      %dma_start3A_504 = arith.constant 0 : i32
      %dma_start3A_505 = arith.constant 0 : i32
      %dma_start3A_506 = tpu.memref_slice %arg6[%dma_start3A_504, %dma_start3A_505] : memref<100000x8xf32, #tpu.memory_space<vmem_shared>> -> memref<100000x8xf32, #tpu.memory_space<vmem_shared>>
      tpu.enqueue_indirect_dma source(%dma_start3A_503 : memref<128x8xf32, #tpu.memory_space<vmem>>) target(%dma_start3A_506 : memref<100000x8xf32, #tpu.memory_space<vmem_shared>>) offsets(%arg29 : memref<128xi32, #tpu.memory_space<vmem>>) semaphore(%arg9 : memref<!tpu.dma_semaphore, #tpu.memory_space<semaphore_mem>>) {add = true}
      %dma_start3A_507 = arith.constant 2560 : i32
      %dma_start3A_508 = arith.constant 0 : i32
      %dma_start3A_509 = tpu.memref_slice %arg7[%dma_start3A_507, %dma_start3A_508] : memref<3200x8xf32, #tpu.memory_space<vmem>> -> memref<128x8xf32, #tpu.memory_space<vmem>>
      %dma_start3A_510 = arith.constant 0 : i32
      %dma_start3A_511 = arith.constant 0 : i32
      %dma_start3A_512 = tpu.memref_slice %arg6[%dma_start3A_510, %dma_start3A_511] : memref<100000x8xf32, #tpu.memory_space<vmem_shared>> -> memref<100000x8xf32, #tpu.memory_space<vmem_shared>>
      tpu.enqueue_indirect_dma source(%dma_start3A_509 : memref<128x8xf32, #tpu.memory_space<vmem>>) target(%dma_start3A_512 : memref<100000x8xf32, #tpu.memory_space<vmem_shared>>) offsets(%arg30 : memref<128xi32, #tpu.memory_space<vmem>>) semaphore(%arg9 : memref<!tpu.dma_semaphore, #tpu.memory_space<semaphore_mem>>) {add = true}
      %dma_start3A_513 = arith.constant 2688 : i32
      %dma_start3A_514 = arith.constant 0 : i32
      %dma_start3A_515 = tpu.memref_slice %arg7[%dma_start3A_513, %dma_start3A_514] : memref<3200x8xf32, #tpu.memory_space<vmem>> -> memref<128x8xf32, #tpu.memory_space<vmem>>
      %dma_start3A_516 = arith.constant 0 : i32
      %dma_start3A_517 = arith.constant 0 : i32
      %dma_start3A_518 = tpu.memref_slice %arg6[%dma_start3A_516, %dma_start3A_517] : memref<100000x8xf32, #tpu.memory_space<vmem_shared>> -> memref<100000x8xf32, #tpu.memory_space<vmem_shared>>
      tpu.enqueue_indirect_dma source(%dma_start3A_515 : memref<128x8xf32, #tpu.memory_space<vmem>>) target(%dma_start3A_518 : memref<100000x8xf32, #tpu.memory_space<vmem_shared>>) offsets(%arg31 : memref<128xi32, #tpu.memory_space<vmem>>) semaphore(%arg9 : memref<!tpu.dma_semaphore, #tpu.memory_space<semaphore_mem>>) {add = true}
      %dma_start3A_519 = arith.constant 2816 : i32
      %dma_start3A_520 = arith.constant 0 : i32
      %dma_start3A_521 = tpu.memref_slice %arg7[%dma_start3A_519, %dma_start3A_520] : memref<3200x8xf32, #tpu.memory_space<vmem>> -> memref<128x8xf32, #tpu.memory_space<vmem>>
      %dma_start3A_522 = arith.constant 0 : i32
      %dma_start3A_523 = arith.constant 0 : i32
      %dma_start3A_524 = tpu.memref_slice %arg6[%dma_start3A_522, %dma_start3A_523] : memref<100000x8xf32, #tpu.memory_space<vmem_shared>> -> memref<100000x8xf32, #tpu.memory_space<vmem_shared>>
      tpu.enqueue_indirect_dma source(%dma_start3A_521 : memref<128x8xf32, #tpu.memory_space<vmem>>) target(%dma_start3A_524 : memref<100000x8xf32, #tpu.memory_space<vmem_shared>>) offsets(%arg32 : memref<128xi32, #tpu.memory_space<vmem>>) semaphore(%arg9 : memref<!tpu.dma_semaphore, #tpu.memory_space<semaphore_mem>>) {add = true}
      %dma_start3A_525 = arith.constant 2944 : i32
      %dma_start3A_526 = arith.constant 0 : i32
      %dma_start3A_527 = tpu.memref_slice %arg7[%dma_start3A_525, %dma_start3A_526] : memref<3200x8xf32, #tpu.memory_space<vmem>> -> memref<128x8xf32, #tpu.memory_space<vmem>>
      %dma_start3A_528 = arith.constant 0 : i32
      %dma_start3A_529 = arith.constant 0 : i32
      %dma_start3A_530 = tpu.memref_slice %arg6[%dma_start3A_528, %dma_start3A_529] : memref<100000x8xf32, #tpu.memory_space<vmem_shared>> -> memref<100000x8xf32, #tpu.memory_space<vmem_shared>>
      tpu.enqueue_indirect_dma source(%dma_start3A_527 : memref<128x8xf32, #tpu.memory_space<vmem>>) target(%dma_start3A_530 : memref<100000x8xf32, #tpu.memory_space<vmem_shared>>) offsets(%arg33 : memref<128xi32, #tpu.memory_space<vmem>>) semaphore(%arg9 : memref<!tpu.dma_semaphore, #tpu.memory_space<semaphore_mem>>) {add = true}
      %dma_start3A_531 = arith.constant 3072 : i32
      %dma_start3A_532 = arith.constant 0 : i32
      %dma_start3A_533 = tpu.memref_slice %arg7[%dma_start3A_531, %dma_start3A_532] : memref<3200x8xf32, #tpu.memory_space<vmem>> -> memref<128x8xf32, #tpu.memory_space<vmem>>
      %dma_start3A_534 = arith.constant 0 : i32
      %dma_start3A_535 = arith.constant 0 : i32
      %dma_start3A_536 = tpu.memref_slice %arg6[%dma_start3A_534, %dma_start3A_535] : memref<100000x8xf32, #tpu.memory_space<vmem_shared>> -> memref<100000x8xf32, #tpu.memory_space<vmem_shared>>
      tpu.enqueue_indirect_dma source(%dma_start3A_533 : memref<128x8xf32, #tpu.memory_space<vmem>>) target(%dma_start3A_536 : memref<100000x8xf32, #tpu.memory_space<vmem_shared>>) offsets(%arg34 : memref<128xi32, #tpu.memory_space<vmem>>) semaphore(%arg9 : memref<!tpu.dma_semaphore, #tpu.memory_space<semaphore_mem>>) {add = true}
      %dma_wait3A_537 = arith.constant 0 : i32
      %dma_wait3A_538 = arith.constant 0 : i32
      %dma_wait3A_539 = tpu.memref_slice %arg7[%dma_wait3A_537, %dma_wait3A_538] : memref<3200x8xf32, #tpu.memory_space<vmem>> -> memref<128x8xf32, #tpu.memory_space<vmem>>
      %dma_wait3A_540 = arith.constant 0 : i32
      %dma_wait3A_541 = arith.constant 0 : i32
      %dma_wait3A_542 = tpu.memref_slice %arg6[%dma_wait3A_540, %dma_wait3A_541] : memref<100000x8xf32, #tpu.memory_space<vmem_shared>> -> memref<100000x8xf32, #tpu.memory_space<vmem_shared>>
      tpu.wait_indirect_dma semaphore(%arg9 : memref<!tpu.dma_semaphore, #tpu.memory_space<semaphore_mem>>) src(%dma_wait3A_539 : memref<128x8xf32, #tpu.memory_space<vmem>>) dst(%dma_wait3A_542 : memref<100000x8xf32, #tpu.memory_space<vmem_shared>>)
      %dma_wait3A_543 = arith.constant 128 : i32
      %dma_wait3A_544 = arith.constant 0 : i32
      %dma_wait3A_545 = tpu.memref_slice %arg7[%dma_wait3A_543, %dma_wait3A_544] : memref<3200x8xf32, #tpu.memory_space<vmem>> -> memref<128x8xf32, #tpu.memory_space<vmem>>
      %dma_wait3A_546 = arith.constant 0 : i32
      %dma_wait3A_547 = arith.constant 0 : i32
      %dma_wait3A_548 = tpu.memref_slice %arg6[%dma_wait3A_546, %dma_wait3A_547] : memref<100000x8xf32, #tpu.memory_space<vmem_shared>> -> memref<100000x8xf32, #tpu.memory_space<vmem_shared>>
      tpu.wait_indirect_dma semaphore(%arg9 : memref<!tpu.dma_semaphore, #tpu.memory_space<semaphore_mem>>) src(%dma_wait3A_545 : memref<128x8xf32, #tpu.memory_space<vmem>>) dst(%dma_wait3A_548 : memref<100000x8xf32, #tpu.memory_space<vmem_shared>>)
      %dma_wait3A_549 = arith.constant 256 : i32
      %dma_wait3A_550 = arith.constant 0 : i32
      %dma_wait3A_551 = tpu.memref_slice %arg7[%dma_wait3A_549, %dma_wait3A_550] : memref<3200x8xf32, #tpu.memory_space<vmem>> -> memref<128x8xf32, #tpu.memory_space<vmem>>
      %dma_wait3A_552 = arith.constant 0 : i32
      %dma_wait3A_553 = arith.constant 0 : i32
      %dma_wait3A_554 = tpu.memref_slice %arg6[%dma_wait3A_552, %dma_wait3A_553] : memref<100000x8xf32, #tpu.memory_space<vmem_shared>> -> memref<100000x8xf32, #tpu.memory_space<vmem_shared>>
      tpu.wait_indirect_dma semaphore(%arg9 : memref<!tpu.dma_semaphore, #tpu.memory_space<semaphore_mem>>) src(%dma_wait3A_551 : memref<128x8xf32, #tpu.memory_space<vmem>>) dst(%dma_wait3A_554 : memref<100000x8xf32, #tpu.memory_space<vmem_shared>>)
      %dma_wait3A_555 = arith.constant 384 : i32
      %dma_wait3A_556 = arith.constant 0 : i32
      %dma_wait3A_557 = tpu.memref_slice %arg7[%dma_wait3A_555, %dma_wait3A_556] : memref<3200x8xf32, #tpu.memory_space<vmem>> -> memref<128x8xf32, #tpu.memory_space<vmem>>
      %dma_wait3A_558 = arith.constant 0 : i32
      %dma_wait3A_559 = arith.constant 0 : i32
      %dma_wait3A_560 = tpu.memref_slice %arg6[%dma_wait3A_558, %dma_wait3A_559] : memref<100000x8xf32, #tpu.memory_space<vmem_shared>> -> memref<100000x8xf32, #tpu.memory_space<vmem_shared>>
      tpu.wait_indirect_dma semaphore(%arg9 : memref<!tpu.dma_semaphore, #tpu.memory_space<semaphore_mem>>) src(%dma_wait3A_557 : memref<128x8xf32, #tpu.memory_space<vmem>>) dst(%dma_wait3A_560 : memref<100000x8xf32, #tpu.memory_space<vmem_shared>>)
      %dma_wait3A_561 = arith.constant 512 : i32
      %dma_wait3A_562 = arith.constant 0 : i32
      %dma_wait3A_563 = tpu.memref_slice %arg7[%dma_wait3A_561, %dma_wait3A_562] : memref<3200x8xf32, #tpu.memory_space<vmem>> -> memref<128x8xf32, #tpu.memory_space<vmem>>
      %dma_wait3A_564 = arith.constant 0 : i32
      %dma_wait3A_565 = arith.constant 0 : i32
      %dma_wait3A_566 = tpu.memref_slice %arg6[%dma_wait3A_564, %dma_wait3A_565] : memref<100000x8xf32, #tpu.memory_space<vmem_shared>> -> memref<100000x8xf32, #tpu.memory_space<vmem_shared>>
      tpu.wait_indirect_dma semaphore(%arg9 : memref<!tpu.dma_semaphore, #tpu.memory_space<semaphore_mem>>) src(%dma_wait3A_563 : memref<128x8xf32, #tpu.memory_space<vmem>>) dst(%dma_wait3A_566 : memref<100000x8xf32, #tpu.memory_space<vmem_shared>>)
      %dma_wait3A_567 = arith.constant 640 : i32
      %dma_wait3A_568 = arith.constant 0 : i32
      %dma_wait3A_569 = tpu.memref_slice %arg7[%dma_wait3A_567, %dma_wait3A_568] : memref<3200x8xf32, #tpu.memory_space<vmem>> -> memref<128x8xf32, #tpu.memory_space<vmem>>
      %dma_wait3A_570 = arith.constant 0 : i32
      %dma_wait3A_571 = arith.constant 0 : i32
      %dma_wait3A_572 = tpu.memref_slice %arg6[%dma_wait3A_570, %dma_wait3A_571] : memref<100000x8xf32, #tpu.memory_space<vmem_shared>> -> memref<100000x8xf32, #tpu.memory_space<vmem_shared>>
      tpu.wait_indirect_dma semaphore(%arg9 : memref<!tpu.dma_semaphore, #tpu.memory_space<semaphore_mem>>) src(%dma_wait3A_569 : memref<128x8xf32, #tpu.memory_space<vmem>>) dst(%dma_wait3A_572 : memref<100000x8xf32, #tpu.memory_space<vmem_shared>>)
      %dma_wait3A_573 = arith.constant 768 : i32
      %dma_wait3A_574 = arith.constant 0 : i32
      %dma_wait3A_575 = tpu.memref_slice %arg7[%dma_wait3A_573, %dma_wait3A_574] : memref<3200x8xf32, #tpu.memory_space<vmem>> -> memref<128x8xf32, #tpu.memory_space<vmem>>
      %dma_wait3A_576 = arith.constant 0 : i32
      %dma_wait3A_577 = arith.constant 0 : i32
      %dma_wait3A_578 = tpu.memref_slice %arg6[%dma_wait3A_576, %dma_wait3A_577] : memref<100000x8xf32, #tpu.memory_space<vmem_shared>> -> memref<100000x8xf32, #tpu.memory_space<vmem_shared>>
      tpu.wait_indirect_dma semaphore(%arg9 : memref<!tpu.dma_semaphore, #tpu.memory_space<semaphore_mem>>) src(%dma_wait3A_575 : memref<128x8xf32, #tpu.memory_space<vmem>>) dst(%dma_wait3A_578 : memref<100000x8xf32, #tpu.memory_space<vmem_shared>>)
      %dma_wait3A_579 = arith.constant 896 : i32
      %dma_wait3A_580 = arith.constant 0 : i32
      %dma_wait3A_581 = tpu.memref_slice %arg7[%dma_wait3A_579, %dma_wait3A_580] : memref<3200x8xf32, #tpu.memory_space<vmem>> -> memref<128x8xf32, #tpu.memory_space<vmem>>
      %dma_wait3A_582 = arith.constant 0 : i32
      %dma_wait3A_583 = arith.constant 0 : i32
      %dma_wait3A_584 = tpu.memref_slice %arg6[%dma_wait3A_582, %dma_wait3A_583] : memref<100000x8xf32, #tpu.memory_space<vmem_shared>> -> memref<100000x8xf32, #tpu.memory_space<vmem_shared>>
      tpu.wait_indirect_dma semaphore(%arg9 : memref<!tpu.dma_semaphore, #tpu.memory_space<semaphore_mem>>) src(%dma_wait3A_581 : memref<128x8xf32, #tpu.memory_space<vmem>>) dst(%dma_wait3A_584 : memref<100000x8xf32, #tpu.memory_space<vmem_shared>>)
      %dma_wait3A_585 = arith.constant 1024 : i32
      %dma_wait3A_586 = arith.constant 0 : i32
      %dma_wait3A_587 = tpu.memref_slice %arg7[%dma_wait3A_585, %dma_wait3A_586] : memref<3200x8xf32, #tpu.memory_space<vmem>> -> memref<128x8xf32, #tpu.memory_space<vmem>>
      %dma_wait3A_588 = arith.constant 0 : i32
      %dma_wait3A_589 = arith.constant 0 : i32
      %dma_wait3A_590 = tpu.memref_slice %arg6[%dma_wait3A_588, %dma_wait3A_589] : memref<100000x8xf32, #tpu.memory_space<vmem_shared>> -> memref<100000x8xf32, #tpu.memory_space<vmem_shared>>
      tpu.wait_indirect_dma semaphore(%arg9 : memref<!tpu.dma_semaphore, #tpu.memory_space<semaphore_mem>>) src(%dma_wait3A_587 : memref<128x8xf32, #tpu.memory_space<vmem>>) dst(%dma_wait3A_590 : memref<100000x8xf32, #tpu.memory_space<vmem_shared>>)
      %dma_wait3A_591 = arith.constant 1152 : i32
      %dma_wait3A_592 = arith.constant 0 : i32
      %dma_wait3A_593 = tpu.memref_slice %arg7[%dma_wait3A_591, %dma_wait3A_592] : memref<3200x8xf32, #tpu.memory_space<vmem>> -> memref<128x8xf32, #tpu.memory_space<vmem>>
      %dma_wait3A_594 = arith.constant 0 : i32
      %dma_wait3A_595 = arith.constant 0 : i32
      %dma_wait3A_596 = tpu.memref_slice %arg6[%dma_wait3A_594, %dma_wait3A_595] : memref<100000x8xf32, #tpu.memory_space<vmem_shared>> -> memref<100000x8xf32, #tpu.memory_space<vmem_shared>>
      tpu.wait_indirect_dma semaphore(%arg9 : memref<!tpu.dma_semaphore, #tpu.memory_space<semaphore_mem>>) src(%dma_wait3A_593 : memref<128x8xf32, #tpu.memory_space<vmem>>) dst(%dma_wait3A_596 : memref<100000x8xf32, #tpu.memory_space<vmem_shared>>)
      %dma_wait3A_597 = arith.constant 1280 : i32
      %dma_wait3A_598 = arith.constant 0 : i32
      %dma_wait3A_599 = tpu.memref_slice %arg7[%dma_wait3A_597, %dma_wait3A_598] : memref<3200x8xf32, #tpu.memory_space<vmem>> -> memref<128x8xf32, #tpu.memory_space<vmem>>
      %dma_wait3A_600 = arith.constant 0 : i32
      %dma_wait3A_601 = arith.constant 0 : i32
      %dma_wait3A_602 = tpu.memref_slice %arg6[%dma_wait3A_600, %dma_wait3A_601] : memref<100000x8xf32, #tpu.memory_space<vmem_shared>> -> memref<100000x8xf32, #tpu.memory_space<vmem_shared>>
      tpu.wait_indirect_dma semaphore(%arg9 : memref<!tpu.dma_semaphore, #tpu.memory_space<semaphore_mem>>) src(%dma_wait3A_599 : memref<128x8xf32, #tpu.memory_space<vmem>>) dst(%dma_wait3A_602 : memref<100000x8xf32, #tpu.memory_space<vmem_shared>>)
      %dma_wait3A_603 = arith.constant 1408 : i32
      %dma_wait3A_604 = arith.constant 0 : i32
      %dma_wait3A_605 = tpu.memref_slice %arg7[%dma_wait3A_603, %dma_wait3A_604] : memref<3200x8xf32, #tpu.memory_space<vmem>> -> memref<128x8xf32, #tpu.memory_space<vmem>>
      %dma_wait3A_606 = arith.constant 0 : i32
      %dma_wait3A_607 = arith.constant 0 : i32
      %dma_wait3A_608 = tpu.memref_slice %arg6[%dma_wait3A_606, %dma_wait3A_607] : memref<100000x8xf32, #tpu.memory_space<vmem_shared>> -> memref<100000x8xf32, #tpu.memory_space<vmem_shared>>
      tpu.wait_indirect_dma semaphore(%arg9 : memref<!tpu.dma_semaphore, #tpu.memory_space<semaphore_mem>>) src(%dma_wait3A_605 : memref<128x8xf32, #tpu.memory_space<vmem>>) dst(%dma_wait3A_608 : memref<100000x8xf32, #tpu.memory_space<vmem_shared>>)
      %dma_wait3A_609 = arith.constant 1536 : i32
      %dma_wait3A_610 = arith.constant 0 : i32
      %dma_wait3A_611 = tpu.memref_slice %arg7[%dma_wait3A_609, %dma_wait3A_610] : memref<3200x8xf32, #tpu.memory_space<vmem>> -> memref<128x8xf32, #tpu.memory_space<vmem>>
      %dma_wait3A_612 = arith.constant 0 : i32
      %dma_wait3A_613 = arith.constant 0 : i32
      %dma_wait3A_614 = tpu.memref_slice %arg6[%dma_wait3A_612, %dma_wait3A_613] : memref<100000x8xf32, #tpu.memory_space<vmem_shared>> -> memref<100000x8xf32, #tpu.memory_space<vmem_shared>>
      tpu.wait_indirect_dma semaphore(%arg9 : memref<!tpu.dma_semaphore, #tpu.memory_space<semaphore_mem>>) src(%dma_wait3A_611 : memref<128x8xf32, #tpu.memory_space<vmem>>) dst(%dma_wait3A_614 : memref<100000x8xf32, #tpu.memory_space<vmem_shared>>)
      %dma_wait3A_615 = arith.constant 1664 : i32
      %dma_wait3A_616 = arith.constant 0 : i32
      %dma_wait3A_617 = tpu.memref_slice %arg7[%dma_wait3A_615, %dma_wait3A_616] : memref<3200x8xf32, #tpu.memory_space<vmem>> -> memref<128x8xf32, #tpu.memory_space<vmem>>
      %dma_wait3A_618 = arith.constant 0 : i32
      %dma_wait3A_619 = arith.constant 0 : i32
      %dma_wait3A_620 = tpu.memref_slice %arg6[%dma_wait3A_618, %dma_wait3A_619] : memref<100000x8xf32, #tpu.memory_space<vmem_shared>> -> memref<100000x8xf32, #tpu.memory_space<vmem_shared>>
      tpu.wait_indirect_dma semaphore(%arg9 : memref<!tpu.dma_semaphore, #tpu.memory_space<semaphore_mem>>) src(%dma_wait3A_617 : memref<128x8xf32, #tpu.memory_space<vmem>>) dst(%dma_wait3A_620 : memref<100000x8xf32, #tpu.memory_space<vmem_shared>>)
      %dma_wait3A_621 = arith.constant 1792 : i32
      %dma_wait3A_622 = arith.constant 0 : i32
      %dma_wait3A_623 = tpu.memref_slice %arg7[%dma_wait3A_621, %dma_wait3A_622] : memref<3200x8xf32, #tpu.memory_space<vmem>> -> memref<128x8xf32, #tpu.memory_space<vmem>>
      %dma_wait3A_624 = arith.constant 0 : i32
      %dma_wait3A_625 = arith.constant 0 : i32
      %dma_wait3A_626 = tpu.memref_slice %arg6[%dma_wait3A_624, %dma_wait3A_625] : memref<100000x8xf32, #tpu.memory_space<vmem_shared>> -> memref<100000x8xf32, #tpu.memory_space<vmem_shared>>
      tpu.wait_indirect_dma semaphore(%arg9 : memref<!tpu.dma_semaphore, #tpu.memory_space<semaphore_mem>>) src(%dma_wait3A_623 : memref<128x8xf32, #tpu.memory_space<vmem>>) dst(%dma_wait3A_626 : memref<100000x8xf32, #tpu.memory_space<vmem_shared>>)
      %dma_wait3A_627 = arith.constant 1920 : i32
      %dma_wait3A_628 = arith.constant 0 : i32
      %dma_wait3A_629 = tpu.memref_slice %arg7[%dma_wait3A_627, %dma_wait3A_628] : memref<3200x8xf32, #tpu.memory_space<vmem>> -> memref<128x8xf32, #tpu.memory_space<vmem>>
      %dma_wait3A_630 = arith.constant 0 : i32
      %dma_wait3A_631 = arith.constant 0 : i32
      %dma_wait3A_632 = tpu.memref_slice %arg6[%dma_wait3A_630, %dma_wait3A_631] : memref<100000x8xf32, #tpu.memory_space<vmem_shared>> -> memref<100000x8xf32, #tpu.memory_space<vmem_shared>>
      tpu.wait_indirect_dma semaphore(%arg9 : memref<!tpu.dma_semaphore, #tpu.memory_space<semaphore_mem>>) src(%dma_wait3A_629 : memref<128x8xf32, #tpu.memory_space<vmem>>) dst(%dma_wait3A_632 : memref<100000x8xf32, #tpu.memory_space<vmem_shared>>)
      %dma_wait3A_633 = arith.constant 2048 : i32
      %dma_wait3A_634 = arith.constant 0 : i32
      %dma_wait3A_635 = tpu.memref_slice %arg7[%dma_wait3A_633, %dma_wait3A_634] : memref<3200x8xf32, #tpu.memory_space<vmem>> -> memref<128x8xf32, #tpu.memory_space<vmem>>
      %dma_wait3A_636 = arith.constant 0 : i32
      %dma_wait3A_637 = arith.constant 0 : i32
      %dma_wait3A_638 = tpu.memref_slice %arg6[%dma_wait3A_636, %dma_wait3A_637] : memref<100000x8xf32, #tpu.memory_space<vmem_shared>> -> memref<100000x8xf32, #tpu.memory_space<vmem_shared>>
      tpu.wait_indirect_dma semaphore(%arg9 : memref<!tpu.dma_semaphore, #tpu.memory_space<semaphore_mem>>) src(%dma_wait3A_635 : memref<128x8xf32, #tpu.memory_space<vmem>>) dst(%dma_wait3A_638 : memref<100000x8xf32, #tpu.memory_space<vmem_shared>>)
      %dma_wait3A_639 = arith.constant 2176 : i32
      %dma_wait3A_640 = arith.constant 0 : i32
      %dma_wait3A_641 = tpu.memref_slice %arg7[%dma_wait3A_639, %dma_wait3A_640] : memref<3200x8xf32, #tpu.memory_space<vmem>> -> memref<128x8xf32, #tpu.memory_space<vmem>>
      %dma_wait3A_642 = arith.constant 0 : i32
      %dma_wait3A_643 = arith.constant 0 : i32
      %dma_wait3A_644 = tpu.memref_slice %arg6[%dma_wait3A_642, %dma_wait3A_643] : memref<100000x8xf32, #tpu.memory_space<vmem_shared>> -> memref<100000x8xf32, #tpu.memory_space<vmem_shared>>
      tpu.wait_indirect_dma semaphore(%arg9 : memref<!tpu.dma_semaphore, #tpu.memory_space<semaphore_mem>>) src(%dma_wait3A_641 : memref<128x8xf32, #tpu.memory_space<vmem>>) dst(%dma_wait3A_644 : memref<100000x8xf32, #tpu.memory_space<vmem_shared>>)
      %dma_wait3A_645 = arith.constant 2304 : i32
      %dma_wait3A_646 = arith.constant 0 : i32
      %dma_wait3A_647 = tpu.memref_slice %arg7[%dma_wait3A_645, %dma_wait3A_646] : memref<3200x8xf32, #tpu.memory_space<vmem>> -> memref<128x8xf32, #tpu.memory_space<vmem>>
      %dma_wait3A_648 = arith.constant 0 : i32
      %dma_wait3A_649 = arith.constant 0 : i32
      %dma_wait3A_650 = tpu.memref_slice %arg6[%dma_wait3A_648, %dma_wait3A_649] : memref<100000x8xf32, #tpu.memory_space<vmem_shared>> -> memref<100000x8xf32, #tpu.memory_space<vmem_shared>>
      tpu.wait_indirect_dma semaphore(%arg9 : memref<!tpu.dma_semaphore, #tpu.memory_space<semaphore_mem>>) src(%dma_wait3A_647 : memref<128x8xf32, #tpu.memory_space<vmem>>) dst(%dma_wait3A_650 : memref<100000x8xf32, #tpu.memory_space<vmem_shared>>)
      %dma_wait3A_651 = arith.constant 2432 : i32
      %dma_wait3A_652 = arith.constant 0 : i32
      %dma_wait3A_653 = tpu.memref_slice %arg7[%dma_wait3A_651, %dma_wait3A_652] : memref<3200x8xf32, #tpu.memory_space<vmem>> -> memref<128x8xf32, #tpu.memory_space<vmem>>
      %dma_wait3A_654 = arith.constant 0 : i32
      %dma_wait3A_655 = arith.constant 0 : i32
      %dma_wait3A_656 = tpu.memref_slice %arg6[%dma_wait3A_654, %dma_wait3A_655] : memref<100000x8xf32, #tpu.memory_space<vmem_shared>> -> memref<100000x8xf32, #tpu.memory_space<vmem_shared>>
      tpu.wait_indirect_dma semaphore(%arg9 : memref<!tpu.dma_semaphore, #tpu.memory_space<semaphore_mem>>) src(%dma_wait3A_653 : memref<128x8xf32, #tpu.memory_space<vmem>>) dst(%dma_wait3A_656 : memref<100000x8xf32, #tpu.memory_space<vmem_shared>>)
      %dma_wait3A_657 = arith.constant 2560 : i32
      %dma_wait3A_658 = arith.constant 0 : i32
      %dma_wait3A_659 = tpu.memref_slice %arg7[%dma_wait3A_657, %dma_wait3A_658] : memref<3200x8xf32, #tpu.memory_space<vmem>> -> memref<128x8xf32, #tpu.memory_space<vmem>>
      %dma_wait3A_660 = arith.constant 0 : i32
      %dma_wait3A_661 = arith.constant 0 : i32
      %dma_wait3A_662 = tpu.memref_slice %arg6[%dma_wait3A_660, %dma_wait3A_661] : memref<100000x8xf32, #tpu.memory_space<vmem_shared>> -> memref<100000x8xf32, #tpu.memory_space<vmem_shared>>
      tpu.wait_indirect_dma semaphore(%arg9 : memref<!tpu.dma_semaphore, #tpu.memory_space<semaphore_mem>>) src(%dma_wait3A_659 : memref<128x8xf32, #tpu.memory_space<vmem>>) dst(%dma_wait3A_662 : memref<100000x8xf32, #tpu.memory_space<vmem_shared>>)
      %dma_wait3A_663 = arith.constant 2688 : i32
      %dma_wait3A_664 = arith.constant 0 : i32
      %dma_wait3A_665 = tpu.memref_slice %arg7[%dma_wait3A_663, %dma_wait3A_664] : memref<3200x8xf32, #tpu.memory_space<vmem>> -> memref<128x8xf32, #tpu.memory_space<vmem>>
      %dma_wait3A_666 = arith.constant 0 : i32
      %dma_wait3A_667 = arith.constant 0 : i32
      %dma_wait3A_668 = tpu.memref_slice %arg6[%dma_wait3A_666, %dma_wait3A_667] : memref<100000x8xf32, #tpu.memory_space<vmem_shared>> -> memref<100000x8xf32, #tpu.memory_space<vmem_shared>>
      tpu.wait_indirect_dma semaphore(%arg9 : memref<!tpu.dma_semaphore, #tpu.memory_space<semaphore_mem>>) src(%dma_wait3A_665 : memref<128x8xf32, #tpu.memory_space<vmem>>) dst(%dma_wait3A_668 : memref<100000x8xf32, #tpu.memory_space<vmem_shared>>)
      %dma_wait3A_669 = arith.constant 2816 : i32
      %dma_wait3A_670 = arith.constant 0 : i32
      %dma_wait3A_671 = tpu.memref_slice %arg7[%dma_wait3A_669, %dma_wait3A_670] : memref<3200x8xf32, #tpu.memory_space<vmem>> -> memref<128x8xf32, #tpu.memory_space<vmem>>
      %dma_wait3A_672 = arith.constant 0 : i32
      %dma_wait3A_673 = arith.constant 0 : i32
      %dma_wait3A_674 = tpu.memref_slice %arg6[%dma_wait3A_672, %dma_wait3A_673] : memref<100000x8xf32, #tpu.memory_space<vmem_shared>> -> memref<100000x8xf32, #tpu.memory_space<vmem_shared>>
      tpu.wait_indirect_dma semaphore(%arg9 : memref<!tpu.dma_semaphore, #tpu.memory_space<semaphore_mem>>) src(%dma_wait3A_671 : memref<128x8xf32, #tpu.memory_space<vmem>>) dst(%dma_wait3A_674 : memref<100000x8xf32, #tpu.memory_space<vmem_shared>>)
      %dma_wait3A_675 = arith.constant 2944 : i32
      %dma_wait3A_676 = arith.constant 0 : i32
      %dma_wait3A_677 = tpu.memref_slice %arg7[%dma_wait3A_675, %dma_wait3A_676] : memref<3200x8xf32, #tpu.memory_space<vmem>> -> memref<128x8xf32, #tpu.memory_space<vmem>>
      %dma_wait3A_678 = arith.constant 0 : i32
      %dma_wait3A_679 = arith.constant 0 : i32
      %dma_wait3A_680 = tpu.memref_slice %arg6[%dma_wait3A_678, %dma_wait3A_679] : memref<100000x8xf32, #tpu.memory_space<vmem_shared>> -> memref<100000x8xf32, #tpu.memory_space<vmem_shared>>
      tpu.wait_indirect_dma semaphore(%arg9 : memref<!tpu.dma_semaphore, #tpu.memory_space<semaphore_mem>>) src(%dma_wait3A_677 : memref<128x8xf32, #tpu.memory_space<vmem>>) dst(%dma_wait3A_680 : memref<100000x8xf32, #tpu.memory_space<vmem_shared>>)
      %dma_wait3A_681 = arith.constant 3072 : i32
      %dma_wait3A_682 = arith.constant 0 : i32
      %dma_wait3A_683 = tpu.memref_slice %arg7[%dma_wait3A_681, %dma_wait3A_682] : memref<3200x8xf32, #tpu.memory_space<vmem>> -> memref<128x8xf32, #tpu.memory_space<vmem>>
      %dma_wait3A_684 = arith.constant 0 : i32
      %dma_wait3A_685 = arith.constant 0 : i32
      %dma_wait3A_686 = tpu.memref_slice %arg6[%dma_wait3A_684, %dma_wait3A_685] : memref<100000x8xf32, #tpu.memory_space<vmem_shared>> -> memref<100000x8xf32, #tpu.memory_space<vmem_shared>>
      tpu.wait_indirect_dma semaphore(%arg9 : memref<!tpu.dma_semaphore, #tpu.memory_space<semaphore_mem>>) src(%dma_wait3A_683 : memref<128x8xf32, #tpu.memory_space<vmem>>) dst(%dma_wait3A_686 : memref<100000x8xf32, #tpu.memory_space<vmem_shared>>)
    }
    %barrier3A_18 = arith.constant 0 : index
    tpu.barrier barrier_id(%barrier3A_18)
    %mul3A_19 = arith.constant 6250 : i32
    %mul3A_20 = arith.muli %arg1, %mul3A_19 : i32
    "tpu.region"() ({
      %run_scoped3A = tpu.sem_alloc : memref<!tpu.dma_semaphore, #tpu.memory_space<semaphore_mem>>
      %dma_start3A = arith.constant 0 : i32
      %dma_start3A_23 = tpu.memref_slice %arg6[%mul3A_20, %dma_start3A] : memref<100000x8xf32, #tpu.memory_space<vmem_shared>> -> memref<6250x8xf32, #tpu.memory_space<vmem_shared>>
      %dma_start3A_24 = arith.constant 0 : i32
      %dma_start3A_25 = tpu.memref_slice %arg6[%mul3A_20, %dma_start3A_24] : memref<100000x8xf32, #tpu.memory_space<vmem_shared>> -> memref<6250x8xf32, #tpu.memory_space<vmem_shared>>
      tpu.enqueue_dma source(%dma_start3A_25 : memref<6250x8xf32, #tpu.memory_space<vmem_shared>>) target(%arg8 : memref<6250x8xf32, #tpu.memory_space<vmem>>) target_semaphore(%run_scoped3A : memref<!tpu.dma_semaphore, #tpu.memory_space<semaphore_mem>>)
      %dma_wait3A = arith.constant 0 : i32
      %dma_wait3A_26 = tpu.memref_slice %arg6[%mul3A_20, %dma_wait3A] : memref<100000x8xf32, #tpu.memory_space<vmem_shared>> -> memref<6250x8xf32, #tpu.memory_space<vmem_shared>>
      %dma_wait3A_27 = arith.constant 0 : i32
      %dma_wait3A_28 = tpu.memref_slice %arg6[%mul3A_20, %dma_wait3A_27] : memref<100000x8xf32, #tpu.memory_space<vmem_shared>> -> memref<6250x8xf32, #tpu.memory_space<vmem_shared>>
      tpu.wait_dma2 semaphore(%run_scoped3A : memref<!tpu.dma_semaphore, #tpu.memory_space<semaphore_mem>>) src(%dma_wait3A_28 : memref<6250x8xf32, #tpu.memory_space<vmem_shared>>) dst(%arg8 : memref<6250x8xf32, #tpu.memory_space<vmem>>)
      tpu.yield
    }) : () -> ()
    %mul3A_21 = arith.constant 6250 : i32
    %mul3A_22 = arith.muli %arg1, %mul3A_21 : i32
    "tpu.region"() ({
      %run_scoped3A = tpu.sem_alloc : memref<!tpu.dma_semaphore, #tpu.memory_space<semaphore_mem>>
      %dma_start3A = arith.constant 0 : i32
      %dma_start3A_23 = tpu.memref_slice %arg5[%arg0, %mul3A_22, %dma_start3A] : memref<2x100000x8xf32, #tpu.memory_space<hbm>> -> memref<1x6250x8xf32, #tpu.memory_space<hbm>>
      %dma_start3A_24 = tpu.memref_squeeze %dma_start3A_23 : memref<1x6250x8xf32, #tpu.memory_space<hbm>> -> memref<6250x8xf32, #tpu.memory_space<hbm>>
      %dma_start3A_25 = arith.constant 0 : i32
      %dma_start3A_26 = tpu.memref_slice %arg5[%arg0, %mul3A_22, %dma_start3A_25] : memref<2x100000x8xf32, #tpu.memory_space<hbm>> -> memref<1x6250x8xf32, #tpu.memory_space<hbm>>
      %dma_start3A_27 = tpu.memref_squeeze %dma_start3A_26 : memref<1x6250x8xf32, #tpu.memory_space<hbm>> -> memref<6250x8xf32, #tpu.memory_space<hbm>>
      tpu.enqueue_dma source(%arg8 : memref<6250x8xf32, #tpu.memory_space<vmem>>) target(%dma_start3A_27 : memref<6250x8xf32, #tpu.memory_space<hbm>>) target_semaphore(%run_scoped3A : memref<!tpu.dma_semaphore, #tpu.memory_space<semaphore_mem>>)
      %dma_wait3A = arith.constant 0 : i32
      %dma_wait3A_28 = tpu.memref_slice %arg5[%arg0, %mul3A_22, %dma_wait3A] : memref<2x100000x8xf32, #tpu.memory_space<hbm>> -> memref<1x6250x8xf32, #tpu.memory_space<hbm>>
      %dma_wait3A_29 = tpu.memref_squeeze %dma_wait3A_28 : memref<1x6250x8xf32, #tpu.memory_space<hbm>> -> memref<6250x8xf32, #tpu.memory_space<hbm>>
      %dma_wait3A_30 = arith.constant 0 : i32
      %dma_wait3A_31 = tpu.memref_slice %arg5[%arg0, %mul3A_22, %dma_wait3A_30] : memref<2x100000x8xf32, #tpu.memory_space<hbm>> -> memref<1x6250x8xf32, #tpu.memory_space<hbm>>
      %dma_wait3A_32 = tpu.memref_squeeze %dma_wait3A_31 : memref<1x6250x8xf32, #tpu.memory_space<hbm>> -> memref<6250x8xf32, #tpu.memory_space<hbm>>
      tpu.wait_dma2 semaphore(%run_scoped3A : memref<!tpu.dma_semaphore, #tpu.memory_space<semaphore_mem>>) src(%arg8 : memref<6250x8xf32, #tpu.memory_space<vmem>>) dst(%dma_wait3A_32 : memref<6250x8xf32, #tpu.memory_space<hbm>>)
      tpu.yield
    }) : () -> ()
    return
  }
}

module attributes {stable_mosaic.version = 14 : i64} {
  func.func @_exp_pad_body(%arg0: i32, %arg1: memref<2000x128xf32, #tpu.memory_space<vmem>>, %arg2: memref<2000x128xf32, #tpu.memory_space<vmem>>, %arg3: memref<4000x128xf32, #tpu.memory_space<vmem>>) attributes {dimension_semantics = [#tpu.dimension_semantics<arbitrary>], iteration_bounds = array<i64: 100>, scalar_prefetch = 0 : i64, scratch_operands = 0 : i64, tpu.core_type = #tpu.core_type<tc>, window_params = [{transform_indices = @transform_0, window_bounds = array<i64: 2000, 128>}, {transform_indices = @transform_1, window_bounds = array<i64: 2000, 128>}, {transform_indices = @transform_2, window_bounds = array<i64: 4000, 128>}]} {
    %get3A = arith.constant 0 : index
    %get3A_0 = arith.constant 0 : index
    %get3A_1 = vector.load %arg1[%get3A, %get3A_0] : memref<2000x128xf32, #tpu.memory_space<vmem>>, vector<2000x128xf32>
    %exp3A = math.exp %get3A_1 : vector<2000x128xf32>
    %swap3A = arith.constant 0 : index
    %swap3A_2 = arith.constant 0 : index
    %swap3A_3 = vector.load %arg2[%swap3A, %swap3A_2] : memref<2000x128xf32, #tpu.memory_space<vmem>>, vector<2000x128xf32>
    tpu.vector_store %arg2[%swap3A, %swap3A_2], %exp3A {strides = array<i32>} : memref<2000x128xf32, #tpu.memory_space<vmem>>, vector<2000x128xf32>,
    %iota3A = tpu.iota {dimensions = array<i32: 0>} : vector<128x128xi32>
    %iota3A_4 = tpu.iota {dimensions = array<i32: 1>} : vector<128x128xi32>
    %jit3A = arith.constant 8 : i32
    %div3A = vector.broadcast %jit3A : i32 to vector<128x128xi32>
    %div3A_5 = arith.divsi %iota3A_4, %div3A : vector<128x128xi32>
    %sign3A = arith.constant 0 : i32
    %sign3A_6 = vector.broadcast %sign3A : i32 to vector<128x128xi32>
    %sign3A_7 = arith.cmpi sgt, %iota3A_4, %sign3A_6 : vector<128x128xi32>
    %sign3A_8 = arith.extui %sign3A_7 : vector<128x128xi1> to vector<128x128xi32>
    %sign3A_9 = arith.constant 0 : i32
    %sign3A_10 = vector.broadcast %sign3A_9 : i32 to vector<128x128xi32>
    %sign3A_11 = arith.cmpi slt, %iota3A_4, %sign3A_10 : vector<128x128xi32>
    %sign3A_12 = arith.extui %sign3A_11 : vector<128x128xi1> to vector<128x128xi32>
    %sign3A_13 = arith.subi %sign3A_8, %sign3A_12 : vector<128x128xi32>
    %sign3A_14 = arith.constant 0 : i32
    %sign3A_15 = arith.cmpi sgt, %jit3A, %sign3A_14 : i32
    %sign3A_16 = arith.extui %sign3A_15 : i1 to i32
    %sign3A_17 = arith.constant 0 : i32
    %sign3A_18 = arith.cmpi slt, %jit3A, %sign3A_17 : i32
    %sign3A_19 = arith.extui %sign3A_18 : i1 to i32
    %sign3A_20 = arith.subi %sign3A_16, %sign3A_19 : i32
    %ne3A = vector.broadcast %sign3A_20 : i32 to vector<128x128xi32>
    %ne3A_21 = arith.cmpi ne, %sign3A_13, %ne3A : vector<128x128xi32>
    %rem3A = vector.broadcast %jit3A : i32 to vector<128x128xi32>
    %rem3A_22 = arith.remsi %iota3A_4, %rem3A : vector<128x128xi32>
    %ne3A_23 = arith.constant 0 : i32
    %ne3A_24 = vector.broadcast %ne3A_23 : i32 to vector<128x128xi32>
    %ne3A_25 = arith.cmpi ne, %rem3A_22, %ne3A_24 : vector<128x128xi32>
    %and3A = arith.andi %ne3A_21, %ne3A_25 : vector<128x128xi1>
    %sub3A = arith.constant 1 : i32
    %sub3A_26 = vector.broadcast %sub3A : i32 to vector<128x128xi32>
    %sub3A_27 = arith.subi %div3A_5, %sub3A_26 : vector<128x128xi32>
    %select_n3A = arith.select %and3A, %sub3A_27, %div3A_5 : vector<128x128xi1>, vector<128x128xi32>
    %jit3A_28 = arith.constant 8 : i32
    %eq3A = arith.constant 0 : i32
    %eq3A_29 = arith.cmpi eq, %jit3A_28, %eq3A : i32
    %jit3A_30 = arith.constant 1 : i32
    %select_n3A_31 = arith.select %eq3A_29, %jit3A_30, %jit3A_28 : i32
    %rem3A_32 = vector.broadcast %select_n3A_31 : i32 to vector<128x128xi32>
    %rem3A_33 = arith.remsi %iota3A_4, %rem3A_32 : vector<128x128xi32>
    %ne3A_34 = arith.constant 0 : i32
    %ne3A_35 = vector.broadcast %ne3A_34 : i32 to vector<128x128xi32>
    %ne3A_36 = arith.cmpi ne, %rem3A_33, %ne3A_35 : vector<128x128xi32>
    %lt3A = arith.constant 0 : i32
    %lt3A_37 = vector.broadcast %lt3A : i32 to vector<128x128xi32>
    %lt3A_38 = arith.cmpi slt, %rem3A_33, %lt3A_37 : vector<128x128xi32>
    %lt3A_39 = arith.constant 0 : i32
    %lt3A_40 = arith.cmpi slt, %select_n3A_31, %lt3A_39 : i32
    %ne3A_41 = vector.broadcast %lt3A_40 : i1 to vector<128x128xi1>
    %ne3A_42 = vector.broadcast %ne3A_41 : vector<128x128xi1> to vector<128x128xi1>
    %ne3A_43 = arith.xori %lt3A_38, %ne3A_42 : vector<128x128xi1>
    %and3A_44 = arith.andi %ne3A_43, %ne3A_36 : vector<128x128xi1>
    %add3A = vector.broadcast %select_n3A_31 : i32 to vector<128x128xi32>
    %add3A_45 = arith.addi %rem3A_33, %add3A : vector<128x128xi32>
    %select_n3A_46 = arith.select %and3A_44, %add3A_45, %rem3A_33 : vector<128x128xi1>, vector<128x128xi32>
    %lt3A_47 = arith.constant 4 : i32
    %lt3A_48 = vector.broadcast %lt3A_47 : i32 to vector<128x128xi32>
    %lt3A_49 = arith.cmpi slt, %select_n3A_46, %lt3A_48 : vector<128x128xi32>
    %mul3A = arith.constant 4 : i32
    %mul3A_50 = vector.broadcast %mul3A : i32 to vector<128x128xi32>
    %mul3A_51 = arith.muli %mul3A_50, %select_n3A : vector<128x128xi32>
    %add3A_52 = arith.addi %mul3A_51, %select_n3A_46 : vector<128x128xi32>
    %eq3A_53 = arith.cmpi eq, %iota3A, %add3A_52 : vector<128x128xi32>
    %and3A_54 = arith.andi %lt3A_49, %eq3A_53 : vector<128x128xi1>
    %convert_element_type3A = arith.extui %and3A_54 : vector<128x128xi1> to vector<128x128xi32>
    %convert_element_type3A_55 = arith.sitofp %convert_element_type3A : vector<128x128xi32> to vector<128x128xf32>
    %lt3A_56 = arith.constant 4 : i32
    %lt3A_57 = vector.broadcast %lt3A_56 : i32 to vector<128x128xi32>
    %lt3A_58 = arith.cmpi slt, %select_n3A_46, %lt3A_57 : vector<128x128xi32>
    %mul3A_59 = arith.constant 4 : i32
    %mul3A_60 = vector.broadcast %mul3A_59 : i32 to vector<128x128xi32>
    %mul3A_61 = arith.muli %mul3A_60, %select_n3A : vector<128x128xi32>
    %add3A_62 = arith.constant 64 : i32
    %add3A_63 = vector.broadcast %add3A_62 : i32 to vector<128x128xi32>
    %add3A_64 = arith.addi %add3A_63, %mul3A_61 : vector<128x128xi32>
    %add3A_65 = arith.addi %add3A_64, %select_n3A_46 : vector<128x128xi32>
    %eq3A_66 = arith.cmpi eq, %iota3A, %add3A_65 : vector<128x128xi32>
    %and3A_67 = arith.andi %lt3A_58, %eq3A_66 : vector<128x128xi1>
    %convert_element_type3A_68 = arith.extui %and3A_67 : vector<128x128xi1> to vector<128x128xi32>
    %convert_element_type3A_69 = arith.sitofp %convert_element_type3A_68 : vector<128x128xi32> to vector<128x128xf32>
    %dot_general3A = arith.constant dense<0.000000e+00> : vector<2000x128xf32>
    %dot_general3A_70 = tpu.matmul %exp3A, %convert_element_type3A_55, %dot_general3A {dimension_numbers = #tpu.dot_dimension_numbers<[1], [0], [0], [1], [0, 0, 1, 1], [], []>, transpose_lhs_hint = false} : vector<2000x128xf32>, vector<128x128xf32>, vector<2000x128xf32> -> vector<2000x128xf32>
    %dot_general3A_71 = arith.constant dense<0.000000e+00> : vector<2000x128xf32>
    %dot_general3A_72 = tpu.matmul %exp3A, %convert_element_type3A_69, %dot_general3A_71 {dimension_numbers = #tpu.dot_dimension_numbers<[1], [0], [0], [1], [0, 0, 1, 1], [], []>, transpose_lhs_hint = false} : vector<2000x128xf32>, vector<128x128xf32>, vector<2000x128xf32> -> vector<2000x128xf32>
    %stack3A = vector.shape_cast %dot_general3A_70 : vector<2000x128xf32> to vector<2000x1x128xf32>
    %stack3A_73 = vector.shape_cast %dot_general3A_72 : vector<2000x128xf32> to vector<2000x1x128xf32>
    %stack3A_74 = tpu.concatenate %stack3A, %stack3A_73 in 1 : vector<2000x1x128xf32>, vector<2000x1x128xf32> -> vector<2000x2x128xf32>
    %reshape3A = vector.shape_cast %stack3A_74 : vector<2000x2x128xf32> to vector<4000x128xf32>
    %swap3A_75 = arith.constant 0 : index
    %swap3A_76 = arith.constant 0 : index
    %swap3A_77 = vector.load %arg3[%swap3A_75, %swap3A_76] : memref<4000x128xf32, #tpu.memory_space<vmem>>, vector<4000x128xf32>
    tpu.vector_store %arg3[%swap3A_75, %swap3A_76], %reshape3A {strides = array<i32>} : memref<4000x128xf32, #tpu.memory_space<vmem>>, vector<4000x128xf32>,
    return
  }
  func.func @transform_0(%arg0: i32) -> (i32, i32) {
    %c0_i32 = arith.constant 0 : i32
    %c0_i32_0 = arith.constant 0 : i32
    return %arg0, %c0_i32 : i32, i32
  }
  func.func @transform_1(%arg0: i32) -> (i32, i32) {
    %c0_i32 = arith.constant 0 : i32
    %c0_i32_0 = arith.constant 0 : i32
    return %arg0, %c0_i32 : i32, i32
  }
  func.func @transform_2(%arg0: i32) -> (i32, i32) {
    %c0_i32 = arith.constant 0 : i32
    %c0_i32_0 = arith.constant 0 : i32
    return %arg0, %c0_i32 : i32, i32
  }
}

module attributes {stable_mosaic.version = 14 : i64} {
  func.func @_add_body(%arg0: memref<2x6250x128xf32, #tpu.memory_space<vmem>>, %arg1: memref<6250x128xf32, #tpu.memory_space<vmem>>) attributes {dimension_semantics = [], scalar_prefetch = 0 : i64, scratch_operands = 0 : i64, tpu.core_type = #tpu.core_type<tc>} {
    %get3A = arith.constant 0 : index
    %get3A_0 = arith.constant 0 : index
    %get3A_1 = arith.constant 0 : index
    %get3A_2 = vector.load %arg0[%get3A, %get3A_0, %get3A_1] : memref<2x6250x128xf32, #tpu.memory_space<vmem>>, vector<1x6250x128xf32>
    %get3A_3 = vector.shape_cast %get3A_2 : vector<1x6250x128xf32> to vector<6250x128xf32>
    %get3A_4 = arith.constant 1 : index
    %get3A_5 = arith.constant 0 : index
    %get3A_6 = arith.constant 0 : index
    %get3A_7 = vector.load %arg0[%get3A_4, %get3A_5, %get3A_6] : memref<2x6250x128xf32, #tpu.memory_space<vmem>>, vector<1x6250x128xf32>
    %get3A_8 = vector.shape_cast %get3A_7 : vector<1x6250x128xf32> to vector<6250x128xf32>
    %add3A = arith.addf %get3A_3, %get3A_8 : vector<6250x128xf32>
    %swap3A = arith.constant 0 : index
    %swap3A_9 = arith.constant 0 : index
    %swap3A_10 = vector.load %arg1[%swap3A, %swap3A_9] : memref<6250x128xf32, #tpu.memory_space<vmem>>, vector<6250x128xf32>
    tpu.vector_store %arg1[%swap3A, %swap3A_9], %add3A {strides = array<i32>} : memref<6250x128xf32, #tpu.memory_space<vmem>>, vector<6250x128xf32>,
    return
  }
}

module attributes {stable_mosaic.version = 14 : i64} {
  func.func @_unpad_div_body(%arg0: i32, %arg1: memref<2000x128xf32, #tpu.memory_space<vmem>>, %arg2: memref<4000x128xf32, #tpu.memory_space<vmem>>, %arg3: memref<2000x128xf32, #tpu.memory_space<vmem>>) attributes {dimension_semantics = [#tpu.dimension_semantics<arbitrary>], iteration_bounds = array<i64: 100>, scalar_prefetch = 0 : i64, scratch_operands = 0 : i64, tpu.core_type = #tpu.core_type<tc>, window_params = [{transform_indices = @transform_0, window_bounds = array<i64: 2000, 128>}, {transform_indices = @transform_1, window_bounds = array<i64: 4000, 128>}, {transform_indices = @transform_2, window_bounds = array<i64: 2000, 128>}]} {
    %get3A = arith.constant 0 : index
    %get3A_0 = arith.constant 0 : index
    %get3A_1 = vector.load %arg2[%get3A, %get3A_0] : memref<4000x128xf32, #tpu.memory_space<vmem>>, vector<4000x128xf32>
    %reshape3A = vector.shape_cast %get3A_1 : vector<4000x128xf32> to vector<2000x2x128xf32>
    %iota3A = tpu.iota {dimensions = array<i32: 0>} : vector<128x128xi32>
    %iota3A_2 = tpu.iota {dimensions = array<i32: 1>} : vector<128x128xi32>
    %jit3A = arith.constant 8 : i32
    %div3A = vector.broadcast %jit3A : i32 to vector<128x128xi32>
    %div3A_3 = arith.divsi %iota3A_2, %div3A : vector<128x128xi32>
    %sign3A = arith.constant 0 : i32
    %sign3A_4 = vector.broadcast %sign3A : i32 to vector<128x128xi32>
    %sign3A_5 = arith.cmpi sgt, %iota3A_2, %sign3A_4 : vector<128x128xi32>
    %sign3A_6 = arith.extui %sign3A_5 : vector<128x128xi1> to vector<128x128xi32>
    %sign3A_7 = arith.constant 0 : i32
    %sign3A_8 = vector.broadcast %sign3A_7 : i32 to vector<128x128xi32>
    %sign3A_9 = arith.cmpi slt, %iota3A_2, %sign3A_8 : vector<128x128xi32>
    %sign3A_10 = arith.extui %sign3A_9 : vector<128x128xi1> to vector<128x128xi32>
    %sign3A_11 = arith.subi %sign3A_6, %sign3A_10 : vector<128x128xi32>
    %sign3A_12 = arith.constant 0 : i32
    %sign3A_13 = arith.cmpi sgt, %jit3A, %sign3A_12 : i32
    %sign3A_14 = arith.extui %sign3A_13 : i1 to i32
    %sign3A_15 = arith.constant 0 : i32
    %sign3A_16 = arith.cmpi slt, %jit3A, %sign3A_15 : i32
    %sign3A_17 = arith.extui %sign3A_16 : i1 to i32
    %sign3A_18 = arith.subi %sign3A_14, %sign3A_17 : i32
    %ne3A = vector.broadcast %sign3A_18 : i32 to vector<128x128xi32>
    %ne3A_19 = arith.cmpi ne, %sign3A_11, %ne3A : vector<128x128xi32>
    %rem3A = vector.broadcast %jit3A : i32 to vector<128x128xi32>
    %rem3A_20 = arith.remsi %iota3A_2, %rem3A : vector<128x128xi32>
    %ne3A_21 = arith.constant 0 : i32
    %ne3A_22 = vector.broadcast %ne3A_21 : i32 to vector<128x128xi32>
    %ne3A_23 = arith.cmpi ne, %rem3A_20, %ne3A_22 : vector<128x128xi32>
    %and3A = arith.andi %ne3A_19, %ne3A_23 : vector<128x128xi1>
    %sub3A = arith.constant 1 : i32
    %sub3A_24 = vector.broadcast %sub3A : i32 to vector<128x128xi32>
    %sub3A_25 = arith.subi %div3A_3, %sub3A_24 : vector<128x128xi32>
    %select_n3A = arith.select %and3A, %sub3A_25, %div3A_3 : vector<128x128xi1>, vector<128x128xi32>
    %jit3A_26 = arith.constant 8 : i32
    %eq3A = arith.constant 0 : i32
    %eq3A_27 = arith.cmpi eq, %jit3A_26, %eq3A : i32
    %jit3A_28 = arith.constant 1 : i32
    %select_n3A_29 = arith.select %eq3A_27, %jit3A_28, %jit3A_26 : i32
    %rem3A_30 = vector.broadcast %select_n3A_29 : i32 to vector<128x128xi32>
    %rem3A_31 = arith.remsi %iota3A_2, %rem3A_30 : vector<128x128xi32>
    %ne3A_32 = arith.constant 0 : i32
    %ne3A_33 = vector.broadcast %ne3A_32 : i32 to vector<128x128xi32>
    %ne3A_34 = arith.cmpi ne, %rem3A_31, %ne3A_33 : vector<128x128xi32>
    %lt3A = arith.constant 0 : i32
    %lt3A_35 = vector.broadcast %lt3A : i32 to vector<128x128xi32>
    %lt3A_36 = arith.cmpi slt, %rem3A_31, %lt3A_35 : vector<128x128xi32>
    %lt3A_37 = arith.constant 0 : i32
    %lt3A_38 = arith.cmpi slt, %select_n3A_29, %lt3A_37 : i32
    %ne3A_39 = vector.broadcast %lt3A_38 : i1 to vector<128x128xi1>
    %ne3A_40 = vector.broadcast %ne3A_39 : vector<128x128xi1> to vector<128x128xi1>
    %ne3A_41 = arith.xori %lt3A_36, %ne3A_40 : vector<128x128xi1>
    %and3A_42 = arith.andi %ne3A_41, %ne3A_34 : vector<128x128xi1>
    %add3A = vector.broadcast %select_n3A_29 : i32 to vector<128x128xi32>
    %add3A_43 = arith.addi %rem3A_31, %add3A : vector<128x128xi32>
    %select_n3A_44 = arith.select %and3A_42, %add3A_43, %rem3A_31 : vector<128x128xi1>, vector<128x128xi32>
    %lt3A_45 = arith.constant 4 : i32
    %lt3A_46 = vector.broadcast %lt3A_45 : i32 to vector<128x128xi32>
    %lt3A_47 = arith.cmpi slt, %select_n3A_44, %lt3A_46 : vector<128x128xi32>
    %mul3A = arith.constant 4 : i32
    %mul3A_48 = vector.broadcast %mul3A : i32 to vector<128x128xi32>
    %mul3A_49 = arith.muli %mul3A_48, %select_n3A : vector<128x128xi32>
    %add3A_50 = arith.addi %mul3A_49, %select_n3A_44 : vector<128x128xi32>
    %eq3A_51 = arith.cmpi eq, %iota3A, %add3A_50 : vector<128x128xi32>
    %and3A_52 = arith.andi %lt3A_47, %eq3A_51 : vector<128x128xi1>
    %convert_element_type3A = arith.extui %and3A_52 : vector<128x128xi1> to vector<128x128xi32>
    %convert_element_type3A_53 = arith.sitofp %convert_element_type3A : vector<128x128xi32> to vector<128x128xf32>
    %lt3A_54 = arith.constant 4 : i32
    %lt3A_55 = vector.broadcast %lt3A_54 : i32 to vector<128x128xi32>
    %lt3A_56 = arith.cmpi slt, %select_n3A_44, %lt3A_55 : vector<128x128xi32>
    %mul3A_57 = arith.constant 4 : i32
    %mul3A_58 = vector.broadcast %mul3A_57 : i32 to vector<128x128xi32>
    %mul3A_59 = arith.muli %mul3A_58, %select_n3A : vector<128x128xi32>
    %add3A_60 = arith.constant 64 : i32
    %add3A_61 = vector.broadcast %add3A_60 : i32 to vector<128x128xi32>
    %add3A_62 = arith.addi %add3A_61, %mul3A_59 : vector<128x128xi32>
    %add3A_63 = arith.addi %add3A_62, %select_n3A_44 : vector<128x128xi32>
    %eq3A_64 = arith.cmpi eq, %iota3A, %add3A_63 : vector<128x128xi32>
    %and3A_65 = arith.andi %lt3A_56, %eq3A_64 : vector<128x128xi1>
    %convert_element_type3A_66 = arith.extui %and3A_65 : vector<128x128xi1> to vector<128x128xi32>
    %convert_element_type3A_67 = arith.sitofp %convert_element_type3A_66 : vector<128x128xi32> to vector<128x128xf32>
    %slice3A = vector.extract_strided_slice %reshape3A {offsets = [0, 0, 0], sizes = [2000, 1, 128], strides = [1, 1, 1]} : vector<2000x2x128xf32> to vector<2000x1x128xf32>
    %squeeze3A = vector.shape_cast %slice3A : vector<2000x1x128xf32> to vector<2000x128xf32>
    %transpose3A = tpu.transpose %convert_element_type3A_53, [1, 0] : vector<128x128xf32> -> vector<128x128xf32>
    %dot_general3A = arith.constant dense<0.000000e+00> : vector<2000x128xf32>
    %dot_general3A_68 = tpu.matmul %squeeze3A, %transpose3A, %dot_general3A {dimension_numbers = #tpu.dot_dimension_numbers<[1], [0], [0], [1], [0, 0, 1, 1], [], []>, transpose_lhs_hint = false} : vector<2000x128xf32>, vector<128x128xf32>, vector<2000x128xf32> -> vector<2000x128xf32>
    %slice3A_69 = vector.extract_strided_slice %reshape3A {offsets = [0, 1, 0], sizes = [2000, 1, 128], strides = [1, 1, 1]} : vector<2000x2x128xf32> to vector<2000x1x128xf32>
    %squeeze3A_70 = vector.shape_cast %slice3A_69 : vector<2000x1x128xf32> to vector<2000x128xf32>
    %transpose3A_71 = tpu.transpose %convert_element_type3A_67, [1, 0] : vector<128x128xf32> -> vector<128x128xf32>
    %dot_general3A_72 = arith.constant dense<0.000000e+00> : vector<2000x128xf32>
    %dot_general3A_73 = tpu.matmul %squeeze3A_70, %transpose3A_71, %dot_general3A_72 {dimension_numbers = #tpu.dot_dimension_numbers<[1], [0], [0], [1], [0, 0, 1, 1], [], []>, transpose_lhs_hint = false} : vector<2000x128xf32>, vector<128x128xf32>, vector<2000x128xf32> -> vector<2000x128xf32>
    %add3A_74 = arith.addf %dot_general3A_68, %dot_general3A_73 : vector<2000x128xf32>
    %get3A_75 = arith.constant 0 : index
    %get3A_76 = arith.constant 0 : index
    %get3A_77 = vector.load %arg1[%get3A_75, %get3A_76] : memref<2000x128xf32, #tpu.memory_space<vmem>>, vector<2000x128xf32>
    %add3A_78 = arith.constant 9.99999996E-13 : f32
    %add3A_79 = vector.broadcast %add3A_78 : f32 to vector<2000x128xf32>
    %add3A_80 = arith.addf %add3A_74, %add3A_79 : vector<2000x128xf32>
    %div3A_81 = arith.divf %get3A_77, %add3A_80 : vector<2000x128xf32>
    %swap3A = arith.constant 0 : index
    %swap3A_82 = arith.constant 0 : index
    %swap3A_83 = vector.load %arg3[%swap3A, %swap3A_82] : memref<2000x128xf32, #tpu.memory_space<vmem>>, vector<2000x128xf32>
    tpu.vector_store %arg3[%swap3A, %swap3A_82], %div3A_81 {strides = array<i32>} : memref<2000x128xf32, #tpu.memory_space<vmem>>, vector<2000x128xf32>,
    return
  }
  func.func @transform_0(%arg0: i32) -> (i32, i32) {
    %c0_i32 = arith.constant 0 : i32
    %c0_i32_0 = arith.constant 0 : i32
    return %arg0, %c0_i32 : i32, i32
  }
  func.func @transform_1(%arg0: i32) -> (i32, i32) {
    %c0_i32 = arith.constant 0 : i32
    %c0_i32_0 = arith.constant 0 : i32
    return %arg0, %c0_i32 : i32, i32
  }
  func.func @transform_2(%arg0: i32) -> (i32, i32) {
    %c0_i32 = arith.constant 0 : i32
    %c0_i32_0 = arith.constant 0 : i32
    return %arg0, %c0_i32 : i32, i32
  }
}

</mosaic_0001>

<sc_bundles>
// kernel: kernel.10.cloned.1.call-start
scs
__scs_entry_jumppad:
0x0: {  	(pc) =	sbr.rel $0x88, $3  }
0x1: {  	(tag) =	ssettag $0x0;
	lr =	simm.s32 $0x1  }
0x2: {  	[smem:$0x3F9F] =	sst lr;
	_ =	strace $0xD0000000  }
0x3: {  	_ = 	snop  }
0x4: {  	_ = 	snop  }
0x5: {  	_ = 	snop  }
0x6: {  	_ = 	snop  }
0x7: {  	_ = 	snop  }
__scs_overlays_trampoline_lowered:
0x8: {  	[smem:$0x3FAE] =	sst s0  }
0x9: {  	[smem:$0x3FAF] =	sst s1  }
0xa: {  	[smem:$0x3FB0] =	sst s2  }
0xb: {  	[smem:$0x3FB1] =	sst s3  }
0xc: {  	[smem:$0x3FB2] =	sst s4  }
0xd: {  	[smem:$0x3FB3] =	sst s5  }
0xe: {  	[smem:$0x3FB4] =	sst s6  }
0xf: {  	[smem:$0x3FB5] =	sst s7  }
0x10: {  	[smem:$0x3FB6] =	sst s8  }
0x11: {  	[smem:$0x3FB7] =	sst s9;
	s0 =	simm.s32 @!p0 $0x0  }
0x12: {  	s1 =	sld [smem:$0x3F9D];
	s0 =	simm.s32 @p0 $0x1  }
0x13: {  	[smem:$0x3FB8] =	sst s0;
	s0 =	simm.s32 @!p1 $0x0  }
0x14: {  	s2 =	sld [smem:$0x3F9C];
	s0 =	simm.s32 @p1 $0x1  }
0x15: {  	[smem:$0x3FB9] =	sst s0;
	s0 =	simm.s32 @!p2 $0x0  }
0x16: {  	s3 =	sld [smem:$0x3FDB];
	s0 =	simm.s32 @p2 $0x1  }
0x17: {  	s4 =	simm.s32 $0x1BF5;
	[smem:$0x3FBB] =	sst s0  }
0x18: {  	s0 =	sld [smem:$0x3F9E];
	_ =	swait.ge [sflag:s4], $0x0  }
0x19: {  	s7 =	sld [smem:$0x3F9F]  }
0x1a: {  	s8 =	sadd.s32 $0xFFFFE003, lr  }
0x1b: {  	s9 =	sadd.s32 $0xFFFFFEF7, lr;
	s5 =	simm.s32 $0xFFFFFFFF;
	p2 =	slt.u32 s8, $0xFFFFF086  }
0x1c: {  	p1 =	slt.u32 s9, $0xF7A;
	s5 =	simm.s32 @!p2 $0x0  }
0x1d: {  	s5 =	simm.s32 @p1 $0x1;
	p0 =	seq.s32 s7, s2  }
0x1e: {  	s7 =	smul.u32 @!p0 $0xF7A, s2;
	p2 =	seq.s32 @!p0 s5, $0x0  }
0x1f: {  	s9 =	smul.u32 $0xF7A, s1;
	s8 =	simm.s32 @!p0 $0x1BF5;
	p2 =	por !p2, p0  }
0x20: {  	[sflag:s8] =	ssyncset.s32 @!p0 $0xFFFFF086;
	s6 =	sadd.s32 @!p0 s3, s7;
	s7 =	simm.s32 @!p0 $0x108  }
0x21: {  	s3 =	sadd.s32 s3, s9;
	s6 =	sadd.s32 @!p0 $0x88, s6;
	s7 =	simm.s32 @p2 $0x1082  }
0x22: {  	[simem:s7], [sflag:s8] =	dma.local @!p0 [hbm:s6], $0xF7A  }
0x23: {  	s9 =	sor.u32 $0xD0000000, s2;
	s6 =	simm.s32 $0x108;
	_ =	swait.ge @!p0 [sflag:s8], $0x0  }
0x24: {  	s3 =	sadd.s32 $0x88, s3;
	s6 =	simm.s32 @!p1 $0x1082;
	[sflag:s4] =	ssyncset.s32 $0xFFFFF086  }
0x25: {  	[simem:s6], [sflag:s4] =	dma.local [hbm:s3], $0xF7A  }
0x26: {  	[smem:$0x3F9F] =	sst s1;
	(tag) =	ssettag s2;
	_ =	strace s9  }
0x27: {  	s1 =	sld [smem:$0x3FAF]  }
0x28: {  	s2 =	sld [smem:$0x3FB0]  }
0x29: {  	s4 =	sld [smem:$0x3FB2]  }
0x2a: {  	p0 =	seq.s32 s5, $0x0;
	s5 =	sld [smem:$0x3FB3]  }
0x2b: {  	s6 =	sld [smem:$0x3FB4]  }
0x2c: {  	s7 =	sld [smem:$0x3FB5]  }
0x2d: {  	s3 =	simm.s32 $0x108;
	s8 =	sld [smem:$0x3FB6]  }
0x2e: {  	s3 =	simm.s32 @!p0 $0x1082;
	s9 =	sld [smem:$0x3FB7]  }
0x2f: {  	lr =	sadd.s32 s0, s3;
	s0 =	sld [smem:$0x3FAE]  }
0x30: {  	s3 =	sld [smem:$0x3FB1]  }
0x31: {  	[smem:$0x3FBA] =	sst s10  }
0x32: {  	s10 =	sld [smem:$0x3FB8];
	_ =	sdelay $0x3  }
0x33: {  	p0 =	seq.s32 s10, $0x1;
	s10 =	sld [smem:$0x3FBA];
	_ =	sdelay $0x3  }
0x34: {  	[smem:$0x3FBA] =	sst s10  }
0x35: {  	s10 =	sld [smem:$0x3FB9];
	_ =	sdelay $0x3  }
0x36: {  	p1 =	seq.s32 s10, $0x1;
	s10 =	sld [smem:$0x3FBA];
	_ =	sdelay $0x3  }
0x37: {  	[smem:$0x3FBA] =	sst s10  }
0x38: {  	s10 =	sld [smem:$0x3FBB]  }
0x39: {  	_ = 	snop;
	(pc) =	sbr.ind lr, $3  }
0x3a: {  	_ = 	snop  }
0x3b: {  	_ = 	snop  }
0x3c: {  	p2 =	seq.s32 s10, $0x1;
	s10 =	sld [smem:$0x3FBA]  }
0x3d: {  	_ =	shalt  }
0x3e: {  	_ =	shalt  }
0x3f: {  	_ =	shalt  }
0x40: {  	_ =	shalt  }
0x41: {  	_ =	shalt  }
0x42: {  	_ =	shalt  }
0x43: {  	_ =	shalt  }
0x44: {  	_ =	shalt  }
0x45: {  	_ =	shalt  }
0x46: {  	_ =	shalt  }
0x47: {  	_ =	shalt  }
0x48: {  	_ =	shalt  }
0x49: {  	_ =	shalt  }
0x4a: {  	_ =	shalt  }
0x4b: {  	_ =	shalt  }
0x4c: {  	_ =	shalt  }
0x4d: {  	_ =	shalt  }
0x4e: {  	_ =	shalt  }
0x4f: {  	_ =	shalt  }
0x50: {  	_ =	shalt  }
0x51: {  	_ =	shalt  }
0x52: {  	_ =	shalt  }
0x53: {  	_ =	shalt  }
0x54: {  	_ =	shalt  }
0x55: {  	_ =	shalt  }
0x56: {  	_ =	shalt  }
0x57: {  	_ =	shalt  }
0x58: {  	_ =	shalt  }
0x59: {  	_ =	shalt  }
0x5a: {  	_ =	shalt  }
0x5b: {  	_ =	shalt  }
0x5c: {  	_ =	shalt  }
0x5d: {  	_ =	shalt  }
0x5e: {  	_ =	shalt  }
0x5f: {  	_ =	shalt  }
0x60: {  	_ =	shalt  }
0x61: {  	_ =	shalt  }
0x62: {  	_ =	shalt  }
0x63: {  	_ =	shalt  }
0x64: {  	_ =	shalt  }
0x65: {  	_ =	shalt  }
0x66: {  	_ =	shalt  }
0x67: {  	_ =	shalt  }
0x68: {  	_ =	shalt  }
0x69: {  	_ =	shalt  }
0x6a: {  	_ =	shalt  }
0x6b: {  	_ =	shalt  }
0x6c: {  	_ =	shalt  }
0x6d: {  	_ =	shalt  }
0x6e: {  	_ =	shalt  }
0x6f: {  	_ =	shalt  }
0x70: {  	_ =	shalt  }
0x71: {  	_ =	shalt  }
0x72: {  	_ =	shalt  }
0x73: {  	_ =	shalt  }
0x74: {  	_ =	shalt  }
0x75: {  	_ =	shalt  }
0x76: {  	_ =	shalt  }
0x77: {  	_ =	shalt  }
0x78: {  	_ =	shalt  }
0x79: {  	_ =	shalt  }
0x7a: {  	_ =	shalt  }
0x7b: {  	_ =	shalt  }
0x7c: {  	_ =	shalt  }
0x7d: {  	_ =	shalt  }
0x7e: {  	_ =	shalt  }
0x7f: {  	_ =	shalt  }
0x80: {  	_ =	shalt  }
0x81: {  	_ =	shalt  }
0x82: {  	_ =	shalt  }
0x83: {  	_ =	shalt  }
0x84: {  	_ =	shalt  }
0x85: {  	_ =	shalt  }
0x86: {  	_ =	shalt  }
0x87: {  	_ =	shalt  }
.Lfunc_end0:
.L_simem_size_0:
called_computation.2_lowered:
.L_overlay_start_0:
0x88: {  	s2 =	sld [smem:$0x3FD9]  }
0x89: {  	s3 =	sld [smem:$0x3FFE];
	_ =	sdelay $0x1  }
0x8a: {  	s1 =	srdreg.scid  }
0x8b: {  	s0 =	sand.u32 $0x1, s1  }
0x8c: {  	s17 =	sshll.u32 s0, $0xA;
	s2 =	sadd.s32 s3, s2  }
0x8d: {  	s2 =	sadd.s32 s2, s17  }
0x8e: {  	[smem:$0x3FC6] =	sst s2  }
0x8f: {  	_ = 	snop  }
0x90: {  	s2 =	sld [smem:$0x3FD0];
	(tm) =	ssettm $0x1  }
0x91: {  	s18 =	sld [smem:$0x3FFB];
	_ =	sdelay $0x3  }
0x92: {  	_ =	strace s18  }
0x93: {  	s3 =	sld [smem:$0x3FFC];
	_ =	sdelay $0x3  }
0x94: {  	_ =	strace s3  }
0x95: {  	s3 =	sld [smem:$0x3FFD];
	_ =	sdelay $0x3  }
0x96: {  	_ =	strace s3  }
0x97: {  	_ =	strace $0x8FFFFFFF  }
0x98: {  	s19 =	sld [smem:$0x3FDB];
	_ =	sdelay $0x1  }
0x99: {  	s4 =	simm.s32 $_scs_section_size  }
0x9a: {  	s5 =	simm.s32 $_size__tile_overlayer_lowered;
	s6 =	simm.s32 $_tile_overlayer_lowered  }
0x9b: {  	s22 =	simm.s32 $0x1BFF;
	s21 =	sshll.u32 s6, $0x1;
	s3 =	sadd.s32 s4, s19  }
0x9c: {  	s7 =	simm.s32 $0x0;
	s20 =	sshll.u32 s5, $0x1;
	s5 =	sadd.s32 s21, s3  }
0x9d: {  	[timem:s7], [sflag:s22] =	dma.local [hbm:s5], s20  }
0x9e: {  	_ =	swait.ge [sflag:s22], s20  }
0x9f: {  	s4 =	ssub.s32 $0x0, s20;
	[sflag:s22] =	ssyncset.done $0x0  }
0xa0: {  	[sflag:s22] =	ssyncadd.s32 s4;
	_ =	sdelay $0x1  }
0xa1: {  	s23 =	simm.s32 $0x1B8B  }
0xa2: {  	_ =	swait.ge [sflag:s23], $0x1  }
0xa3: {  	[sflag:s23] =	ssyncset.done $0x0  }
0xa4: {  	s25 =	simm.s32 $0x1B8E;
	s24 =	sld [smem:$0x3FFE];
	[sflag:s23] =	ssyncadd.s32 $0xFFFFFFFF  }
0xa5: {  	s26 =	simm.s32 $execute0_lowered;
	[smem:$0x3FD2] =	sst s25  }
0xa6: {  	s5 =	sshll.u32 s26, $0x1;
	_ =	strace $0x80000049;
	[dreg:$0x1] =	wrdreg $0xFFFFFFFF  }
0xa7: {  	s28 =	simm.s32 $_size_execute0_lowered;
	s3 =	sadd.s32 s3, s5;
	[dreg:$0x0] =	wrdreg $0x0  }
0xa8: {  	s5 =	sshll.u32 s28, $0x1;
	[dreg:$0x2] =	wrdreg s3  }
0xa9: {  	[dreg:$0x3] =	wrdreg s5  }
0xaa: {  	[dreg:$0x4] =	wrdreg $0xC0  }
0xab: {  	_ =	task [dreg:s7], $0x5FFFF  }
0xac: {  	[dreg:$0x1] =	wrdreg $0xFFFFFFFF  }
0xad: {  	[dreg:$0x0] =	wrdreg $0x60  }
0xae: {  	[dreg:$0x2] =	wrdreg s2  }
0xaf: {  	[dreg:$0x3] =	wrdreg s24  }
0xb0: {  	[dreg:$0x4] =	wrdreg $0x9  }
0xb1: {  	_ =	task.clear_ibuf [dreg:s7], $0x5FFFF;
	_ =	strace $0x90000049  }
0xb2: {  	s29 =	simm.s32 $0x9;
	_ =	strace $0x8000004B  }
0xb3: {  	_ =	swait.ge [sflag:s29], $0x1  }
0xb4: {  	[sflag:s29] =	ssyncadd.s32 $0xFFFFFFFF  }
0xb5: {  	_ =	strace $0x9000004B  }
0xb6: {  	_ =	sfence  }
0xb7: {  	s30 =	sld [smem:$0x0];
	_ =	sdelay $0x2  }
0xb8: {  	s31 =	sshll.u32 s1, $0xD;
	s1 =	sshrl.u32 s1, $0x2  }
0xb9: {  	s3 =	sand.u32 $0x4000, s31;
	s1 =	sadd.s32 s1, s30  }
0xba: {  	s0 =	sor.u32 s3, s0;
	s1 =	sshll.u32 s1, $0x11  }
0xbb: {  	s0 =	sor.u32 s1, s0  }
0xbc: {  	s0 =	sadd.s32 $0x8F2B, s0  }
0xbd: {  	[sflag:s0] =	ssyncadd.remote.s32 $0x1  }
0xbe: {  	_ =	sfence.sel $0xFFFF  }
0xbf: {  	[dreg:$0x0] =	wrdreg $0xFFFFFFFF;
	(pc) =	sbr.abs _section_cstart, $3  }
0xc0: {  	[dreg:$0x1] =	wrdreg $0xFFFFFFFF  }
0xc1: {  	_ =	task.clear_ibuf [dreg:s7], $0x2FFFF;
	_ =	strace $0x9FFFFFFF  }
0xc2: {  	(tm) =	ssettm $0x7FFFFFFF  }
0xc3: {  	_ =	shalt  }
tec
execute0_lowered:
.L_overlay_start_1:
0x0: {  	(tag) =	ssettag $0x1  }
0x1: {  	s0 =	rddreg [dreg:$0x0]  }
0x2: {  	s1 =	rddreg [dreg:$0x1]  }
0x3: {  	s9 =	stileid.u32;
	s3 =	srdreg.scid  }
0x4: {  	s2 =	simm.s32 $0x0;
	s28 =	simm.s32 $0x6B80;
	s29 =	simm.s32 $0x6C00  }
0x5: {  	s30 =	simm.s32 $0x6C80;
	s31 =	simm.s32 $0x6D00;
	s5 =	smul.u32 $0xC800, s9  }
0x6: {  	s4 =	sand.u32 $0x1, s3;
	s6 =	smul.u32 $0x1900, s9;
	[smem:$0x7FF] =	sst s2  }
0x7: {  	p0 =	slt.u32 s9, $0x8;
	s9 =	simm.s32 $0xC4E00;
	s7 =	smul.u32 $0xC80, s4  }
0x8: {  	s3 =	sadd.s32 $0x1000, s1;
	s8 =	smul.u32 $0x6400, s4;
	s9 =	simm.s32 @!p0 $0xC1C00  }
0x9: {  	_ =	strace $0x8000004A;
	[dreg:$0x3] =	wrdreg s9;
	s6 =	sadd.s32 s7, s6  }
0xa: {  	s5 =	sadd.s32 s8, s5;
	s7 =	sadd.s32 $0xC00, s6;
	s25 =	sadd.s32 $0xB80, s6  }
0xb: {  	s26 =	sadd.s32 $0xB00, s6;
	s12 =	sadd.s32 $0xA80, s6;
	s14 =	sadd.s32 $0xA00, s6  }
0xc: {  	s15 =	sadd.s32 $0x980, s6;
	s19 =	sadd.s32 $0x900, s6;
	s21 =	sadd.s32 $0x880, s6  }
0xd: {  	s22 =	sadd.s32 $0x800, s6;
	s5 =	sshrl.u32 s5, $0x3;
	s7 =	sshrl.u32 s7, $0x3  }
0xe: {  	s8 =	sshrl.u32 s25, $0x3;
	s10 =	sshrl.u32 s26, $0x3;
	s13 =	sshrl.u32 s12, $0x3  }
0xf: {  	s17 =	sshrl.u32 s15, $0x3;
	s20 =	sshrl.u32 s19, $0x3;
	s24 =	sshrl.u32 s22, $0x3  }
0x10: {  	s26 =	sadd.s32 $0x780, s6;
	s1 =	sadd.s32 s5, s1;
	s7 =	sadd.s32 s7, s0  }
0x11: {  	s8 =	sadd.s32 s8, s0;
	s11 =	sadd.s32 s10, s0;
	[dreg:$0x4] =	wrdreg s7  }
0x12: {  	s18 =	sadd.s32 s17, s0;
	s25 =	sadd.s32 s24, s0;
	[dreg:$0x5] =	wrdreg s8  }
0x13: {  	s10 =	sadd.s32 $0x680, s6;
	s17 =	sadd.s32 $0x500, s6;
	[dreg:$0x6] =	wrdreg s11  }
0x14: {  	s24 =	sadd.s32 $0x380, s6;
	s1 =	sadd.s32 $0x928C00, s1;
	[dreg:$0x9] =	wrdreg s18  }
0x15: {  	s7 =	sadd.s32 s13, s0;
	s8 =	sshrl.u32 s14, $0x3;
	[dreg:$0xc] =	wrdreg s25  }
0x16: {  	s12 =	sshrl.u32 s10, $0x3;
	s14 =	sadd.s32 $0x600, s6;
	[smem:$0x7E9] =	sst s1  }
0x17: {  	s19 =	sshrl.u32 s17, $0x3;
	[dreg:$0x7] =	wrdreg s7;
	s16 =	sadd.s32 s8, s0  }
0x18: {  	s7 =	sadd.s32 s20, s0;
	s8 =	sshrl.u32 s21, $0x3;
	s13 =	sadd.s32 s12, s0  }
0x19: {  	s15 =	sshrl.u32 s14, $0x3;
	s20 =	sadd.s32 s19, s0;
	[dreg:$0x8] =	wrdreg s16  }
0x1a: {  	s21 =	sadd.s32 $0x480, s6;
	s12 =	sadd.s32 $0x200, s6;
	[dreg:$0xa] =	wrdreg s7  }
0x1b: {  	s19 =	sadd.s32 $0x80, s6;
	s23 =	sadd.s32 s8, s0;
	[dreg:$0xf] =	wrdreg s13  }
0x1c: {  	s8 =	sshrl.u32 s26, $0x3;
	[dreg:$0x12] =	wrdreg s20;
	s22 =	sshrl.u32 s21, $0x3  }
0x1d: {  	s26 =	sshrl.u32 s24, $0x3;
	s24 =	simm.s32 $0x800;
	[dreg:$0xb] =	wrdreg s23  }
0x1e: {  	s14 =	sshrl.u32 s12, $0x3;
	s12 =	simm.s32 $0x2800;
	[dreg:$0x1e] =	wrdreg s24  }
0x1f: {  	s21 =	sshrl.u32 s19, $0x3;
	s19 =	simm.s32 $0x4400;
	[smem:$0x7EF] =	sst s12  }
0x20: {  	s9 =	sadd.s32 $0x700, s6;
	s7 =	sadd.s32 s8, s0;
	[smem:$0x7F6] =	sst s19  }
0x21: {  	s8 =	sshrl.u32 s9, $0x3;
	s24 =	simm.s32 $0x5800;
	[dreg:$0xd] =	wrdreg s7  }
0x22: {  	s4 =	ssub.s32 $0x2, s4;
	s11 =	sadd.s32 s8, s0;
	[smem:$0x7FB] =	sst s24  }
0x23: {  	s16 =	sadd.s32 $0x580, s6;
	s7 =	sadd.s32 s15, s0;
	[dreg:$0xe] =	wrdreg s11  }
0x24: {  	s9 =	sadd.s32 $0x300, s6;
	s15 =	sadd.s32 s14, s0;
	[dreg:$0x10] =	wrdreg s7  }
0x25: {  	s10 =	sshrl.u32 s9, $0x3;
	s9 =	simm.s32 $0x1C00;
	[dreg:$0x18] =	wrdreg s15  }
0x26: {  	s8 =	sshrl.u32 s16, $0x3;
	s14 =	simm.s32 $0x3000;
	[smem:$0x7EC] =	sst s9  }
0x27: {  	s1 =	simm.s32 $0x80;
	s18 =	sadd.s32 s8, s0;
	[smem:$0x7F1] =	sst s14  }
0x28: {  	s23 =	sadd.s32 $0x400, s6;
	s7 =	sadd.s32 s22, s0;
	[dreg:$0x11] =	wrdreg s18  }
0x29: {  	s19 =	simm.s32 $0x6780;
	s22 =	sadd.s32 s21, s0;
	[dreg:$0x13] =	wrdreg s7  }
0x2a: {  	s8 =	sshrl.u32 s23, $0x3;
	s23 =	simm.s32 $0x400;
	[dreg:$0x1b] =	wrdreg s22  }
0x2b: {  	s16 =	sadd.s32 $0x180, s6;
	s15 =	simm.s32 $0x3400;
	[dreg:$0x1d] =	wrdreg s23  }
0x2c: {  	s17 =	sshrl.u32 s16, $0x3;
	s16 =	simm.s32 $0x3800;
	[smem:$0x7F2] =	sst s15  }
0x2d: {  	s12 =	simm.s32 $0x6D80;
	s21 =	simm.s32 $0x4C00;
	[smem:$0x7F3] =	sst s16  }
0x2e: {  	s24 =	simm.s32 $0x6A00;
	s25 =	sadd.s32 s8, s0;
	[smem:$0x7F8] =	sst s21  }
0x2f: {  	s11 =	sadd.s32 $0x280, s6;
	s8 =	sadd.s32 s26, s0;
	[dreg:$0x14] =	wrdreg s25  }
0x30: {  	s14 =	simm.s32 $0x6480;
	s7 =	sadd.s32 s10, s0;
	[dreg:$0x15] =	wrdreg s8  }
0x31: {  	s9 =	simm.s32 $0x6F80;
	s26 =	simm.s32 $0xC00;
	[dreg:$0x16] =	wrdreg s7  }
0x32: {  	s18 =	sadd.s32 $0x100, s6;
	s10 =	simm.s32 $0x2000;
	[dreg:$0x1f] =	wrdreg s26  }
0x33: {  	s6 =	sshrl.u32 s6, $0x3;
	s22 =	simm.s32 $0x5000;
	[smem:$0x7ED] =	sst s10  }
0x34: {  	s23 =	simm.s32 $0x5400;
	s15 =	simm.s32 $0x6500;
	[smem:$0x7F9] =	sst s22  }
0x35: {  	s16 =	simm.s32 $0x6580;
	s7 =	sadd.s32 s17, s0;
	[smem:$0x7FA] =	sst s23  }
0x36: {  	s8 =	sshrl.u32 s11, $0x3;
	s11 =	simm.s32 $0x2400;
	[dreg:$0x19] =	wrdreg s7  }
0x37: {  	s21 =	simm.s32 $0x6880;
	s17 =	simm.s32 $0x3C00;
	[smem:$0x7EE] =	sst s11  }
0x38: {  	s25 =	sshrl.u32 s4, $0x1;
	s26 =	simm.s32 $0x6000;
	[smem:$0x7F4] =	sst s17  }
0x39: {  	s22 =	simm.s32 $0x6900;
	s13 =	sadd.s32 s8, s0;
	[smem:$0x7FD] =	sst s26  }
0x3a: {  	s23 =	simm.s32 $0x6980;
	s7 =	simm.s32 $0x1400;
	[dreg:$0x17] =	wrdreg s13  }
0x3b: {  	s8 =	sshrl.u32 s18, $0x3;
	s18 =	simm.s32 $0x4000;
	[smem:$0x7EA] =	sst s7  }
0x3c: {  	s4 =	ssub.s32 s4, s25;
	s25 =	simm.s32 $0x5C00;
	[smem:$0x7F5] =	sst s18  }
0x3d: {  	s10 =	simm.s32 $0x6F00;
	s20 =	sadd.s32 s8, s0;
	[smem:$0x7FC] =	sst s25  }
0x3e: {  	s17 =	simm.s32 $0x6680;
	s0 =	sadd.s32 s6, s0;
	[dreg:$0x1a] =	wrdreg s20  }
0x3f: {  	s26 =	simm.s32 $0x6B00;
	s4 =	smax.u32 s4, $0x1;
	[dreg:$0x1c] =	wrdreg s0  }
0x40: {  	s11 =	simm.s32 $0x6E00;
	s6 =	simm.s32 $0x1000;
	[smem:$0x7E7] =	sst s4  }
0x41: {  	s8 =	simm.s32 $0x1800;
	s13 =	simm.s32 $0x2C00;
	[smem:$0x7E8] =	sst s6  }
0x42: {  	s18 =	simm.s32 $0x6700;
	s25 =	simm.s32 $0x6A80;
	[smem:$0x7EB] =	sst s8  }
0x43: {  	[smem:$0x7F0] =	sst s13;
	s20 =	simm.s32 $0x4800;
	s0 =	simm.s32 $0x1  }
0x44: {  	s6 =	simm.s32 $0x0;
	[smem:$0x7F7] =	sst s20;
	s20 =	simm.s32 $0x6800  }
.LBB2_1:
0x45: {  	[smem:$0x7E6] =	sst s6  }
0x46: {  	s5 =	sld [smem:$0x7E9];
	s6 =	simm.s32 $0x0  }
.LBB2_2:
0x47: {  	s7 =	rddreg [dreg:$0x1c]  }
0x48: {  	s8 =	rddreg [dreg:$0x1b];
	s13 =	simm.s32 $0x6400;
	s7 =	sadd.s32 s6, s7  }
0x49: {  	[tilespmem:s13], [sflag:$0x1] =	stream.linear.gather [hbm4b:s7+s2], $0x80, $0x38;
	[tilespmem:$0x7080] =	vst v63  }
0x4a: {  	s4 =	rddreg [dreg:$0x1a];
	s8 =	sadd.s32 s6, s8  }
0x4b: {  	[tilespmem:s14], [sflag:$0x1] =	stream.linear.gather [hbm4b:s8+s2], $0x80, $0x38;
	[tilespmem:$0x7080] =	vst v63  }
0x4c: {  	s7 =	sadd.s32 s6, s4;
	s8 =	rddreg [dreg:$0x19]  }
0x4d: {  	[tilespmem:s15], [sflag:$0x1] =	stream.linear.gather [hbm4b:s7+s2], $0x80, $0x38;
	[tilespmem:$0x7080] =	vst v63  }
0x4e: {  	s4 =	rddreg [dreg:$0x18];
	s8 =	sadd.s32 s6, s8  }
0x4f: {  	[tilespmem:s16], [sflag:$0x1] =	stream.linear.gather [hbm4b:s8+s2], $0x80, $0x38;
	[tilespmem:$0x7080] =	vst v63  }
0x50: {  	s7 =	sadd.s32 s6, s4;
	s4 =	simm.s32 $0x6600;
	s8 =	rddreg [dreg:$0x17]  }
0x51: {  	[tilespmem:s4], [sflag:$0x1] =	stream.linear.gather [hbm4b:s7+s2], $0x80, $0x38;
	[tilespmem:$0x7080] =	vst v63  }
0x52: {  	s8 =	sadd.s32 s6, s8;
	s4 =	rddreg [dreg:$0x16]  }
0x53: {  	[tilespmem:s17], [sflag:$0x1] =	stream.linear.gather [hbm4b:s8+s2], $0x80, $0x38;
	[tilespmem:$0x7080] =	vst v63  }
0x54: {  	s7 =	sadd.s32 s6, s4;
	s8 =	rddreg [dreg:$0x15]  }
0x55: {  	[tilespmem:s18], [sflag:$0x1] =	stream.linear.gather [hbm4b:s7+s2], $0x80, $0x38;
	[tilespmem:$0x7080] =	vst v63  }
0x56: {  	s4 =	rddreg [dreg:$0x14];
	s8 =	sadd.s32 s6, s8  }
0x57: {  	[tilespmem:s19], [sflag:$0x1] =	stream.linear.gather [hbm4b:s8+s2], $0x80, $0x38;
	[tilespmem:$0x7080] =	vst v63  }
0x58: {  	s7 =	sadd.s32 s6, s4;
	s8 =	rddreg [dreg:$0x13]  }
0x59: {  	[tilespmem:s20], [sflag:$0x1] =	stream.linear.gather [hbm4b:s7+s2], $0x80, $0x38;
	[tilespmem:$0x7080] =	vst v63  }
0x5a: {  	s4 =	rddreg [dreg:$0x12];
	s8 =	sadd.s32 s6, s8  }
0x5b: {  	[tilespmem:s21], [sflag:$0x1] =	stream.linear.gather [hbm4b:s8+s2], $0x80, $0x38;
	[tilespmem:$0x7080] =	vst v63  }
0x5c: {  	s7 =	sadd.s32 s6, s4;
	s8 =	rddreg [dreg:$0x11]  }
0x5d: {  	[tilespmem:s22], [sflag:$0x1] =	stream.linear.gather [hbm4b:s7+s2], $0x80, $0x38;
	[tilespmem:$0x7080] =	vst v63  }
0x5e: {  	s4 =	rddreg [dreg:$0x10];
	s8 =	sadd.s32 s6, s8  }
0x5f: {  	[tilespmem:s23], [sflag:$0x1] =	stream.linear.gather [hbm4b:s8+s2], $0x80, $0x38;
	[tilespmem:$0x7080] =	vst v63  }
0x60: {  	s7 =	sadd.s32 s6, s4;
	s8 =	rddreg [dreg:$0xf]  }
0x61: {  	[tilespmem:s24], [sflag:$0x1] =	stream.linear.gather [hbm4b:s7+s2], $0x80, $0x38;
	[tilespmem:$0x7080] =	vst v63  }
0x62: {  	s4 =	rddreg [dreg:$0xe];
	s8 =	sadd.s32 s6, s8  }
0x63: {  	[tilespmem:s25], [sflag:$0x1] =	stream.linear.gather [hbm4b:s8+s2], $0x80, $0x38;
	[tilespmem:$0x7080] =	vst v63  }
0x64: {  	s7 =	sadd.s32 s6, s4;
	s8 =	rddreg [dreg:$0xd]  }
0x65: {  	[tilespmem:s26], [sflag:$0x1] =	stream.linear.gather [hbm4b:s7+s2], $0x80, $0x38;
	[tilespmem:$0x7080] =	vst v63  }
0x66: {  	s4 =	rddreg [dreg:$0xc];
	s8 =	sadd.s32 s6, s8  }
0x67: {  	[tilespmem:s28], [sflag:$0x1] =	stream.linear.gather [hbm4b:s8+s2], $0x80, $0x38;
	[tilespmem:$0x7080] =	vst v63  }
0x68: {  	s7 =	sadd.s32 s6, s4;
	s8 =	rddreg [dreg:$0xb]  }
0x69: {  	[tilespmem:s29], [sflag:$0x1] =	stream.linear.gather [hbm4b:s7+s2], $0x80, $0x38;
	[tilespmem:$0x7080] =	vst v63  }
0x6a: {  	s4 =	rddreg [dreg:$0xa];
	s8 =	sadd.s32 s6, s8  }
0x6b: {  	[tilespmem:s30], [sflag:$0x1] =	stream.linear.gather [hbm4b:s8+s2], $0x80, $0x38;
	[tilespmem:$0x7080] =	vst v63  }
0x6c: {  	s7 =	sadd.s32 s6, s4;
	s8 =	rddreg [dreg:$0x9]  }
0x6d: {  	[tilespmem:s31], [sflag:$0x1] =	stream.linear.gather [hbm4b:s7+s2], $0x80, $0x38;
	[tilespmem:$0x7080] =	vst v63  }
0x6e: {  	s4 =	rddreg [dreg:$0x8];
	s8 =	sadd.s32 s6, s8  }
0x6f: {  	[tilespmem:s12], [sflag:$0x1] =	stream.linear.gather [hbm4b:s8+s2], $0x80, $0x38;
	[tilespmem:$0x7080] =	vst v63  }
0x70: {  	s7 =	sadd.s32 s6, s4;
	s4 =	rddreg [dreg:$0x7]  }
0x71: {  	[tilespmem:s11], [sflag:$0x1] =	stream.linear.gather [hbm4b:s7+s2], $0x80, $0x38;
	[tilespmem:$0x7080] =	vst v63  }
0x72: {  	s8 =	sadd.s32 s6, s4;
	s4 =	simm.s32 $0x6E80;
	s7 =	rddreg [dreg:$0x6]  }
0x73: {  	[tilespmem:s4], [sflag:$0x1] =	stream.linear.gather [hbm4b:s8+s2], $0x80, $0x38;
	[tilespmem:$0x7080] =	vst v63  }
0x74: {  	s7 =	sadd.s32 s6, s7;
	s8 =	rddreg [dreg:$0x5]  }
0x75: {  	[tilespmem:s10], [sflag:$0x1] =	stream.linear.gather [hbm4b:s7+s2], $0x80, $0x38;
	[tilespmem:$0x7080] =	vst v63  }
0x76: {  	s8 =	sadd.s32 s6, s8;
	s7 =	rddreg [dreg:$0x4]  }
0x77: {  	[tilespmem:s9], [sflag:$0x1] =	stream.linear.gather [hbm4b:s8+s2], $0x80, $0x38;
	[tilespmem:$0x7080] =	vst v63  }
0x78: {  	s7 =	sadd.s32 s6, s7;
	s8 =	simm.s32 $0x7000  }
0x79: {  	[tilespmem:s8], [sflag:$0x1] =	stream.linear.gather [hbm4b:s7+s2], $0x80, $0x38;
	[tilespmem:$0x7080] =	vst v63  }
0x7a: {  	_ =	swait.ge [sflag:s0], $0x80  }
0x7b: {  	[sflag:s0] =	ssyncset.done $0x0  }
0x7c: {  	[sflag:s0] =	ssyncadd.s32 $0xFFFFFF80  }
0x7d: {  	_ =	swait.ge [sflag:s0], $0x80  }
0x7e: {  	[sflag:s0] =	ssyncset.done $0x0  }
0x7f: {  	[sflag:s0] =	ssyncadd.s32 $0xFFFFFF80  }
0x80: {  	_ =	swait.ge [sflag:s0], $0x80  }
0x81: {  	[sflag:s0] =	ssyncset.done $0x0  }
0x82: {  	[sflag:s0] =	ssyncadd.s32 $0xFFFFFF80  }
0x83: {  	_ =	swait.ge [sflag:s0], $0x80  }
0x84: {  	[sflag:s0] =	ssyncset.done $0x0  }
0x85: {  	[sflag:s0] =	ssyncadd.s32 $0xFFFFFF80  }
0x86: {  	_ =	swait.ge [sflag:s0], $0x80  }
0x87: {  	[sflag:s0] =	ssyncset.done $0x0  }
0x88: {  	[sflag:s0] =	ssyncadd.s32 $0xFFFFFF80  }
0x89: {  	_ =	swait.ge [sflag:s0], $0x80  }
0x8a: {  	[sflag:s0] =	ssyncset.done $0x0  }
0x8b: {  	[sflag:s0] =	ssyncadd.s32 $0xFFFFFF80  }
0x8c: {  	_ =	swait.ge [sflag:s0], $0x80  }
0x8d: {  	[sflag:s0] =	ssyncset.done $0x0  }
0x8e: {  	[sflag:s0] =	ssyncadd.s32 $0xFFFFFF80  }
0x8f: {  	_ =	swait.ge [sflag:s0], $0x80  }
0x90: {  	[sflag:s0] =	ssyncset.done $0x0  }
0x91: {  	[sflag:s0] =	ssyncadd.s32 $0xFFFFFF80  }
0x92: {  	_ =	swait.ge [sflag:s0], $0x80  }
0x93: {  	[sflag:s0] =	ssyncset.done $0x0  }
0x94: {  	[sflag:s0] =	ssyncadd.s32 $0xFFFFFF80  }
0x95: {  	_ =	swait.ge [sflag:s0], $0x80  }
0x96: {  	[sflag:s0] =	ssyncset.done $0x0  }
0x97: {  	[sflag:s0] =	ssyncadd.s32 $0xFFFFFF80  }
0x98: {  	_ =	swait.ge [sflag:s0], $0x80  }
0x99: {  	[sflag:s0] =	ssyncset.done $0x0  }
0x9a: {  	[sflag:s0] =	ssyncadd.s32 $0xFFFFFF80  }
0x9b: {  	_ =	swait.ge [sflag:s0], $0x80  }
0x9c: {  	[sflag:s0] =	ssyncset.done $0x0  }
0x9d: {  	[sflag:s0] =	ssyncadd.s32 $0xFFFFFF80  }
0x9e: {  	_ =	swait.ge [sflag:s0], $0x80  }
0x9f: {  	[sflag:s0] =	ssyncset.done $0x0  }
0xa0: {  	[sflag:s0] =	ssyncadd.s32 $0xFFFFFF80  }
0xa1: {  	_ =	swait.ge [sflag:s0], $0x80  }
0xa2: {  	[sflag:s0] =	ssyncset.done $0x0  }
0xa3: {  	[sflag:s0] =	ssyncadd.s32 $0xFFFFFF80  }
0xa4: {  	_ =	swait.ge [sflag:s0], $0x80  }
0xa5: {  	[sflag:s0] =	ssyncset.done $0x0  }
0xa6: {  	[sflag:s0] =	ssyncadd.s32 $0xFFFFFF80  }
0xa7: {  	_ =	swait.ge [sflag:s0], $0x80  }
0xa8: {  	[sflag:s0] =	ssyncset.done $0x0  }
0xa9: {  	[sflag:s0] =	ssyncadd.s32 $0xFFFFFF80  }
0xaa: {  	_ =	swait.ge [sflag:s0], $0x80  }
0xab: {  	[sflag:s0] =	ssyncset.done $0x0  }
0xac: {  	[sflag:s0] =	ssyncadd.s32 $0xFFFFFF80  }
0xad: {  	_ =	swait.ge [sflag:s0], $0x80  }
0xae: {  	[sflag:s0] =	ssyncset.done $0x0  }
0xaf: {  	[sflag:s0] =	ssyncadd.s32 $0xFFFFFF80  }
0xb0: {  	_ =	swait.ge [sflag:s0], $0x80  }
0xb1: {  	[sflag:s0] =	ssyncset.done $0x0  }
0xb2: {  	[sflag:s0] =	ssyncadd.s32 $0xFFFFFF80  }
0xb3: {  	_ =	swait.ge [sflag:s0], $0x80  }
0xb4: {  	[sflag:s0] =	ssyncset.done $0x0  }
0xb5: {  	[sflag:s0] =	ssyncadd.s32 $0xFFFFFF80  }
0xb6: {  	_ =	swait.ge [sflag:s0], $0x80  }
0xb7: {  	[sflag:s0] =	ssyncset.done $0x0  }
0xb8: {  	[sflag:s0] =	ssyncadd.s32 $0xFFFFFF80  }
0xb9: {  	_ =	swait.ge [sflag:s0], $0x80  }
0xba: {  	[sflag:s0] =	ssyncset.done $0x0  }
0xbb: {  	[sflag:s0] =	ssyncadd.s32 $0xFFFFFF80  }
0xbc: {  	_ =	swait.ge [sflag:s0], $0x80  }
0xbd: {  	[sflag:s0] =	ssyncset.done $0x0  }
0xbe: {  	[sflag:s0] =	ssyncadd.s32 $0xFFFFFF80  }
0xbf: {  	_ =	swait.ge [sflag:s0], $0x80  }
0xc0: {  	[sflag:s0] =	ssyncset.done $0x0  }
0xc1: {  	[sflag:s0] =	ssyncadd.s32 $0xFFFFFF80  }
0xc2: {  	_ =	swait.ge [sflag:s0], $0x80  }
0xc3: {  	[sflag:s0] =	ssyncset.done $0x0  }
0xc4: {  	s7 =	rddreg [dreg:$0x1d];
	[sflag:s0] =	ssyncadd.s32 $0xFFFFFF80  }
0xc5: {  	[tilespmem:s2], [sflag:$0x1] =	stream.indirect.gather [hbm4b:s3+s1], $0x8, s13, s1, $0xb8;
	[tilespmem:$0x7080] =	vst v63  }
0xc6: {  	s8 =	rddreg [dreg:$0x1e]  }
0xc7: {  	[tilespmem:s7], [sflag:$0x1] =	stream.indirect.gather [hbm4b:s3+s1], $0x8, s14, s1, $0xb8;
	[tilespmem:$0x7080] =	vst v63  }
0xc8: {  	s13 =	rddreg [dreg:$0x1f]  }
0xc9: {  	[tilespmem:s8], [sflag:$0x1] =	stream.indirect.gather [hbm4b:s3+s1], $0x8, s15, s1, $0xb8;
	[tilespmem:$0x7080] =	vst v63  }
0xca: {  	s8 =	sld [smem:$0x7E8]  }
0xcb: {  	[tilespmem:s13], [sflag:$0x1] =	stream.indirect.gather [hbm4b:s3+s1], $0x8, s16, s1, $0xb8;
	[tilespmem:$0x7080] =	vst v63  }
0xcc: {  	s7 =	sld [smem:$0x7EA];
	s13 =	simm.s32 $0x6600  }
0xcd: {  	[tilespmem:s8], [sflag:$0x1] =	stream.indirect.gather [hbm4b:s3+s1], $0x8, s13, s1, $0xb8;
	[tilespmem:$0x7080] =	vst v63  }
0xce: {  	s8 =	sld [smem:$0x7EB]  }
0xcf: {  	[tilespmem:s7], [sflag:$0x1] =	stream.indirect.gather [hbm4b:s3+s1], $0x8, s17, s1, $0xb8;
	[tilespmem:$0x7080] =	vst v63  }
0xd0: {  	s13 =	sld [smem:$0x7EC]  }
0xd1: {  	[tilespmem:s8], [sflag:$0x1] =	stream.indirect.gather [hbm4b:s3+s1], $0x8, s18, s1, $0xb8;
	[tilespmem:$0x7080] =	vst v63  }
0xd2: {  	s8 =	sld [smem:$0x7ED]  }
0xd3: {  	[tilespmem:s13], [sflag:$0x1] =	stream.indirect.gather [hbm4b:s3+s1], $0x8, s19, s1, $0xb8;
	[tilespmem:$0x7080] =	vst v63  }
0xd4: {  	s13 =	sld [smem:$0x7EE]  }
0xd5: {  	[tilespmem:s8], [sflag:$0x1] =	stream.indirect.gather [hbm4b:s3+s1], $0x8, s20, s1, $0xb8;
	[tilespmem:$0x7080] =	vst v63  }
0xd6: {  	s8 =	sld [smem:$0x7EF]  }
0xd7: {  	[tilespmem:s13], [sflag:$0x1] =	stream.indirect.gather [hbm4b:s3+s1], $0x8, s21, s1, $0xb8;
	[tilespmem:$0x7080] =	vst v63  }
0xd8: {  	s13 =	sld [smem:$0x7F0]  }
0xd9: {  	[tilespmem:s8], [sflag:$0x1] =	stream.indirect.gather [hbm4b:s3+s1], $0x8, s22, s1, $0xb8;
	[tilespmem:$0x7080] =	vst v63  }
0xda: {  	s8 =	sld [smem:$0x7F1]  }
0xdb: {  	[tilespmem:s13], [sflag:$0x1] =	stream.indirect.gather [hbm4b:s3+s1], $0x8, s23, s1, $0xb8;
	[tilespmem:$0x7080] =	vst v63  }
0xdc: {  	s13 =	sld [smem:$0x7F2]  }
0xdd: {  	[tilespmem:s8], [sflag:$0x1] =	stream.indirect.gather [hbm4b:s3+s1], $0x8, s24, s1, $0xb8;
	[tilespmem:$0x7080] =	vst v63  }
0xde: {  	s8 =	sld [smem:$0x7F3]  }
0xdf: {  	[tilespmem:s13], [sflag:$0x1] =	stream.indirect.gather [hbm4b:s3+s1], $0x8, s25, s1, $0xb8;
	[tilespmem:$0x7080] =	vst v63  }
0xe0: {  	s13 =	sld [smem:$0x7F4]  }
0xe1: {  	[tilespmem:s8], [sflag:$0x1] =	stream.indirect.gather [hbm4b:s3+s1], $0x8, s26, s1, $0xb8;
	[tilespmem:$0x7080] =	vst v63  }
0xe2: {  	s8 =	sld [smem:$0x7F5]  }
0xe3: {  	[tilespmem:s13], [sflag:$0x1] =	stream.indirect.gather [hbm4b:s3+s1], $0x8, s28, s1, $0xb8;
	[tilespmem:$0x7080] =	vst v63  }
0xe4: {  	s13 =	sld [smem:$0x7F6]  }
0xe5: {  	[tilespmem:s8], [sflag:$0x1] =	stream.indirect.gather [hbm4b:s3+s1], $0x8, s29, s1, $0xb8;
	[tilespmem:$0x7080] =	vst v63  }
0xe6: {  	s8 =	sld [smem:$0x7F7]  }
0xe7: {  	[tilespmem:s13], [sflag:$0x1] =	stream.indirect.gather [hbm4b:s3+s1], $0x8, s30, s1, $0xb8;
	[tilespmem:$0x7080] =	vst v63  }
0xe8: {  	s13 =	sld [smem:$0x7F8]  }
0xe9: {  	[tilespmem:s8], [sflag:$0x1] =	stream.indirect.gather [hbm4b:s3+s1], $0x8, s31, s1, $0xb8;
	[tilespmem:$0x7080] =	vst v63  }
0xea: {  	s8 =	sld [smem:$0x7F9]  }
0xeb: {  	[tilespmem:s13], [sflag:$0x1] =	stream.indirect.gather [hbm4b:s3+s1], $0x8, s12, s1, $0xb8;
	[tilespmem:$0x7080] =	vst v63  }
0xec: {  	s13 =	sld [smem:$0x7FA]  }
0xed: {  	[tilespmem:s8], [sflag:$0x1] =	stream.indirect.gather [hbm4b:s3+s1], $0x8, s11, s1, $0xb8;
	[tilespmem:$0x7080] =	vst v63  }
0xee: {  	s8 =	sld [smem:$0x7FB]  }
0xef: {  	[tilespmem:s13], [sflag:$0x1] =	stream.indirect.gather [hbm4b:s3+s1], $0x8, s4, s1, $0xb8;
	[tilespmem:$0x7080] =	vst v63  }
0xf0: {  	s13 =	sld [smem:$0x7FC]  }
0xf1: {  	[tilespmem:s8], [sflag:$0x1] =	stream.indirect.gather [hbm4b:s3+s1], $0x8, s10, s1, $0xb8;
	[tilespmem:$0x7080] =	vst v63  }
0xf2: {  	s8 =	sld [smem:$0x7FD]  }
0xf3: {  	[tilespmem:s13], [sflag:$0x1] =	stream.indirect.gather [hbm4b:s3+s1], $0x8, s9, s1, $0xb8;
	[tilespmem:$0x7080] =	vst v63  }
0xf4: {  	s13 =	simm.s32 $0x7000  }
0xf5: {  	[tilespmem:s8], [sflag:$0x1] =	stream.indirect.gather [hbm4b:s3+s1], $0x8, s13, s1, $0xb8;
	[tilespmem:$0x7080] =	vst v63  }
0xf6: {  	_ =	swait.ge [sflag:s0], $0x400  }
0xf7: {  	[sflag:s0] =	ssyncset.done $0x0  }
0xf8: {  	[sflag:s0] =	ssyncadd.s32 $0xFFFFFC00  }
0xf9: {  	_ =	swait.ge [sflag:s0], $0x400  }
0xfa: {  	[sflag:s0] =	ssyncset.done $0x0  }
0xfb: {  	[sflag:s0] =	ssyncadd.s32 $0xFFFFFC00  }
0xfc: {  	_ =	swait.ge [sflag:s0], $0x400  }
0xfd: {  	[sflag:s0] =	ssyncset.done $0x0  }
0xfe: {  	[sflag:s0] =	ssyncadd.s32 $0xFFFFFC00  }
0xff: {  	_ =	swait.ge [sflag:s0], $0x400  }
0x100: {  	[sflag:s0] =	ssyncset.done $0x0  }
0x101: {  	[sflag:s0] =	ssyncadd.s32 $0xFFFFFC00  }
0x102: {  	_ =	swait.ge [sflag:s0], $0x400  }
0x103: {  	[sflag:s0] =	ssyncset.done $0x0  }
0x104: {  	[sflag:s0] =	ssyncadd.s32 $0xFFFFFC00  }
0x105: {  	_ =	swait.ge [sflag:s0], $0x400  }
0x106: {  	[sflag:s0] =	ssyncset.done $0x0  }
0x107: {  	[sflag:s0] =	ssyncadd.s32 $0xFFFFFC00  }
0x108: {  	_ =	swait.ge [sflag:s0], $0x400  }
0x109: {  	[sflag:s0] =	ssyncset.done $0x0  }
0x10a: {  	[sflag:s0] =	ssyncadd.s32 $0xFFFFFC00  }
0x10b: {  	_ =	swait.ge [sflag:s0], $0x400  }
0x10c: {  	[sflag:s0] =	ssyncset.done $0x0  }
0x10d: {  	[sflag:s0] =	ssyncadd.s32 $0xFFFFFC00  }
0x10e: {  	_ =	swait.ge [sflag:s0], $0x400  }
0x10f: {  	[sflag:s0] =	ssyncset.done $0x0  }
0x110: {  	[sflag:s0] =	ssyncadd.s32 $0xFFFFFC00  }
0x111: {  	_ =	swait.ge [sflag:s0], $0x400  }
0x112: {  	[sflag:s0] =	ssyncset.done $0x0  }
0x113: {  	[sflag:s0] =	ssyncadd.s32 $0xFFFFFC00  }
0x114: {  	_ =	swait.ge [sflag:s0], $0x400  }
0x115: {  	[sflag:s0] =	ssyncset.done $0x0  }
0x116: {  	[sflag:s0] =	ssyncadd.s32 $0xFFFFFC00  }
0x117: {  	_ =	swait.ge [sflag:s0], $0x400  }
0x118: {  	[sflag:s0] =	ssyncset.done $0x0  }
0x119: {  	[sflag:s0] =	ssyncadd.s32 $0xFFFFFC00  }
0x11a: {  	_ =	swait.ge [sflag:s0], $0x400  }
0x11b: {  	[sflag:s0] =	ssyncset.done $0x0  }
0x11c: {  	[sflag:s0] =	ssyncadd.s32 $0xFFFFFC00  }
0x11d: {  	_ =	swait.ge [sflag:s0], $0x400  }
0x11e: {  	[sflag:s0] =	ssyncset.done $0x0  }
0x11f: {  	[sflag:s0] =	ssyncadd.s32 $0xFFFFFC00  }
0x120: {  	_ =	swait.ge [sflag:s0], $0x400  }
0x121: {  	[sflag:s0] =	ssyncset.done $0x0  }
0x122: {  	[sflag:s0] =	ssyncadd.s32 $0xFFFFFC00  }
0x123: {  	_ =	swait.ge [sflag:s0], $0x400  }
0x124: {  	[sflag:s0] =	ssyncset.done $0x0  }
0x125: {  	[sflag:s0] =	ssyncadd.s32 $0xFFFFFC00  }
0x126: {  	_ =	swait.ge [sflag:s0], $0x400  }
0x127: {  	[sflag:s0] =	ssyncset.done $0x0  }
0x128: {  	[sflag:s0] =	ssyncadd.s32 $0xFFFFFC00  }
0x129: {  	_ =	swait.ge [sflag:s0], $0x400  }
0x12a: {  	[sflag:s0] =	ssyncset.done $0x0  }
0x12b: {  	[sflag:s0] =	ssyncadd.s32 $0xFFFFFC00  }
0x12c: {  	_ =	swait.ge [sflag:s0], $0x400  }
0x12d: {  	[sflag:s0] =	ssyncset.done $0x0  }
0x12e: {  	[sflag:s0] =	ssyncadd.s32 $0xFFFFFC00  }
0x12f: {  	_ =	swait.ge [sflag:s0], $0x400  }
0x130: {  	[sflag:s0] =	ssyncset.done $0x0  }
0x131: {  	[sflag:s0] =	ssyncadd.s32 $0xFFFFFC00  }
0x132: {  	_ =	swait.ge [sflag:s0], $0x400  }
0x133: {  	[sflag:s0] =	ssyncset.done $0x0  }
0x134: {  	[sflag:s0] =	ssyncadd.s32 $0xFFFFFC00  }
0x135: {  	_ =	swait.ge [sflag:s0], $0x400  }
0x136: {  	[sflag:s0] =	ssyncset.done $0x0  }
0x137: {  	[sflag:s0] =	ssyncadd.s32 $0xFFFFFC00  }
0x138: {  	_ =	swait.ge [sflag:s0], $0x400  }
0x139: {  	[sflag:s0] =	ssyncset.done $0x0  }
0x13a: {  	[sflag:s0] =	ssyncadd.s32 $0xFFFFFC00  }
0x13b: {  	_ =	swait.ge [sflag:s0], $0x400  }
0x13c: {  	[sflag:s0] =	ssyncset.done $0x0  }
0x13d: {  	[sflag:s0] =	ssyncadd.s32 $0xFFFFFC00  }
0x13e: {  	_ =	swait.ge [sflag:s0], $0x400  }
0x13f: {  	[sflag:s0] =	ssyncset.done $0x0  }
0x140: {  	s4 =	simm.s32 $0x2;
	[sflag:s0] =	ssyncadd.s32 $0xFFFFFC00  }
0x141: {  	[hbm4b:s5+s2] =	stream.linear.scatter [tilespmem:s2], [sflag:$0x2], $0x6400, $0x38;
	[tilespmem:$0x7080] =	vst v63  }
0x142: {  	_ =	swait.ge [sflag:s4], $0x6400  }
0x143: {  	s6 =	sadd.s32 $0x3200, s6;
	s13 =	rddreg [dreg:$0x3]  }
0x144: {  	p0 =	sne.s32 s13, s6  }
.Ltmp0:
0x145: {  	_ = 	snop;
	(pc) =	sbr.rel @p0 .LBB2_2-.Ltmp0, $3  }
0x146: {  	_ =	sdelay $0x1  }
0x147: {  	[sflag:s4] =	ssyncset.done $0x0  }
0x148: {  	s5 =	sadd.s32 $0x19000, s5;
	[sflag:s4] =	ssyncadd.s32 $0xFFFF9C00  }
0x149: {  	s6 =	sld [smem:$0x7E6]  }
0x14a: {  	s5 =	sld [smem:$0x7E7];
	_ =	sdelay $0x1  }
0x14b: {  	s6 =	sadd.s32 $0x1, s6  }
0x14c: {  	p0 =	sne.s32 s6, s5  }
.Ltmp1:
0x14d: {  	_ = 	snop;
	(pc) =	sbr.rel @p0 .LBB2_1-.Ltmp1, $1  }
0x14e: {  	_ =	sdelay $0x3  }
0x14f: {  	_ =	sfence.sel $0x180000  }
0x150: {  	[bflag:$0x0] =	sbarrier.arrive $0xFFFF  }
0x151: {  	_ =	strace $0x9000004A  }
0x152: {  	s0 =	stileid.u32;
	[bflag:$0x2] =	sbarrier.arrive $0xFFFF  }
0x153: {  	p0 =	sne.s32 s0, $0x0;
	s0 =	rddreg [dreg:$0x2]  }
0x154: {  	s0 =	sadd.s32 @!p0 $0x100000, s0  }
0x155: {  	[sflag:s0] =	ssyncadd.tile.s32 @!p0 $0x1;
	_ =	shalt  }
.Lfunc_end2:
_tile_overlayer_lowered:
.L_overlay_start_2:
0x156: {  	(tag) =	ssettag $0x2  }
0x157: {  	s0 =	rddreg [dreg:$0x0];
	s2 =	stileid.u32  }
0x158: {  	s1 =	rddreg [dreg:$0x1];
	p0 =	sne.s32 s2, $0x0  }
0x159: {  	s3 =	rddreg [dreg:$0x2];
	[bflag:$0x3] =	sbarrier.arrive $0xFFFF;
	s2 =	simm.s32 @!p0 $0x1C02  }
0x15a: {  	[timem:s3], [sflag:s2] =	dma.local @!p0 [hbm:s0], s1  }
0x15b: {  	s0 =	simm.s32 @!p0 $0x2  }
0x15c: {  	_ =	swait.ge @!p0 [sflag:s0], s1  }
0x15d: {  	s1 =	ssub.s32 @!p0 $0x0, s1;
	[sflag:s0] =	ssyncset.done @!p0 $0x0  }
0x15e: {  	[sflag:s0] =	ssyncadd.s32 @!p0 s1  }
0x15f: {  	[bflag:$0x3] =	sbarrier.arrive $0xFFFF  }
0x160: {  	_ =	shalt  }

// kernel: kernel.7.cloned.1.call-start
scs
__scs_entry_jumppad:
0x0: {  	(pc) =	sbr.rel $0x88, $3  }
0x1: {  	(tag) =	ssettag $0x0;
	lr =	simm.s32 $0x1  }
0x2: {  	[smem:$0x3F9F] =	sst lr;
	_ =	strace $0xD0000000  }
0x3: {  	_ = 	snop  }
0x4: {  	_ = 	snop  }
0x5: {  	_ = 	snop  }
0x6: {  	_ = 	snop  }
0x7: {  	_ = 	snop  }
__scs_overlays_trampoline_lowered:
0x8: {  	[smem:$0x3FAE] =	sst s0  }
0x9: {  	[smem:$0x3FAF] =	sst s1  }
0xa: {  	[smem:$0x3FB0] =	sst s2  }
0xb: {  	[smem:$0x3FB1] =	sst s3  }
0xc: {  	[smem:$0x3FB2] =	sst s4  }
0xd: {  	[smem:$0x3FB3] =	sst s5  }
0xe: {  	[smem:$0x3FB4] =	sst s6  }
0xf: {  	[smem:$0x3FB5] =	sst s7  }
0x10: {  	[smem:$0x3FB6] =	sst s8  }
0x11: {  	[smem:$0x3FB7] =	sst s9;
	s0 =	simm.s32 @!p0 $0x0  }
0x12: {  	s1 =	sld [smem:$0x3F9D];
	s0 =	simm.s32 @p0 $0x1  }
0x13: {  	[smem:$0x3FB8] =	sst s0;
	s0 =	simm.s32 @!p1 $0x0  }
0x14: {  	s2 =	sld [smem:$0x3F9C];
	s0 =	simm.s32 @p1 $0x1  }
0x15: {  	[smem:$0x3FB9] =	sst s0;
	s0 =	simm.s32 @!p2 $0x0  }
0x16: {  	s3 =	sld [smem:$0x3FDB];
	s0 =	simm.s32 @p2 $0x1  }
0x17: {  	s4 =	simm.s32 $0x1BF5;
	[smem:$0x3FBB] =	sst s0  }
0x18: {  	s0 =	sld [smem:$0x3F9E];
	_ =	swait.ge [sflag:s4], $0x0  }
0x19: {  	s7 =	sld [smem:$0x3F9F]  }
0x1a: {  	s8 =	sadd.s32 $0xFFFFE003, lr  }
0x1b: {  	s9 =	sadd.s32 $0xFFFFFEF7, lr;
	s5 =	simm.s32 $0xFFFFFFFF;
	p2 =	slt.u32 s8, $0xFFFFF086  }
0x1c: {  	p1 =	slt.u32 s9, $0xF7A;
	s5 =	simm.s32 @!p2 $0x0  }
0x1d: {  	s5 =	simm.s32 @p1 $0x1;
	p0 =	seq.s32 s7, s2  }
0x1e: {  	s7 =	smul.u32 @!p0 $0xF7A, s2;
	p2 =	seq.s32 @!p0 s5, $0x0  }
0x1f: {  	s9 =	smul.u32 $0xF7A, s1;
	s8 =	simm.s32 @!p0 $0x1BF5;
	p2 =	por !p2, p0  }
0x20: {  	[sflag:s8] =	ssyncset.s32 @!p0 $0xFFFFF086;
	s6 =	sadd.s32 @!p0 s3, s7;
	s7 =	simm.s32 @!p0 $0x108  }
0x21: {  	s3 =	sadd.s32 s3, s9;
	s6 =	sadd.s32 @!p0 $0x88, s6;
	s7 =	simm.s32 @p2 $0x1082  }
0x22: {  	[simem:s7], [sflag:s8] =	dma.local @!p0 [hbm:s6], $0xF7A  }
0x23: {  	s9 =	sor.u32 $0xD0000000, s2;
	s6 =	simm.s32 $0x108;
	_ =	swait.ge @!p0 [sflag:s8], $0x0  }
0x24: {  	s3 =	sadd.s32 $0x88, s3;
	s6 =	simm.s32 @!p1 $0x1082;
	[sflag:s4] =	ssyncset.s32 $0xFFFFF086  }
0x25: {  	[simem:s6], [sflag:s4] =	dma.local [hbm:s3], $0xF7A  }
0x26: {  	[smem:$0x3F9F] =	sst s1;
	(tag) =	ssettag s2;
	_ =	strace s9  }
0x27: {  	s1 =	sld [smem:$0x3FAF]  }
0x28: {  	s2 =	sld [smem:$0x3FB0]  }
0x29: {  	s4 =	sld [smem:$0x3FB2]  }
0x2a: {  	p0 =	seq.s32 s5, $0x0;
	s5 =	sld [smem:$0x3FB3]  }
0x2b: {  	s6 =	sld [smem:$0x3FB4]  }
0x2c: {  	s7 =	sld [smem:$0x3FB5]  }
0x2d: {  	s3 =	simm.s32 $0x108;
	s8 =	sld [smem:$0x3FB6]  }
0x2e: {  	s3 =	simm.s32 @!p0 $0x1082;
	s9 =	sld [smem:$0x3FB7]  }
0x2f: {  	lr =	sadd.s32 s0, s3;
	s0 =	sld [smem:$0x3FAE]  }
0x30: {  	s3 =	sld [smem:$0x3FB1]  }
0x31: {  	[smem:$0x3FBA] =	sst s10  }
0x32: {  	s10 =	sld [smem:$0x3FB8];
	_ =	sdelay $0x3  }
0x33: {  	p0 =	seq.s32 s10, $0x1;
	s10 =	sld [smem:$0x3FBA];
	_ =	sdelay $0x3  }
0x34: {  	[smem:$0x3FBA] =	sst s10  }
0x35: {  	s10 =	sld [smem:$0x3FB9];
	_ =	sdelay $0x3  }
0x36: {  	p1 =	seq.s32 s10, $0x1;
	s10 =	sld [smem:$0x3FBA];
	_ =	sdelay $0x3  }
0x37: {  	[smem:$0x3FBA] =	sst s10  }
0x38: {  	s10 =	sld [smem:$0x3FBB]  }
0x39: {  	_ = 	snop;
	(pc) =	sbr.ind lr, $3  }
0x3a: {  	_ = 	snop  }
0x3b: {  	_ = 	snop  }
0x3c: {  	p2 =	seq.s32 s10, $0x1;
	s10 =	sld [smem:$0x3FBA]  }
0x3d: {  	_ =	shalt  }
0x3e: {  	_ =	shalt  }
0x3f: {  	_ =	shalt  }
0x40: {  	_ =	shalt  }
0x41: {  	_ =	shalt  }
0x42: {  	_ =	shalt  }
0x43: {  	_ =	shalt  }
0x44: {  	_ =	shalt  }
0x45: {  	_ =	shalt  }
0x46: {  	_ =	shalt  }
0x47: {  	_ =	shalt  }
0x48: {  	_ =	shalt  }
0x49: {  	_ =	shalt  }
0x4a: {  	_ =	shalt  }
0x4b: {  	_ =	shalt  }
0x4c: {  	_ =	shalt  }
0x4d: {  	_ =	shalt  }
0x4e: {  	_ =	shalt  }
0x4f: {  	_ =	shalt  }
0x50: {  	_ =	shalt  }
0x51: {  	_ =	shalt  }
0x52: {  	_ =	shalt  }
0x53: {  	_ =	shalt  }
0x54: {  	_ =	shalt  }
0x55: {  	_ =	shalt  }
0x56: {  	_ =	shalt  }
0x57: {  	_ =	shalt  }
0x58: {  	_ =	shalt  }
0x59: {  	_ =	shalt  }
0x5a: {  	_ =	shalt  }
0x5b: {  	_ =	shalt  }
0x5c: {  	_ =	shalt  }
0x5d: {  	_ =	shalt  }
0x5e: {  	_ =	shalt  }
0x5f: {  	_ =	shalt  }
0x60: {  	_ =	shalt  }
0x61: {  	_ =	shalt  }
0x62: {  	_ =	shalt  }
0x63: {  	_ =	shalt  }
0x64: {  	_ =	shalt  }
0x65: {  	_ =	shalt  }
0x66: {  	_ =	shalt  }
0x67: {  	_ =	shalt  }
0x68: {  	_ =	shalt  }
0x69: {  	_ =	shalt  }
0x6a: {  	_ =	shalt  }
0x6b: {  	_ =	shalt  }
0x6c: {  	_ =	shalt  }
0x6d: {  	_ =	shalt  }
0x6e: {  	_ =	shalt  }
0x6f: {  	_ =	shalt  }
0x70: {  	_ =	shalt  }
0x71: {  	_ =	shalt  }
0x72: {  	_ =	shalt  }
0x73: {  	_ =	shalt  }
0x74: {  	_ =	shalt  }
0x75: {  	_ =	shalt  }
0x76: {  	_ =	shalt  }
0x77: {  	_ =	shalt  }
0x78: {  	_ =	shalt  }
0x79: {  	_ =	shalt  }
0x7a: {  	_ =	shalt  }
0x7b: {  	_ =	shalt  }
0x7c: {  	_ =	shalt  }
0x7d: {  	_ =	shalt  }
0x7e: {  	_ =	shalt  }
0x7f: {  	_ =	shalt  }
0x80: {  	_ =	shalt  }
0x81: {  	_ =	shalt  }
0x82: {  	_ =	shalt  }
0x83: {  	_ =	shalt  }
0x84: {  	_ =	shalt  }
0x85: {  	_ =	shalt  }
0x86: {  	_ =	shalt  }
0x87: {  	_ =	shalt  }
.Lfunc_end0:
.L_simem_size_0:
called_computation.1_lowered:
.L_overlay_start_0:
0x88: {  	s2 =	sld [smem:$0x3FD9]  }
0x89: {  	s3 =	sld [smem:$0x3FFE];
	_ =	sdelay $0x1  }
0x8a: {  	s1 =	srdreg.scid  }
0x8b: {  	s0 =	sand.u32 $0x1, s1  }
0x8c: {  	s17 =	sshll.u32 s0, $0xA;
	s2 =	sadd.s32 s3, s2  }
0x8d: {  	s2 =	sadd.s32 s2, s17  }
0x8e: {  	[smem:$0x3FC6] =	sst s2  }
0x8f: {  	_ = 	snop  }
0x90: {  	s2 =	sld [smem:$0x3FD0];
	(tm) =	ssettm $0x1  }
0x91: {  	s18 =	sld [smem:$0x3FFB];
	_ =	sdelay $0x3  }
0x92: {  	_ =	strace s18  }
0x93: {  	s3 =	sld [smem:$0x3FFC];
	_ =	sdelay $0x3  }
0x94: {  	_ =	strace s3  }
0x95: {  	s3 =	sld [smem:$0x3FFD];
	_ =	sdelay $0x3  }
0x96: {  	_ =	strace s3  }
0x97: {  	_ =	strace $0x8FFFFFFF  }
0x98: {  	s19 =	sld [smem:$0x3FDB];
	_ =	sdelay $0x1  }
0x99: {  	s4 =	simm.s32 $_scs_section_size  }
0x9a: {  	s5 =	simm.s32 $_size__tile_overlayer_lowered;
	s6 =	simm.s32 $_tile_overlayer_lowered  }
0x9b: {  	s22 =	simm.s32 $0x1BFF;
	s21 =	sshll.u32 s6, $0x1;
	s3 =	sadd.s32 s4, s19  }
0x9c: {  	s7 =	simm.s32 $0x0;
	s20 =	sshll.u32 s5, $0x1;
	s5 =	sadd.s32 s21, s3  }
0x9d: {  	[timem:s7], [sflag:s22] =	dma.local [hbm:s5], s20  }
0x9e: {  	_ =	swait.ge [sflag:s22], s20  }
0x9f: {  	s4 =	ssub.s32 $0x0, s20;
	[sflag:s22] =	ssyncset.done $0x0  }
0xa0: {  	[sflag:s22] =	ssyncadd.s32 s4;
	_ =	sdelay $0x1  }
0xa1: {  	s23 =	simm.s32 $0x1B8B  }
0xa2: {  	_ =	swait.ge [sflag:s23], $0x1  }
0xa3: {  	[sflag:s23] =	ssyncset.done $0x0  }
0xa4: {  	s25 =	simm.s32 $0x1B8E;
	s24 =	sld [smem:$0x3FFE];
	[sflag:s23] =	ssyncadd.s32 $0xFFFFFFFF  }
0xa5: {  	s26 =	simm.s32 $execute0_lowered;
	[smem:$0x3FD2] =	sst s25  }
0xa6: {  	s5 =	sshll.u32 s26, $0x1;
	_ =	strace $0x80000046;
	[dreg:$0x1] =	wrdreg $0xFFFFFFFF  }
0xa7: {  	s28 =	simm.s32 $_size_execute0_lowered;
	s3 =	sadd.s32 s3, s5;
	[dreg:$0x0] =	wrdreg $0x0  }
0xa8: {  	s5 =	sshll.u32 s28, $0x1;
	[dreg:$0x2] =	wrdreg s3  }
0xa9: {  	[dreg:$0x3] =	wrdreg s5  }
0xaa: {  	[dreg:$0x4] =	wrdreg $0xC0  }
0xab: {  	_ =	task [dreg:s7], $0x5FFFF  }
0xac: {  	[dreg:$0x1] =	wrdreg $0xFFFFFFFF  }
0xad: {  	[dreg:$0x0] =	wrdreg $0x60  }
0xae: {  	[dreg:$0x2] =	wrdreg s2  }
0xaf: {  	[dreg:$0x3] =	wrdreg s24  }
0xb0: {  	[dreg:$0x4] =	wrdreg $0x0  }
0xb1: {  	[dreg:$0x5] =	wrdreg $0x9  }
0xb2: {  	_ =	task.clear_ibuf [dreg:s7], $0x6FFFF;
	_ =	strace $0x90000046  }
0xb3: {  	s29 =	simm.s32 $0x9;
	_ =	strace $0x80000048  }
0xb4: {  	_ =	swait.ge [sflag:s29], $0x1  }
0xb5: {  	[sflag:s29] =	ssyncadd.s32 $0xFFFFFFFF  }
0xb6: {  	_ =	strace $0x90000048  }
0xb7: {  	_ =	sfence  }
0xb8: {  	s30 =	sld [smem:$0x0];
	_ =	sdelay $0x2  }
0xb9: {  	s31 =	sshll.u32 s1, $0xD;
	s1 =	sshrl.u32 s1, $0x2  }
0xba: {  	s3 =	sand.u32 $0x4000, s31;
	s1 =	sadd.s32 s1, s30  }
0xbb: {  	s0 =	sor.u32 s3, s0;
	s1 =	sshll.u32 s1, $0x11  }
0xbc: {  	s0 =	sor.u32 s1, s0  }
0xbd: {  	s0 =	sadd.s32 $0x8F2B, s0  }
0xbe: {  	[sflag:s0] =	ssyncadd.remote.s32 $0x1  }
0xbf: {  	_ =	sfence.sel $0xFFFF  }
0xc0: {  	[dreg:$0x0] =	wrdreg $0xFFFFFFFF;
	(pc) =	sbr.abs _section_cstart, $3  }
0xc1: {  	[dreg:$0x1] =	wrdreg $0xFFFFFFFF  }
0xc2: {  	_ =	task.clear_ibuf [dreg:s7], $0x2FFFF;
	_ =	strace $0x9FFFFFFF  }
0xc3: {  	(tm) =	ssettm $0x7FFFFFFF  }
tec
execute0_lowered:
.L_overlay_start_1:
0x0: {  	(tag) =	ssettag $0x1  }
0x1: {  	s6 =	rddreg [dreg:$0x0];
	s0 =	srdreg.scid  }
0x2: {  	s10 =	stileid.u32;
	s5 =	rddreg [dreg:$0x1]  }
0x3: {  	s2 =	rddreg [dreg:$0x2];
	s3 =	simm.s32 $0x0;
	s25 =	smul.u32 $0xC800, s10  }
0x4: {  	s28 =	simm.s32 $0x1EFA0;
	s29 =	simm.s32 $0x1F020;
	s1 =	smul.u32 $0xC350, s10  }
0x5: {  	s30 =	simm.s32 $0x1F0A0;
	s4 =	sand.u32 $0x1, s0;
	s8 =	smul.u32 $0x1900, s10  }
0x6: {  	s31 =	simm.s32 $0x1F120;
	[smem:$0x7FF] =	sst s3;
	s7 =	smul.u32 $0x6400, s4  }
0x7: {  	p0 =	slt.u32 s10, $0x8;
	s10 =	simm.s32 $0xC4E00;
	s9 =	smul.u32 $0xC80, s4  }
0x8: {  	_ =	strace $0x80000047;
	s10 =	simm.s32 @!p0 $0xC1C00;
	s26 =	sshrl.u32 s1, $0x3  }
0x9: {  	[dreg:$0x4] =	wrdreg s10;
	s0 =	sadd.s32 s7, s25;
	s7 =	sadd.s32 s26, s5  }
0xa: {  	s9 =	sadd.s32 s9, s8;
	s8 =	smul.u32 $0xC3500, s4;
	s4 =	ssub.s32 $0x2, s4  }
0xb: {  	s0 =	sshrl.u32 s0, $0x3;
	s11 =	sadd.s32 $0xC00, s9;
	s12 =	sadd.s32 $0xB80, s9  }
0xc: {  	s16 =	sadd.s32 $0xA80, s9;
	s18 =	sadd.s32 $0xA00, s9;
	s19 =	sadd.s32 $0x980, s9  }
0xd: {  	s23 =	sadd.s32 $0x900, s9;
	s25 =	sadd.s32 $0x880, s9;
	s26 =	sadd.s32 $0x800, s9  }
0xe: {  	s7 =	sadd.s32 $0x928C00, s7;
	s0 =	sadd.s32 s0, s5;
	s11 =	sshrl.u32 s11, $0x3  }
0xf: {  	s17 =	sshrl.u32 s16, $0x3;
	s21 =	sshrl.u32 s19, $0x3;
	s24 =	sshrl.u32 s23, $0x3  }
0x10: {  	s16 =	sadd.s32 $0x780, s9;
	s19 =	sadd.s32 $0x680, s9;
	s23 =	sadd.s32 $0x600, s9  }
0x11: {  	s8 =	sadd.s32 s1, s8;
	[smem:$0x7E5] =	sst s7;
	s7 =	simm.s32 $0xE350  }
0x12: {  	s10 =	sadd.s32 s11, s6;
	s11 =	sshrl.u32 s12, $0x3;
	s12 =	sadd.s32 $0xB00, s9  }
0x13: {  	s22 =	sadd.s32 s21, s6;
	s21 =	sshrl.u32 s19, $0x3;
	[smem:$0x7EB] =	sst s7  }
0x14: {  	s8 =	sshrl.u32 s8, $0x3;
	s0 =	sadd.s32 $0x1000, s0;
	[dreg:$0x5] =	wrdreg s10  }
0x15: {  	s7 =	simm.s32 $0x1F3A0;
	s13 =	sadd.s32 s11, s6;
	[dreg:$0xa] =	wrdreg s22  }
0x16: {  	s14 =	sshrl.u32 s12, $0x3;
	s10 =	sadd.s32 s17, s6;
	[smem:$0x7EC] =	sst s0  }
0x17: {  	s11 =	sshrl.u32 s18, $0x3;
	s17 =	sshrl.u32 s16, $0x3;
	[dreg:$0x6] =	wrdreg s13  }
0x18: {  	s18 =	sadd.s32 $0x700, s9;
	s22 =	sadd.s32 s21, s6;
	[dreg:$0x8] =	wrdreg s10  }
0x19: {  	s5 =	sadd.s32 s8, s5;
	s8 =	simm.s32 $0xE750;
	[dreg:$0x10] =	wrdreg s22  }
0x1a: {  	s21 =	sadd.s32 $0x300, s9;
	s15 =	sadd.s32 s14, s6;
	[smem:$0x7ED] =	sst s8  }
0x1b: {  	s20 =	sadd.s32 s11, s6;
	s10 =	sadd.s32 s24, s6;
	[dreg:$0x7] =	wrdreg s15  }
0x1c: {  	s11 =	sshrl.u32 s25, $0x3;
	s14 =	sshrl.u32 s26, $0x3;
	[dreg:$0x9] =	wrdreg s20  }
0x1d: {  	s22 =	sshrl.u32 s21, $0x3;
	s21 =	simm.s32 $0xCB50;
	[dreg:$0xb] =	wrdreg s10  }
0x1e: {  	s24 =	sshrl.u32 s23, $0x3;
	s5 =	sadd.s32 $0x941400, s5;
	[dreg:$0x1f] =	wrdreg s21  }
0x1f: {  	s25 =	sadd.s32 $0x580, s9;
	s13 =	sadd.s32 s11, s6;
	[smem:$0x7E8] =	sst s5  }
0x20: {  	s26 =	sadd.s32 $0x500, s9;
	s15 =	sadd.s32 s14, s6;
	[dreg:$0xc] =	wrdreg s13  }
0x21: {  	s10 =	sadd.s32 s17, s6;
	s11 =	sshrl.u32 s18, $0x3;
	[dreg:$0xd] =	wrdreg s15  }
0x22: {  	s12 =	sshrl.u32 s26, $0x3;
	s21 =	simm.s32 $0x10F50;
	[dreg:$0xe] =	wrdreg s10  }
0x23: {  	s14 =	sadd.s32 $0x480, s9;
	s20 =	sadd.s32 s11, s6;
	[smem:$0x7F7] =	sst s21  }
0x24: {  	s17 =	sadd.s32 $0x380, s9;
	s10 =	sadd.s32 s24, s6;
	[dreg:$0xf] =	wrdreg s20  }
0x25: {  	s11 =	sshrl.u32 s25, $0x3;
	s13 =	sadd.s32 s12, s6;
	[dreg:$0x11] =	wrdreg s10  }
0x26: {  	s15 =	sshrl.u32 s14, $0x3;
	s11 =	sadd.s32 s11, s6;
	[dreg:$0x13] =	wrdreg s13  }
0x27: {  	s19 =	sshrl.u32 s17, $0x3;
	s10 =	sadd.s32 s15, s6;
	[dreg:$0x12] =	wrdreg s11  }
0x28: {  	s24 =	sadd.s32 $0x200, s9;
	s20 =	sadd.s32 s19, s6;
	[dreg:$0x14] =	wrdreg s10  }
0x29: {  	s26 =	sshrl.u32 s24, $0x3;
	s24 =	simm.s32 $0xD350;
	[dreg:$0x16] =	wrdreg s20  }
0x2a: {  	s16 =	sadd.s32 $0x400, s9;
	s10 =	sadd.s32 s22, s6;
	[smem:$0x7E4] =	sst s24  }
0x2b: {  	s0 =	simm.s32 $0x0;
	s12 =	sadd.s32 s26, s6;
	[dreg:$0x17] =	wrdreg s10  }
0x2c: {  	s23 =	sadd.s32 $0x280, s9;
	s20 =	simm.s32 $0xC750;
	[dreg:$0x19] =	wrdreg s12  }
0x2d: {  	s8 =	simm.s32 $0x1F420;
	s22 =	simm.s32 $0xCF50;
	[dreg:$0x1e] =	wrdreg s20  }
0x2e: {  	s13 =	sadd.s32 $0x180, s9;
	s26 =	simm.s32 $0xDB50;
	[smem:$0x7E3] =	sst s22  }
0x2f: {  	s11 =	sshrl.u32 s16, $0x3;
	s24 =	simm.s32 $0x11B50;
	[smem:$0x7E7] =	sst s26  }
0x30: {  	s14 =	sshrl.u32 s13, $0x3;
	s18 =	sadd.s32 s11, s6;
	[smem:$0x7FA] =	sst s24  }
0x31: {  	s5 =	simm.s32 $0x1;
	s10 =	sadd.s32 s14, s6;
	[dreg:$0x15] =	wrdreg s18  }
0x32: {  	s21 =	simm.s32 $0x1EBA0;
	s14 =	simm.s32 $0xF350;
	[dreg:$0x1a] =	wrdreg s10  }
0x33: {  	s15 =	sadd.s32 $0x100, s9;
	s20 =	simm.s32 $0x10B50;
	[smem:$0x7F0] =	sst s14  }
0x34: {  	s16 =	sadd.s32 $0x80, s9;
	s22 =	simm.s32 $0x11350;
	[smem:$0x7F6] =	sst s20  }
0x35: {  	s11 =	sshrl.u32 s23, $0x3;
	s26 =	simm.s32 $0x12350;
	[smem:$0x7F8] =	sst s22  }
0x36: {  	s9 =	sshrl.u32 s9, $0x3;
	s25 =	sadd.s32 s11, s6;
	[smem:$0x7FC] =	sst s26  }
0x37: {  	s23 =	sshrl.u32 s4, $0x1;
	s10 =	simm.s32 $0xEF50;
	[dreg:$0x18] =	wrdreg s25  }
0x38: {  	s11 =	sshrl.u32 s15, $0x3;
	s15 =	simm.s32 $0xF750;
	[smem:$0x7EF] =	sst s10  }
0x39: {  	s18 =	sshrl.u32 s16, $0x3;
	s16 =	simm.s32 $0xFB50;
	[smem:$0x7F1] =	sst s15  }
0x3a: {  	s4 =	ssub.s32 s4, s23;
	s23 =	simm.s32 $0x11750;
	[smem:$0x7F2] =	sst s16  }
0x3b: {  	s13 =	simm.s32 $0x2;
	s17 =	sadd.s32 s11, s6;
	[smem:$0x7F9] =	sst s23  }
0x3c: {  	s12 =	simm.s32 $0x12750;
	s19 =	sadd.s32 s18, s6;
	[dreg:$0x1b] =	wrdreg s17  }
0x3d: {  	s24 =	simm.s32 $0x1EE20;
	s6 =	sadd.s32 s9, s6;
	[dreg:$0x1c] =	wrdreg s19  }
0x3e: {  	s20 =	simm.s32 $0x1EB20;
	s25 =	simm.s32 $0xD750;
	[dreg:$0x1d] =	wrdreg s6  }
0x3f: {  	s22 =	simm.s32 $0x1EC20;
	s4 =	smax.u32 s4, $0x1;
	[smem:$0x7E6] =	sst s25  }
0x40: {  	s26 =	simm.s32 $0x1EF20;
	s9 =	simm.s32 $0xEB50;
	[smem:$0x7EA] =	sst s4  }
0x41: {  	s14 =	simm.s32 $0x1F4A0;
	s18 =	simm.s32 $0x10350;
	[smem:$0x7EE] =	sst s9  }
0x42: {  	s11 =	sadd.s32 s1, s2;
	s23 =	simm.s32 $0x1EDA0;
	[smem:$0x7F4] =	sst s18  }
0x43: {  	s15 =	simm.s32 $0x1F520;
	s6 =	simm.s32 $0xDF50;
	[smem:$0x7FD] =	sst s11  }
0x44: {  	s16 =	simm.s32 $0x1F5A0;
	s17 =	simm.s32 $0xFF50;
	[smem:$0x7E9] =	sst s6  }
0x45: {  	s1 =	simm.s32 $0x1F620;
	s19 =	simm.s32 $0x10750;
	[smem:$0x7F3] =	sst s17  }
0x46: {  	s25 =	simm.s32 $0x11F50;
	s9 =	simm.s32 $0x80;
	[smem:$0x7F5] =	sst s19  }
0x47: {  	s18 =	simm.s32 $0x1F1A0;
	s4 =	simm.s32 $0x1F2A0;
	[smem:$0x7FB] =	sst s25  }
0x48: {  	s25 =	simm.s32 $0x1EEA0;
	s17 =	simm.s32 $0x1F220;
	s6 =	simm.s32 $0x1F320  }
.LBB2_1:
0x49: {  	s10 =	sld [smem:$0x7E5];
	_ =	sdelay $0x1  }
0x4a: {  	[smem:$0x7E2] =	sst s0  }
0x4b: {  	[tilespmem:s12], [sflag:$0x2] =	stream.linear.gather [hbm4b:s10+s3], $0xC350, $0x38;
	[tilespmem:$0x1F720] =	vst v63  }
0x4c: {  	_ =	swait.ge [sflag:s13], $0xC350  }
0x4d: {  	[sflag:s13] =	ssyncset.done $0x0  }
0x4e: {  	[sflag:s13] =	ssyncadd.s32 $0xFFFF3CB0  }
0x4f: {  	[spmem:s11] =	stream.linear.scatter [tilespmem:s12], [sflag:$0x2], $0xC350, $0x38;
	[tilespmem:$0x1F720] =	vst v63  }
0x50: {  	_ =	swait.ge [sflag:s13], $0xC350  }
0x51: {  	[sflag:s13] =	ssyncset.done $0x0  }
0x52: {  	[sflag:s13] =	ssyncadd.s32 $0xFFFF3CB0  }
0x53: {  	[bflag:$0x0] =	sbarrier.arrive $0xFFFF  }
0x54: {  	s11 =	simm.s32 $0x0;
	s10 =	sld [smem:$0x7EC]  }
.LBB2_2:
0x55: {  	s12 =	rddreg [dreg:$0x1d]  }
0x56: {  	s13 =	rddreg [dreg:$0x1c];
	s19 =	simm.s32 $0x1EAA0;
	s12 =	sadd.s32 s11, s12  }
0x57: {  	[tilespmem:s19], [sflag:$0x1] =	stream.linear.gather [hbm4b:s12+s3], $0x80, $0x38;
	[tilespmem:$0x1F720] =	vst v63  }
0x58: {  	s0 =	rddreg [dreg:$0x1b];
	s13 =	sadd.s32 s11, s13  }
0x59: {  	[tilespmem:s20], [sflag:$0x1] =	stream.linear.gather [hbm4b:s13+s3], $0x80, $0x38;
	[tilespmem:$0x1F720] =	vst v63  }
0x5a: {  	s12 =	sadd.s32 s11, s0;
	s13 =	rddreg [dreg:$0x1a]  }
0x5b: {  	[tilespmem:s21], [sflag:$0x1] =	stream.linear.gather [hbm4b:s12+s3], $0x80, $0x38;
	[tilespmem:$0x1F720] =	vst v63  }
0x5c: {  	s0 =	rddreg [dreg:$0x19];
	s13 =	sadd.s32 s11, s13  }
0x5d: {  	[tilespmem:s22], [sflag:$0x1] =	stream.linear.gather [hbm4b:s13+s3], $0x80, $0x38;
	[tilespmem:$0x1F720] =	vst v63  }
0x5e: {  	s12 =	sadd.s32 s11, s0;
	s0 =	simm.s32 $0x1ECA0;
	s13 =	rddreg [dreg:$0x18]  }
0x5f: {  	[tilespmem:s0], [sflag:$0x1] =	stream.linear.gather [hbm4b:s12+s3], $0x80, $0x38;
	[tilespmem:$0x1F720] =	vst v63  }
0x60: {  	s13 =	sadd.s32 s11, s13;
	s12 =	rddreg [dreg:$0x17];
	s0 =	simm.s32 $0x1ED20  }
0x61: {  	[tilespmem:s0], [sflag:$0x1] =	stream.linear.gather [hbm4b:s13+s3], $0x80, $0x38;
	[tilespmem:$0x1F720] =	vst v63  }
0x62: {  	s12 =	sadd.s32 s11, s12;
	s13 =	rddreg [dreg:$0x16]  }
0x63: {  	[tilespmem:s23], [sflag:$0x1] =	stream.linear.gather [hbm4b:s12+s3], $0x80, $0x38;
	[tilespmem:$0x1F720] =	vst v63  }
0x64: {  	s0 =	rddreg [dreg:$0x15];
	s13 =	sadd.s32 s11, s13  }
0x65: {  	[tilespmem:s24], [sflag:$0x1] =	stream.linear.gather [hbm4b:s13+s3], $0x80, $0x38;
	[tilespmem:$0x1F720] =	vst v63  }
0x66: {  	s12 =	sadd.s32 s11, s0;
	s13 =	rddreg [dreg:$0x14]  }
0x67: {  	[tilespmem:s25], [sflag:$0x1] =	stream.linear.gather [hbm4b:s12+s3], $0x80, $0x38;
	[tilespmem:$0x1F720] =	vst v63  }
0x68: {  	s0 =	rddreg [dreg:$0x13];
	s13 =	sadd.s32 s11, s13  }
0x69: {  	[tilespmem:s26], [sflag:$0x1] =	stream.linear.gather [hbm4b:s13+s3], $0x80, $0x38;
	[tilespmem:$0x1F720] =	vst v63  }
0x6a: {  	s12 =	sadd.s32 s11, s0;
	s13 =	rddreg [dreg:$0x12]  }
0x6b: {  	[tilespmem:s28], [sflag:$0x1] =	stream.linear.gather [hbm4b:s12+s3], $0x80, $0x38;
	[tilespmem:$0x1F720] =	vst v63  }
0x6c: {  	s0 =	rddreg [dreg:$0x11];
	s13 =	sadd.s32 s11, s13  }
0x6d: {  	[tilespmem:s29], [sflag:$0x1] =	stream.linear.gather [hbm4b:s13+s3], $0x80, $0x38;
	[tilespmem:$0x1F720] =	vst v63  }
0x6e: {  	s12 =	sadd.s32 s11, s0;
	s13 =	rddreg [dreg:$0x10]  }
0x6f: {  	[tilespmem:s30], [sflag:$0x1] =	stream.linear.gather [hbm4b:s12+s3], $0x80, $0x38;
	[tilespmem:$0x1F720] =	vst v63  }
0x70: {  	s0 =	rddreg [dreg:$0xf];
	s13 =	sadd.s32 s11, s13  }
0x71: {  	[tilespmem:s31], [sflag:$0x1] =	stream.linear.gather [hbm4b:s13+s3], $0x80, $0x38;
	[tilespmem:$0x1F720] =	vst v63  }
0x72: {  	s12 =	sadd.s32 s11, s0;
	s13 =	rddreg [dreg:$0xe]  }
0x73: {  	[tilespmem:s18], [sflag:$0x1] =	stream.linear.gather [hbm4b:s12+s3], $0x80, $0x38;
	[tilespmem:$0x1F720] =	vst v63  }
0x74: {  	s0 =	rddreg [dreg:$0xd];
	s13 =	sadd.s32 s11, s13  }
0x75: {  	[tilespmem:s17], [sflag:$0x1] =	stream.linear.gather [hbm4b:s13+s3], $0x80, $0x38;
	[tilespmem:$0x1F720] =	vst v63  }
0x76: {  	s12 =	sadd.s32 s11, s0;
	s13 =	rddreg [dreg:$0xc]  }
0x77: {  	[tilespmem:s4], [sflag:$0x1] =	stream.linear.gather [hbm4b:s12+s3], $0x80, $0x38;
	[tilespmem:$0x1F720] =	vst v63  }
0x78: {  	s0 =	rddreg [dreg:$0xb];
	s13 =	sadd.s32 s11, s13  }
0x79: {  	[tilespmem:s6], [sflag:$0x1] =	stream.linear.gather [hbm4b:s13+s3], $0x80, $0x38;
	[tilespmem:$0x1F720] =	vst v63  }
0x7a: {  	s12 =	sadd.s32 s11, s0;
	s13 =	rddreg [dreg:$0xa]  }
0x7b: {  	[tilespmem:s7], [sflag:$0x1] =	stream.linear.gather [hbm4b:s12+s3], $0x80, $0x38;
	[tilespmem:$0x1F720] =	vst v63  }
0x7c: {  	s0 =	rddreg [dreg:$0x9];
	s13 =	sadd.s32 s11, s13  }
0x7d: {  	[tilespmem:s8], [sflag:$0x1] =	stream.linear.gather [hbm4b:s13+s3], $0x80, $0x38;
	[tilespmem:$0x1F720] =	vst v63  }
0x7e: {  	s12 =	sadd.s32 s11, s0;
	s13 =	rddreg [dreg:$0x8]  }
0x7f: {  	[tilespmem:s14], [sflag:$0x1] =	stream.linear.gather [hbm4b:s12+s3], $0x80, $0x38;
	[tilespmem:$0x1F720] =	vst v63  }
0x80: {  	s0 =	rddreg [dreg:$0x7];
	s13 =	sadd.s32 s11, s13  }
0x81: {  	[tilespmem:s15], [sflag:$0x1] =	stream.linear.gather [hbm4b:s13+s3], $0x80, $0x38;
	[tilespmem:$0x1F720] =	vst v63  }
0x82: {  	s12 =	sadd.s32 s11, s0;
	s13 =	rddreg [dreg:$0x6]  }
0x83: {  	[tilespmem:s16], [sflag:$0x1] =	stream.linear.gather [hbm4b:s12+s3], $0x80, $0x38;
	[tilespmem:$0x1F720] =	vst v63  }
0x84: {  	s0 =	rddreg [dreg:$0x5];
	s13 =	sadd.s32 s11, s13  }
0x85: {  	[tilespmem:s1], [sflag:$0x1] =	stream.linear.gather [hbm4b:s13+s3], $0x80, $0x38;
	[tilespmem:$0x1F720] =	vst v63  }
0x86: {  	s12 =	sadd.s32 s11, s0;
	s0 =	simm.s32 $0x1F6A0  }
0x87: {  	[tilespmem:s0], [sflag:$0x1] =	stream.linear.gather [hbm4b:s12+s3], $0x80, $0x38;
	[tilespmem:$0x1F720] =	vst v63  }
0x88: {  	s13 =	simm.s32 $0xC350  }
0x89: {  	[tilespmem:s13], [sflag:$0x1] =	stream.linear.gather [hbm4b:s10+s3], $0x6400, $0x38;
	[tilespmem:$0x1F720] =	vst v63  }
0x8a: {  	_ =	swait.ge [sflag:s5], $0x80  }
0x8b: {  	[sflag:s5] =	ssyncset.done $0x0  }
0x8c: {  	[sflag:s5] =	ssyncadd.s32 $0xFFFFFF80  }
0x8d: {  	_ =	swait.ge [sflag:s5], $0x80  }
0x8e: {  	[sflag:s5] =	ssyncset.done $0x0  }
0x8f: {  	[sflag:s5] =	ssyncadd.s32 $0xFFFFFF80  }
0x90: {  	_ =	swait.ge [sflag:s5], $0x80  }
0x91: {  	[sflag:s5] =	ssyncset.done $0x0  }
0x92: {  	[sflag:s5] =	ssyncadd.s32 $0xFFFFFF80  }
0x93: {  	_ =	swait.ge [sflag:s5], $0x80  }
0x94: {  	[sflag:s5] =	ssyncset.done $0x0  }
0x95: {  	[sflag:s5] =	ssyncadd.s32 $0xFFFFFF80  }
0x96: {  	_ =	swait.ge [sflag:s5], $0x80  }
0x97: {  	[sflag:s5] =	ssyncset.done $0x0  }
0x98: {  	[sflag:s5] =	ssyncadd.s32 $0xFFFFFF80  }
0x99: {  	_ =	swait.ge [sflag:s5], $0x80  }
0x9a: {  	[sflag:s5] =	ssyncset.done $0x0  }
0x9b: {  	[sflag:s5] =	ssyncadd.s32 $0xFFFFFF80  }
0x9c: {  	_ =	swait.ge [sflag:s5], $0x80  }
0x9d: {  	[sflag:s5] =	ssyncset.done $0x0  }
0x9e: {  	[sflag:s5] =	ssyncadd.s32 $0xFFFFFF80  }
0x9f: {  	_ =	swait.ge [sflag:s5], $0x80  }
0xa0: {  	[sflag:s5] =	ssyncset.done $0x0  }
0xa1: {  	[sflag:s5] =	ssyncadd.s32 $0xFFFFFF80  }
0xa2: {  	_ =	swait.ge [sflag:s5], $0x80  }
0xa3: {  	[sflag:s5] =	ssyncset.done $0x0  }
0xa4: {  	[sflag:s5] =	ssyncadd.s32 $0xFFFFFF80  }
0xa5: {  	_ =	swait.ge [sflag:s5], $0x80  }
0xa6: {  	[sflag:s5] =	ssyncset.done $0x0  }
0xa7: {  	[sflag:s5] =	ssyncadd.s32 $0xFFFFFF80  }
0xa8: {  	_ =	swait.ge [sflag:s5], $0x80  }
0xa9: {  	[sflag:s5] =	ssyncset.done $0x0  }
0xaa: {  	[sflag:s5] =	ssyncadd.s32 $0xFFFFFF80  }
0xab: {  	_ =	swait.ge [sflag:s5], $0x80  }
0xac: {  	[sflag:s5] =	ssyncset.done $0x0  }
0xad: {  	[sflag:s5] =	ssyncadd.s32 $0xFFFFFF80  }
0xae: {  	_ =	swait.ge [sflag:s5], $0x80  }
0xaf: {  	[sflag:s5] =	ssyncset.done $0x0  }
0xb0: {  	[sflag:s5] =	ssyncadd.s32 $0xFFFFFF80  }
0xb1: {  	_ =	swait.ge [sflag:s5], $0x80  }
0xb2: {  	[sflag:s5] =	ssyncset.done $0x0  }
0xb3: {  	[sflag:s5] =	ssyncadd.s32 $0xFFFFFF80  }
0xb4: {  	_ =	swait.ge [sflag:s5], $0x80  }
0xb5: {  	[sflag:s5] =	ssyncset.done $0x0  }
0xb6: {  	[sflag:s5] =	ssyncadd.s32 $0xFFFFFF80  }
0xb7: {  	_ =	swait.ge [sflag:s5], $0x80  }
0xb8: {  	[sflag:s5] =	ssyncset.done $0x0  }
0xb9: {  	[sflag:s5] =	ssyncadd.s32 $0xFFFFFF80  }
0xba: {  	_ =	swait.ge [sflag:s5], $0x80  }
0xbb: {  	[sflag:s5] =	ssyncset.done $0x0  }
0xbc: {  	[sflag:s5] =	ssyncadd.s32 $0xFFFFFF80  }
0xbd: {  	_ =	swait.ge [sflag:s5], $0x80  }
0xbe: {  	[sflag:s5] =	ssyncset.done $0x0  }
0xbf: {  	[sflag:s5] =	ssyncadd.s32 $0xFFFFFF80  }
0xc0: {  	_ =	swait.ge [sflag:s5], $0x80  }
0xc1: {  	[sflag:s5] =	ssyncset.done $0x0  }
0xc2: {  	[sflag:s5] =	ssyncadd.s32 $0xFFFFFF80  }
0xc3: {  	_ =	swait.ge [sflag:s5], $0x80  }
0xc4: {  	[sflag:s5] =	ssyncset.done $0x0  }
0xc5: {  	[sflag:s5] =	ssyncadd.s32 $0xFFFFFF80  }
0xc6: {  	_ =	swait.ge [sflag:s5], $0x80  }
0xc7: {  	[sflag:s5] =	ssyncset.done $0x0  }
0xc8: {  	[sflag:s5] =	ssyncadd.s32 $0xFFFFFF80  }
0xc9: {  	_ =	swait.ge [sflag:s5], $0x80  }
0xca: {  	[sflag:s5] =	ssyncset.done $0x0  }
0xcb: {  	[sflag:s5] =	ssyncadd.s32 $0xFFFFFF80  }
0xcc: {  	_ =	swait.ge [sflag:s5], $0x80  }
0xcd: {  	[sflag:s5] =	ssyncset.done $0x0  }
0xce: {  	[sflag:s5] =	ssyncadd.s32 $0xFFFFFF80  }
0xcf: {  	_ =	swait.ge [sflag:s5], $0x80  }
0xd0: {  	[sflag:s5] =	ssyncset.done $0x0  }
0xd1: {  	[sflag:s5] =	ssyncadd.s32 $0xFFFFFF80  }
0xd2: {  	_ =	swait.ge [sflag:s5], $0x80  }
0xd3: {  	[sflag:s5] =	ssyncset.done $0x0  }
0xd4: {  	[sflag:s5] =	ssyncadd.s32 $0xFFFFFF80  }
0xd5: {  	_ =	swait.ge [sflag:s5], $0x6400  }
0xd6: {  	[sflag:s5] =	ssyncset.done $0x0  }
0xd7: {  	s12 =	rddreg [dreg:$0x1e];
	[sflag:s5] =	ssyncadd.s32 $0xFFFF9C00  }
0xd8: {  	[spmem:s2] =	stream.indirect.scatter.add.f32 [tilespmem:s13], [sflag:$0x1], $0x8, s19, s9, $0xb8;
	[tilespmem:$0x1F720] =	vst v63  }
0xd9: {  	s13 =	rddreg [dreg:$0x1f]  }
0xda: {  	[spmem:s2] =	stream.indirect.scatter.add.f32 [tilespmem:s12], [sflag:$0x1], $0x8, s20, s9, $0xb8;
	[tilespmem:$0x1F720] =	vst v63  }
0xdb: {  	s19 =	sld [smem:$0x7E3]  }
0xdc: {  	[spmem:s2] =	stream.indirect.scatter.add.f32 [tilespmem:s13], [sflag:$0x1], $0x8, s21, s9, $0xb8;
	[tilespmem:$0x1F720] =	vst v63  }
0xdd: {  	s13 =	sld [smem:$0x7E4]  }
0xde: {  	[spmem:s2] =	stream.indirect.scatter.add.f32 [tilespmem:s19], [sflag:$0x1], $0x8, s22, s9, $0xb8;
	[tilespmem:$0x1F720] =	vst v63  }
0xdf: {  	s12 =	sld [smem:$0x7E6];
	s19 =	simm.s32 $0x1ECA0  }
0xe0: {  	[spmem:s2] =	stream.indirect.scatter.add.f32 [tilespmem:s13], [sflag:$0x1], $0x8, s19, s9, $0xb8;
	[tilespmem:$0x1F720] =	vst v63  }
0xe1: {  	s13 =	sld [smem:$0x7E7];
	s19 =	simm.s32 $0x1ED20  }
0xe2: {  	[spmem:s2] =	stream.indirect.scatter.add.f32 [tilespmem:s12], [sflag:$0x1], $0x8, s19, s9, $0xb8;
	[tilespmem:$0x1F720] =	vst v63  }
0xe3: {  	s12 =	sld [smem:$0x7E9]  }
0xe4: {  	[spmem:s2] =	stream.indirect.scatter.add.f32 [tilespmem:s13], [sflag:$0x1], $0x8, s23, s9, $0xb8;
	[tilespmem:$0x1F720] =	vst v63  }
0xe5: {  	s19 =	sld [smem:$0x7EB]  }
0xe6: {  	[spmem:s2] =	stream.indirect.scatter.add.f32 [tilespmem:s12], [sflag:$0x1], $0x8, s24, s9, $0xb8;
	[tilespmem:$0x1F720] =	vst v63  }
0xe7: {  	s12 =	sld [smem:$0x7ED]  }
0xe8: {  	[spmem:s2] =	stream.indirect.scatter.add.f32 [tilespmem:s19], [sflag:$0x1], $0x8, s25, s9, $0xb8;
	[tilespmem:$0x1F720] =	vst v63  }
0xe9: {  	s19 =	sld [smem:$0x7EE]  }
0xea: {  	[spmem:s2] =	stream.indirect.scatter.add.f32 [tilespmem:s12], [sflag:$0x1], $0x8, s26, s9, $0xb8;
	[tilespmem:$0x1F720] =	vst v63  }
0xeb: {  	s12 =	sld [smem:$0x7EF]  }
0xec: {  	[spmem:s2] =	stream.indirect.scatter.add.f32 [tilespmem:s19], [sflag:$0x1], $0x8, s28, s9, $0xb8;
	[tilespmem:$0x1F720] =	vst v63  }
0xed: {  	s19 =	sld [smem:$0x7F0]  }
0xee: {  	[spmem:s2] =	stream.indirect.scatter.add.f32 [tilespmem:s12], [sflag:$0x1], $0x8, s29, s9, $0xb8;
	[tilespmem:$0x1F720] =	vst v63  }
0xef: {  	s12 =	sld [smem:$0x7F1]  }
0xf0: {  	[spmem:s2] =	stream.indirect.scatter.add.f32 [tilespmem:s19], [sflag:$0x1], $0x8, s30, s9, $0xb8;
	[tilespmem:$0x1F720] =	vst v63  }
0xf1: {  	s19 =	sld [smem:$0x7F2]  }
0xf2: {  	[spmem:s2] =	stream.indirect.scatter.add.f32 [tilespmem:s12], [sflag:$0x1], $0x8, s31, s9, $0xb8;
	[tilespmem:$0x1F720] =	vst v63  }
0xf3: {  	s12 =	sld [smem:$0x7F3]  }
0xf4: {  	[spmem:s2] =	stream.indirect.scatter.add.f32 [tilespmem:s19], [sflag:$0x1], $0x8, s18, s9, $0xb8;
	[tilespmem:$0x1F720] =	vst v63  }
0xf5: {  	s19 =	sld [smem:$0x7F4]  }
0xf6: {  	[spmem:s2] =	stream.indirect.scatter.add.f32 [tilespmem:s12], [sflag:$0x1], $0x8, s17, s9, $0xb8;
	[tilespmem:$0x1F720] =	vst v63  }
0xf7: {  	s12 =	sld [smem:$0x7F5]  }
0xf8: {  	[spmem:s2] =	stream.indirect.scatter.add.f32 [tilespmem:s19], [sflag:$0x1], $0x8, s4, s9, $0xb8;
	[tilespmem:$0x1F720] =	vst v63  }
0xf9: {  	s19 =	sld [smem:$0x7F6]  }
0xfa: {  	[spmem:s2] =	stream.indirect.scatter.add.f32 [tilespmem:s12], [sflag:$0x1], $0x8, s6, s9, $0xb8;
	[tilespmem:$0x1F720] =	vst v63  }
0xfb: {  	s12 =	sld [smem:$0x7F7]  }
0xfc: {  	[spmem:s2] =	stream.indirect.scatter.add.f32 [tilespmem:s19], [sflag:$0x1], $0x8, s7, s9, $0xb8;
	[tilespmem:$0x1F720] =	vst v63  }
0xfd: {  	s19 =	sld [smem:$0x7F8]  }
0xfe: {  	[spmem:s2] =	stream.indirect.scatter.add.f32 [tilespmem:s12], [sflag:$0x1], $0x8, s8, s9, $0xb8;
	[tilespmem:$0x1F720] =	vst v63  }
0xff: {  	s12 =	sld [smem:$0x7F9]  }
0x100: {  	[spmem:s2] =	stream.indirect.scatter.add.f32 [tilespmem:s19], [sflag:$0x1], $0x8, s14, s9, $0xb8;
	[tilespmem:$0x1F720] =	vst v63  }
0x101: {  	s19 =	sld [smem:$0x7FA]  }
0x102: {  	[spmem:s2] =	stream.indirect.scatter.add.f32 [tilespmem:s12], [sflag:$0x1], $0x8, s15, s9, $0xb8;
	[tilespmem:$0x1F720] =	vst v63  }
0x103: {  	s12 =	sld [smem:$0x7FB]  }
0x104: {  	[spmem:s2] =	stream.indirect.scatter.add.f32 [tilespmem:s19], [sflag:$0x1], $0x8, s16, s9, $0xb8;
	[tilespmem:$0x1F720] =	vst v63  }
0x105: {  	s19 =	sld [smem:$0x7FC]  }
0x106: {  	[spmem:s2] =	stream.indirect.scatter.add.f32 [tilespmem:s12], [sflag:$0x1], $0x8, s1, s9, $0xb8;
	[tilespmem:$0x1F720] =	vst v63  }
0x107: {  	_ = 	snop  }
0x108: {  	[spmem:s2] =	stream.indirect.scatter.add.f32 [tilespmem:s19], [sflag:$0x1], $0x8, s0, s9, $0xb8;
	[tilespmem:$0x1F720] =	vst v63  }
0x109: {  	_ =	swait.ge [sflag:s5], $0x400  }
0x10a: {  	[sflag:s5] =	ssyncset.done $0x0  }
0x10b: {  	[sflag:s5] =	ssyncadd.s32 $0xFFFFFC00  }
0x10c: {  	_ =	swait.ge [sflag:s5], $0x400  }
0x10d: {  	[sflag:s5] =	ssyncset.done $0x0  }
0x10e: {  	[sflag:s5] =	ssyncadd.s32 $0xFFFFFC00  }
0x10f: {  	_ =	swait.ge [sflag:s5], $0x400  }
0x110: {  	[sflag:s5] =	ssyncset.done $0x0  }
0x111: {  	[sflag:s5] =	ssyncadd.s32 $0xFFFFFC00  }
0x112: {  	_ =	swait.ge [sflag:s5], $0x400  }
0x113: {  	[sflag:s5] =	ssyncset.done $0x0  }
0x114: {  	[sflag:s5] =	ssyncadd.s32 $0xFFFFFC00  }
0x115: {  	_ =	swait.ge [sflag:s5], $0x400  }
0x116: {  	[sflag:s5] =	ssyncset.done $0x0  }
0x117: {  	[sflag:s5] =	ssyncadd.s32 $0xFFFFFC00  }
0x118: {  	_ =	swait.ge [sflag:s5], $0x400  }
0x119: {  	[sflag:s5] =	ssyncset.done $0x0  }
0x11a: {  	[sflag:s5] =	ssyncadd.s32 $0xFFFFFC00  }
0x11b: {  	_ =	swait.ge [sflag:s5], $0x400  }
0x11c: {  	[sflag:s5] =	ssyncset.done $0x0  }
0x11d: {  	[sflag:s5] =	ssyncadd.s32 $0xFFFFFC00  }
0x11e: {  	_ =	swait.ge [sflag:s5], $0x400  }
0x11f: {  	[sflag:s5] =	ssyncset.done $0x0  }
0x120: {  	[sflag:s5] =	ssyncadd.s32 $0xFFFFFC00  }
0x121: {  	_ =	swait.ge [sflag:s5], $0x400  }
0x122: {  	[sflag:s5] =	ssyncset.done $0x0  }
0x123: {  	[sflag:s5] =	ssyncadd.s32 $0xFFFFFC00  }
0x124: {  	_ =	swait.ge [sflag:s5], $0x400  }
0x125: {  	[sflag:s5] =	ssyncset.done $0x0  }
0x126: {  	[sflag:s5] =	ssyncadd.s32 $0xFFFFFC00  }
0x127: {  	_ =	swait.ge [sflag:s5], $0x400  }
0x128: {  	[sflag:s5] =	ssyncset.done $0x0  }
0x129: {  	[sflag:s5] =	ssyncadd.s32 $0xFFFFFC00  }
0x12a: {  	_ =	swait.ge [sflag:s5], $0x400  }
0x12b: {  	[sflag:s5] =	ssyncset.done $0x0  }
0x12c: {  	[sflag:s5] =	ssyncadd.s32 $0xFFFFFC00  }
0x12d: {  	_ =	swait.ge [sflag:s5], $0x400  }
0x12e: {  	[sflag:s5] =	ssyncset.done $0x0  }
0x12f: {  	[sflag:s5] =	ssyncadd.s32 $0xFFFFFC00  }
0x130: {  	_ =	swait.ge [sflag:s5], $0x400  }
0x131: {  	[sflag:s5] =	ssyncset.done $0x0  }
0x132: {  	[sflag:s5] =	ssyncadd.s32 $0xFFFFFC00  }
0x133: {  	_ =	swait.ge [sflag:s5], $0x400  }
0x134: {  	[sflag:s5] =	ssyncset.done $0x0  }
0x135: {  	[sflag:s5] =	ssyncadd.s32 $0xFFFFFC00  }
0x136: {  	_ =	swait.ge [sflag:s5], $0x400  }
0x137: {  	[sflag:s5] =	ssyncset.done $0x0  }
0x138: {  	[sflag:s5] =	ssyncadd.s32 $0xFFFFFC00  }
0x139: {  	_ =	swait.ge [sflag:s5], $0x400  }
0x13a: {  	[sflag:s5] =	ssyncset.done $0x0  }
0x13b: {  	[sflag:s5] =	ssyncadd.s32 $0xFFFFFC00  }
0x13c: {  	_ =	swait.ge [sflag:s5], $0x400  }
0x13d: {  	[sflag:s5] =	ssyncset.done $0x0  }
0x13e: {  	[sflag:s5] =	ssyncadd.s32 $0xFFFFFC00  }
0x13f: {  	_ =	swait.ge [sflag:s5], $0x400  }
0x140: {  	[sflag:s5] =	ssyncset.done $0x0  }
0x141: {  	[sflag:s5] =	ssyncadd.s32 $0xFFFFFC00  }
0x142: {  	_ =	swait.ge [sflag:s5], $0x400  }
0x143: {  	[sflag:s5] =	ssyncset.done $0x0  }
0x144: {  	[sflag:s5] =	ssyncadd.s32 $0xFFFFFC00  }
0x145: {  	_ =	swait.ge [sflag:s5], $0x400  }
0x146: {  	[sflag:s5] =	ssyncset.done $0x0  }
0x147: {  	[sflag:s5] =	ssyncadd.s32 $0xFFFFFC00  }
0x148: {  	_ =	swait.ge [sflag:s5], $0x400  }
0x149: {  	[sflag:s5] =	ssyncset.done $0x0  }
0x14a: {  	[sflag:s5] =	ssyncadd.s32 $0xFFFFFC00  }
0x14b: {  	_ =	swait.ge [sflag:s5], $0x400  }
0x14c: {  	[sflag:s5] =	ssyncset.done $0x0  }
0x14d: {  	[sflag:s5] =	ssyncadd.s32 $0xFFFFFC00  }
0x14e: {  	_ =	swait.ge [sflag:s5], $0x400  }
0x14f: {  	[sflag:s5] =	ssyncset.done $0x0  }
0x150: {  	[sflag:s5] =	ssyncadd.s32 $0xFFFFFC00  }
0x151: {  	_ =	swait.ge [sflag:s5], $0x400  }
0x152: {  	s11 =	sadd.s32 $0x3200, s11;
	s19 =	rddreg [dreg:$0x4]  }
0x153: {  	p0 =	sne.s32 s19, s11  }
.Ltmp0:
0x154: {  	_ = 	snop;
	(pc) =	sbr.rel @p0 .LBB2_2-.Ltmp0, $3  }
0x155: {  	_ =	sdelay $0x1  }
0x156: {  	[sflag:s5] =	ssyncset.done $0x0  }
0x157: {  	s10 =	sadd.s32 $0x19000, s10;
	[sflag:s5] =	ssyncadd.s32 $0xFFFFFC00  }
0x158: {  	[bflag:$0x0] =	sbarrier.arrive $0xFFFF  }
0x159: {  	s11 =	sld [smem:$0x7FD];
	_ =	sdelay $0x1  }
0x15a: {  	s12 =	simm.s32 $0x12750;
	s13 =	simm.s32 $0x2  }
0x15b: {  	[tilespmem:s12], [sflag:$0x2] =	stream.linear.gather [spmem:s11], $0xC350, $0x38;
	[tilespmem:$0x1F720] =	vst v63  }
0x15c: {  	_ =	swait.ge [sflag:s13], $0xC350  }
0x15d: {  	s10 =	sld [smem:$0x7E8]  }
0x15e: {  	[sflag:s13] =	ssyncset.done $0x0  }
0x15f: {  	[sflag:s13] =	ssyncadd.s32 $0xFFFF3CB0  }
0x160: {  	[hbm4b:s10+s3] =	stream.linear.scatter [tilespmem:s12], [sflag:$0x2], $0xC350, $0x38;
	[tilespmem:$0x1F720] =	vst v63  }
0x161: {  	_ =	swait.ge [sflag:s13], $0xC350  }
0x162: {  	s0 =	sld [smem:$0x7E2]  }
0x163: {  	s19 =	sld [smem:$0x7EA];
	_ =	sdelay $0x1  }
0x164: {  	s0 =	sadd.s32 $0x1, s0  }
0x165: {  	p0 =	sne.s32 s0, s19  }
.Ltmp1:
0x166: {  	_ = 	snop;
	(pc) =	sbr.rel @p0 .LBB2_1-.Ltmp1, $3  }
0x167: {  	_ =	sdelay $0x1  }
0x168: {  	[sflag:s13] =	ssyncset.done $0x0  }
0x169: {  	[sflag:s13] =	ssyncadd.s32 $0xFFFF3CB0  }
0x16a: {  	_ =	sfence.sel $0x180000  }
0x16b: {  	[bflag:$0x0] =	sbarrier.arrive $0xFFFF  }
0x16c: {  	_ =	strace $0x90000047  }
0x16d: {  	s0 =	stileid.u32;
	[bflag:$0x2] =	sbarrier.arrive $0xFFFF  }
0x16e: {  	p0 =	sne.s32 s0, $0x0;
	s0 =	rddreg [dreg:$0x3]  }
0x16f: {  	s0 =	sadd.s32 @!p0 $0x100000, s0  }
0x170: {  	[sflag:s0] =	ssyncadd.tile.s32 @!p0 $0x1;
	_ =	shalt  }
.Lfunc_end2:
_tile_overlayer_lowered:
.L_overlay_start_2:
0x171: {  	(tag) =	ssettag $0x2  }
0x172: {  	s0 =	rddreg [dreg:$0x0];
	s2 =	stileid.u32  }
0x173: {  	s1 =	rddreg [dreg:$0x1];
	p0 =	sne.s32 s2, $0x0  }
0x174: {  	s3 =	rddreg [dreg:$0x2];
	[bflag:$0x3] =	sbarrier.arrive $0xFFFF;
	s2 =	simm.s32 @!p0 $0x1C02  }
0x175: {  	[timem:s3], [sflag:s2] =	dma.local @!p0 [hbm:s0], s1  }
0x176: {  	s0 =	simm.s32 @!p0 $0x2  }
0x177: {  	_ =	swait.ge @!p0 [sflag:s0], s1  }
0x178: {  	s1 =	ssub.s32 @!p0 $0x0, s1;
	[sflag:s0] =	ssyncset.done @!p0 $0x0  }
0x179: {  	[sflag:s0] =	ssyncadd.s32 @!p0 s1  }
0x17a: {  	[bflag:$0x3] =	sbarrier.arrive $0xFFFF  }
0x17b: {  	_ =	shalt  }

// kernel: sparse-core-data-format-call.cloned.1.call-start
scs
called_computation_lowered:
.L_overlay_start_0:
0x0: {  	s2 =	sld [smem:$0x3FD9]  }
0x1: {  	s3 =	sld [smem:$0x3FFE];
	_ =	sdelay $0x1  }
0x2: {  	s1 =	srdreg.scid  }
0x3: {  	s0 =	sand.u32 $0x1, s1  }
0x4: {  	s18 =	sshll.u32 s0, $0xA;
	s2 =	sadd.s32 s3, s2  }
0x5: {  	s2 =	sadd.s32 s2, s18  }
0x6: {  	[smem:$0x3FC6] =	sst s2  }
0x7: {  	_ = 	snop  }
0x8: {  	s2 =	sld [smem:$0x3FD0];
	(tm) =	ssettm $0x1  }
0x9: {  	s19 =	sld [smem:$0x3FFB];
	_ =	sdelay $0x3  }
0xa: {  	_ =	strace s19  }
0xb: {  	s3 =	sld [smem:$0x3FFC];
	_ =	sdelay $0x3  }
0xc: {  	_ =	strace s3  }
0xd: {  	s3 =	sld [smem:$0x3FFD];
	_ =	sdelay $0x3  }
0xe: {  	_ =	strace s3  }
0xf: {  	_ =	strace $0x8FFFFFFF  }
0x10: {  	s20 =	sld [smem:$0x3FDB];
	_ =	sdelay $0x1  }
0x11: {  	s4 =	simm.s32 $_scs_section_size  }
0x12: {  	s5 =	simm.s32 $_size__tile_overlayer_lowered;
	s6 =	simm.s32 $_tile_overlayer_lowered  }
0x13: {  	s23 =	simm.s32 $0x1BFF;
	s22 =	sshll.u32 s6, $0x1;
	s3 =	sadd.s32 s4, s20  }
0x14: {  	s7 =	simm.s32 $0x0;
	s21 =	sshll.u32 s5, $0x1;
	s5 =	sadd.s32 s22, s3  }
0x15: {  	[timem:s7], [sflag:s23] =	dma.local [hbm:s5], s21  }
0x16: {  	_ =	swait.ge [sflag:s23], s21  }
0x17: {  	s4 =	ssub.s32 $0x0, s21;
	[sflag:s23] =	ssyncset.done $0x0  }
0x18: {  	[sflag:s23] =	ssyncadd.s32 s4;
	_ =	sdelay $0x1  }
0x19: {  	s24 =	simm.s32 $0x1B8B  }
0x1a: {  	_ =	swait.ge [sflag:s24], $0x1  }
0x1b: {  	[sflag:s24] =	ssyncset.done $0x0  }
0x1c: {  	s26 =	simm.s32 $0x1B8E;
	s25 =	sld [smem:$0x3FFE];
	[sflag:s24] =	ssyncadd.s32 $0xFFFFFFFF  }
0x1d: {  	s27 =	simm.s32 $execute0_lowered;
	[smem:$0x3FD2] =	sst s26  }
0x1e: {  	s5 =	sshll.u32 s27, $0x1;
	_ =	strace $0x8000004C;
	[dreg:$0x1] =	wrdreg $0xFFFFFFFF  }
0x1f: {  	s28 =	simm.s32 $_size_execute0_lowered;
	s3 =	sadd.s32 s3, s5;
	[dreg:$0x0] =	wrdreg $0x0  }
0x20: {  	s5 =	sshll.u32 s28, $0x1;
	[dreg:$0x2] =	wrdreg s3  }
0x21: {  	[dreg:$0x3] =	wrdreg s5  }
0x22: {  	[dreg:$0x4] =	wrdreg $0xC0  }
0x23: {  	_ =	task [dreg:s7], $0x5FFFF  }
0x24: {  	[dreg:$0x1] =	wrdreg $0xFFFFFFFF  }
0x25: {  	[dreg:$0x0] =	wrdreg $0x60  }
0x26: {  	[dreg:$0x2] =	wrdreg s25  }
0x27: {  	[dreg:$0x3] =	wrdreg s2  }
0x28: {  	[dreg:$0x4] =	wrdreg $0x9  }
0x29: {  	_ =	task.clear_ibuf [dreg:s7], $0x5FFFF;
	_ =	strace $0x9000004C  }
0x2a: {  	s29 =	simm.s32 $0x9;
	_ =	strace $0x8000004E  }
0x2b: {  	_ =	swait.ge [sflag:s29], $0x1  }
0x2c: {  	[sflag:s29] =	ssyncadd.s32 $0xFFFFFFFF  }
0x2d: {  	_ =	strace $0x9000004E  }
0x2e: {  	_ =	sfence  }
0x2f: {  	s30 =	sld [smem:$0x0];
	_ =	sdelay $0x2  }
0x30: {  	s31 =	sshll.u32 s1, $0xD;
	s1 =	sshrl.u32 s1, $0x2  }
0x31: {  	s3 =	sand.u32 $0x4000, s31;
	s1 =	sadd.s32 s1, s30  }
0x32: {  	s0 =	sor.u32 s3, s0;
	s1 =	sshll.u32 s1, $0x11  }
0x33: {  	s0 =	sor.u32 s1, s0  }
0x34: {  	s0 =	sadd.s32 $0x8F2B, s0  }
0x35: {  	[sflag:s0] =	ssyncadd.remote.s32 $0x1  }
0x36: {  	_ =	sfence.sel $0xFFFF  }
0x37: {  	[dreg:$0x0] =	wrdreg $0xFFFFFFFF;
	(pc) =	sbr.abs _section_cstart, $3  }
0x38: {  	[dreg:$0x1] =	wrdreg $0xFFFFFFFF  }
0x39: {  	_ =	task.clear_ibuf [dreg:s7], $0x2FFFF;
	_ =	strace $0x9FFFFFFF  }
0x3a: {  	(tm) =	ssettm $0x7FFFFFFF  }
0x3b: {  	_ =	shalt  }
tec
execute0_lowered:
.L_overlay_start_1:
0x0: {  	(tag) =	ssettag $0x1  }
0x1: {  	s0 =	srdreg.scid  }
0x2: {  	s5 =	rddreg [dreg:$0x0];
	s1 =	sshll.u32 s0, $0x4  }
0x3: {  	s2 =	rddreg [dreg:$0x1];
	s0 =	stileid.u32;
	s1 =	sand.u32 $0x10, s1  }
0x4: {  	s4 =	simm.s32 $0x1;
	s8 =	simm.s32 $0x2;
	s1 =	sor.u32 s0, s1  }
0x5: {  	s12 =	simm.s32 $0x0;
	s9 =	simm.s32 $0x0;
	s3 =	sshll.u32 s1, $0x7  }
0x6: {  	s11 =	simm.s32 $0x0;
	s5 =	sadd.s32 $0x1000, s5;
	s6 =	ssub.s32 $0x61A800, s3  }
.Ltmp0:
0x7: {  	s1 =	rddreg [dreg:$0x2];
	s7 =	sand.u32 $0xF80, s6;
	(pc) =	sbr.rel .LBB1_1-.Ltmp0, $4  }
0x8: {  	_ =	strace $0x8000004D;
	p0 =	sne.s32 s7, $0x0;
	s7 =	simm.s32 $0x1  }
0x9: {  	[sflag:s4] =	ssyncpa.u1 $0x0;
	s6 =	sshrl.u32 s6, $0xC;
	s7 =	simm.s32 @!p0 $0x0  }
0xa: {  	s10 =	smov.u32 s3;
	[sflag:s8] =	ssyncpa.u1 $0x0;
	s6 =	sadd.s32 s7, s6  }
0xb: {  	s8 =	simm.s32 $0x186A000;
	p0 =	por $0x0, $0x0;
	s7 =	sadd.s32 $0x1, s6  }
.LBB1_4:
0xc: {  	s15 =	sshll.u32 s9, $0x2;
	p1 =	sgt.s32 s9, $0x61A780  }
0xd: {  	s17 =	smov.u32 s9;
	s18 =	sshra.s32 s9, $0x1F;
	s16 =	sshrl.u32 s15, $0xB  }
0xe: {  	s17 =	simm.s32 @!p1 $0x61A780;
	s18 =	sand.u32 s18, s9;
	s16 =	smulhi.u32 $0x14F8B6, s16  }
0xf: {  	s19 =	sand.u32 $0x7F, s9;
	s15 =	sand.u32 $0xFFFFFE00, s15;
	s17 =	ssub.s32 s17, s18  }
0x10: {  	s17 =	sadd.s32 $0xFF9E5880, s17;
	s26 =	smul.u32 $0x61A800, s16  }
0x11: {  	s15 =	sor.u32 s19, s15;
	s16 =	sand.u32 $0x3, s16;
	s27 =	sshll.u32 s17, $0x4  }
0x12: {  	s28 =	ssub.s32 $0x800, s27;
	s16 =	smul.u32 $0xC3500, s16;
	s15 =	ssub.s32 s15, s26  }
0x13: {  	p1 =	sgt.s32 s17, $0x7F;
	s17 =	sshrl.u32 s28, $0x2;
	s29 =	sand.u32 $0x7, s15  }
0x14: {  	s15 =	sshrl.u32 s15, $0x3;
	s16 =	sadd.s32 s2, s16;
	s18 =	sshll.u32 s29, $0x12  }
0x15: {  	[tilespmem:s14+$0x0 ss:$0x81] =	vst.msk $0xffff, v0;
	s17 =	simm.s32 @p1 $0x0;
	s30 =	sadd.s32 s15, s16;
	s31 =	sor.u32 $0x200, s18  }
0x16: {  	[hbm4b:s30+s31] =	stream.strided.scatter [tilespmem:s13], [sflag:$0x2], s17, s8, s31, $0x20;
	[tilespmem:$0x4040] =	vst v63  }
.LBB1_5:
0x17: {  	p1 =	slt.u32 s11, $0x2  }
0x18: {  	p2 =	sgt.s32 @!p1 s12, $0x61A780  }
0x19: {  	s13 =	smov.u32 s12;
	s14 =	sshra.s32 @!p1 s12, $0x1F;
	p2 =	por !p2, p1  }
0x1a: {  	s12 =	sand.u32 @!p1 s14, s12;
	s13 =	simm.s32 @p2 $0x61A780  }
0x1b: {  	s12 =	ssub.s32 @!p1 s13, s12  }
0x1c: {  	s12 =	sadd.s32 @!p1 $0xFF9E5880, s12  }
0x1d: {  	s13 =	sshll.u32 @!p1 s12, $0x4  }
0x1e: {  	p2 =	sgt.s32 @!p1 s12, $0x7F;
	s12 =	ssub.s32 @!p1 $0x800, s13  }
0x1f: {  	s14 =	sadd.s32 $0x1000, s10;
	p2 =	por !p2, p1;
	s12 =	sshrl.u32 @!p1 s12, $0x2  }
0x20: {  	s12 =	simm.s32 @!p2 $0x0;
	p2 =	sgt.s32 s14, $0x61A7FF  }
0x21: {  	s14 =	smov.u32 @p2 s3;
	p2 =	sne.s32 s11, s7  }
.Ltmp1:
0x22: {  	_ = 	snop;
	(pc) =	sbr.rel @!p2 .LBB1_6-.Ltmp1, $4  }
0x23: {  	s13 =	simm.s32 @!p1 $0x2  }
0x24: {  	p0 =	por !p0, !p0;
	_ =	swait.ge @!p1 [sflag:s13], s12;
	s15 =	ssub.s32 @!p1 $0x0, s12  }
0x25: {  	s12 =	smov.u32 s9;
	s11 =	sadd.s32 $0x1, s11;
	[sflag:s13] =	ssyncset.done @!p1 $0x0  }
0x26: {  	s9 =	smov.u32 s10;
	s10 =	smov.u32 s14;
	[sflag:s13] =	ssyncadd.s32 @!p1 s15  }
.LBB1_1:
0x27: {  	p1 =	sge.u32 s11, s6  }
0x28: {  	s13 =	sand.u32 @!p1 $0x1FFFFFF, s10  }
0x29: {  	s14 =	smulhi.u32 @!p1 $0x14F8B59, s13;
	_ =	sdelay $0x1  }
0x2a: {  	s14 =	sshrl.u32 @!p1 s14, $0xF  }
0x2b: {  	s14 =	smul.u32 @!p1 $0x61A800, s14;
	_ =	sdelay $0x1  }
0x2c: {  	s31 =	sadd.s32 $0xFFFFFFFF, s11;
	s15 =	sxor.u32 @!p1 $0xFFFFFFFF, s11;
	s13 =	ssub.s32 @!p1 s13, s14  }
0x2d: {  	s16 =	simm.s32 @!p1 $0x80;
	s15 =	sshll.u32 @!p1 s15, $0xC;
	s13 =	sshll.u32 @!p1 s13, $0x4  }
0x2e: {  	s14 =	sand.u32 @!p1 $0x1000, s15;
	s15 =	simm.s32 @!p1 $0x20;
	s13 =	sadd.s32 @!p1 s5, s13  }
0x2f: {  	[tilespmem:s14], [sflag:$0x1] =	stream.strided.gather @!p1 [hbm4b:s13+s15], $0x1000, s16, s15, $0x38;
	[tilespmem:$0x4040] =	vst v63  }
0x30: {  	p1 =	sge.u32 s31, s6  }
.Ltmp2:
0x31: {  	_ = 	snop;
	(pc) =	sbr.rel @p1 .LBB1_5-.Ltmp2, $1  }
0x32: {  	_ =	sdelay $0x3  }
0x33: {  	s13 =	simm.s32 $0x1  }
0x34: {  	_ =	swait.ge [sflag:s4], $0x1000;
	s13 =	simm.s32 @!p0 $0x0  }
0x35: {  	[sflag:s4] =	ssyncset.done $0x0;
	s14 =	sshll.u32 s13, $0xC  }
0x36: {  	[sflag:s4] =	ssyncadd.s32 $0xFFFFF000;
	s17 =	sor.u32 $0x10, s14  }
0x37: {  	s13 =	smul.u32 $0x4080, s13;
	v1 =	vld [tilespmem:s17+$0x0]  }
0x38: {  	s30 =	sand.u32 $0x1, s11;
	v0 =	vld [tilespmem:s17+$0xFFFFFFF0]  }
0x39: {  	s14 =	smul.u32 $0x4080, s30;
	s13 =	sshrl.u32 s13, $0x2  }
0x3a: {  	s15 =	sor.u32 $0x2000, s13  }
0x3b: {  	s31 =	sshrl.u32 s14, $0x2;
	s14 =	sadd.s32 $0x0, s15  }
0x3c: {  	s16 =	simm.s32 $0x4;
	s17 =	sadd.s32 $0x20, s17;
	s13 =	sor.u32 $0x2000, s31;
	[tilespmem:s14+$0x810 ss:$0x81] =	vst.msk $0xffff, v1  }
.LBB1_3:
0x3d: {  	v1 =	vld [tilespmem:s17+$0x0];
	p1 =	sne.s32 s16, $0x1FC;
	[tilespmem:s14+$0x0 ss:$0x81] =	vst.msk $0xffff, v0;
	s14 =	smov.u32 s16;
	s16 =	sadd.s32 $0x4, s16  }
.Ltmp3:
0x3e: {  	v0 =	vld [tilespmem:s17+$0xFFFFFFF0];
	(pc) =	sbr.rel @p1 .LBB1_3-.Ltmp3, $4  }
0x3f: {  	_ = 	snop  }
0x40: {  	s14 =	sshra.s32 s14, $0x2  }
0x41: {  	s14 =	sadd.s32 s14, s15  }
0x42: {  	s17 =	sadd.s32 $0x20, s17;
	[tilespmem:s14+$0x810 ss:$0x81] =	vst.msk $0xffff, v1  }
.Ltmp4:
0x43: {  	_ = 	snop;
	(pc) =	sbr.rel .LBB1_4-.Ltmp4, $1  }
0x44: {  	_ =	sdelay $0x3  }
.LBB1_6:
0x45: {  	_ =	sfence.sel $0x180000  }
0x46: {  	s2 =	simm.s32 $0x1;
	[bflag:$0x0] =	sbarrier.arrive $0xFFFF  }
0x47: {  	s31 =	simm.s32 $0x2;
	[sflag:s2] =	ssyncpa.u1 $0x1  }
0x48: {  	[sflag:s31] =	ssyncpa.u1 $0x1  }
0x49: {  	p0 =	sne.s32 s0, $0x0;
	_ =	strace $0x9000004D  }
0x4a: {  	s0 =	sadd.s32 @!p0 $0x100000, s1;
	[bflag:$0x2] =	sbarrier.arrive $0xFFFF  }
0x4b: {  	[sflag:s0] =	ssyncadd.tile.s32 @!p0 $0x1;
	_ =	shalt  }
.Lfunc_end1:
_tile_overlayer_lowered:
.L_overlay_start_2:
0x4c: {  	(tag) =	ssettag $0x2  }
0x4d: {  	s0 =	rddreg [dreg:$0x0];
	s2 =	stileid.u32  }
0x4e: {  	s1 =	rddreg [dreg:$0x1];
	p0 =	sne.s32 s2, $0x0  }
0x4f: {  	s3 =	rddreg [dreg:$0x2];
	[bflag:$0x3] =	sbarrier.arrive $0xFFFF;
	s2 =	simm.s32 @!p0 $0x1C01  }
0x50: {  	[timem:s3], [sflag:s2] =	dma.local @!p0 [hbm:s0], s1  }
0x51: {  	s0 =	simm.s32 @!p0 $0x1  }
0x52: {  	_ =	swait.ge @!p0 [sflag:s0], s1  }
0x53: {  	s1 =	ssub.s32 @!p0 $0x0, s1;
	[sflag:s0] =	ssyncset.done @!p0 $0x0  }
0x54: {  	[sflag:s0] =	ssyncadd.s32 @!p0 s1  }
0x55: {  	[bflag:$0x3] =	sbarrier.arrive $0xFFFF  }
0x56: {  	_ =	shalt  }

</sc_bundles>
